<compile_context>
chip_gen: v7x
topology: tpu7x:2x2x1
jax: 0.10.2.dev20260603
libtpu: 0.0.44.dev20260713+nightly
codegen_flags: <defaults>
</compile_context>

<pallas_src>
import functools

import jax
import jax.numpy as jnp
from jax import lax
from jax.experimental import pallas as pl
from jax.experimental.pallas import tpu as pltpu
from jax.experimental.pallas import tpu_sc as plsc

_NC = 2
_NS = 16
_NW = _NC * _NS
_CH = 128
_NBUF = 2
_D = 128


def _partial16(ri, rj, q):
    prods = [ri[q, pl.ds(k * 16, 16)] * rj[q, pl.ds(k * 16, 16)]
             for k in range(_D // 16)]
    while len(prods) > 1:
        prods = [x + y for x, y in zip(prods[::2], prods[1::2])]
    return prods[0]


def _sc_body(ppw, nchunk, n, vij_hbm, node_hbm, ctx_hbm, out_hbm,
             idx_i, idx_j,
             rows_i0, rows_j0, rows_i1, rows_j1, out_v,
             part_v0, part_v1,
             sem_ii, sem_ij, sem_i0, sem_j0, sem_i1, sem_j1, sem_out):
    wid = lax.axis_index("s") * _NC + lax.axis_index("c")
    base = wid * ppw
    lane = lax.iota(jnp.int32, 16)

    bufs = ((rows_i0, rows_j0, sem_i0, sem_j0),
            (rows_i1, rows_j1, sem_i1, sem_j1))
    parts = (part_v0, part_v1)

    cpi = pltpu.async_copy(vij_hbm.at[pl.ds(base, ppw)], idx_i, sem_ii)
    cpj = pltpu.async_copy(vij_hbm.at[pl.ds(n + base, ppw)], idx_j, sem_ij)

    cpi.wait()
    cpj.wait()

    _H = _CH // 2

    def start(c, parity):
        ri, rj, si, sj = bufs[parity]
        for h in range(2):
            sl = pl.ds(c * _CH + h * _H, _H)
            dst = pl.ds(h * _H, _H)
            pltpu.async_copy(node_hbm.at[idx_i.at[sl]], ri.at[dst, :], si)
            pltpu.async_copy(ctx_hbm.at[idx_j.at[sl]], rj.at[dst, :], sj)

    def drain(parity):
        ri, rj, si, sj = bufs[parity]
        for h in range(2):
            dst = pl.ds(h * _H, _H)
            sl = pl.ds(h * _H, _H)
            pltpu.make_async_copy(node_hbm.at[idx_i.at[sl]], ri.at[dst, :], si).wait()
            pltpu.make_async_copy(ctx_hbm.at[idx_j.at[sl]], rj.at[dst, :], sj).wait()

    def compute(c, parity):
        ri, rj, _, _ = bufs[parity]
        part = parts[parity]

        def grp_body(g, carry):
            for p in range(16):
                q = g * 16 + p
                part[q, pl.ds(0, 16)] = _partial16(ri, rj, q)
            return carry

        lax.fori_loop(0, _CH // 16, grp_body, 0)

        def red_body(g, carry):
            rows = g * 16 + lane
            cols = [plsc.load_gather(part, [rows, jnp.full((16,), t, jnp.int32)])
                    for t in range(16)]
            while len(cols) > 1:
                cols = [x + y for x, y in zip(cols[::2], cols[1::2])]
            out_v[pl.ds(c * _CH + g * 16, 16)] = cols[0]
            return carry

        lax.fori_loop(0, _CH // 16, red_body, 0)

    for s in range(_NBUF):
        start(s, s)

    def ring_body(i, carry):
        c0 = i * _NBUF
        for s in range(_NBUF):
            c = c0 + s
            drain(s)
            compute(c, s)

            @pl.when(c + _NBUF < nchunk)
            def _():
                start(c + _NBUF, s)

        return carry

    lax.fori_loop(0, nchunk // _NBUF, ring_body, 0)

    pltpu.async_copy(out_v, out_hbm.at[pl.ds(base, ppw)], sem_out).wait()


def _sc_inner(vij, node_tab, ctx_tab):
    n = vij.shape[0] // 2
    ppw = n // _NW
    nchunk = ppw // _CH
    mesh = plsc.VectorSubcoreMesh(
        core_axis_name="c", subcore_axis_name="s",
        num_cores=_NC, num_subcores=_NS)
    k = pl.kernel(
        functools.partial(_sc_body, ppw, nchunk, n),
        out_type=jax.ShapeDtypeStruct((n,), jnp.float32),
        mesh=mesh,
        compiler_params=pltpu.CompilerParams(needs_layout_passes=False),
        scratch_types=[
            pltpu.VMEM((ppw,), jnp.int32),
            pltpu.VMEM((ppw,), jnp.int32),
        ] + [pltpu.VMEM((_CH, _D), jnp.float32)] * (2 * _NBUF) + [
            pltpu.VMEM((ppw,), jnp.float32),
        ] + [pltpu.VMEM((_CH, 24), jnp.float32)] * _NBUF
          + [pltpu.SemaphoreType.DMA] * (3 + 2 * _NBUF),
    )
    return k(vij, node_tab, ctx_tab)


def _tc_loss_body(inv_b, x_ref, l_ref, o_ref):
    z = l_ref[...] * x_ref[...]
    ls = jnp.minimum(z, 0.0) - jnp.log1p(jnp.exp(-jnp.abs(z)))
    o_ref[0, 0] = -jnp.sum(ls) * inv_b


def _tc_loss(inner2d, labels2d, inv_b):
    out = pl.pallas_call(
        functools.partial(_tc_loss_body, inv_b),
        out_shape=jax.ShapeDtypeStruct((1, 1), jnp.float32),
        out_specs=pl.BlockSpec(memory_space=pltpu.SMEM),
    )(inner2d, labels2d)
    return out[0, 0]


def kernel(v_i, v_j, labels, batch_size, node_embeddings, contextnode_embeddings):
    b, k = v_i.shape
    n = b * k
    vij = jnp.stack([v_i.astype(jnp.int32),
                     v_j.astype(jnp.int32)]).reshape(2 * n)
    inner = _sc_inner(vij, node_embeddings, contextnode_embeddings)
    rows = n // 128
    return _tc_loss(inner.reshape(rows, 128), labels.reshape(rows, 128),
                    1.0 / float(b))

# --- scband reference (transcript-rebuilt; emitter-appended) ---
"""Pipeline reference for scband-line-17231408791651 (READ-ONLY COPY).

The authoritative reference and input builder live on the scoring server;
editing this copy changes nothing except your own understanding.
"""

import jax, jax.numpy as jnp
import numpy as np

SIZE = 100000
DIM = 128
BATCH = 16384
K = 6

def _normalized_table(key):
    w = jax.random.uniform(key, (SIZE, DIM), minval=-1.0, maxval=1.0, dtype=jnp.float32)
    norm = jnp.linalg.norm(w, ord=2, axis=1, keepdims=True)
    return w / norm

def setup_inputs(seed: int = 0) -> dict:
    key = jax.random.key(seed)
    k1, k2, k3, k4, k5 = jax.random.split(key, 5)
    v_i = jax.random.randint(k1, (BATCH, K), 0, SIZE, dtype=jnp.int64 if jax.config.jax_enable_x64 else jnp.int32)
    v_j = jax.random.randint(k2, (BATCH, K), 0, SIZE, dtype=jnp.int64 if jax.config.jax_enable_x64 else jnp.int32)
    labels = jax.random.normal(k3, (BATCH, K), dtype=jnp.float32)
    node_embeddings = _normalized_table(k4)
    contextnode_embeddings = _normalized_table(k5)
    return {
        "v_i": v_i,
        "v_j": v_j,
        "labels": labels,
        "batch_size": BATCH,
        "node_embeddings": node_embeddings,
        "contextnode_embeddings": contextnode_embeddings,
    }

def reference(v_i, v_j, labels, batch_size, node_embeddings, contextnode_embeddings):
    # order == 2: v_i from node table, v_j from context table
    vi = jnp.take(node_embeddings, v_i, axis=0)          # [B, K, D]
    vj = jnp.take(contextnode_embeddings, v_j, axis=0)   # [B, K, D]
    inner_prod = jnp.sum(vi * vj, axis=2)                # [B, K]
    loss = jax.nn.log_sigmoid(labels * inner_prod)
    return -jnp.sum(loss) / batch_size

if __name__ == "__main__":
    import jax
    _d = setup_inputs()
    print(jax.jit(kernel)(*tuple(_d.values())))

</pallas_src>

<mosaic_0001>
#map = affine_map<(d0, d1) -> (0)>
#map1 = affine_map<(d0, d1) -> (0, 0)>
module attributes {stable_mosaic.version = 14 : i64} {
  func.func @_sc_body(%arg0: i32, %arg1: i32, %arg2: memref<196608xi32, #tpu.memory_space<hbm>>, %arg3: memref<100000x128xf32, #tpu.memory_space<hbm>>, %arg4: memref<100000x128xf32, #tpu.memory_space<hbm>>, %arg5: memref<98304xf32, #tpu.memory_space<hbm>>, %arg6: memref<3072xi32, #tpu.memory_space<vmem>>, %arg7: memref<3072xi32, #tpu.memory_space<vmem>>, %arg8: memref<128x128xf32, #tpu.memory_space<vmem>>, %arg9: memref<128x128xf32, #tpu.memory_space<vmem>>, %arg10: memref<128x128xf32, #tpu.memory_space<vmem>>, %arg11: memref<128x128xf32, #tpu.memory_space<vmem>>, %arg12: memref<3072xf32, #tpu.memory_space<vmem>>, %arg13: memref<128x24xf32, #tpu.memory_space<vmem>>, %arg14: memref<128x24xf32, #tpu.memory_space<vmem>>, %arg15: memref<!tpu.dma_semaphore, #tpu.memory_space<semaphore_mem>>, %arg16: memref<!tpu.dma_semaphore, #tpu.memory_space<semaphore_mem>>, %arg17: memref<!tpu.dma_semaphore, #tpu.memory_space<semaphore_mem>>, %arg18: memref<!tpu.dma_semaphore, #tpu.memory_space<semaphore_mem>>, %arg19: memref<!tpu.dma_semaphore, #tpu.memory_space<semaphore_mem>>, %arg20: memref<!tpu.dma_semaphore, #tpu.memory_space<semaphore_mem>>, %arg21: memref<!tpu.dma_semaphore, #tpu.memory_space<semaphore_mem>>) attributes {dimension_semantics = [#tpu.dimension_semantics<core_parallel>, #tpu.dimension_semantics<subcore_parallel>], iteration_bounds = array<i64: 2, 16>, scalar_prefetch = 0 : i64, scratch_operands = 16 : i64, tpu.core_type = #tpu.core_type<sc_vector_subcore>, window_params = [{transform_indices = #map}, {transform_indices = #map1}, {transform_indices = #map1}, {transform_indices = #map}]} {
    %mul3A = arith.constant 2 : i32
    %mul3A_0 = arith.muli %arg1, %mul3A : i32
    %add3A = arith.addi %mul3A_0, %arg0 : i32
    %mul3A_1 = arith.constant 3072 : i32
    %mul3A_2 = arith.muli %add3A, %mul3A_1 : i32
    %iota3A = tpu.iota {dimensions = array<i32: 0>} : vector<16xi32>
    %dma_start3A = tpu.memref_slice %arg2[%mul3A_2] : memref<196608xi32, #tpu.memory_space<hbm>> -> memref<3072xi32, #tpu.memory_space<hbm>>
    %dma_start3A_3 = tpu.memref_slice %arg2[%mul3A_2] : memref<196608xi32, #tpu.memory_space<hbm>> -> memref<3072xi32, #tpu.memory_space<hbm>>
    tpu.enqueue_dma source(%dma_start3A_3 : memref<3072xi32, #tpu.memory_space<hbm>>) target(%arg6 : memref<3072xi32, #tpu.memory_space<vmem>>) target_semaphore(%arg15 : memref<!tpu.dma_semaphore, #tpu.memory_space<semaphore_mem>>)
    %add3A_4 = arith.constant 98304 : i32
    %add3A_5 = arith.addi %add3A_4, %mul3A_2 : i32
    %dma_start3A_6 = tpu.memref_slice %arg2[%add3A_5] : memref<196608xi32, #tpu.memory_space<hbm>> -> memref<3072xi32, #tpu.memory_space<hbm>>
    %dma_start3A_7 = tpu.memref_slice %arg2[%add3A_5] : memref<196608xi32, #tpu.memory_space<hbm>> -> memref<3072xi32, #tpu.memory_space<hbm>>
    tpu.enqueue_dma source(%dma_start3A_7 : memref<3072xi32, #tpu.memory_space<hbm>>) target(%arg7 : memref<3072xi32, #tpu.memory_space<vmem>>) target_semaphore(%arg16 : memref<!tpu.dma_semaphore, #tpu.memory_space<semaphore_mem>>)
    %dma_wait3A = tpu.memref_slice %arg2[%mul3A_2] : memref<196608xi32, #tpu.memory_space<hbm>> -> memref<3072xi32, #tpu.memory_space<hbm>>
    %dma_wait3A_8 = tpu.memref_slice %arg2[%mul3A_2] : memref<196608xi32, #tpu.memory_space<hbm>> -> memref<3072xi32, #tpu.memory_space<hbm>>
    tpu.wait_dma2 semaphore(%arg15 : memref<!tpu.dma_semaphore, #tpu.memory_space<semaphore_mem>>) src(%dma_wait3A_8 : memref<3072xi32, #tpu.memory_space<hbm>>) dst(%arg6 : memref<3072xi32, #tpu.memory_space<vmem>>)
    %dma_wait3A_9 = tpu.memref_slice %arg2[%add3A_5] : memref<196608xi32, #tpu.memory_space<hbm>> -> memref<3072xi32, #tpu.memory_space<hbm>>
    %dma_wait3A_10 = tpu.memref_slice %arg2[%add3A_5] : memref<196608xi32, #tpu.memory_space<hbm>> -> memref<3072xi32, #tpu.memory_space<hbm>>
    tpu.wait_dma2 semaphore(%arg16 : memref<!tpu.dma_semaphore, #tpu.memory_space<semaphore_mem>>) src(%dma_wait3A_10 : memref<3072xi32, #tpu.memory_space<hbm>>) dst(%arg7 : memref<3072xi32, #tpu.memory_space<vmem>>)
    %dma_start3A_11 = arith.constant 0 : i32
    %dma_start3A_12 = arith.constant 0 : i32
    %dma_start3A_13 = tpu.memref_slice %arg8[%dma_start3A_11, %dma_start3A_12] : memref<128x128xf32, #tpu.memory_space<vmem>> -> memref<64x128xf32, #tpu.memory_space<vmem>>
    %dma_start3A_14 = arith.constant 0 : i32
    %dma_start3A_15 = tpu.memref_slice %arg6[%dma_start3A_14] : memref<3072xi32, #tpu.memory_space<vmem>> -> memref<64xi32, #tpu.memory_space<vmem>>
    %dma_start3A_16 = arith.constant 0 : i32
    %dma_start3A_17 = arith.constant 0 : i32
    %dma_start3A_18 = tpu.memref_slice %arg3[%dma_start3A_16, %dma_start3A_17] : memref<100000x128xf32, #tpu.memory_space<hbm>> -> memref<100000x128xf32, #tpu.memory_space<hbm>>
    tpu.enqueue_indirect_dma source(%dma_start3A_18 : memref<100000x128xf32, #tpu.memory_space<hbm>>) target(%dma_start3A_13 : memref<64x128xf32, #tpu.memory_space<vmem>>) offsets(%dma_start3A_15 : memref<64xi32, #tpu.memory_space<vmem>>) semaphore(%arg17 : memref<!tpu.dma_semaphore, #tpu.memory_space<semaphore_mem>>)
    %dma_start3A_19 = arith.constant 0 : i32
    %dma_start3A_20 = arith.constant 0 : i32
    %dma_start3A_21 = tpu.memref_slice %arg9[%dma_start3A_19, %dma_start3A_20] : memref<128x128xf32, #tpu.memory_space<vmem>> -> memref<64x128xf32, #tpu.memory_space<vmem>>
    %dma_start3A_22 = arith.constant 0 : i32
    %dma_start3A_23 = tpu.memref_slice %arg7[%dma_start3A_22] : memref<3072xi32, #tpu.memory_space<vmem>> -> memref<64xi32, #tpu.memory_space<vmem>>
    %dma_start3A_24 = arith.constant 0 : i32
    %dma_start3A_25 = arith.constant 0 : i32
    %dma_start3A_26 = tpu.memref_slice %arg4[%dma_start3A_24, %dma_start3A_25] : memref<100000x128xf32, #tpu.memory_space<hbm>> -> memref<100000x128xf32, #tpu.memory_space<hbm>>
    tpu.enqueue_indirect_dma source(%dma_start3A_26 : memref<100000x128xf32, #tpu.memory_space<hbm>>) target(%dma_start3A_21 : memref<64x128xf32, #tpu.memory_space<vmem>>) offsets(%dma_start3A_23 : memref<64xi32, #tpu.memory_space<vmem>>) semaphore(%arg18 : memref<!tpu.dma_semaphore, #tpu.memory_space<semaphore_mem>>)
    %dma_start3A_27 = arith.constant 64 : i32
    %dma_start3A_28 = arith.constant 0 : i32
    %dma_start3A_29 = tpu.memref_slice %arg8[%dma_start3A_27, %dma_start3A_28] : memref<128x128xf32, #tpu.memory_space<vmem>> -> memref<64x128xf32, #tpu.memory_space<vmem>>
    %dma_start3A_30 = arith.constant 64 : i32
    %dma_start3A_31 = tpu.memref_slice %arg6[%dma_start3A_30] : memref<3072xi32, #tpu.memory_space<vmem>> -> memref<64xi32, #tpu.memory_space<vmem>>
    %dma_start3A_32 = arith.constant 0 : i32
    %dma_start3A_33 = arith.constant 0 : i32
    %dma_start3A_34 = tpu.memref_slice %arg3[%dma_start3A_32, %dma_start3A_33] : memref<100000x128xf32, #tpu.memory_space<hbm>> -> memref<100000x128xf32, #tpu.memory_space<hbm>>
    tpu.enqueue_indirect_dma source(%dma_start3A_34 : memref<100000x128xf32, #tpu.memory_space<hbm>>) target(%dma_start3A_29 : memref<64x128xf32, #tpu.memory_space<vmem>>) offsets(%dma_start3A_31 : memref<64xi32, #tpu.memory_space<vmem>>) semaphore(%arg17 : memref<!tpu.dma_semaphore, #tpu.memory_space<semaphore_mem>>)
    %dma_start3A_35 = arith.constant 64 : i32
    %dma_start3A_36 = arith.constant 0 : i32
    %dma_start3A_37 = tpu.memref_slice %arg9[%dma_start3A_35, %dma_start3A_36] : memref<128x128xf32, #tpu.memory_space<vmem>> -> memref<64x128xf32, #tpu.memory_space<vmem>>
    %dma_start3A_38 = arith.constant 64 : i32
    %dma_start3A_39 = tpu.memref_slice %arg7[%dma_start3A_38] : memref<3072xi32, #tpu.memory_space<vmem>> -> memref<64xi32, #tpu.memory_space<vmem>>
    %dma_start3A_40 = arith.constant 0 : i32
    %dma_start3A_41 = arith.constant 0 : i32
    %dma_start3A_42 = tpu.memref_slice %arg4[%dma_start3A_40, %dma_start3A_41] : memref<100000x128xf32, #tpu.memory_space<hbm>> -> memref<100000x128xf32, #tpu.memory_space<hbm>>
    tpu.enqueue_indirect_dma source(%dma_start3A_42 : memref<100000x128xf32, #tpu.memory_space<hbm>>) target(%dma_start3A_37 : memref<64x128xf32, #tpu.memory_space<vmem>>) offsets(%dma_start3A_39 : memref<64xi32, #tpu.memory_space<vmem>>) semaphore(%arg18 : memref<!tpu.dma_semaphore, #tpu.memory_space<semaphore_mem>>)
    %dma_start3A_43 = arith.constant 0 : i32
    %dma_start3A_44 = arith.constant 0 : i32
    %dma_start3A_45 = tpu.memref_slice %arg10[%dma_start3A_43, %dma_start3A_44] : memref<128x128xf32, #tpu.memory_space<vmem>> -> memref<64x128xf32, #tpu.memory_space<vmem>>
    %dma_start3A_46 = arith.constant 128 : i32
    %dma_start3A_47 = tpu.memref_slice %arg6[%dma_start3A_46] : memref<3072xi32, #tpu.memory_space<vmem>> -> memref<64xi32, #tpu.memory_space<vmem>>
    %dma_start3A_48 = arith.constant 0 : i32
    %dma_start3A_49 = arith.constant 0 : i32
    %dma_start3A_50 = tpu.memref_slice %arg3[%dma_start3A_48, %dma_start3A_49] : memref<100000x128xf32, #tpu.memory_space<hbm>> -> memref<100000x128xf32, #tpu.memory_space<hbm>>
    tpu.enqueue_indirect_dma source(%dma_start3A_50 : memref<100000x128xf32, #tpu.memory_space<hbm>>) target(%dma_start3A_45 : memref<64x128xf32, #tpu.memory_space<vmem>>) offsets(%dma_start3A_47 : memref<64xi32, #tpu.memory_space<vmem>>) semaphore(%arg19 : memref<!tpu.dma_semaphore, #tpu.memory_space<semaphore_mem>>)
    %dma_start3A_51 = arith.constant 0 : i32
    %dma_start3A_52 = arith.constant 0 : i32
    %dma_start3A_53 = tpu.memref_slice %arg11[%dma_start3A_51, %dma_start3A_52] : memref<128x128xf32, #tpu.memory_space<vmem>> -> memref<64x128xf32, #tpu.memory_space<vmem>>
    %dma_start3A_54 = arith.constant 128 : i32
    %dma_start3A_55 = tpu.memref_slice %arg7[%dma_start3A_54] : memref<3072xi32, #tpu.memory_space<vmem>> -> memref<64xi32, #tpu.memory_space<vmem>>
    %dma_start3A_56 = arith.constant 0 : i32
    %dma_start3A_57 = arith.constant 0 : i32
    %dma_start3A_58 = tpu.memref_slice %arg4[%dma_start3A_56, %dma_start3A_57] : memref<100000x128xf32, #tpu.memory_space<hbm>> -> memref<100000x128xf32, #tpu.memory_space<hbm>>
    tpu.enqueue_indirect_dma source(%dma_start3A_58 : memref<100000x128xf32, #tpu.memory_space<hbm>>) target(%dma_start3A_53 : memref<64x128xf32, #tpu.memory_space<vmem>>) offsets(%dma_start3A_55 : memref<64xi32, #tpu.memory_space<vmem>>) semaphore(%arg20 : memref<!tpu.dma_semaphore, #tpu.memory_space<semaphore_mem>>)
    %dma_start3A_59 = arith.constant 64 : i32
    %dma_start3A_60 = arith.constant 0 : i32
    %dma_start3A_61 = tpu.memref_slice %arg10[%dma_start3A_59, %dma_start3A_60] : memref<128x128xf32, #tpu.memory_space<vmem>> -> memref<64x128xf32, #tpu.memory_space<vmem>>
    %dma_start3A_62 = arith.constant 192 : i32
    %dma_start3A_63 = tpu.memref_slice %arg6[%dma_start3A_62] : memref<3072xi32, #tpu.memory_space<vmem>> -> memref<64xi32, #tpu.memory_space<vmem>>
    %dma_start3A_64 = arith.constant 0 : i32
    %dma_start3A_65 = arith.constant 0 : i32
    %dma_start3A_66 = tpu.memref_slice %arg3[%dma_start3A_64, %dma_start3A_65] : memref<100000x128xf32, #tpu.memory_space<hbm>> -> memref<100000x128xf32, #tpu.memory_space<hbm>>
    tpu.enqueue_indirect_dma source(%dma_start3A_66 : memref<100000x128xf32, #tpu.memory_space<hbm>>) target(%dma_start3A_61 : memref<64x128xf32, #tpu.memory_space<vmem>>) offsets(%dma_start3A_63 : memref<64xi32, #tpu.memory_space<vmem>>) semaphore(%arg19 : memref<!tpu.dma_semaphore, #tpu.memory_space<semaphore_mem>>)
    %dma_start3A_67 = arith.constant 64 : i32
    %dma_start3A_68 = arith.constant 0 : i32
    %dma_start3A_69 = tpu.memref_slice %arg11[%dma_start3A_67, %dma_start3A_68] : memref<128x128xf32, #tpu.memory_space<vmem>> -> memref<64x128xf32, #tpu.memory_space<vmem>>
    %dma_start3A_70 = arith.constant 192 : i32
    %dma_start3A_71 = tpu.memref_slice %arg7[%dma_start3A_70] : memref<3072xi32, #tpu.memory_space<vmem>> -> memref<64xi32, #tpu.memory_space<vmem>>
    %dma_start3A_72 = arith.constant 0 : i32
    %dma_start3A_73 = arith.constant 0 : i32
    %dma_start3A_74 = tpu.memref_slice %arg4[%dma_start3A_72, %dma_start3A_73] : memref<100000x128xf32, #tpu.memory_space<hbm>> -> memref<100000x128xf32, #tpu.memory_space<hbm>>
    tpu.enqueue_indirect_dma source(%dma_start3A_74 : memref<100000x128xf32, #tpu.memory_space<hbm>>) target(%dma_start3A_69 : memref<64x128xf32, #tpu.memory_space<vmem>>) offsets(%dma_start3A_71 : memref<64xi32, #tpu.memory_space<vmem>>) semaphore(%arg20 : memref<!tpu.dma_semaphore, #tpu.memory_space<semaphore_mem>>)
    %scan3A = arith.constant 0 : i32
    %scan3A_75 = arith.constant 0 : i32
    %scan3A_76 = arith.constant 12 : i32
    %scan3A_77 = arith.addi %scan3A_75, %scan3A_76 : i32
    %scan3A_78 = arith.constant 1 : i32
    scf.for %scan3A_84 = %scan3A_75 to %scan3A_77 step %scan3A_78  : i32 {
      %mul3A_85 = arith.constant 2 : i32
      %mul3A_86 = arith.muli %scan3A_84, %mul3A_85 : i32
      %add3A_87 = arith.constant 0 : i32
      %add3A_88 = arith.addi %mul3A_86, %add3A_87 : i32
      %dma_wait3A_89 = arith.constant 0 : i32
      %dma_wait3A_90 = arith.constant 0 : i32
      %dma_wait3A_91 = tpu.memref_slice %arg8[%dma_wait3A_89, %dma_wait3A_90] : memref<128x128xf32, #tpu.memory_space<vmem>> -> memref<64x128xf32, #tpu.memory_space<vmem>>
      %dma_wait3A_92 = arith.constant 0 : i32
      %dma_wait3A_93 = tpu.memref_slice %arg6[%dma_wait3A_92] : memref<3072xi32, #tpu.memory_space<vmem>> -> memref<64xi32, #tpu.memory_space<vmem>>
      %dma_wait3A_94 = arith.constant 0 : i32
      %dma_wait3A_95 = arith.constant 0 : i32
      %dma_wait3A_96 = tpu.memref_slice %arg3[%dma_wait3A_94, %dma_wait3A_95] : memref<100000x128xf32, #tpu.memory_space<hbm>> -> memref<100000x128xf32, #tpu.memory_space<hbm>>
      tpu.wait_indirect_dma semaphore(%arg17 : memref<!tpu.dma_semaphore, #tpu.memory_space<semaphore_mem>>) src(%dma_wait3A_96 : memref<100000x128xf32, #tpu.memory_space<hbm>>) dst(%dma_wait3A_91 : memref<64x128xf32, #tpu.memory_space<vmem>>)
      %dma_wait3A_97 = arith.constant 0 : i32
      %dma_wait3A_98 = arith.constant 0 : i32
      %dma_wait3A_99 = tpu.memref_slice %arg9[%dma_wait3A_97, %dma_wait3A_98] : memref<128x128xf32, #tpu.memory_space<vmem>> -> memref<64x128xf32, #tpu.memory_space<vmem>>
      %dma_wait3A_100 = arith.constant 0 : i32
      %dma_wait3A_101 = tpu.memref_slice %arg7[%dma_wait3A_100] : memref<3072xi32, #tpu.memory_space<vmem>> -> memref<64xi32, #tpu.memory_space<vmem>>
      %dma_wait3A_102 = arith.constant 0 : i32
      %dma_wait3A_103 = arith.constant 0 : i32
      %dma_wait3A_104 = tpu.memref_slice %arg4[%dma_wait3A_102, %dma_wait3A_103] : memref<100000x128xf32, #tpu.memory_space<hbm>> -> memref<100000x128xf32, #tpu.memory_space<hbm>>
      tpu.wait_indirect_dma semaphore(%arg18 : memref<!tpu.dma_semaphore, #tpu.memory_space<semaphore_mem>>) src(%dma_wait3A_104 : memref<100000x128xf32, #tpu.memory_space<hbm>>) dst(%dma_wait3A_99 : memref<64x128xf32, #tpu.memory_space<vmem>>)
      %dma_wait3A_105 = arith.constant 64 : i32
      %dma_wait3A_106 = arith.constant 0 : i32
      %dma_wait3A_107 = tpu.memref_slice %arg8[%dma_wait3A_105, %dma_wait3A_106] : memref<128x128xf32, #tpu.memory_space<vmem>> -> memref<64x128xf32, #tpu.memory_space<vmem>>
      %dma_wait3A_108 = arith.constant 64 : i32
      %dma_wait3A_109 = tpu.memref_slice %arg6[%dma_wait3A_108] : memref<3072xi32, #tpu.memory_space<vmem>> -> memref<64xi32, #tpu.memory_space<vmem>>
      %dma_wait3A_110 = arith.constant 0 : i32
      %dma_wait3A_111 = arith.constant 0 : i32
      %dma_wait3A_112 = tpu.memref_slice %arg3[%dma_wait3A_110, %dma_wait3A_111] : memref<100000x128xf32, #tpu.memory_space<hbm>> -> memref<100000x128xf32, #tpu.memory_space<hbm>>
      tpu.wait_indirect_dma semaphore(%arg17 : memref<!tpu.dma_semaphore, #tpu.memory_space<semaphore_mem>>) src(%dma_wait3A_112 : memref<100000x128xf32, #tpu.memory_space<hbm>>) dst(%dma_wait3A_107 : memref<64x128xf32, #tpu.memory_space<vmem>>)
      %dma_wait3A_113 = arith.constant 64 : i32
      %dma_wait3A_114 = arith.constant 0 : i32
      %dma_wait3A_115 = tpu.memref_slice %arg9[%dma_wait3A_113, %dma_wait3A_114] : memref<128x128xf32, #tpu.memory_space<vmem>> -> memref<64x128xf32, #tpu.memory_space<vmem>>
      %dma_wait3A_116 = arith.constant 64 : i32
      %dma_wait3A_117 = tpu.memref_slice %arg7[%dma_wait3A_116] : memref<3072xi32, #tpu.memory_space<vmem>> -> memref<64xi32, #tpu.memory_space<vmem>>
      %dma_wait3A_118 = arith.constant 0 : i32
      %dma_wait3A_119 = arith.constant 0 : i32
      %dma_wait3A_120 = tpu.memref_slice %arg4[%dma_wait3A_118, %dma_wait3A_119] : memref<100000x128xf32, #tpu.memory_space<hbm>> -> memref<100000x128xf32, #tpu.memory_space<hbm>>
      tpu.wait_indirect_dma semaphore(%arg18 : memref<!tpu.dma_semaphore, #tpu.memory_space<semaphore_mem>>) src(%dma_wait3A_120 : memref<100000x128xf32, #tpu.memory_space<hbm>>) dst(%dma_wait3A_115 : memref<64x128xf32, #tpu.memory_space<vmem>>)
      %scan3A_121 = arith.constant 0 : i32
      %scan3A_122 = arith.constant 0 : i32
      %scan3A_123 = arith.constant 8 : i32
      %scan3A_124 = arith.addi %scan3A_122, %scan3A_123 : i32
      %scan3A_125 = arith.constant 1 : i32
      scf.for %scan3A_190 = %scan3A_122 to %scan3A_124 step %scan3A_125  : i32 {
        %mul3A_191 = arith.constant 16 : i32
        %mul3A_192 = arith.muli %scan3A_190, %mul3A_191 : i32
        %add3A_193 = arith.constant 0 : i32
        %add3A_194 = arith.addi %mul3A_192, %add3A_193 : i32
        %get3A = arith.index_cast %add3A_194 : i32 to index
        %get3A_195 = arith.constant 0 : index
        %get3A_196 = tpu.vector_load %arg8[%get3A, %get3A_195] {strides = array<i32>} : memref<128x128xf32, #tpu.memory_space<vmem>>, vector<16xf32>,
        %get3A_197 = arith.index_cast %add3A_194 : i32 to index
        %get3A_198 = arith.constant 0 : index
        %get3A_199 = tpu.vector_load %arg9[%get3A_197, %get3A_198] {strides = array<i32>} : memref<128x128xf32, #tpu.memory_space<vmem>>, vector<16xf32>,
        %mul3A_200 = arith.mulf %get3A_196, %get3A_199 : vector<16xf32>
        %get3A_201 = arith.index_cast %add3A_194 : i32 to index
        %get3A_202 = arith.constant 16 : index
        %get3A_203 = tpu.vector_load %arg8[%get3A_201, %get3A_202] {strides = array<i32>} : memref<128x128xf32, #tpu.memory_space<vmem>>, vector<16xf32>,
        %get3A_204 = arith.index_cast %add3A_194 : i32 to index
        %get3A_205 = arith.constant 16 : index
        %get3A_206 = tpu.vector_load %arg9[%get3A_204, %get3A_205] {strides = array<i32>} : memref<128x128xf32, #tpu.memory_space<vmem>>, vector<16xf32>,
        %mul3A_207 = arith.mulf %get3A_203, %get3A_206 : vector<16xf32>
        %get3A_208 = arith.index_cast %add3A_194 : i32 to index
        %get3A_209 = arith.constant 32 : index
        %get3A_210 = tpu.vector_load %arg8[%get3A_208, %get3A_209] {strides = array<i32>} : memref<128x128xf32, #tpu.memory_space<vmem>>, vector<16xf32>,
        %get3A_211 = arith.index_cast %add3A_194 : i32 to index
        %get3A_212 = arith.constant 32 : index
        %get3A_213 = tpu.vector_load %arg9[%get3A_211, %get3A_212] {strides = array<i32>} : memref<128x128xf32, #tpu.memory_space<vmem>>, vector<16xf32>,
        %mul3A_214 = arith.mulf %get3A_210, %get3A_213 : vector<16xf32>
        %get3A_215 = arith.index_cast %add3A_194 : i32 to index
        %get3A_216 = arith.constant 48 : index
        %get3A_217 = tpu.vector_load %arg8[%get3A_215, %get3A_216] {strides = array<i32>} : memref<128x128xf32, #tpu.memory_space<vmem>>, vector<16xf32>,
        %get3A_218 = arith.index_cast %add3A_194 : i32 to index
        %get3A_219 = arith.constant 48 : index
        %get3A_220 = tpu.vector_load %arg9[%get3A_218, %get3A_219] {strides = array<i32>} : memref<128x128xf32, #tpu.memory_space<vmem>>, vector<16xf32>,
        %mul3A_221 = arith.mulf %get3A_217, %get3A_220 : vector<16xf32>
        %get3A_222 = arith.index_cast %add3A_194 : i32 to index
        %get3A_223 = arith.constant 64 : index
        %get3A_224 = tpu.vector_load %arg8[%get3A_222, %get3A_223] {strides = array<i32>} : memref<128x128xf32, #tpu.memory_space<vmem>>, vector<16xf32>,
        %get3A_225 = arith.index_cast %add3A_194 : i32 to index
        %get3A_226 = arith.constant 64 : index
        %get3A_227 = tpu.vector_load %arg9[%get3A_225, %get3A_226] {strides = array<i32>} : memref<128x128xf32, #tpu.memory_space<vmem>>, vector<16xf32>,
        %mul3A_228 = arith.mulf %get3A_224, %get3A_227 : vector<16xf32>
        %get3A_229 = arith.index_cast %add3A_194 : i32 to index
        %get3A_230 = arith.constant 80 : index
        %get3A_231 = tpu.vector_load %arg8[%get3A_229, %get3A_230] {strides = array<i32>} : memref<128x128xf32, #tpu.memory_space<vmem>>, vector<16xf32>,
        %get3A_232 = arith.index_cast %add3A_194 : i32 to index
        %get3A_233 = arith.constant 80 : index
        %get3A_234 = tpu.vector_load %arg9[%get3A_232, %get3A_233] {strides = array<i32>} : memref<128x128xf32, #tpu.memory_space<vmem>>, vector<16xf32>,
        %mul3A_235 = arith.mulf %get3A_231, %get3A_234 : vector<16xf32>
        %get3A_236 = arith.index_cast %add3A_194 : i32 to index
        %get3A_237 = arith.constant 96 : index
        %get3A_238 = tpu.vector_load %arg8[%get3A_236, %get3A_237] {strides = array<i32>} : memref<128x128xf32, #tpu.memory_space<vmem>>, vector<16xf32>,
        %get3A_239 = arith.index_cast %add3A_194 : i32 to index
        %get3A_240 = arith.constant 96 : index
        %get3A_241 = tpu.vector_load %arg9[%get3A_239, %get3A_240] {strides = array<i32>} : memref<128x128xf32, #tpu.memory_space<vmem>>, vector<16xf32>,
        %mul3A_242 = arith.mulf %get3A_238, %get3A_241 : vector<16xf32>
        %get3A_243 = arith.index_cast %add3A_194 : i32 to index
        %get3A_244 = arith.constant 112 : index
        %get3A_245 = tpu.vector_load %arg8[%get3A_243, %get3A_244] {strides = array<i32>} : memref<128x128xf32, #tpu.memory_space<vmem>>, vector<16xf32>,
        %get3A_246 = arith.index_cast %add3A_194 : i32 to index
        %get3A_247 = arith.constant 112 : index
        %get3A_248 = tpu.vector_load %arg9[%get3A_246, %get3A_247] {strides = array<i32>} : memref<128x128xf32, #tpu.memory_space<vmem>>, vector<16xf32>,
        %mul3A_249 = arith.mulf %get3A_245, %get3A_248 : vector<16xf32>
        %add3A_250 = arith.addf %mul3A_200, %mul3A_207 : vector<16xf32>
        %add3A_251 = arith.addf %mul3A_214, %mul3A_221 : vector<16xf32>
        %add3A_252 = arith.addf %mul3A_228, %mul3A_235 : vector<16xf32>
        %add3A_253 = arith.addf %mul3A_242, %mul3A_249 : vector<16xf32>
        %add3A_254 = arith.addf %add3A_250, %add3A_251 : vector<16xf32>
        %add3A_255 = arith.addf %add3A_252, %add3A_253 : vector<16xf32>
        %add3A_256 = arith.addf %add3A_254, %add3A_255 : vector<16xf32>
        %swap3A = arith.index_cast %add3A_194 : i32 to index
        %swap3A_257 = arith.constant 0 : index
        %swap3A_258 = tpu.vector_load %arg13[%swap3A, %swap3A_257] {strides = array<i32>} : memref<128x24xf32, #tpu.memory_space<vmem>>, vector<16xf32>,
        tpu.vector_store %arg13[%swap3A, %swap3A_257], %add3A_256 {strides = array<i32>} : memref<128x24xf32, #tpu.memory_space<vmem>>, vector<16xf32>,
        %mul3A_259 = arith.constant 16 : i32
        %mul3A_260 = arith.muli %scan3A_190, %mul3A_259 : i32
        %add3A_261 = arith.constant 1 : i32
        %add3A_262 = arith.addi %mul3A_260, %add3A_261 : i32
        %get3A_263 = arith.index_cast %add3A_262 : i32 to index
        %get3A_264 = arith.constant 0 : index
        %get3A_265 = tpu.vector_load %arg8[%get3A_263, %get3A_264] {strides = array<i32>} : memref<128x128xf32, #tpu.memory_space<vmem>>, vector<16xf32>,
        %get3A_266 = arith.index_cast %add3A_262 : i32 to index
        %get3A_267 = arith.constant 0 : index
        %get3A_268 = tpu.vector_load %arg9[%get3A_266, %get3A_267] {strides = array<i32>} : memref<128x128xf32, #tpu.memory_space<vmem>>, vector<16xf32>,
        %mul3A_269 = arith.mulf %get3A_265, %get3A_268 : vector<16xf32>
        %get3A_270 = arith.index_cast %add3A_262 : i32 to index
        %get3A_271 = arith.constant 16 : index
        %get3A_272 = tpu.vector_load %arg8[%get3A_270, %get3A_271] {strides = array<i32>} : memref<128x128xf32, #tpu.memory_space<vmem>>, vector<16xf32>,
        %get3A_273 = arith.index_cast %add3A_262 : i32 to index
        %get3A_274 = arith.constant 16 : index
        %get3A_275 = tpu.vector_load %arg9[%get3A_273, %get3A_274] {strides = array<i32>} : memref<128x128xf32, #tpu.memory_space<vmem>>, vector<16xf32>,
        %mul3A_276 = arith.mulf %get3A_272, %get3A_275 : vector<16xf32>
        %get3A_277 = arith.index_cast %add3A_262 : i32 to index
        %get3A_278 = arith.constant 32 : index
        %get3A_279 = tpu.vector_load %arg8[%get3A_277, %get3A_278] {strides = array<i32>} : memref<128x128xf32, #tpu.memory_space<vmem>>, vector<16xf32>,
        %get3A_280 = arith.index_cast %add3A_262 : i32 to index
        %get3A_281 = arith.constant 32 : index
        %get3A_282 = tpu.vector_load %arg9[%get3A_280, %get3A_281] {strides = array<i32>} : memref<128x128xf32, #tpu.memory_space<vmem>>, vector<16xf32>,
        %mul3A_283 = arith.mulf %get3A_279, %get3A_282 : vector<16xf32>
        %get3A_284 = arith.index_cast %add3A_262 : i32 to index
        %get3A_285 = arith.constant 48 : index
        %get3A_286 = tpu.vector_load %arg8[%get3A_284, %get3A_285] {strides = array<i32>} : memref<128x128xf32, #tpu.memory_space<vmem>>, vector<16xf32>,
        %get3A_287 = arith.index_cast %add3A_262 : i32 to index
        %get3A_288 = arith.constant 48 : index
        %get3A_289 = tpu.vector_load %arg9[%get3A_287, %get3A_288] {strides = array<i32>} : memref<128x128xf32, #tpu.memory_space<vmem>>, vector<16xf32>,
        %mul3A_290 = arith.mulf %get3A_286, %get3A_289 : vector<16xf32>
        %get3A_291 = arith.index_cast %add3A_262 : i32 to index
        %get3A_292 = arith.constant 64 : index
        %get3A_293 = tpu.vector_load %arg8[%get3A_291, %get3A_292] {strides = array<i32>} : memref<128x128xf32, #tpu.memory_space<vmem>>, vector<16xf32>,
        %get3A_294 = arith.index_cast %add3A_262 : i32 to index
        %get3A_295 = arith.constant 64 : index
        %get3A_296 = tpu.vector_load %arg9[%get3A_294, %get3A_295] {strides = array<i32>} : memref<128x128xf32, #tpu.memory_space<vmem>>, vector<16xf32>,
        %mul3A_297 = arith.mulf %get3A_293, %get3A_296 : vector<16xf32>
        %get3A_298 = arith.index_cast %add3A_262 : i32 to index
        %get3A_299 = arith.constant 80 : index
        %get3A_300 = tpu.vector_load %arg8[%get3A_298, %get3A_299] {strides = array<i32>} : memref<128x128xf32, #tpu.memory_space<vmem>>, vector<16xf32>,
        %get3A_301 = arith.index_cast %add3A_262 : i32 to index
        %get3A_302 = arith.constant 80 : index
        %get3A_303 = tpu.vector_load %arg9[%get3A_301, %get3A_302] {strides = array<i32>} : memref<128x128xf32, #tpu.memory_space<vmem>>, vector<16xf32>,
        %mul3A_304 = arith.mulf %get3A_300, %get3A_303 : vector<16xf32>
        %get3A_305 = arith.index_cast %add3A_262 : i32 to index
        %get3A_306 = arith.constant 96 : index
        %get3A_307 = tpu.vector_load %arg8[%get3A_305, %get3A_306] {strides = array<i32>} : memref<128x128xf32, #tpu.memory_space<vmem>>, vector<16xf32>,
        %get3A_308 = arith.index_cast %add3A_262 : i32 to index
        %get3A_309 = arith.constant 96 : index
        %get3A_310 = tpu.vector_load %arg9[%get3A_308, %get3A_309] {strides = array<i32>} : memref<128x128xf32, #tpu.memory_space<vmem>>, vector<16xf32>,
        %mul3A_311 = arith.mulf %get3A_307, %get3A_310 : vector<16xf32>
        %get3A_312 = arith.index_cast %add3A_262 : i32 to index
        %get3A_313 = arith.constant 112 : index
        %get3A_314 = tpu.vector_load %arg8[%get3A_312, %get3A_313] {strides = array<i32>} : memref<128x128xf32, #tpu.memory_space<vmem>>, vector<16xf32>,
        %get3A_315 = arith.index_cast %add3A_262 : i32 to index
        %get3A_316 = arith.constant 112 : index
        %get3A_317 = tpu.vector_load %arg9[%get3A_315, %get3A_316] {strides = array<i32>} : memref<128x128xf32, #tpu.memory_space<vmem>>, vector<16xf32>,
        %mul3A_318 = arith.mulf %get3A_314, %get3A_317 : vector<16xf32>
        %add3A_319 = arith.addf %mul3A_269, %mul3A_276 : vector<16xf32>
        %add3A_320 = arith.addf %mul3A_283, %mul3A_290 : vector<16xf32>
        %add3A_321 = arith.addf %mul3A_297, %mul3A_304 : vector<16xf32>
        %add3A_322 = arith.addf %mul3A_311, %mul3A_318 : vector<16xf32>
        %add3A_323 = arith.addf %add3A_319, %add3A_320 : vector<16xf32>
        %add3A_324 = arith.addf %add3A_321, %add3A_322 : vector<16xf32>
        %add3A_325 = arith.addf %add3A_323, %add3A_324 : vector<16xf32>
        %swap3A_326 = arith.index_cast %add3A_262 : i32 to index
        %swap3A_327 = arith.constant 0 : index
        %swap3A_328 = tpu.vector_load %arg13[%swap3A_326, %swap3A_327] {strides = array<i32>} : memref<128x24xf32, #tpu.memory_space<vmem>>, vector<16xf32>,
        tpu.vector_store %arg13[%swap3A_326, %swap3A_327], %add3A_325 {strides = array<i32>} : memref<128x24xf32, #tpu.memory_space<vmem>>, vector<16xf32>,
        %mul3A_329 = arith.constant 16 : i32
        %mul3A_330 = arith.muli %scan3A_190, %mul3A_329 : i32
        %add3A_331 = arith.constant 2 : i32
        %add3A_332 = arith.addi %mul3A_330, %add3A_331 : i32
        %get3A_333 = arith.index_cast %add3A_332 : i32 to index
        %get3A_334 = arith.constant 0 : index
        %get3A_335 = tpu.vector_load %arg8[%get3A_333, %get3A_334] {strides = array<i32>} : memref<128x128xf32, #tpu.memory_space<vmem>>, vector<16xf32>,
        %get3A_336 = arith.index_cast %add3A_332 : i32 to index
        %get3A_337 = arith.constant 0 : index
        %get3A_338 = tpu.vector_load %arg9[%get3A_336, %get3A_337] {strides = array<i32>} : memref<128x128xf32, #tpu.memory_space<vmem>>, vector<16xf32>,
        %mul3A_339 = arith.mulf %get3A_335, %get3A_338 : vector<16xf32>
        %get3A_340 = arith.index_cast %add3A_332 : i32 to index
        %get3A_341 = arith.constant 16 : index
        %get3A_342 = tpu.vector_load %arg8[%get3A_340, %get3A_341] {strides = array<i32>} : memref<128x128xf32, #tpu.memory_space<vmem>>, vector<16xf32>,
        %get3A_343 = arith.index_cast %add3A_332 : i32 to index
        %get3A_344 = arith.constant 16 : index
        %get3A_345 = tpu.vector_load %arg9[%get3A_343, %get3A_344] {strides = array<i32>} : memref<128x128xf32, #tpu.memory_space<vmem>>, vector<16xf32>,
        %mul3A_346 = arith.mulf %get3A_342, %get3A_345 : vector<16xf32>
        %get3A_347 = arith.index_cast %add3A_332 : i32 to index
        %get3A_348 = arith.constant 32 : index
        %get3A_349 = tpu.vector_load %arg8[%get3A_347, %get3A_348] {strides = array<i32>} : memref<128x128xf32, #tpu.memory_space<vmem>>, vector<16xf32>,
        %get3A_350 = arith.index_cast %add3A_332 : i32 to index
        %get3A_351 = arith.constant 32 : index
        %get3A_352 = tpu.vector_load %arg9[%get3A_350, %get3A_351] {strides = array<i32>} : memref<128x128xf32, #tpu.memory_space<vmem>>, vector<16xf32>,
        %mul3A_353 = arith.mulf %get3A_349, %get3A_352 : vector<16xf32>
        %get3A_354 = arith.index_cast %add3A_332 : i32 to index
        %get3A_355 = arith.constant 48 : index
        %get3A_356 = tpu.vector_load %arg8[%get3A_354, %get3A_355] {strides = array<i32>} : memref<128x128xf32, #tpu.memory_space<vmem>>, vector<16xf32>,
        %get3A_357 = arith.index_cast %add3A_332 : i32 to index
        %get3A_358 = arith.constant 48 : index
        %get3A_359 = tpu.vector_load %arg9[%get3A_357, %get3A_358] {strides = array<i32>} : memref<128x128xf32, #tpu.memory_space<vmem>>, vector<16xf32>,
        %mul3A_360 = arith.mulf %get3A_356, %get3A_359 : vector<16xf32>
        %get3A_361 = arith.index_cast %add3A_332 : i32 to index
        %get3A_362 = arith.constant 64 : index
        %get3A_363 = tpu.vector_load %arg8[%get3A_361, %get3A_362] {strides = array<i32>} : memref<128x128xf32, #tpu.memory_space<vmem>>, vector<16xf32>,
        %get3A_364 = arith.index_cast %add3A_332 : i32 to index
        %get3A_365 = arith.constant 64 : index
        %get3A_366 = tpu.vector_load %arg9[%get3A_364, %get3A_365] {strides = array<i32>} : memref<128x128xf32, #tpu.memory_space<vmem>>, vector<16xf32>,
        %mul3A_367 = arith.mulf %get3A_363, %get3A_366 : vector<16xf32>
        %get3A_368 = arith.index_cast %add3A_332 : i32 to index
        %get3A_369 = arith.constant 80 : index
        %get3A_370 = tpu.vector_load %arg8[%get3A_368, %get3A_369] {strides = array<i32>} : memref<128x128xf32, #tpu.memory_space<vmem>>, vector<16xf32>,
        %get3A_371 = arith.index_cast %add3A_332 : i32 to index
        %get3A_372 = arith.constant 80 : index
        %get3A_373 = tpu.vector_load %arg9[%get3A_371, %get3A_372] {strides = array<i32>} : memref<128x128xf32, #tpu.memory_space<vmem>>, vector<16xf32>,
        %mul3A_374 = arith.mulf %get3A_370, %get3A_373 : vector<16xf32>
        %get3A_375 = arith.index_cast %add3A_332 : i32 to index
        %get3A_376 = arith.constant 96 : index
        %get3A_377 = tpu.vector_load %arg8[%get3A_375, %get3A_376] {strides = array<i32>} : memref<128x128xf32, #tpu.memory_space<vmem>>, vector<16xf32>,
        %get3A_378 = arith.index_cast %add3A_332 : i32 to index
        %get3A_379 = arith.constant 96 : index
        %get3A_380 = tpu.vector_load %arg9[%get3A_378, %get3A_379] {strides = array<i32>} : memref<128x128xf32, #tpu.memory_space<vmem>>, vector<16xf32>,
        %mul3A_381 = arith.mulf %get3A_377, %get3A_380 : vector<16xf32>
        %get3A_382 = arith.index_cast %add3A_332 : i32 to index
        %get3A_383 = arith.constant 112 : index
        %get3A_384 = tpu.vector_load %arg8[%get3A_382, %get3A_383] {strides = array<i32>} : memref<128x128xf32, #tpu.memory_space<vmem>>, vector<16xf32>,
        %get3A_385 = arith.index_cast %add3A_332 : i32 to index
        %get3A_386 = arith.constant 112 : index
        %get3A_387 = tpu.vector_load %arg9[%get3A_385, %get3A_386] {strides = array<i32>} : memref<128x128xf32, #tpu.memory_space<vmem>>, vector<16xf32>,
        %mul3A_388 = arith.mulf %get3A_384, %get3A_387 : vector<16xf32>
        %add3A_389 = arith.addf %mul3A_339, %mul3A_346 : vector<16xf32>
        %add3A_390 = arith.addf %mul3A_353, %mul3A_360 : vector<16xf32>
        %add3A_391 = arith.addf %mul3A_367, %mul3A_374 : vector<16xf32>
        %add3A_392 = arith.addf %mul3A_381, %mul3A_388 : vector<16xf32>
        %add3A_393 = arith.addf %add3A_389, %add3A_390 : vector<16xf32>
        %add3A_394 = arith.addf %add3A_391, %add3A_392 : vector<16xf32>
        %add3A_395 = arith.addf %add3A_393, %add3A_394 : vector<16xf32>
        %swap3A_396 = arith.index_cast %add3A_332 : i32 to index
        %swap3A_397 = arith.constant 0 : index
        %swap3A_398 = tpu.vector_load %arg13[%swap3A_396, %swap3A_397] {strides = array<i32>} : memref<128x24xf32, #tpu.memory_space<vmem>>, vector<16xf32>,
        tpu.vector_store %arg13[%swap3A_396, %swap3A_397], %add3A_395 {strides = array<i32>} : memref<128x24xf32, #tpu.memory_space<vmem>>, vector<16xf32>,
        %mul3A_399 = arith.constant 16 : i32
        %mul3A_400 = arith.muli %scan3A_190, %mul3A_399 : i32
        %add3A_401 = arith.constant 3 : i32
        %add3A_402 = arith.addi %mul3A_400, %add3A_401 : i32
        %get3A_403 = arith.index_cast %add3A_402 : i32 to index
        %get3A_404 = arith.constant 0 : index
        %get3A_405 = tpu.vector_load %arg8[%get3A_403, %get3A_404] {strides = array<i32>} : memref<128x128xf32, #tpu.memory_space<vmem>>, vector<16xf32>,
        %get3A_406 = arith.index_cast %add3A_402 : i32 to index
        %get3A_407 = arith.constant 0 : index
        %get3A_408 = tpu.vector_load %arg9[%get3A_406, %get3A_407] {strides = array<i32>} : memref<128x128xf32, #tpu.memory_space<vmem>>, vector<16xf32>,
        %mul3A_409 = arith.mulf %get3A_405, %get3A_408 : vector<16xf32>
        %get3A_410 = arith.index_cast %add3A_402 : i32 to index
        %get3A_411 = arith.constant 16 : index
        %get3A_412 = tpu.vector_load %arg8[%get3A_410, %get3A_411] {strides = array<i32>} : memref<128x128xf32, #tpu.memory_space<vmem>>, vector<16xf32>,
        %get3A_413 = arith.index_cast %add3A_402 : i32 to index
        %get3A_414 = arith.constant 16 : index
        %get3A_415 = tpu.vector_load %arg9[%get3A_413, %get3A_414] {strides = array<i32>} : memref<128x128xf32, #tpu.memory_space<vmem>>, vector<16xf32>,
        %mul3A_416 = arith.mulf %get3A_412, %get3A_415 : vector<16xf32>
        %get3A_417 = arith.index_cast %add3A_402 : i32 to index
        %get3A_418 = arith.constant 32 : index
        %get3A_419 = tpu.vector_load %arg8[%get3A_417, %get3A_418] {strides = array<i32>} : memref<128x128xf32, #tpu.memory_space<vmem>>, vector<16xf32>,
        %get3A_420 = arith.index_cast %add3A_402 : i32 to index
        %get3A_421 = arith.constant 32 : index
        %get3A_422 = tpu.vector_load %arg9[%get3A_420, %get3A_421] {strides = array<i32>} : memref<128x128xf32, #tpu.memory_space<vmem>>, vector<16xf32>,
        %mul3A_423 = arith.mulf %get3A_419, %get3A_422 : vector<16xf32>
        %get3A_424 = arith.index_cast %add3A_402 : i32 to index
        %get3A_425 = arith.constant 48 : index
        %get3A_426 = tpu.vector_load %arg8[%get3A_424, %get3A_425] {strides = array<i32>} : memref<128x128xf32, #tpu.memory_space<vmem>>, vector<16xf32>,
        %get3A_427 = arith.index_cast %add3A_402 : i32 to index
        %get3A_428 = arith.constant 48 : index
        %get3A_429 = tpu.vector_load %arg9[%get3A_427, %get3A_428] {strides = array<i32>} : memref<128x128xf32, #tpu.memory_space<vmem>>, vector<16xf32>,
        %mul3A_430 = arith.mulf %get3A_426, %get3A_429 : vector<16xf32>
        %get3A_431 = arith.index_cast %add3A_402 : i32 to index
        %get3A_432 = arith.constant 64 : index
        %get3A_433 = tpu.vector_load %arg8[%get3A_431, %get3A_432] {strides = array<i32>} : memref<128x128xf32, #tpu.memory_space<vmem>>, vector<16xf32>,
        %get3A_434 = arith.index_cast %add3A_402 : i32 to index
        %get3A_435 = arith.constant 64 : index
        %get3A_436 = tpu.vector_load %arg9[%get3A_434, %get3A_435] {strides = array<i32>} : memref<128x128xf32, #tpu.memory_space<vmem>>, vector<16xf32>,
        %mul3A_437 = arith.mulf %get3A_433, %get3A_436 : vector<16xf32>
        %get3A_438 = arith.index_cast %add3A_402 : i32 to index
        %get3A_439 = arith.constant 80 : index
        %get3A_440 = tpu.vector_load %arg8[%get3A_438, %get3A_439] {strides = array<i32>} : memref<128x128xf32, #tpu.memory_space<vmem>>, vector<16xf32>,
        %get3A_441 = arith.index_cast %add3A_402 : i32 to index
        %get3A_442 = arith.constant 80 : index
        %get3A_443 = tpu.vector_load %arg9[%get3A_441, %get3A_442] {strides = array<i32>} : memref<128x128xf32, #tpu.memory_space<vmem>>, vector<16xf32>,
        %mul3A_444 = arith.mulf %get3A_440, %get3A_443 : vector<16xf32>
        %get3A_445 = arith.index_cast %add3A_402 : i32 to index
        %get3A_446 = arith.constant 96 : index
        %get3A_447 = tpu.vector_load %arg8[%get3A_445, %get3A_446] {strides = array<i32>} : memref<128x128xf32, #tpu.memory_space<vmem>>, vector<16xf32>,
        %get3A_448 = arith.index_cast %add3A_402 : i32 to index
        %get3A_449 = arith.constant 96 : index
        %get3A_450 = tpu.vector_load %arg9[%get3A_448, %get3A_449] {strides = array<i32>} : memref<128x128xf32, #tpu.memory_space<vmem>>, vector<16xf32>,
        %mul3A_451 = arith.mulf %get3A_447, %get3A_450 : vector<16xf32>
        %get3A_452 = arith.index_cast %add3A_402 : i32 to index
        %get3A_453 = arith.constant 112 : index
        %get3A_454 = tpu.vector_load %arg8[%get3A_452, %get3A_453] {strides = array<i32>} : memref<128x128xf32, #tpu.memory_space<vmem>>, vector<16xf32>,
        %get3A_455 = arith.index_cast %add3A_402 : i32 to index
        %get3A_456 = arith.constant 112 : index
        %get3A_457 = tpu.vector_load %arg9[%get3A_455, %get3A_456] {strides = array<i32>} : memref<128x128xf32, #tpu.memory_space<vmem>>, vector<16xf32>,
        %mul3A_458 = arith.mulf %get3A_454, %get3A_457 : vector<16xf32>
        %add3A_459 = arith.addf %mul3A_409, %mul3A_416 : vector<16xf32>
        %add3A_460 = arith.addf %mul3A_423, %mul3A_430 : vector<16xf32>
        %add3A_461 = arith.addf %mul3A_437, %mul3A_444 : vector<16xf32>
        %add3A_462 = arith.addf %mul3A_451, %mul3A_458 : vector<16xf32>
        %add3A_463 = arith.addf %add3A_459, %add3A_460 : vector<16xf32>
        %add3A_464 = arith.addf %add3A_461, %add3A_462 : vector<16xf32>
        %add3A_465 = arith.addf %add3A_463, %add3A_464 : vector<16xf32>
        %swap3A_466 = arith.index_cast %add3A_402 : i32 to index
        %swap3A_467 = arith.constant 0 : index
        %swap3A_468 = tpu.vector_load %arg13[%swap3A_466, %swap3A_467] {strides = array<i32>} : memref<128x24xf32, #tpu.memory_space<vmem>>, vector<16xf32>,
        tpu.vector_store %arg13[%swap3A_466, %swap3A_467], %add3A_465 {strides = array<i32>} : memref<128x24xf32, #tpu.memory_space<vmem>>, vector<16xf32>,
        %mul3A_469 = arith.constant 16 : i32
        %mul3A_470 = arith.muli %scan3A_190, %mul3A_469 : i32
        %add3A_471 = arith.constant 4 : i32
        %add3A_472 = arith.addi %mul3A_470, %add3A_471 : i32
        %get3A_473 = arith.index_cast %add3A_472 : i32 to index
        %get3A_474 = arith.constant 0 : index
        %get3A_475 = tpu.vector_load %arg8[%get3A_473, %get3A_474] {strides = array<i32>} : memref<128x128xf32, #tpu.memory_space<vmem>>, vector<16xf32>,
        %get3A_476 = arith.index_cast %add3A_472 : i32 to index
        %get3A_477 = arith.constant 0 : index
        %get3A_478 = tpu.vector_load %arg9[%get3A_476, %get3A_477] {strides = array<i32>} : memref<128x128xf32, #tpu.memory_space<vmem>>, vector<16xf32>,
        %mul3A_479 = arith.mulf %get3A_475, %get3A_478 : vector<16xf32>
        %get3A_480 = arith.index_cast %add3A_472 : i32 to index
        %get3A_481 = arith.constant 16 : index
        %get3A_482 = tpu.vector_load %arg8[%get3A_480, %get3A_481] {strides = array<i32>} : memref<128x128xf32, #tpu.memory_space<vmem>>, vector<16xf32>,
        %get3A_483 = arith.index_cast %add3A_472 : i32 to index
        %get3A_484 = arith.constant 16 : index
        %get3A_485 = tpu.vector_load %arg9[%get3A_483, %get3A_484] {strides = array<i32>} : memref<128x128xf32, #tpu.memory_space<vmem>>, vector<16xf32>,
        %mul3A_486 = arith.mulf %get3A_482, %get3A_485 : vector<16xf32>
        %get3A_487 = arith.index_cast %add3A_472 : i32 to index
        %get3A_488 = arith.constant 32 : index
        %get3A_489 = tpu.vector_load %arg8[%get3A_487, %get3A_488] {strides = array<i32>} : memref<128x128xf32, #tpu.memory_space<vmem>>, vector<16xf32>,
        %get3A_490 = arith.index_cast %add3A_472 : i32 to index
        %get3A_491 = arith.constant 32 : index
        %get3A_492 = tpu.vector_load %arg9[%get3A_490, %get3A_491] {strides = array<i32>} : memref<128x128xf32, #tpu.memory_space<vmem>>, vector<16xf32>,
        %mul3A_493 = arith.mulf %get3A_489, %get3A_492 : vector<16xf32>
        %get3A_494 = arith.index_cast %add3A_472 : i32 to index
        %get3A_495 = arith.constant 48 : index
        %get3A_496 = tpu.vector_load %arg8[%get3A_494, %get3A_495] {strides = array<i32>} : memref<128x128xf32, #tpu.memory_space<vmem>>, vector<16xf32>,
        %get3A_497 = arith.index_cast %add3A_472 : i32 to index
        %get3A_498 = arith.constant 48 : index
        %get3A_499 = tpu.vector_load %arg9[%get3A_497, %get3A_498] {strides = array<i32>} : memref<128x128xf32, #tpu.memory_space<vmem>>, vector<16xf32>,
        %mul3A_500 = arith.mulf %get3A_496, %get3A_499 : vector<16xf32>
        %get3A_501 = arith.index_cast %add3A_472 : i32 to index
        %get3A_502 = arith.constant 64 : index
        %get3A_503 = tpu.vector_load %arg8[%get3A_501, %get3A_502] {strides = array<i32>} : memref<128x128xf32, #tpu.memory_space<vmem>>, vector<16xf32>,
        %get3A_504 = arith.index_cast %add3A_472 : i32 to index
        %get3A_505 = arith.constant 64 : index
        %get3A_506 = tpu.vector_load %arg9[%get3A_504, %get3A_505] {strides = array<i32>} : memref<128x128xf32, #tpu.memory_space<vmem>>, vector<16xf32>,
        %mul3A_507 = arith.mulf %get3A_503, %get3A_506 : vector<16xf32>
        %get3A_508 = arith.index_cast %add3A_472 : i32 to index
        %get3A_509 = arith.constant 80 : index
        %get3A_510 = tpu.vector_load %arg8[%get3A_508, %get3A_509] {strides = array<i32>} : memref<128x128xf32, #tpu.memory_space<vmem>>, vector<16xf32>,
        %get3A_511 = arith.index_cast %add3A_472 : i32 to index
        %get3A_512 = arith.constant 80 : index
        %get3A_513 = tpu.vector_load %arg9[%get3A_511, %get3A_512] {strides = array<i32>} : memref<128x128xf32, #tpu.memory_space<vmem>>, vector<16xf32>,
        %mul3A_514 = arith.mulf %get3A_510, %get3A_513 : vector<16xf32>
        %get3A_515 = arith.index_cast %add3A_472 : i32 to index
        %get3A_516 = arith.constant 96 : index
        %get3A_517 = tpu.vector_load %arg8[%get3A_515, %get3A_516] {strides = array<i32>} : memref<128x128xf32, #tpu.memory_space<vmem>>, vector<16xf32>,
        %get3A_518 = arith.index_cast %add3A_472 : i32 to index
        %get3A_519 = arith.constant 96 : index
        %get3A_520 = tpu.vector_load %arg9[%get3A_518, %get3A_519] {strides = array<i32>} : memref<128x128xf32, #tpu.memory_space<vmem>>, vector<16xf32>,
        %mul3A_521 = arith.mulf %get3A_517, %get3A_520 : vector<16xf32>
        %get3A_522 = arith.index_cast %add3A_472 : i32 to index
        %get3A_523 = arith.constant 112 : index
        %get3A_524 = tpu.vector_load %arg8[%get3A_522, %get3A_523] {strides = array<i32>} : memref<128x128xf32, #tpu.memory_space<vmem>>, vector<16xf32>,
        %get3A_525 = arith.index_cast %add3A_472 : i32 to index
        %get3A_526 = arith.constant 112 : index
        %get3A_527 = tpu.vector_load %arg9[%get3A_525, %get3A_526] {strides = array<i32>} : memref<128x128xf32, #tpu.memory_space<vmem>>, vector<16xf32>,
        %mul3A_528 = arith.mulf %get3A_524, %get3A_527 : vector<16xf32>
        %add3A_529 = arith.addf %mul3A_479, %mul3A_486 : vector<16xf32>
        %add3A_530 = arith.addf %mul3A_493, %mul3A_500 : vector<16xf32>
        %add3A_531 = arith.addf %mul3A_507, %mul3A_514 : vector<16xf32>
        %add3A_532 = arith.addf %mul3A_521, %mul3A_528 : vector<16xf32>
        %add3A_533 = arith.addf %add3A_529, %add3A_530 : vector<16xf32>
        %add3A_534 = arith.addf %add3A_531, %add3A_532 : vector<16xf32>
        %add3A_535 = arith.addf %add3A_533, %add3A_534 : vector<16xf32>
        %swap3A_536 = arith.index_cast %add3A_472 : i32 to index
        %swap3A_537 = arith.constant 0 : index
        %swap3A_538 = tpu.vector_load %arg13[%swap3A_536, %swap3A_537] {strides = array<i32>} : memref<128x24xf32, #tpu.memory_space<vmem>>, vector<16xf32>,
        tpu.vector_store %arg13[%swap3A_536, %swap3A_537], %add3A_535 {strides = array<i32>} : memref<128x24xf32, #tpu.memory_space<vmem>>, vector<16xf32>,
        %mul3A_539 = arith.constant 16 : i32
        %mul3A_540 = arith.muli %scan3A_190, %mul3A_539 : i32
        %add3A_541 = arith.constant 5 : i32
        %add3A_542 = arith.addi %mul3A_540, %add3A_541 : i32
        %get3A_543 = arith.index_cast %add3A_542 : i32 to index
        %get3A_544 = arith.constant 0 : index
        %get3A_545 = tpu.vector_load %arg8[%get3A_543, %get3A_544] {strides = array<i32>} : memref<128x128xf32, #tpu.memory_space<vmem>>, vector<16xf32>,
        %get3A_546 = arith.index_cast %add3A_542 : i32 to index
        %get3A_547 = arith.constant 0 : index
        %get3A_548 = tpu.vector_load %arg9[%get3A_546, %get3A_547] {strides = array<i32>} : memref<128x128xf32, #tpu.memory_space<vmem>>, vector<16xf32>,
        %mul3A_549 = arith.mulf %get3A_545, %get3A_548 : vector<16xf32>
        %get3A_550 = arith.index_cast %add3A_542 : i32 to index
        %get3A_551 = arith.constant 16 : index
        %get3A_552 = tpu.vector_load %arg8[%get3A_550, %get3A_551] {strides = array<i32>} : memref<128x128xf32, #tpu.memory_space<vmem>>, vector<16xf32>,
        %get3A_553 = arith.index_cast %add3A_542 : i32 to index
        %get3A_554 = arith.constant 16 : index
        %get3A_555 = tpu.vector_load %arg9[%get3A_553, %get3A_554] {strides = array<i32>} : memref<128x128xf32, #tpu.memory_space<vmem>>, vector<16xf32>,
        %mul3A_556 = arith.mulf %get3A_552, %get3A_555 : vector<16xf32>
        %get3A_557 = arith.index_cast %add3A_542 : i32 to index
        %get3A_558 = arith.constant 32 : index
        %get3A_559 = tpu.vector_load %arg8[%get3A_557, %get3A_558] {strides = array<i32>} : memref<128x128xf32, #tpu.memory_space<vmem>>, vector<16xf32>,
        %get3A_560 = arith.index_cast %add3A_542 : i32 to index
        %get3A_561 = arith.constant 32 : index
        %get3A_562 = tpu.vector_load %arg9[%get3A_560, %get3A_561] {strides = array<i32>} : memref<128x128xf32, #tpu.memory_space<vmem>>, vector<16xf32>,
        %mul3A_563 = arith.mulf %get3A_559, %get3A_562 : vector<16xf32>
        %get3A_564 = arith.index_cast %add3A_542 : i32 to index
        %get3A_565 = arith.constant 48 : index
        %get3A_566 = tpu.vector_load %arg8[%get3A_564, %get3A_565] {strides = array<i32>} : memref<128x128xf32, #tpu.memory_space<vmem>>, vector<16xf32>,
        %get3A_567 = arith.index_cast %add3A_542 : i32 to index
        %get3A_568 = arith.constant 48 : index
        %get3A_569 = tpu.vector_load %arg9[%get3A_567, %get3A_568] {strides = array<i32>} : memref<128x128xf32, #tpu.memory_space<vmem>>, vector<16xf32>,
        %mul3A_570 = arith.mulf %get3A_566, %get3A_569 : vector<16xf32>
        %get3A_571 = arith.index_cast %add3A_542 : i32 to index
        %get3A_572 = arith.constant 64 : index
        %get3A_573 = tpu.vector_load %arg8[%get3A_571, %get3A_572] {strides = array<i32>} : memref<128x128xf32, #tpu.memory_space<vmem>>, vector<16xf32>,
        %get3A_574 = arith.index_cast %add3A_542 : i32 to index
        %get3A_575 = arith.constant 64 : index
        %get3A_576 = tpu.vector_load %arg9[%get3A_574, %get3A_575] {strides = array<i32>} : memref<128x128xf32, #tpu.memory_space<vmem>>, vector<16xf32>,
        %mul3A_577 = arith.mulf %get3A_573, %get3A_576 : vector<16xf32>
        %get3A_578 = arith.index_cast %add3A_542 : i32 to index
        %get3A_579 = arith.constant 80 : index
        %get3A_580 = tpu.vector_load %arg8[%get3A_578, %get3A_579] {strides = array<i32>} : memref<128x128xf32, #tpu.memory_space<vmem>>, vector<16xf32>,
        %get3A_581 = arith.index_cast %add3A_542 : i32 to index
        %get3A_582 = arith.constant 80 : index
        %get3A_583 = tpu.vector_load %arg9[%get3A_581, %get3A_582] {strides = array<i32>} : memref<128x128xf32, #tpu.memory_space<vmem>>, vector<16xf32>,
        %mul3A_584 = arith.mulf %get3A_580, %get3A_583 : vector<16xf32>
        %get3A_585 = arith.index_cast %add3A_542 : i32 to index
        %get3A_586 = arith.constant 96 : index
        %get3A_587 = tpu.vector_load %arg8[%get3A_585, %get3A_586] {strides = array<i32>} : memref<128x128xf32, #tpu.memory_space<vmem>>, vector<16xf32>,
        %get3A_588 = arith.index_cast %add3A_542 : i32 to index
        %get3A_589 = arith.constant 96 : index
        %get3A_590 = tpu.vector_load %arg9[%get3A_588, %get3A_589] {strides = array<i32>} : memref<128x128xf32, #tpu.memory_space<vmem>>, vector<16xf32>,
        %mul3A_591 = arith.mulf %get3A_587, %get3A_590 : vector<16xf32>
        %get3A_592 = arith.index_cast %add3A_542 : i32 to index
        %get3A_593 = arith.constant 112 : index
        %get3A_594 = tpu.vector_load %arg8[%get3A_592, %get3A_593] {strides = array<i32>} : memref<128x128xf32, #tpu.memory_space<vmem>>, vector<16xf32>,
        %get3A_595 = arith.index_cast %add3A_542 : i32 to index
        %get3A_596 = arith.constant 112 : index
        %get3A_597 = tpu.vector_load %arg9[%get3A_595, %get3A_596] {strides = array<i32>} : memref<128x128xf32, #tpu.memory_space<vmem>>, vector<16xf32>,
        %mul3A_598 = arith.mulf %get3A_594, %get3A_597 : vector<16xf32>
        %add3A_599 = arith.addf %mul3A_549, %mul3A_556 : vector<16xf32>
        %add3A_600 = arith.addf %mul3A_563, %mul3A_570 : vector<16xf32>
        %add3A_601 = arith.addf %mul3A_577, %mul3A_584 : vector<16xf32>
        %add3A_602 = arith.addf %mul3A_591, %mul3A_598 : vector<16xf32>
        %add3A_603 = arith.addf %add3A_599, %add3A_600 : vector<16xf32>
        %add3A_604 = arith.addf %add3A_601, %add3A_602 : vector<16xf32>
        %add3A_605 = arith.addf %add3A_603, %add3A_604 : vector<16xf32>
        %swap3A_606 = arith.index_cast %add3A_542 : i32 to index
        %swap3A_607 = arith.constant 0 : index
        %swap3A_608 = tpu.vector_load %arg13[%swap3A_606, %swap3A_607] {strides = array<i32>} : memref<128x24xf32, #tpu.memory_space<vmem>>, vector<16xf32>,
        tpu.vector_store %arg13[%swap3A_606, %swap3A_607], %add3A_605 {strides = array<i32>} : memref<128x24xf32, #tpu.memory_space<vmem>>, vector<16xf32>,
        %mul3A_609 = arith.constant 16 : i32
        %mul3A_610 = arith.muli %scan3A_190, %mul3A_609 : i32
        %add3A_611 = arith.constant 6 : i32
        %add3A_612 = arith.addi %mul3A_610, %add3A_611 : i32
        %get3A_613 = arith.index_cast %add3A_612 : i32 to index
        %get3A_614 = arith.constant 0 : index
        %get3A_615 = tpu.vector_load %arg8[%get3A_613, %get3A_614] {strides = array<i32>} : memref<128x128xf32, #tpu.memory_space<vmem>>, vector<16xf32>,
        %get3A_616 = arith.index_cast %add3A_612 : i32 to index
        %get3A_617 = arith.constant 0 : index
        %get3A_618 = tpu.vector_load %arg9[%get3A_616, %get3A_617] {strides = array<i32>} : memref<128x128xf32, #tpu.memory_space<vmem>>, vector<16xf32>,
        %mul3A_619 = arith.mulf %get3A_615, %get3A_618 : vector<16xf32>
        %get3A_620 = arith.index_cast %add3A_612 : i32 to index
        %get3A_621 = arith.constant 16 : index
        %get3A_622 = tpu.vector_load %arg8[%get3A_620, %get3A_621] {strides = array<i32>} : memref<128x128xf32, #tpu.memory_space<vmem>>, vector<16xf32>,
        %get3A_623 = arith.index_cast %add3A_612 : i32 to index
        %get3A_624 = arith.constant 16 : index
        %get3A_625 = tpu.vector_load %arg9[%get3A_623, %get3A_624] {strides = array<i32>} : memref<128x128xf32, #tpu.memory_space<vmem>>, vector<16xf32>,
        %mul3A_626 = arith.mulf %get3A_622, %get3A_625 : vector<16xf32>
        %get3A_627 = arith.index_cast %add3A_612 : i32 to index
        %get3A_628 = arith.constant 32 : index
        %get3A_629 = tpu.vector_load %arg8[%get3A_627, %get3A_628] {strides = array<i32>} : memref<128x128xf32, #tpu.memory_space<vmem>>, vector<16xf32>,
        %get3A_630 = arith.index_cast %add3A_612 : i32 to index
        %get3A_631 = arith.constant 32 : index
        %get3A_632 = tpu.vector_load %arg9[%get3A_630, %get3A_631] {strides = array<i32>} : memref<128x128xf32, #tpu.memory_space<vmem>>, vector<16xf32>,
        %mul3A_633 = arith.mulf %get3A_629, %get3A_632 : vector<16xf32>
        %get3A_634 = arith.index_cast %add3A_612 : i32 to index
        %get3A_635 = arith.constant 48 : index
        %get3A_636 = tpu.vector_load %arg8[%get3A_634, %get3A_635] {strides = array<i32>} : memref<128x128xf32, #tpu.memory_space<vmem>>, vector<16xf32>,
        %get3A_637 = arith.index_cast %add3A_612 : i32 to index
        %get3A_638 = arith.constant 48 : index
        %get3A_639 = tpu.vector_load %arg9[%get3A_637, %get3A_638] {strides = array<i32>} : memref<128x128xf32, #tpu.memory_space<vmem>>, vector<16xf32>,
        %mul3A_640 = arith.mulf %get3A_636, %get3A_639 : vector<16xf32>
        %get3A_641 = arith.index_cast %add3A_612 : i32 to index
        %get3A_642 = arith.constant 64 : index
        %get3A_643 = tpu.vector_load %arg8[%get3A_641, %get3A_642] {strides = array<i32>} : memref<128x128xf32, #tpu.memory_space<vmem>>, vector<16xf32>,
        %get3A_644 = arith.index_cast %add3A_612 : i32 to index
        %get3A_645 = arith.constant 64 : index
        %get3A_646 = tpu.vector_load %arg9[%get3A_644, %get3A_645] {strides = array<i32>} : memref<128x128xf32, #tpu.memory_space<vmem>>, vector<16xf32>,
        %mul3A_647 = arith.mulf %get3A_643, %get3A_646 : vector<16xf32>
        %get3A_648 = arith.index_cast %add3A_612 : i32 to index
        %get3A_649 = arith.constant 80 : index
        %get3A_650 = tpu.vector_load %arg8[%get3A_648, %get3A_649] {strides = array<i32>} : memref<128x128xf32, #tpu.memory_space<vmem>>, vector<16xf32>,
        %get3A_651 = arith.index_cast %add3A_612 : i32 to index
        %get3A_652 = arith.constant 80 : index
        %get3A_653 = tpu.vector_load %arg9[%get3A_651, %get3A_652] {strides = array<i32>} : memref<128x128xf32, #tpu.memory_space<vmem>>, vector<16xf32>,
        %mul3A_654 = arith.mulf %get3A_650, %get3A_653 : vector<16xf32>
        %get3A_655 = arith.index_cast %add3A_612 : i32 to index
        %get3A_656 = arith.constant 96 : index
        %get3A_657 = tpu.vector_load %arg8[%get3A_655, %get3A_656] {strides = array<i32>} : memref<128x128xf32, #tpu.memory_space<vmem>>, vector<16xf32>,
        %get3A_658 = arith.index_cast %add3A_612 : i32 to index
        %get3A_659 = arith.constant 96 : index
        %get3A_660 = tpu.vector_load %arg9[%get3A_658, %get3A_659] {strides = array<i32>} : memref<128x128xf32, #tpu.memory_space<vmem>>, vector<16xf32>,
        %mul3A_661 = arith.mulf %get3A_657, %get3A_660 : vector<16xf32>
        %get3A_662 = arith.index_cast %add3A_612 : i32 to index
        %get3A_663 = arith.constant 112 : index
        %get3A_664 = tpu.vector_load %arg8[%get3A_662, %get3A_663] {strides = array<i32>} : memref<128x128xf32, #tpu.memory_space<vmem>>, vector<16xf32>,
        %get3A_665 = arith.index_cast %add3A_612 : i32 to index
        %get3A_666 = arith.constant 112 : index
        %get3A_667 = tpu.vector_load %arg9[%get3A_665, %get3A_666] {strides = array<i32>} : memref<128x128xf32, #tpu.memory_space<vmem>>, vector<16xf32>,
        %mul3A_668 = arith.mulf %get3A_664, %get3A_667 : vector<16xf32>
        %add3A_669 = arith.addf %mul3A_619, %mul3A_626 : vector<16xf32>
        %add3A_670 = arith.addf %mul3A_633, %mul3A_640 : vector<16xf32>
        %add3A_671 = arith.addf %mul3A_647, %mul3A_654 : vector<16xf32>
        %add3A_672 = arith.addf %mul3A_661, %mul3A_668 : vector<16xf32>
        %add3A_673 = arith.addf %add3A_669, %add3A_670 : vector<16xf32>
        %add3A_674 = arith.addf %add3A_671, %add3A_672 : vector<16xf32>
        %add3A_675 = arith.addf %add3A_673, %add3A_674 : vector<16xf32>
        %swap3A_676 = arith.index_cast %add3A_612 : i32 to index
        %swap3A_677 = arith.constant 0 : index
        %swap3A_678 = tpu.vector_load %arg13[%swap3A_676, %swap3A_677] {strides = array<i32>} : memref<128x24xf32, #tpu.memory_space<vmem>>, vector<16xf32>,
        tpu.vector_store %arg13[%swap3A_676, %swap3A_677], %add3A_675 {strides = array<i32>} : memref<128x24xf32, #tpu.memory_space<vmem>>, vector<16xf32>,
        %mul3A_679 = arith.constant 16 : i32
        %mul3A_680 = arith.muli %scan3A_190, %mul3A_679 : i32
        %add3A_681 = arith.constant 7 : i32
        %add3A_682 = arith.addi %mul3A_680, %add3A_681 : i32
        %get3A_683 = arith.index_cast %add3A_682 : i32 to index
        %get3A_684 = arith.constant 0 : index
        %get3A_685 = tpu.vector_load %arg8[%get3A_683, %get3A_684] {strides = array<i32>} : memref<128x128xf32, #tpu.memory_space<vmem>>, vector<16xf32>,
        %get3A_686 = arith.index_cast %add3A_682 : i32 to index
        %get3A_687 = arith.constant 0 : index
        %get3A_688 = tpu.vector_load %arg9[%get3A_686, %get3A_687] {strides = array<i32>} : memref<128x128xf32, #tpu.memory_space<vmem>>, vector<16xf32>,
        %mul3A_689 = arith.mulf %get3A_685, %get3A_688 : vector<16xf32>
        %get3A_690 = arith.index_cast %add3A_682 : i32 to index
        %get3A_691 = arith.constant 16 : index
        %get3A_692 = tpu.vector_load %arg8[%get3A_690, %get3A_691] {strides = array<i32>} : memref<128x128xf32, #tpu.memory_space<vmem>>, vector<16xf32>,
        %get3A_693 = arith.index_cast %add3A_682 : i32 to index
        %get3A_694 = arith.constant 16 : index
        %get3A_695 = tpu.vector_load %arg9[%get3A_693, %get3A_694] {strides = array<i32>} : memref<128x128xf32, #tpu.memory_space<vmem>>, vector<16xf32>,
        %mul3A_696 = arith.mulf %get3A_692, %get3A_695 : vector<16xf32>
        %get3A_697 = arith.index_cast %add3A_682 : i32 to index
        %get3A_698 = arith.constant 32 : index
        %get3A_699 = tpu.vector_load %arg8[%get3A_697, %get3A_698] {strides = array<i32>} : memref<128x128xf32, #tpu.memory_space<vmem>>, vector<16xf32>,
        %get3A_700 = arith.index_cast %add3A_682 : i32 to index
        %get3A_701 = arith.constant 32 : index
        %get3A_702 = tpu.vector_load %arg9[%get3A_700, %get3A_701] {strides = array<i32>} : memref<128x128xf32, #tpu.memory_space<vmem>>, vector<16xf32>,
        %mul3A_703 = arith.mulf %get3A_699, %get3A_702 : vector<16xf32>
        %get3A_704 = arith.index_cast %add3A_682 : i32 to index
        %get3A_705 = arith.constant 48 : index
        %get3A_706 = tpu.vector_load %arg8[%get3A_704, %get3A_705] {strides = array<i32>} : memref<128x128xf32, #tpu.memory_space<vmem>>, vector<16xf32>,
        %get3A_707 = arith.index_cast %add3A_682 : i32 to index
        %get3A_708 = arith.constant 48 : index
        %get3A_709 = tpu.vector_load %arg9[%get3A_707, %get3A_708] {strides = array<i32>} : memref<128x128xf32, #tpu.memory_space<vmem>>, vector<16xf32>,
        %mul3A_710 = arith.mulf %get3A_706, %get3A_709 : vector<16xf32>
        %get3A_711 = arith.index_cast %add3A_682 : i32 to index
        %get3A_712 = arith.constant 64 : index
        %get3A_713 = tpu.vector_load %arg8[%get3A_711, %get3A_712] {strides = array<i32>} : memref<128x128xf32, #tpu.memory_space<vmem>>, vector<16xf32>,
        %get3A_714 = arith.index_cast %add3A_682 : i32 to index
        %get3A_715 = arith.constant 64 : index
        %get3A_716 = tpu.vector_load %arg9[%get3A_714, %get3A_715] {strides = array<i32>} : memref<128x128xf32, #tpu.memory_space<vmem>>, vector<16xf32>,
        %mul3A_717 = arith.mulf %get3A_713, %get3A_716 : vector<16xf32>
        %get3A_718 = arith.index_cast %add3A_682 : i32 to index
        %get3A_719 = arith.constant 80 : index
        %get3A_720 = tpu.vector_load %arg8[%get3A_718, %get3A_719] {strides = array<i32>} : memref<128x128xf32, #tpu.memory_space<vmem>>, vector<16xf32>,
        %get3A_721 = arith.index_cast %add3A_682 : i32 to index
        %get3A_722 = arith.constant 80 : index
        %get3A_723 = tpu.vector_load %arg9[%get3A_721, %get3A_722] {strides = array<i32>} : memref<128x128xf32, #tpu.memory_space<vmem>>, vector<16xf32>,
        %mul3A_724 = arith.mulf %get3A_720, %get3A_723 : vector<16xf32>
        %get3A_725 = arith.index_cast %add3A_682 : i32 to index
        %get3A_726 = arith.constant 96 : index
        %get3A_727 = tpu.vector_load %arg8[%get3A_725, %get3A_726] {strides = array<i32>} : memref<128x128xf32, #tpu.memory_space<vmem>>, vector<16xf32>,
        %get3A_728 = arith.index_cast %add3A_682 : i32 to index
        %get3A_729 = arith.constant 96 : index
        %get3A_730 = tpu.vector_load %arg9[%get3A_728, %get3A_729] {strides = array<i32>} : memref<128x128xf32, #tpu.memory_space<vmem>>, vector<16xf32>,
        %mul3A_731 = arith.mulf %get3A_727, %get3A_730 : vector<16xf32>
        %get3A_732 = arith.index_cast %add3A_682 : i32 to index
        %get3A_733 = arith.constant 112 : index
        %get3A_734 = tpu.vector_load %arg8[%get3A_732, %get3A_733] {strides = array<i32>} : memref<128x128xf32, #tpu.memory_space<vmem>>, vector<16xf32>,
        %get3A_735 = arith.index_cast %add3A_682 : i32 to index
        %get3A_736 = arith.constant 112 : index
        %get3A_737 = tpu.vector_load %arg9[%get3A_735, %get3A_736] {strides = array<i32>} : memref<128x128xf32, #tpu.memory_space<vmem>>, vector<16xf32>,
        %mul3A_738 = arith.mulf %get3A_734, %get3A_737 : vector<16xf32>
        %add3A_739 = arith.addf %mul3A_689, %mul3A_696 : vector<16xf32>
        %add3A_740 = arith.addf %mul3A_703, %mul3A_710 : vector<16xf32>
        %add3A_741 = arith.addf %mul3A_717, %mul3A_724 : vector<16xf32>
        %add3A_742 = arith.addf %mul3A_731, %mul3A_738 : vector<16xf32>
        %add3A_743 = arith.addf %add3A_739, %add3A_740 : vector<16xf32>
        %add3A_744 = arith.addf %add3A_741, %add3A_742 : vector<16xf32>
        %add3A_745 = arith.addf %add3A_743, %add3A_744 : vector<16xf32>
        %swap3A_746 = arith.index_cast %add3A_682 : i32 to index
        %swap3A_747 = arith.constant 0 : index
        %swap3A_748 = tpu.vector_load %arg13[%swap3A_746, %swap3A_747] {strides = array<i32>} : memref<128x24xf32, #tpu.memory_space<vmem>>, vector<16xf32>,
        tpu.vector_store %arg13[%swap3A_746, %swap3A_747], %add3A_745 {strides = array<i32>} : memref<128x24xf32, #tpu.memory_space<vmem>>, vector<16xf32>,
        %mul3A_749 = arith.constant 16 : i32
        %mul3A_750 = arith.muli %scan3A_190, %mul3A_749 : i32
        %add3A_751 = arith.constant 8 : i32
        %add3A_752 = arith.addi %mul3A_750, %add3A_751 : i32
        %get3A_753 = arith.index_cast %add3A_752 : i32 to index
        %get3A_754 = arith.constant 0 : index
        %get3A_755 = tpu.vector_load %arg8[%get3A_753, %get3A_754] {strides = array<i32>} : memref<128x128xf32, #tpu.memory_space<vmem>>, vector<16xf32>,
        %get3A_756 = arith.index_cast %add3A_752 : i32 to index
        %get3A_757 = arith.constant 0 : index
        %get3A_758 = tpu.vector_load %arg9[%get3A_756, %get3A_757] {strides = array<i32>} : memref<128x128xf32, #tpu.memory_space<vmem>>, vector<16xf32>,
        %mul3A_759 = arith.mulf %get3A_755, %get3A_758 : vector<16xf32>
        %get3A_760 = arith.index_cast %add3A_752 : i32 to index
        %get3A_761 = arith.constant 16 : index
        %get3A_762 = tpu.vector_load %arg8[%get3A_760, %get3A_761] {strides = array<i32>} : memref<128x128xf32, #tpu.memory_space<vmem>>, vector<16xf32>,
        %get3A_763 = arith.index_cast %add3A_752 : i32 to index
        %get3A_764 = arith.constant 16 : index
        %get3A_765 = tpu.vector_load %arg9[%get3A_763, %get3A_764] {strides = array<i32>} : memref<128x128xf32, #tpu.memory_space<vmem>>, vector<16xf32>,
        %mul3A_766 = arith.mulf %get3A_762, %get3A_765 : vector<16xf32>
        %get3A_767 = arith.index_cast %add3A_752 : i32 to index
        %get3A_768 = arith.constant 32 : index
        %get3A_769 = tpu.vector_load %arg8[%get3A_767, %get3A_768] {strides = array<i32>} : memref<128x128xf32, #tpu.memory_space<vmem>>, vector<16xf32>,
        %get3A_770 = arith.index_cast %add3A_752 : i32 to index
        %get3A_771 = arith.constant 32 : index
        %get3A_772 = tpu.vector_load %arg9[%get3A_770, %get3A_771] {strides = array<i32>} : memref<128x128xf32, #tpu.memory_space<vmem>>, vector<16xf32>,
        %mul3A_773 = arith.mulf %get3A_769, %get3A_772 : vector<16xf32>
        %get3A_774 = arith.index_cast %add3A_752 : i32 to index
        %get3A_775 = arith.constant 48 : index
        %get3A_776 = tpu.vector_load %arg8[%get3A_774, %get3A_775] {strides = array<i32>} : memref<128x128xf32, #tpu.memory_space<vmem>>, vector<16xf32>,
        %get3A_777 = arith.index_cast %add3A_752 : i32 to index
        %get3A_778 = arith.constant 48 : index
        %get3A_779 = tpu.vector_load %arg9[%get3A_777, %get3A_778] {strides = array<i32>} : memref<128x128xf32, #tpu.memory_space<vmem>>, vector<16xf32>,
        %mul3A_780 = arith.mulf %get3A_776, %get3A_779 : vector<16xf32>
        %get3A_781 = arith.index_cast %add3A_752 : i32 to index
        %get3A_782 = arith.constant 64 : index
        %get3A_783 = tpu.vector_load %arg8[%get3A_781, %get3A_782] {strides = array<i32>} : memref<128x128xf32, #tpu.memory_space<vmem>>, vector<16xf32>,
        %get3A_784 = arith.index_cast %add3A_752 : i32 to index
        %get3A_785 = arith.constant 64 : index
        %get3A_786 = tpu.vector_load %arg9[%get3A_784, %get3A_785] {strides = array<i32>} : memref<128x128xf32, #tpu.memory_space<vmem>>, vector<16xf32>,
        %mul3A_787 = arith.mulf %get3A_783, %get3A_786 : vector<16xf32>
        %get3A_788 = arith.index_cast %add3A_752 : i32 to index
        %get3A_789 = arith.constant 80 : index
        %get3A_790 = tpu.vector_load %arg8[%get3A_788, %get3A_789] {strides = array<i32>} : memref<128x128xf32, #tpu.memory_space<vmem>>, vector<16xf32>,
        %get3A_791 = arith.index_cast %add3A_752 : i32 to index
        %get3A_792 = arith.constant 80 : index
        %get3A_793 = tpu.vector_load %arg9[%get3A_791, %get3A_792] {strides = array<i32>} : memref<128x128xf32, #tpu.memory_space<vmem>>, vector<16xf32>,
        %mul3A_794 = arith.mulf %get3A_790, %get3A_793 : vector<16xf32>
        %get3A_795 = arith.index_cast %add3A_752 : i32 to index
        %get3A_796 = arith.constant 96 : index
        %get3A_797 = tpu.vector_load %arg8[%get3A_795, %get3A_796] {strides = array<i32>} : memref<128x128xf32, #tpu.memory_space<vmem>>, vector<16xf32>,
        %get3A_798 = arith.index_cast %add3A_752 : i32 to index
        %get3A_799 = arith.constant 96 : index
        %get3A_800 = tpu.vector_load %arg9[%get3A_798, %get3A_799] {strides = array<i32>} : memref<128x128xf32, #tpu.memory_space<vmem>>, vector<16xf32>,
        %mul3A_801 = arith.mulf %get3A_797, %get3A_800 : vector<16xf32>
        %get3A_802 = arith.index_cast %add3A_752 : i32 to index
        %get3A_803 = arith.constant 112 : index
        %get3A_804 = tpu.vector_load %arg8[%get3A_802, %get3A_803] {strides = array<i32>} : memref<128x128xf32, #tpu.memory_space<vmem>>, vector<16xf32>,
        %get3A_805 = arith.index_cast %add3A_752 : i32 to index
        %get3A_806 = arith.constant 112 : index
        %get3A_807 = tpu.vector_load %arg9[%get3A_805, %get3A_806] {strides = array<i32>} : memref<128x128xf32, #tpu.memory_space<vmem>>, vector<16xf32>,
        %mul3A_808 = arith.mulf %get3A_804, %get3A_807 : vector<16xf32>
        %add3A_809 = arith.addf %mul3A_759, %mul3A_766 : vector<16xf32>
        %add3A_810 = arith.addf %mul3A_773, %mul3A_780 : vector<16xf32>
        %add3A_811 = arith.addf %mul3A_787, %mul3A_794 : vector<16xf32>
        %add3A_812 = arith.addf %mul3A_801, %mul3A_808 : vector<16xf32>
        %add3A_813 = arith.addf %add3A_809, %add3A_810 : vector<16xf32>
        %add3A_814 = arith.addf %add3A_811, %add3A_812 : vector<16xf32>
        %add3A_815 = arith.addf %add3A_813, %add3A_814 : vector<16xf32>
        %swap3A_816 = arith.index_cast %add3A_752 : i32 to index
        %swap3A_817 = arith.constant 0 : index
        %swap3A_818 = tpu.vector_load %arg13[%swap3A_816, %swap3A_817] {strides = array<i32>} : memref<128x24xf32, #tpu.memory_space<vmem>>, vector<16xf32>,
        tpu.vector_store %arg13[%swap3A_816, %swap3A_817], %add3A_815 {strides = array<i32>} : memref<128x24xf32, #tpu.memory_space<vmem>>, vector<16xf32>,
        %mul3A_819 = arith.constant 16 : i32
        %mul3A_820 = arith.muli %scan3A_190, %mul3A_819 : i32
        %add3A_821 = arith.constant 9 : i32
        %add3A_822 = arith.addi %mul3A_820, %add3A_821 : i32
        %get3A_823 = arith.index_cast %add3A_822 : i32 to index
        %get3A_824 = arith.constant 0 : index
        %get3A_825 = tpu.vector_load %arg8[%get3A_823, %get3A_824] {strides = array<i32>} : memref<128x128xf32, #tpu.memory_space<vmem>>, vector<16xf32>,
        %get3A_826 = arith.index_cast %add3A_822 : i32 to index
        %get3A_827 = arith.constant 0 : index
        %get3A_828 = tpu.vector_load %arg9[%get3A_826, %get3A_827] {strides = array<i32>} : memref<128x128xf32, #tpu.memory_space<vmem>>, vector<16xf32>,
        %mul3A_829 = arith.mulf %get3A_825, %get3A_828 : vector<16xf32>
        %get3A_830 = arith.index_cast %add3A_822 : i32 to index
        %get3A_831 = arith.constant 16 : index
        %get3A_832 = tpu.vector_load %arg8[%get3A_830, %get3A_831] {strides = array<i32>} : memref<128x128xf32, #tpu.memory_space<vmem>>, vector<16xf32>,
        %get3A_833 = arith.index_cast %add3A_822 : i32 to index
        %get3A_834 = arith.constant 16 : index
        %get3A_835 = tpu.vector_load %arg9[%get3A_833, %get3A_834] {strides = array<i32>} : memref<128x128xf32, #tpu.memory_space<vmem>>, vector<16xf32>,
        %mul3A_836 = arith.mulf %get3A_832, %get3A_835 : vector<16xf32>
        %get3A_837 = arith.index_cast %add3A_822 : i32 to index
        %get3A_838 = arith.constant 32 : index
        %get3A_839 = tpu.vector_load %arg8[%get3A_837, %get3A_838] {strides = array<i32>} : memref<128x128xf32, #tpu.memory_space<vmem>>, vector<16xf32>,
        %get3A_840 = arith.index_cast %add3A_822 : i32 to index
        %get3A_841 = arith.constant 32 : index
        %get3A_842 = tpu.vector_load %arg9[%get3A_840, %get3A_841] {strides = array<i32>} : memref<128x128xf32, #tpu.memory_space<vmem>>, vector<16xf32>,
        %mul3A_843 = arith.mulf %get3A_839, %get3A_842 : vector<16xf32>
        %get3A_844 = arith.index_cast %add3A_822 : i32 to index
        %get3A_845 = arith.constant 48 : index
        %get3A_846 = tpu.vector_load %arg8[%get3A_844, %get3A_845] {strides = array<i32>} : memref<128x128xf32, #tpu.memory_space<vmem>>, vector<16xf32>,
        %get3A_847 = arith.index_cast %add3A_822 : i32 to index
        %get3A_848 = arith.constant 48 : index
        %get3A_849 = tpu.vector_load %arg9[%get3A_847, %get3A_848] {strides = array<i32>} : memref<128x128xf32, #tpu.memory_space<vmem>>, vector<16xf32>,
        %mul3A_850 = arith.mulf %get3A_846, %get3A_849 : vector<16xf32>
        %get3A_851 = arith.index_cast %add3A_822 : i32 to index
        %get3A_852 = arith.constant 64 : index
        %get3A_853 = tpu.vector_load %arg8[%get3A_851, %get3A_852] {strides = array<i32>} : memref<128x128xf32, #tpu.memory_space<vmem>>, vector<16xf32>,
        %get3A_854 = arith.index_cast %add3A_822 : i32 to index
        %get3A_855 = arith.constant 64 : index
        %get3A_856 = tpu.vector_load %arg9[%get3A_854, %get3A_855] {strides = array<i32>} : memref<128x128xf32, #tpu.memory_space<vmem>>, vector<16xf32>,
        %mul3A_857 = arith.mulf %get3A_853, %get3A_856 : vector<16xf32>
        %get3A_858 = arith.index_cast %add3A_822 : i32 to index
        %get3A_859 = arith.constant 80 : index
        %get3A_860 = tpu.vector_load %arg8[%get3A_858, %get3A_859] {strides = array<i32>} : memref<128x128xf32, #tpu.memory_space<vmem>>, vector<16xf32>,
        %get3A_861 = arith.index_cast %add3A_822 : i32 to index
        %get3A_862 = arith.constant 80 : index
        %get3A_863 = tpu.vector_load %arg9[%get3A_861, %get3A_862] {strides = array<i32>} : memref<128x128xf32, #tpu.memory_space<vmem>>, vector<16xf32>,
        %mul3A_864 = arith.mulf %get3A_860, %get3A_863 : vector<16xf32>
        %get3A_865 = arith.index_cast %add3A_822 : i32 to index
        %get3A_866 = arith.constant 96 : index
        %get3A_867 = tpu.vector_load %arg8[%get3A_865, %get3A_866] {strides = array<i32>} : memref<128x128xf32, #tpu.memory_space<vmem>>, vector<16xf32>,
        %get3A_868 = arith.index_cast %add3A_822 : i32 to index
        %get3A_869 = arith.constant 96 : index
        %get3A_870 = tpu.vector_load %arg9[%get3A_868, %get3A_869] {strides = array<i32>} : memref<128x128xf32, #tpu.memory_space<vmem>>, vector<16xf32>,
        %mul3A_871 = arith.mulf %get3A_867, %get3A_870 : vector<16xf32>
        %get3A_872 = arith.index_cast %add3A_822 : i32 to index
        %get3A_873 = arith.constant 112 : index
        %get3A_874 = tpu.vector_load %arg8[%get3A_872, %get3A_873] {strides = array<i32>} : memref<128x128xf32, #tpu.memory_space<vmem>>, vector<16xf32>,
        %get3A_875 = arith.index_cast %add3A_822 : i32 to index
        %get3A_876 = arith.constant 112 : index
        %get3A_877 = tpu.vector_load %arg9[%get3A_875, %get3A_876] {strides = array<i32>} : memref<128x128xf32, #tpu.memory_space<vmem>>, vector<16xf32>,
        %mul3A_878 = arith.mulf %get3A_874, %get3A_877 : vector<16xf32>
        %add3A_879 = arith.addf %mul3A_829, %mul3A_836 : vector<16xf32>
        %add3A_880 = arith.addf %mul3A_843, %mul3A_850 : vector<16xf32>
        %add3A_881 = arith.addf %mul3A_857, %mul3A_864 : vector<16xf32>
        %add3A_882 = arith.addf %mul3A_871, %mul3A_878 : vector<16xf32>
        %add3A_883 = arith.addf %add3A_879, %add3A_880 : vector<16xf32>
        %add3A_884 = arith.addf %add3A_881, %add3A_882 : vector<16xf32>
        %add3A_885 = arith.addf %add3A_883, %add3A_884 : vector<16xf32>
        %swap3A_886 = arith.index_cast %add3A_822 : i32 to index
        %swap3A_887 = arith.constant 0 : index
        %swap3A_888 = tpu.vector_load %arg13[%swap3A_886, %swap3A_887] {strides = array<i32>} : memref<128x24xf32, #tpu.memory_space<vmem>>, vector<16xf32>,
        tpu.vector_store %arg13[%swap3A_886, %swap3A_887], %add3A_885 {strides = array<i32>} : memref<128x24xf32, #tpu.memory_space<vmem>>, vector<16xf32>,
        %mul3A_889 = arith.constant 16 : i32
        %mul3A_890 = arith.muli %scan3A_190, %mul3A_889 : i32
        %add3A_891 = arith.constant 10 : i32
        %add3A_892 = arith.addi %mul3A_890, %add3A_891 : i32
        %get3A_893 = arith.index_cast %add3A_892 : i32 to index
        %get3A_894 = arith.constant 0 : index
        %get3A_895 = tpu.vector_load %arg8[%get3A_893, %get3A_894] {strides = array<i32>} : memref<128x128xf32, #tpu.memory_space<vmem>>, vector<16xf32>,
        %get3A_896 = arith.index_cast %add3A_892 : i32 to index
        %get3A_897 = arith.constant 0 : index
        %get3A_898 = tpu.vector_load %arg9[%get3A_896, %get3A_897] {strides = array<i32>} : memref<128x128xf32, #tpu.memory_space<vmem>>, vector<16xf32>,
        %mul3A_899 = arith.mulf %get3A_895, %get3A_898 : vector<16xf32>
        %get3A_900 = arith.index_cast %add3A_892 : i32 to index
        %get3A_901 = arith.constant 16 : index
        %get3A_902 = tpu.vector_load %arg8[%get3A_900, %get3A_901] {strides = array<i32>} : memref<128x128xf32, #tpu.memory_space<vmem>>, vector<16xf32>,
        %get3A_903 = arith.index_cast %add3A_892 : i32 to index
        %get3A_904 = arith.constant 16 : index
        %get3A_905 = tpu.vector_load %arg9[%get3A_903, %get3A_904] {strides = array<i32>} : memref<128x128xf32, #tpu.memory_space<vmem>>, vector<16xf32>,
        %mul3A_906 = arith.mulf %get3A_902, %get3A_905 : vector<16xf32>
        %get3A_907 = arith.index_cast %add3A_892 : i32 to index
        %get3A_908 = arith.constant 32 : index
        %get3A_909 = tpu.vector_load %arg8[%get3A_907, %get3A_908] {strides = array<i32>} : memref<128x128xf32, #tpu.memory_space<vmem>>, vector<16xf32>,
        %get3A_910 = arith.index_cast %add3A_892 : i32 to index
        %get3A_911 = arith.constant 32 : index
        %get3A_912 = tpu.vector_load %arg9[%get3A_910, %get3A_911] {strides = array<i32>} : memref<128x128xf32, #tpu.memory_space<vmem>>, vector<16xf32>,
        %mul3A_913 = arith.mulf %get3A_909, %get3A_912 : vector<16xf32>
        %get3A_914 = arith.index_cast %add3A_892 : i32 to index
        %get3A_915 = arith.constant 48 : index
        %get3A_916 = tpu.vector_load %arg8[%get3A_914, %get3A_915] {strides = array<i32>} : memref<128x128xf32, #tpu.memory_space<vmem>>, vector<16xf32>,
        %get3A_917 = arith.index_cast %add3A_892 : i32 to index
        %get3A_918 = arith.constant 48 : index
        %get3A_919 = tpu.vector_load %arg9[%get3A_917, %get3A_918] {strides = array<i32>} : memref<128x128xf32, #tpu.memory_space<vmem>>, vector<16xf32>,
        %mul3A_920 = arith.mulf %get3A_916, %get3A_919 : vector<16xf32>
        %get3A_921 = arith.index_cast %add3A_892 : i32 to index
        %get3A_922 = arith.constant 64 : index
        %get3A_923 = tpu.vector_load %arg8[%get3A_921, %get3A_922] {strides = array<i32>} : memref<128x128xf32, #tpu.memory_space<vmem>>, vector<16xf32>,
        %get3A_924 = arith.index_cast %add3A_892 : i32 to index
        %get3A_925 = arith.constant 64 : index
        %get3A_926 = tpu.vector_load %arg9[%get3A_924, %get3A_925] {strides = array<i32>} : memref<128x128xf32, #tpu.memory_space<vmem>>, vector<16xf32>,
        %mul3A_927 = arith.mulf %get3A_923, %get3A_926 : vector<16xf32>
        %get3A_928 = arith.index_cast %add3A_892 : i32 to index
        %get3A_929 = arith.constant 80 : index
        %get3A_930 = tpu.vector_load %arg8[%get3A_928, %get3A_929] {strides = array<i32>} : memref<128x128xf32, #tpu.memory_space<vmem>>, vector<16xf32>,
        %get3A_931 = arith.index_cast %add3A_892 : i32 to index
        %get3A_932 = arith.constant 80 : index
        %get3A_933 = tpu.vector_load %arg9[%get3A_931, %get3A_932] {strides = array<i32>} : memref<128x128xf32, #tpu.memory_space<vmem>>, vector<16xf32>,
        %mul3A_934 = arith.mulf %get3A_930, %get3A_933 : vector<16xf32>
        %get3A_935 = arith.index_cast %add3A_892 : i32 to index
        %get3A_936 = arith.constant 96 : index
        %get3A_937 = tpu.vector_load %arg8[%get3A_935, %get3A_936] {strides = array<i32>} : memref<128x128xf32, #tpu.memory_space<vmem>>, vector<16xf32>,
        %get3A_938 = arith.index_cast %add3A_892 : i32 to index
        %get3A_939 = arith.constant 96 : index
        %get3A_940 = tpu.vector_load %arg9[%get3A_938, %get3A_939] {strides = array<i32>} : memref<128x128xf32, #tpu.memory_space<vmem>>, vector<16xf32>,
        %mul3A_941 = arith.mulf %get3A_937, %get3A_940 : vector<16xf32>
        %get3A_942 = arith.index_cast %add3A_892 : i32 to index
        %get3A_943 = arith.constant 112 : index
        %get3A_944 = tpu.vector_load %arg8[%get3A_942, %get3A_943] {strides = array<i32>} : memref<128x128xf32, #tpu.memory_space<vmem>>, vector<16xf32>,
        %get3A_945 = arith.index_cast %add3A_892 : i32 to index
        %get3A_946 = arith.constant 112 : index
        %get3A_947 = tpu.vector_load %arg9[%get3A_945, %get3A_946] {strides = array<i32>} : memref<128x128xf32, #tpu.memory_space<vmem>>, vector<16xf32>,
        %mul3A_948 = arith.mulf %get3A_944, %get3A_947 : vector<16xf32>
        %add3A_949 = arith.addf %mul3A_899, %mul3A_906 : vector<16xf32>
        %add3A_950 = arith.addf %mul3A_913, %mul3A_920 : vector<16xf32>
        %add3A_951 = arith.addf %mul3A_927, %mul3A_934 : vector<16xf32>
        %add3A_952 = arith.addf %mul3A_941, %mul3A_948 : vector<16xf32>
        %add3A_953 = arith.addf %add3A_949, %add3A_950 : vector<16xf32>
        %add3A_954 = arith.addf %add3A_951, %add3A_952 : vector<16xf32>
        %add3A_955 = arith.addf %add3A_953, %add3A_954 : vector<16xf32>
        %swap3A_956 = arith.index_cast %add3A_892 : i32 to index
        %swap3A_957 = arith.constant 0 : index
        %swap3A_958 = tpu.vector_load %arg13[%swap3A_956, %swap3A_957] {strides = array<i32>} : memref<128x24xf32, #tpu.memory_space<vmem>>, vector<16xf32>,
        tpu.vector_store %arg13[%swap3A_956, %swap3A_957], %add3A_955 {strides = array<i32>} : memref<128x24xf32, #tpu.memory_space<vmem>>, vector<16xf32>,
        %mul3A_959 = arith.constant 16 : i32
        %mul3A_960 = arith.muli %scan3A_190, %mul3A_959 : i32
        %add3A_961 = arith.constant 11 : i32
        %add3A_962 = arith.addi %mul3A_960, %add3A_961 : i32
        %get3A_963 = arith.index_cast %add3A_962 : i32 to index
        %get3A_964 = arith.constant 0 : index
        %get3A_965 = tpu.vector_load %arg8[%get3A_963, %get3A_964] {strides = array<i32>} : memref<128x128xf32, #tpu.memory_space<vmem>>, vector<16xf32>,
        %get3A_966 = arith.index_cast %add3A_962 : i32 to index
        %get3A_967 = arith.constant 0 : index
        %get3A_968 = tpu.vector_load %arg9[%get3A_966, %get3A_967] {strides = array<i32>} : memref<128x128xf32, #tpu.memory_space<vmem>>, vector<16xf32>,
        %mul3A_969 = arith.mulf %get3A_965, %get3A_968 : vector<16xf32>
        %get3A_970 = arith.index_cast %add3A_962 : i32 to index
        %get3A_971 = arith.constant 16 : index
        %get3A_972 = tpu.vector_load %arg8[%get3A_970, %get3A_971] {strides = array<i32>} : memref<128x128xf32, #tpu.memory_space<vmem>>, vector<16xf32>,
        %get3A_973 = arith.index_cast %add3A_962 : i32 to index
        %get3A_974 = arith.constant 16 : index
        %get3A_975 = tpu.vector_load %arg9[%get3A_973, %get3A_974] {strides = array<i32>} : memref<128x128xf32, #tpu.memory_space<vmem>>, vector<16xf32>,
        %mul3A_976 = arith.mulf %get3A_972, %get3A_975 : vector<16xf32>
        %get3A_977 = arith.index_cast %add3A_962 : i32 to index
        %get3A_978 = arith.constant 32 : index
        %get3A_979 = tpu.vector_load %arg8[%get3A_977, %get3A_978] {strides = array<i32>} : memref<128x128xf32, #tpu.memory_space<vmem>>, vector<16xf32>,
        %get3A_980 = arith.index_cast %add3A_962 : i32 to index
        %get3A_981 = arith.constant 32 : index
        %get3A_982 = tpu.vector_load %arg9[%get3A_980, %get3A_981] {strides = array<i32>} : memref<128x128xf32, #tpu.memory_space<vmem>>, vector<16xf32>,
        %mul3A_983 = arith.mulf %get3A_979, %get3A_982 : vector<16xf32>
        %get3A_984 = arith.index_cast %add3A_962 : i32 to index
        %get3A_985 = arith.constant 48 : index
        %get3A_986 = tpu.vector_load %arg8[%get3A_984, %get3A_985] {strides = array<i32>} : memref<128x128xf32, #tpu.memory_space<vmem>>, vector<16xf32>,
        %get3A_987 = arith.index_cast %add3A_962 : i32 to index
        %get3A_988 = arith.constant 48 : index
        %get3A_989 = tpu.vector_load %arg9[%get3A_987, %get3A_988] {strides = array<i32>} : memref<128x128xf32, #tpu.memory_space<vmem>>, vector<16xf32>,
        %mul3A_990 = arith.mulf %get3A_986, %get3A_989 : vector<16xf32>
        %get3A_991 = arith.index_cast %add3A_962 : i32 to index
        %get3A_992 = arith.constant 64 : index
        %get3A_993 = tpu.vector_load %arg8[%get3A_991, %get3A_992] {strides = array<i32>} : memref<128x128xf32, #tpu.memory_space<vmem>>, vector<16xf32>,
        %get3A_994 = arith.index_cast %add3A_962 : i32 to index
        %get3A_995 = arith.constant 64 : index
        %get3A_996 = tpu.vector_load %arg9[%get3A_994, %get3A_995] {strides = array<i32>} : memref<128x128xf32, #tpu.memory_space<vmem>>, vector<16xf32>,
        %mul3A_997 = arith.mulf %get3A_993, %get3A_996 : vector<16xf32>
        %get3A_998 = arith.index_cast %add3A_962 : i32 to index
        %get3A_999 = arith.constant 80 : index
        %get3A_1000 = tpu.vector_load %arg8[%get3A_998, %get3A_999] {strides = array<i32>} : memref<128x128xf32, #tpu.memory_space<vmem>>, vector<16xf32>,
        %get3A_1001 = arith.index_cast %add3A_962 : i32 to index
        %get3A_1002 = arith.constant 80 : index
        %get3A_1003 = tpu.vector_load %arg9[%get3A_1001, %get3A_1002] {strides = array<i32>} : memref<128x128xf32, #tpu.memory_space<vmem>>, vector<16xf32>,
        %mul3A_1004 = arith.mulf %get3A_1000, %get3A_1003 : vector<16xf32>
        %get3A_1005 = arith.index_cast %add3A_962 : i32 to index
        %get3A_1006 = arith.constant 96 : index
        %get3A_1007 = tpu.vector_load %arg8[%get3A_1005, %get3A_1006] {strides = array<i32>} : memref<128x128xf32, #tpu.memory_space<vmem>>, vector<16xf32>,
        %get3A_1008 = arith.index_cast %add3A_962 : i32 to index
        %get3A_1009 = arith.constant 96 : index
        %get3A_1010 = tpu.vector_load %arg9[%get3A_1008, %get3A_1009] {strides = array<i32>} : memref<128x128xf32, #tpu.memory_space<vmem>>, vector<16xf32>,
        %mul3A_1011 = arith.mulf %get3A_1007, %get3A_1010 : vector<16xf32>
        %get3A_1012 = arith.index_cast %add3A_962 : i32 to index
        %get3A_1013 = arith.constant 112 : index
        %get3A_1014 = tpu.vector_load %arg8[%get3A_1012, %get3A_1013] {strides = array<i32>} : memref<128x128xf32, #tpu.memory_space<vmem>>, vector<16xf32>,
        %get3A_1015 = arith.index_cast %add3A_962 : i32 to index
        %get3A_1016 = arith.constant 112 : index
        %get3A_1017 = tpu.vector_load %arg9[%get3A_1015, %get3A_1016] {strides = array<i32>} : memref<128x128xf32, #tpu.memory_space<vmem>>, vector<16xf32>,
        %mul3A_1018 = arith.mulf %get3A_1014, %get3A_1017 : vector<16xf32>
        %add3A_1019 = arith.addf %mul3A_969, %mul3A_976 : vector<16xf32>
        %add3A_1020 = arith.addf %mul3A_983, %mul3A_990 : vector<16xf32>
        %add3A_1021 = arith.addf %mul3A_997, %mul3A_1004 : vector<16xf32>
        %add3A_1022 = arith.addf %mul3A_1011, %mul3A_1018 : vector<16xf32>
        %add3A_1023 = arith.addf %add3A_1019, %add3A_1020 : vector<16xf32>
        %add3A_1024 = arith.addf %add3A_1021, %add3A_1022 : vector<16xf32>
        %add3A_1025 = arith.addf %add3A_1023, %add3A_1024 : vector<16xf32>
        %swap3A_1026 = arith.index_cast %add3A_962 : i32 to index
        %swap3A_1027 = arith.constant 0 : index
        %swap3A_1028 = tpu.vector_load %arg13[%swap3A_1026, %swap3A_1027] {strides = array<i32>} : memref<128x24xf32, #tpu.memory_space<vmem>>, vector<16xf32>,
        tpu.vector_store %arg13[%swap3A_1026, %swap3A_1027], %add3A_1025 {strides = array<i32>} : memref<128x24xf32, #tpu.memory_space<vmem>>, vector<16xf32>,
        %mul3A_1029 = arith.constant 16 : i32
        %mul3A_1030 = arith.muli %scan3A_190, %mul3A_1029 : i32
        %add3A_1031 = arith.constant 12 : i32
        %add3A_1032 = arith.addi %mul3A_1030, %add3A_1031 : i32
        %get3A_1033 = arith.index_cast %add3A_1032 : i32 to index
        %get3A_1034 = arith.constant 0 : index
        %get3A_1035 = tpu.vector_load %arg8[%get3A_1033, %get3A_1034] {strides = array<i32>} : memref<128x128xf32, #tpu.memory_space<vmem>>, vector<16xf32>,
        %get3A_1036 = arith.index_cast %add3A_1032 : i32 to index
        %get3A_1037 = arith.constant 0 : index
        %get3A_1038 = tpu.vector_load %arg9[%get3A_1036, %get3A_1037] {strides = array<i32>} : memref<128x128xf32, #tpu.memory_space<vmem>>, vector<16xf32>,
        %mul3A_1039 = arith.mulf %get3A_1035, %get3A_1038 : vector<16xf32>
        %get3A_1040 = arith.index_cast %add3A_1032 : i32 to index
        %get3A_1041 = arith.constant 16 : index
        %get3A_1042 = tpu.vector_load %arg8[%get3A_1040, %get3A_1041] {strides = array<i32>} : memref<128x128xf32, #tpu.memory_space<vmem>>, vector<16xf32>,
        %get3A_1043 = arith.index_cast %add3A_1032 : i32 to index
        %get3A_1044 = arith.constant 16 : index
        %get3A_1045 = tpu.vector_load %arg9[%get3A_1043, %get3A_1044] {strides = array<i32>} : memref<128x128xf32, #tpu.memory_space<vmem>>, vector<16xf32>,
        %mul3A_1046 = arith.mulf %get3A_1042, %get3A_1045 : vector<16xf32>
        %get3A_1047 = arith.index_cast %add3A_1032 : i32 to index
        %get3A_1048 = arith.constant 32 : index
        %get3A_1049 = tpu.vector_load %arg8[%get3A_1047, %get3A_1048] {strides = array<i32>} : memref<128x128xf32, #tpu.memory_space<vmem>>, vector<16xf32>,
        %get3A_1050 = arith.index_cast %add3A_1032 : i32 to index
        %get3A_1051 = arith.constant 32 : index
        %get3A_1052 = tpu.vector_load %arg9[%get3A_1050, %get3A_1051] {strides = array<i32>} : memref<128x128xf32, #tpu.memory_space<vmem>>, vector<16xf32>,
        %mul3A_1053 = arith.mulf %get3A_1049, %get3A_1052 : vector<16xf32>
        %get3A_1054 = arith.index_cast %add3A_1032 : i32 to index
        %get3A_1055 = arith.constant 48 : index
        %get3A_1056 = tpu.vector_load %arg8[%get3A_1054, %get3A_1055] {strides = array<i32>} : memref<128x128xf32, #tpu.memory_space<vmem>>, vector<16xf32>,
        %get3A_1057 = arith.index_cast %add3A_1032 : i32 to index
        %get3A_1058 = arith.constant 48 : index
        %get3A_1059 = tpu.vector_load %arg9[%get3A_1057, %get3A_1058] {strides = array<i32>} : memref<128x128xf32, #tpu.memory_space<vmem>>, vector<16xf32>,
        %mul3A_1060 = arith.mulf %get3A_1056, %get3A_1059 : vector<16xf32>
        %get3A_1061 = arith.index_cast %add3A_1032 : i32 to index
        %get3A_1062 = arith.constant 64 : index
        %get3A_1063 = tpu.vector_load %arg8[%get3A_1061, %get3A_1062] {strides = array<i32>} : memref<128x128xf32, #tpu.memory_space<vmem>>, vector<16xf32>,
        %get3A_1064 = arith.index_cast %add3A_1032 : i32 to index
        %get3A_1065 = arith.constant 64 : index
        %get3A_1066 = tpu.vector_load %arg9[%get3A_1064, %get3A_1065] {strides = array<i32>} : memref<128x128xf32, #tpu.memory_space<vmem>>, vector<16xf32>,
        %mul3A_1067 = arith.mulf %get3A_1063, %get3A_1066 : vector<16xf32>
        %get3A_1068 = arith.index_cast %add3A_1032 : i32 to index
        %get3A_1069 = arith.constant 80 : index
        %get3A_1070 = tpu.vector_load %arg8[%get3A_1068, %get3A_1069] {strides = array<i32>} : memref<128x128xf32, #tpu.memory_space<vmem>>, vector<16xf32>,
        %get3A_1071 = arith.index_cast %add3A_1032 : i32 to index
        %get3A_1072 = arith.constant 80 : index
        %get3A_1073 = tpu.vector_load %arg9[%get3A_1071, %get3A_1072] {strides = array<i32>} : memref<128x128xf32, #tpu.memory_space<vmem>>, vector<16xf32>,
        %mul3A_1074 = arith.mulf %get3A_1070, %get3A_1073 : vector<16xf32>
        %get3A_1075 = arith.index_cast %add3A_1032 : i32 to index
        %get3A_1076 = arith.constant 96 : index
        %get3A_1077 = tpu.vector_load %arg8[%get3A_1075, %get3A_1076] {strides = array<i32>} : memref<128x128xf32, #tpu.memory_space<vmem>>, vector<16xf32>,
        %get3A_1078 = arith.index_cast %add3A_1032 : i32 to index
        %get3A_1079 = arith.constant 96 : index
        %get3A_1080 = tpu.vector_load %arg9[%get3A_1078, %get3A_1079] {strides = array<i32>} : memref<128x128xf32, #tpu.memory_space<vmem>>, vector<16xf32>,
        %mul3A_1081 = arith.mulf %get3A_1077, %get3A_1080 : vector<16xf32>
        %get3A_1082 = arith.index_cast %add3A_1032 : i32 to index
        %get3A_1083 = arith.constant 112 : index
        %get3A_1084 = tpu.vector_load %arg8[%get3A_1082, %get3A_1083] {strides = array<i32>} : memref<128x128xf32, #tpu.memory_space<vmem>>, vector<16xf32>,
        %get3A_1085 = arith.index_cast %add3A_1032 : i32 to index
        %get3A_1086 = arith.constant 112 : index
        %get3A_1087 = tpu.vector_load %arg9[%get3A_1085, %get3A_1086] {strides = array<i32>} : memref<128x128xf32, #tpu.memory_space<vmem>>, vector<16xf32>,
        %mul3A_1088 = arith.mulf %get3A_1084, %get3A_1087 : vector<16xf32>
        %add3A_1089 = arith.addf %mul3A_1039, %mul3A_1046 : vector<16xf32>
        %add3A_1090 = arith.addf %mul3A_1053, %mul3A_1060 : vector<16xf32>
        %add3A_1091 = arith.addf %mul3A_1067, %mul3A_1074 : vector<16xf32>
        %add3A_1092 = arith.addf %mul3A_1081, %mul3A_1088 : vector<16xf32>
        %add3A_1093 = arith.addf %add3A_1089, %add3A_1090 : vector<16xf32>
        %add3A_1094 = arith.addf %add3A_1091, %add3A_1092 : vector<16xf32>
        %add3A_1095 = arith.addf %add3A_1093, %add3A_1094 : vector<16xf32>
        %swap3A_1096 = arith.index_cast %add3A_1032 : i32 to index
        %swap3A_1097 = arith.constant 0 : index
        %swap3A_1098 = tpu.vector_load %arg13[%swap3A_1096, %swap3A_1097] {strides = array<i32>} : memref<128x24xf32, #tpu.memory_space<vmem>>, vector<16xf32>,
        tpu.vector_store %arg13[%swap3A_1096, %swap3A_1097], %add3A_1095 {strides = array<i32>} : memref<128x24xf32, #tpu.memory_space<vmem>>, vector<16xf32>,
        %mul3A_1099 = arith.constant 16 : i32
        %mul3A_1100 = arith.muli %scan3A_190, %mul3A_1099 : i32
        %add3A_1101 = arith.constant 13 : i32
        %add3A_1102 = arith.addi %mul3A_1100, %add3A_1101 : i32
        %get3A_1103 = arith.index_cast %add3A_1102 : i32 to index
        %get3A_1104 = arith.constant 0 : index
        %get3A_1105 = tpu.vector_load %arg8[%get3A_1103, %get3A_1104] {strides = array<i32>} : memref<128x128xf32, #tpu.memory_space<vmem>>, vector<16xf32>,
        %get3A_1106 = arith.index_cast %add3A_1102 : i32 to index
        %get3A_1107 = arith.constant 0 : index
        %get3A_1108 = tpu.vector_load %arg9[%get3A_1106, %get3A_1107] {strides = array<i32>} : memref<128x128xf32, #tpu.memory_space<vmem>>, vector<16xf32>,
        %mul3A_1109 = arith.mulf %get3A_1105, %get3A_1108 : vector<16xf32>
        %get3A_1110 = arith.index_cast %add3A_1102 : i32 to index
        %get3A_1111 = arith.constant 16 : index
        %get3A_1112 = tpu.vector_load %arg8[%get3A_1110, %get3A_1111] {strides = array<i32>} : memref<128x128xf32, #tpu.memory_space<vmem>>, vector<16xf32>,
        %get3A_1113 = arith.index_cast %add3A_1102 : i32 to index
        %get3A_1114 = arith.constant 16 : index
        %get3A_1115 = tpu.vector_load %arg9[%get3A_1113, %get3A_1114] {strides = array<i32>} : memref<128x128xf32, #tpu.memory_space<vmem>>, vector<16xf32>,
        %mul3A_1116 = arith.mulf %get3A_1112, %get3A_1115 : vector<16xf32>
        %get3A_1117 = arith.index_cast %add3A_1102 : i32 to index
        %get3A_1118 = arith.constant 32 : index
        %get3A_1119 = tpu.vector_load %arg8[%get3A_1117, %get3A_1118] {strides = array<i32>} : memref<128x128xf32, #tpu.memory_space<vmem>>, vector<16xf32>,
        %get3A_1120 = arith.index_cast %add3A_1102 : i32 to index
        %get3A_1121 = arith.constant 32 : index
        %get3A_1122 = tpu.vector_load %arg9[%get3A_1120, %get3A_1121] {strides = array<i32>} : memref<128x128xf32, #tpu.memory_space<vmem>>, vector<16xf32>,
        %mul3A_1123 = arith.mulf %get3A_1119, %get3A_1122 : vector<16xf32>
        %get3A_1124 = arith.index_cast %add3A_1102 : i32 to index
        %get3A_1125 = arith.constant 48 : index
        %get3A_1126 = tpu.vector_load %arg8[%get3A_1124, %get3A_1125] {strides = array<i32>} : memref<128x128xf32, #tpu.memory_space<vmem>>, vector<16xf32>,
        %get3A_1127 = arith.index_cast %add3A_1102 : i32 to index
        %get3A_1128 = arith.constant 48 : index
        %get3A_1129 = tpu.vector_load %arg9[%get3A_1127, %get3A_1128] {strides = array<i32>} : memref<128x128xf32, #tpu.memory_space<vmem>>, vector<16xf32>,
        %mul3A_1130 = arith.mulf %get3A_1126, %get3A_1129 : vector<16xf32>
        %get3A_1131 = arith.index_cast %add3A_1102 : i32 to index
        %get3A_1132 = arith.constant 64 : index
        %get3A_1133 = tpu.vector_load %arg8[%get3A_1131, %get3A_1132] {strides = array<i32>} : memref<128x128xf32, #tpu.memory_space<vmem>>, vector<16xf32>,
        %get3A_1134 = arith.index_cast %add3A_1102 : i32 to index
        %get3A_1135 = arith.constant 64 : index
        %get3A_1136 = tpu.vector_load %arg9[%get3A_1134, %get3A_1135] {strides = array<i32>} : memref<128x128xf32, #tpu.memory_space<vmem>>, vector<16xf32>,
        %mul3A_1137 = arith.mulf %get3A_1133, %get3A_1136 : vector<16xf32>
        %get3A_1138 = arith.index_cast %add3A_1102 : i32 to index
        %get3A_1139 = arith.constant 80 : index
        %get3A_1140 = tpu.vector_load %arg8[%get3A_1138, %get3A_1139] {strides = array<i32>} : memref<128x128xf32, #tpu.memory_space<vmem>>, vector<16xf32>,
        %get3A_1141 = arith.index_cast %add3A_1102 : i32 to index
        %get3A_1142 = arith.constant 80 : index
        %get3A_1143 = tpu.vector_load %arg9[%get3A_1141, %get3A_1142] {strides = array<i32>} : memref<128x128xf32, #tpu.memory_space<vmem>>, vector<16xf32>,
        %mul3A_1144 = arith.mulf %get3A_1140, %get3A_1143 : vector<16xf32>
        %get3A_1145 = arith.index_cast %add3A_1102 : i32 to index
        %get3A_1146 = arith.constant 96 : index
        %get3A_1147 = tpu.vector_load %arg8[%get3A_1145, %get3A_1146] {strides = array<i32>} : memref<128x128xf32, #tpu.memory_space<vmem>>, vector<16xf32>,
        %get3A_1148 = arith.index_cast %add3A_1102 : i32 to index
        %get3A_1149 = arith.constant 96 : index
        %get3A_1150 = tpu.vector_load %arg9[%get3A_1148, %get3A_1149] {strides = array<i32>} : memref<128x128xf32, #tpu.memory_space<vmem>>, vector<16xf32>,
        %mul3A_1151 = arith.mulf %get3A_1147, %get3A_1150 : vector<16xf32>
        %get3A_1152 = arith.index_cast %add3A_1102 : i32 to index
        %get3A_1153 = arith.constant 112 : index
        %get3A_1154 = tpu.vector_load %arg8[%get3A_1152, %get3A_1153] {strides = array<i32>} : memref<128x128xf32, #tpu.memory_space<vmem>>, vector<16xf32>,
        %get3A_1155 = arith.index_cast %add3A_1102 : i32 to index
        %get3A_1156 = arith.constant 112 : index
        %get3A_1157 = tpu.vector_load %arg9[%get3A_1155, %get3A_1156] {strides = array<i32>} : memref<128x128xf32, #tpu.memory_space<vmem>>, vector<16xf32>,
        %mul3A_1158 = arith.mulf %get3A_1154, %get3A_1157 : vector<16xf32>
        %add3A_1159 = arith.addf %mul3A_1109, %mul3A_1116 : vector<16xf32>
        %add3A_1160 = arith.addf %mul3A_1123, %mul3A_1130 : vector<16xf32>
        %add3A_1161 = arith.addf %mul3A_1137, %mul3A_1144 : vector<16xf32>
        %add3A_1162 = arith.addf %mul3A_1151, %mul3A_1158 : vector<16xf32>
        %add3A_1163 = arith.addf %add3A_1159, %add3A_1160 : vector<16xf32>
        %add3A_1164 = arith.addf %add3A_1161, %add3A_1162 : vector<16xf32>
        %add3A_1165 = arith.addf %add3A_1163, %add3A_1164 : vector<16xf32>
        %swap3A_1166 = arith.index_cast %add3A_1102 : i32 to index
        %swap3A_1167 = arith.constant 0 : index
        %swap3A_1168 = tpu.vector_load %arg13[%swap3A_1166, %swap3A_1167] {strides = array<i32>} : memref<128x24xf32, #tpu.memory_space<vmem>>, vector<16xf32>,
        tpu.vector_store %arg13[%swap3A_1166, %swap3A_1167], %add3A_1165 {strides = array<i32>} : memref<128x24xf32, #tpu.memory_space<vmem>>, vector<16xf32>,
        %mul3A_1169 = arith.constant 16 : i32
        %mul3A_1170 = arith.muli %scan3A_190, %mul3A_1169 : i32
        %add3A_1171 = arith.constant 14 : i32
        %add3A_1172 = arith.addi %mul3A_1170, %add3A_1171 : i32
        %get3A_1173 = arith.index_cast %add3A_1172 : i32 to index
        %get3A_1174 = arith.constant 0 : index
        %get3A_1175 = tpu.vector_load %arg8[%get3A_1173, %get3A_1174] {strides = array<i32>} : memref<128x128xf32, #tpu.memory_space<vmem>>, vector<16xf32>,
        %get3A_1176 = arith.index_cast %add3A_1172 : i32 to index
        %get3A_1177 = arith.constant 0 : index
        %get3A_1178 = tpu.vector_load %arg9[%get3A_1176, %get3A_1177] {strides = array<i32>} : memref<128x128xf32, #tpu.memory_space<vmem>>, vector<16xf32>,
        %mul3A_1179 = arith.mulf %get3A_1175, %get3A_1178 : vector<16xf32>
        %get3A_1180 = arith.index_cast %add3A_1172 : i32 to index
        %get3A_1181 = arith.constant 16 : index
        %get3A_1182 = tpu.vector_load %arg8[%get3A_1180, %get3A_1181] {strides = array<i32>} : memref<128x128xf32, #tpu.memory_space<vmem>>, vector<16xf32>,
        %get3A_1183 = arith.index_cast %add3A_1172 : i32 to index
        %get3A_1184 = arith.constant 16 : index
        %get3A_1185 = tpu.vector_load %arg9[%get3A_1183, %get3A_1184] {strides = array<i32>} : memref<128x128xf32, #tpu.memory_space<vmem>>, vector<16xf32>,
        %mul3A_1186 = arith.mulf %get3A_1182, %get3A_1185 : vector<16xf32>
        %get3A_1187 = arith.index_cast %add3A_1172 : i32 to index
        %get3A_1188 = arith.constant 32 : index
        %get3A_1189 = tpu.vector_load %arg8[%get3A_1187, %get3A_1188] {strides = array<i32>} : memref<128x128xf32, #tpu.memory_space<vmem>>, vector<16xf32>,
        %get3A_1190 = arith.index_cast %add3A_1172 : i32 to index
        %get3A_1191 = arith.constant 32 : index
        %get3A_1192 = tpu.vector_load %arg9[%get3A_1190, %get3A_1191] {strides = array<i32>} : memref<128x128xf32, #tpu.memory_space<vmem>>, vector<16xf32>,
        %mul3A_1193 = arith.mulf %get3A_1189, %get3A_1192 : vector<16xf32>
        %get3A_1194 = arith.index_cast %add3A_1172 : i32 to index
        %get3A_1195 = arith.constant 48 : index
        %get3A_1196 = tpu.vector_load %arg8[%get3A_1194, %get3A_1195] {strides = array<i32>} : memref<128x128xf32, #tpu.memory_space<vmem>>, vector<16xf32>,
        %get3A_1197 = arith.index_cast %add3A_1172 : i32 to index
        %get3A_1198 = arith.constant 48 : index
        %get3A_1199 = tpu.vector_load %arg9[%get3A_1197, %get3A_1198] {strides = array<i32>} : memref<128x128xf32, #tpu.memory_space<vmem>>, vector<16xf32>,
        %mul3A_1200 = arith.mulf %get3A_1196, %get3A_1199 : vector<16xf32>
        %get3A_1201 = arith.index_cast %add3A_1172 : i32 to index
        %get3A_1202 = arith.constant 64 : index
        %get3A_1203 = tpu.vector_load %arg8[%get3A_1201, %get3A_1202] {strides = array<i32>} : memref<128x128xf32, #tpu.memory_space<vmem>>, vector<16xf32>,
        %get3A_1204 = arith.index_cast %add3A_1172 : i32 to index
        %get3A_1205 = arith.constant 64 : index
        %get3A_1206 = tpu.vector_load %arg9[%get3A_1204, %get3A_1205] {strides = array<i32>} : memref<128x128xf32, #tpu.memory_space<vmem>>, vector<16xf32>,
        %mul3A_1207 = arith.mulf %get3A_1203, %get3A_1206 : vector<16xf32>
        %get3A_1208 = arith.index_cast %add3A_1172 : i32 to index
        %get3A_1209 = arith.constant 80 : index
        %get3A_1210 = tpu.vector_load %arg8[%get3A_1208, %get3A_1209] {strides = array<i32>} : memref<128x128xf32, #tpu.memory_space<vmem>>, vector<16xf32>,
        %get3A_1211 = arith.index_cast %add3A_1172 : i32 to index
        %get3A_1212 = arith.constant 80 : index
        %get3A_1213 = tpu.vector_load %arg9[%get3A_1211, %get3A_1212] {strides = array<i32>} : memref<128x128xf32, #tpu.memory_space<vmem>>, vector<16xf32>,
        %mul3A_1214 = arith.mulf %get3A_1210, %get3A_1213 : vector<16xf32>
        %get3A_1215 = arith.index_cast %add3A_1172 : i32 to index
        %get3A_1216 = arith.constant 96 : index
        %get3A_1217 = tpu.vector_load %arg8[%get3A_1215, %get3A_1216] {strides = array<i32>} : memref<128x128xf32, #tpu.memory_space<vmem>>, vector<16xf32>,
        %get3A_1218 = arith.index_cast %add3A_1172 : i32 to index
        %get3A_1219 = arith.constant 96 : index
        %get3A_1220 = tpu.vector_load %arg9[%get3A_1218, %get3A_1219] {strides = array<i32>} : memref<128x128xf32, #tpu.memory_space<vmem>>, vector<16xf32>,
        %mul3A_1221 = arith.mulf %get3A_1217, %get3A_1220 : vector<16xf32>
        %get3A_1222 = arith.index_cast %add3A_1172 : i32 to index
        %get3A_1223 = arith.constant 112 : index
        %get3A_1224 = tpu.vector_load %arg8[%get3A_1222, %get3A_1223] {strides = array<i32>} : memref<128x128xf32, #tpu.memory_space<vmem>>, vector<16xf32>,
        %get3A_1225 = arith.index_cast %add3A_1172 : i32 to index
        %get3A_1226 = arith.constant 112 : index
        %get3A_1227 = tpu.vector_load %arg9[%get3A_1225, %get3A_1226] {strides = array<i32>} : memref<128x128xf32, #tpu.memory_space<vmem>>, vector<16xf32>,
        %mul3A_1228 = arith.mulf %get3A_1224, %get3A_1227 : vector<16xf32>
        %add3A_1229 = arith.addf %mul3A_1179, %mul3A_1186 : vector<16xf32>
        %add3A_1230 = arith.addf %mul3A_1193, %mul3A_1200 : vector<16xf32>
        %add3A_1231 = arith.addf %mul3A_1207, %mul3A_1214 : vector<16xf32>
        %add3A_1232 = arith.addf %mul3A_1221, %mul3A_1228 : vector<16xf32>
        %add3A_1233 = arith.addf %add3A_1229, %add3A_1230 : vector<16xf32>
        %add3A_1234 = arith.addf %add3A_1231, %add3A_1232 : vector<16xf32>
        %add3A_1235 = arith.addf %add3A_1233, %add3A_1234 : vector<16xf32>
        %swap3A_1236 = arith.index_cast %add3A_1172 : i32 to index
        %swap3A_1237 = arith.constant 0 : index
        %swap3A_1238 = tpu.vector_load %arg13[%swap3A_1236, %swap3A_1237] {strides = array<i32>} : memref<128x24xf32, #tpu.memory_space<vmem>>, vector<16xf32>,
        tpu.vector_store %arg13[%swap3A_1236, %swap3A_1237], %add3A_1235 {strides = array<i32>} : memref<128x24xf32, #tpu.memory_space<vmem>>, vector<16xf32>,
        %mul3A_1239 = arith.constant 16 : i32
        %mul3A_1240 = arith.muli %scan3A_190, %mul3A_1239 : i32
        %add3A_1241 = arith.constant 15 : i32
        %add3A_1242 = arith.addi %mul3A_1240, %add3A_1241 : i32
        %get3A_1243 = arith.index_cast %add3A_1242 : i32 to index
        %get3A_1244 = arith.constant 0 : index
        %get3A_1245 = tpu.vector_load %arg8[%get3A_1243, %get3A_1244] {strides = array<i32>} : memref<128x128xf32, #tpu.memory_space<vmem>>, vector<16xf32>,
        %get3A_1246 = arith.index_cast %add3A_1242 : i32 to index
        %get3A_1247 = arith.constant 0 : index
        %get3A_1248 = tpu.vector_load %arg9[%get3A_1246, %get3A_1247] {strides = array<i32>} : memref<128x128xf32, #tpu.memory_space<vmem>>, vector<16xf32>,
        %mul3A_1249 = arith.mulf %get3A_1245, %get3A_1248 : vector<16xf32>
        %get3A_1250 = arith.index_cast %add3A_1242 : i32 to index
        %get3A_1251 = arith.constant 16 : index
        %get3A_1252 = tpu.vector_load %arg8[%get3A_1250, %get3A_1251] {strides = array<i32>} : memref<128x128xf32, #tpu.memory_space<vmem>>, vector<16xf32>,
        %get3A_1253 = arith.index_cast %add3A_1242 : i32 to index
        %get3A_1254 = arith.constant 16 : index
        %get3A_1255 = tpu.vector_load %arg9[%get3A_1253, %get3A_1254] {strides = array<i32>} : memref<128x128xf32, #tpu.memory_space<vmem>>, vector<16xf32>,
        %mul3A_1256 = arith.mulf %get3A_1252, %get3A_1255 : vector<16xf32>
        %get3A_1257 = arith.index_cast %add3A_1242 : i32 to index
        %get3A_1258 = arith.constant 32 : index
        %get3A_1259 = tpu.vector_load %arg8[%get3A_1257, %get3A_1258] {strides = array<i32>} : memref<128x128xf32, #tpu.memory_space<vmem>>, vector<16xf32>,
        %get3A_1260 = arith.index_cast %add3A_1242 : i32 to index
        %get3A_1261 = arith.constant 32 : index
        %get3A_1262 = tpu.vector_load %arg9[%get3A_1260, %get3A_1261] {strides = array<i32>} : memref<128x128xf32, #tpu.memory_space<vmem>>, vector<16xf32>,
        %mul3A_1263 = arith.mulf %get3A_1259, %get3A_1262 : vector<16xf32>
        %get3A_1264 = arith.index_cast %add3A_1242 : i32 to index
        %get3A_1265 = arith.constant 48 : index
        %get3A_1266 = tpu.vector_load %arg8[%get3A_1264, %get3A_1265] {strides = array<i32>} : memref<128x128xf32, #tpu.memory_space<vmem>>, vector<16xf32>,
        %get3A_1267 = arith.index_cast %add3A_1242 : i32 to index
        %get3A_1268 = arith.constant 48 : index
        %get3A_1269 = tpu.vector_load %arg9[%get3A_1267, %get3A_1268] {strides = array<i32>} : memref<128x128xf32, #tpu.memory_space<vmem>>, vector<16xf32>,
        %mul3A_1270 = arith.mulf %get3A_1266, %get3A_1269 : vector<16xf32>
        %get3A_1271 = arith.index_cast %add3A_1242 : i32 to index
        %get3A_1272 = arith.constant 64 : index
        %get3A_1273 = tpu.vector_load %arg8[%get3A_1271, %get3A_1272] {strides = array<i32>} : memref<128x128xf32, #tpu.memory_space<vmem>>, vector<16xf32>,
        %get3A_1274 = arith.index_cast %add3A_1242 : i32 to index
        %get3A_1275 = arith.constant 64 : index
        %get3A_1276 = tpu.vector_load %arg9[%get3A_1274, %get3A_1275] {strides = array<i32>} : memref<128x128xf32, #tpu.memory_space<vmem>>, vector<16xf32>,
        %mul3A_1277 = arith.mulf %get3A_1273, %get3A_1276 : vector<16xf32>
        %get3A_1278 = arith.index_cast %add3A_1242 : i32 to index
        %get3A_1279 = arith.constant 80 : index
        %get3A_1280 = tpu.vector_load %arg8[%get3A_1278, %get3A_1279] {strides = array<i32>} : memref<128x128xf32, #tpu.memory_space<vmem>>, vector<16xf32>,
        %get3A_1281 = arith.index_cast %add3A_1242 : i32 to index
        %get3A_1282 = arith.constant 80 : index
        %get3A_1283 = tpu.vector_load %arg9[%get3A_1281, %get3A_1282] {strides = array<i32>} : memref<128x128xf32, #tpu.memory_space<vmem>>, vector<16xf32>,
        %mul3A_1284 = arith.mulf %get3A_1280, %get3A_1283 : vector<16xf32>
        %get3A_1285 = arith.index_cast %add3A_1242 : i32 to index
        %get3A_1286 = arith.constant 96 : index
        %get3A_1287 = tpu.vector_load %arg8[%get3A_1285, %get3A_1286] {strides = array<i32>} : memref<128x128xf32, #tpu.memory_space<vmem>>, vector<16xf32>,
        %get3A_1288 = arith.index_cast %add3A_1242 : i32 to index
        %get3A_1289 = arith.constant 96 : index
        %get3A_1290 = tpu.vector_load %arg9[%get3A_1288, %get3A_1289] {strides = array<i32>} : memref<128x128xf32, #tpu.memory_space<vmem>>, vector<16xf32>,
        %mul3A_1291 = arith.mulf %get3A_1287, %get3A_1290 : vector<16xf32>
        %get3A_1292 = arith.index_cast %add3A_1242 : i32 to index
        %get3A_1293 = arith.constant 112 : index
        %get3A_1294 = tpu.vector_load %arg8[%get3A_1292, %get3A_1293] {strides = array<i32>} : memref<128x128xf32, #tpu.memory_space<vmem>>, vector<16xf32>,
        %get3A_1295 = arith.index_cast %add3A_1242 : i32 to index
        %get3A_1296 = arith.constant 112 : index
        %get3A_1297 = tpu.vector_load %arg9[%get3A_1295, %get3A_1296] {strides = array<i32>} : memref<128x128xf32, #tpu.memory_space<vmem>>, vector<16xf32>,
        %mul3A_1298 = arith.mulf %get3A_1294, %get3A_1297 : vector<16xf32>
        %add3A_1299 = arith.addf %mul3A_1249, %mul3A_1256 : vector<16xf32>
        %add3A_1300 = arith.addf %mul3A_1263, %mul3A_1270 : vector<16xf32>
        %add3A_1301 = arith.addf %mul3A_1277, %mul3A_1284 : vector<16xf32>
        %add3A_1302 = arith.addf %mul3A_1291, %mul3A_1298 : vector<16xf32>
        %add3A_1303 = arith.addf %add3A_1299, %add3A_1300 : vector<16xf32>
        %add3A_1304 = arith.addf %add3A_1301, %add3A_1302 : vector<16xf32>
        %add3A_1305 = arith.addf %add3A_1303, %add3A_1304 : vector<16xf32>
        %swap3A_1306 = arith.index_cast %add3A_1242 : i32 to index
        %swap3A_1307 = arith.constant 0 : index
        %swap3A_1308 = tpu.vector_load %arg13[%swap3A_1306, %swap3A_1307] {strides = array<i32>} : memref<128x24xf32, #tpu.memory_space<vmem>>, vector<16xf32>,
        tpu.vector_store %arg13[%swap3A_1306, %swap3A_1307], %add3A_1305 {strides = array<i32>} : memref<128x24xf32, #tpu.memory_space<vmem>>, vector<16xf32>,
      }
      %scan3A_126 = arith.constant 8 : i32
      %scan3A_127 = arith.constant 0 : i32
      %scan3A_128 = arith.constant 0 : i32
      %scan3A_129 = arith.constant 8 : i32
      %scan3A_130 = arith.addi %scan3A_128, %scan3A_129 : i32
      %scan3A_131 = arith.constant 1 : i32
      scf.for %scan3A_190 = %scan3A_128 to %scan3A_130 step %scan3A_131  : i32 {
        %mul3A_191 = arith.constant 16 : i32
        %mul3A_192 = arith.muli %scan3A_190, %mul3A_191 : i32
        %add3A_193 = vector.broadcast %mul3A_192 : i32 to vector<16xi32>
        %add3A_194 = arith.addi %add3A_193, %iota3A : vector<16xi32>
        %broadcast_in_dim3A = arith.constant 0 : i32
        %broadcast_in_dim3A_195 = vector.broadcast %broadcast_in_dim3A : i32 to vector<16xi32>
        %gather3A = tpu.vector_load_idx %arg13[%add3A_194, %broadcast_in_dim3A_195] : memref<128x24xf32, #tpu.memory_space<vmem>>[vector<16xi32>, vector<16xi32>], vector<16xf32>,
        %broadcast_in_dim3A_196 = arith.constant 1 : i32
        %broadcast_in_dim3A_197 = vector.broadcast %broadcast_in_dim3A_196 : i32 to vector<16xi32>
        %gather3A_198 = tpu.vector_load_idx %arg13[%add3A_194, %broadcast_in_dim3A_197] : memref<128x24xf32, #tpu.memory_space<vmem>>[vector<16xi32>, vector<16xi32>], vector<16xf32>,
        %broadcast_in_dim3A_199 = arith.constant 2 : i32
        %broadcast_in_dim3A_200 = vector.broadcast %broadcast_in_dim3A_199 : i32 to vector<16xi32>
        %gather3A_201 = tpu.vector_load_idx %arg13[%add3A_194, %broadcast_in_dim3A_200] : memref<128x24xf32, #tpu.memory_space<vmem>>[vector<16xi32>, vector<16xi32>], vector<16xf32>,
        %broadcast_in_dim3A_202 = arith.constant 3 : i32
        %broadcast_in_dim3A_203 = vector.broadcast %broadcast_in_dim3A_202 : i32 to vector<16xi32>
        %gather3A_204 = tpu.vector_load_idx %arg13[%add3A_194, %broadcast_in_dim3A_203] : memref<128x24xf32, #tpu.memory_space<vmem>>[vector<16xi32>, vector<16xi32>], vector<16xf32>,
        %broadcast_in_dim3A_205 = arith.constant 4 : i32
        %broadcast_in_dim3A_206 = vector.broadcast %broadcast_in_dim3A_205 : i32 to vector<16xi32>
        %gather3A_207 = tpu.vector_load_idx %arg13[%add3A_194, %broadcast_in_dim3A_206] : memref<128x24xf32, #tpu.memory_space<vmem>>[vector<16xi32>, vector<16xi32>], vector<16xf32>,
        %broadcast_in_dim3A_208 = arith.constant 5 : i32
        %broadcast_in_dim3A_209 = vector.broadcast %broadcast_in_dim3A_208 : i32 to vector<16xi32>
        %gather3A_210 = tpu.vector_load_idx %arg13[%add3A_194, %broadcast_in_dim3A_209] : memref<128x24xf32, #tpu.memory_space<vmem>>[vector<16xi32>, vector<16xi32>], vector<16xf32>,
        %broadcast_in_dim3A_211 = arith.constant 6 : i32
        %broadcast_in_dim3A_212 = vector.broadcast %broadcast_in_dim3A_211 : i32 to vector<16xi32>
        %gather3A_213 = tpu.vector_load_idx %arg13[%add3A_194, %broadcast_in_dim3A_212] : memref<128x24xf32, #tpu.memory_space<vmem>>[vector<16xi32>, vector<16xi32>], vector<16xf32>,
        %broadcast_in_dim3A_214 = arith.constant 7 : i32
        %broadcast_in_dim3A_215 = vector.broadcast %broadcast_in_dim3A_214 : i32 to vector<16xi32>
        %gather3A_216 = tpu.vector_load_idx %arg13[%add3A_194, %broadcast_in_dim3A_215] : memref<128x24xf32, #tpu.memory_space<vmem>>[vector<16xi32>, vector<16xi32>], vector<16xf32>,
        %broadcast_in_dim3A_217 = arith.constant 8 : i32
        %broadcast_in_dim3A_218 = vector.broadcast %broadcast_in_dim3A_217 : i32 to vector<16xi32>
        %gather3A_219 = tpu.vector_load_idx %arg13[%add3A_194, %broadcast_in_dim3A_218] : memref<128x24xf32, #tpu.memory_space<vmem>>[vector<16xi32>, vector<16xi32>], vector<16xf32>,
        %broadcast_in_dim3A_220 = arith.constant 9 : i32
        %broadcast_in_dim3A_221 = vector.broadcast %broadcast_in_dim3A_220 : i32 to vector<16xi32>
        %gather3A_222 = tpu.vector_load_idx %arg13[%add3A_194, %broadcast_in_dim3A_221] : memref<128x24xf32, #tpu.memory_space<vmem>>[vector<16xi32>, vector<16xi32>], vector<16xf32>,
        %broadcast_in_dim3A_223 = arith.constant 10 : i32
        %broadcast_in_dim3A_224 = vector.broadcast %broadcast_in_dim3A_223 : i32 to vector<16xi32>
        %gather3A_225 = tpu.vector_load_idx %arg13[%add3A_194, %broadcast_in_dim3A_224] : memref<128x24xf32, #tpu.memory_space<vmem>>[vector<16xi32>, vector<16xi32>], vector<16xf32>,
        %broadcast_in_dim3A_226 = arith.constant 11 : i32
        %broadcast_in_dim3A_227 = vector.broadcast %broadcast_in_dim3A_226 : i32 to vector<16xi32>
        %gather3A_228 = tpu.vector_load_idx %arg13[%add3A_194, %broadcast_in_dim3A_227] : memref<128x24xf32, #tpu.memory_space<vmem>>[vector<16xi32>, vector<16xi32>], vector<16xf32>,
        %broadcast_in_dim3A_229 = arith.constant 12 : i32
        %broadcast_in_dim3A_230 = vector.broadcast %broadcast_in_dim3A_229 : i32 to vector<16xi32>
        %gather3A_231 = tpu.vector_load_idx %arg13[%add3A_194, %broadcast_in_dim3A_230] : memref<128x24xf32, #tpu.memory_space<vmem>>[vector<16xi32>, vector<16xi32>], vector<16xf32>,
        %broadcast_in_dim3A_232 = arith.constant 13 : i32
        %broadcast_in_dim3A_233 = vector.broadcast %broadcast_in_dim3A_232 : i32 to vector<16xi32>
        %gather3A_234 = tpu.vector_load_idx %arg13[%add3A_194, %broadcast_in_dim3A_233] : memref<128x24xf32, #tpu.memory_space<vmem>>[vector<16xi32>, vector<16xi32>], vector<16xf32>,
        %broadcast_in_dim3A_235 = arith.constant 14 : i32
        %broadcast_in_dim3A_236 = vector.broadcast %broadcast_in_dim3A_235 : i32 to vector<16xi32>
        %gather3A_237 = tpu.vector_load_idx %arg13[%add3A_194, %broadcast_in_dim3A_236] : memref<128x24xf32, #tpu.memory_space<vmem>>[vector<16xi32>, vector<16xi32>], vector<16xf32>,
        %broadcast_in_dim3A_238 = arith.constant 15 : i32
        %broadcast_in_dim3A_239 = vector.broadcast %broadcast_in_dim3A_238 : i32 to vector<16xi32>
        %gather3A_240 = tpu.vector_load_idx %arg13[%add3A_194, %broadcast_in_dim3A_239] : memref<128x24xf32, #tpu.memory_space<vmem>>[vector<16xi32>, vector<16xi32>], vector<16xf32>,
        %add3A_241 = arith.addf %gather3A, %gather3A_198 : vector<16xf32>
        %add3A_242 = arith.addf %gather3A_201, %gather3A_204 : vector<16xf32>
        %add3A_243 = arith.addf %gather3A_207, %gather3A_210 : vector<16xf32>
        %add3A_244 = arith.addf %gather3A_213, %gather3A_216 : vector<16xf32>
        %add3A_245 = arith.addf %gather3A_219, %gather3A_222 : vector<16xf32>
        %add3A_246 = arith.addf %gather3A_225, %gather3A_228 : vector<16xf32>
        %add3A_247 = arith.addf %gather3A_231, %gather3A_234 : vector<16xf32>
        %add3A_248 = arith.addf %gather3A_237, %gather3A_240 : vector<16xf32>
        %add3A_249 = arith.addf %add3A_241, %add3A_242 : vector<16xf32>
        %add3A_250 = arith.addf %add3A_243, %add3A_244 : vector<16xf32>
        %add3A_251 = arith.addf %add3A_245, %add3A_246 : vector<16xf32>
        %add3A_252 = arith.addf %add3A_247, %add3A_248 : vector<16xf32>
        %add3A_253 = arith.addf %add3A_249, %add3A_250 : vector<16xf32>
        %add3A_254 = arith.addf %add3A_251, %add3A_252 : vector<16xf32>
        %add3A_255 = arith.addf %add3A_253, %add3A_254 : vector<16xf32>
        %mul3A_256 = arith.constant 128 : i32
        %mul3A_257 = arith.muli %add3A_88, %mul3A_256 : i32
        %mul3A_258 = arith.constant 16 : i32
        %mul3A_259 = arith.muli %scan3A_190, %mul3A_258 : i32
        %add3A_260 = arith.addi %mul3A_257, %mul3A_259 : i32
        %swap3A = arith.index_cast %add3A_260 : i32 to index
        %swap3A_261 = tpu.vector_load %arg12[%swap3A] {strides = array<i32>} : memref<3072xf32, #tpu.memory_space<vmem>>, vector<16xf32>,
        tpu.vector_store %arg12[%swap3A], %add3A_255 {strides = array<i32>} : memref<3072xf32, #tpu.memory_space<vmem>>, vector<16xf32>,
      }
      %scan3A_132 = arith.constant 8 : i32
      %add3A_133 = arith.constant 2 : i32
      %add3A_134 = arith.addi %add3A_88, %add3A_133 : i32
      %lt3A = arith.constant 24 : i32
      %lt3A_135 = arith.cmpi slt, %add3A_134, %lt3A : i32
      %convert_element_type3A = arith.extui %lt3A_135 : i1 to i32
      %cond3A = arith.constant 0 : i32
      %cond3A_136 = arith.cmpi ne, %convert_element_type3A, %cond3A : i32
      scf.if %cond3A_136 {
        %add3A_190 = arith.constant 2 : i32
        %add3A_191 = arith.addi %add3A_88, %add3A_190 : i32
        %mul3A_192 = arith.constant 128 : i32
        %mul3A_193 = arith.muli %add3A_191, %mul3A_192 : i32
        %add3A_194 = arith.constant 0 : i32
        %add3A_195 = arith.addi %mul3A_193, %add3A_194 : i32
        %dma_start3A_196 = arith.constant 0 : i32
        %dma_start3A_197 = arith.constant 0 : i32
        %dma_start3A_198 = tpu.memref_slice %arg8[%dma_start3A_196, %dma_start3A_197] : memref<128x128xf32, #tpu.memory_space<vmem>> -> memref<64x128xf32, #tpu.memory_space<vmem>>
        %dma_start3A_199 = tpu.memref_slice %arg6[%add3A_195] : memref<3072xi32, #tpu.memory_space<vmem>> -> memref<64xi32, #tpu.memory_space<vmem>>
        %dma_start3A_200 = arith.constant 0 : i32
        %dma_start3A_201 = arith.constant 0 : i32
        %dma_start3A_202 = tpu.memref_slice %arg3[%dma_start3A_200, %dma_start3A_201] : memref<100000x128xf32, #tpu.memory_space<hbm>> -> memref<100000x128xf32, #tpu.memory_space<hbm>>
        tpu.enqueue_indirect_dma source(%dma_start3A_202 : memref<100000x128xf32, #tpu.memory_space<hbm>>) target(%dma_start3A_198 : memref<64x128xf32, #tpu.memory_space<vmem>>) offsets(%dma_start3A_199 : memref<64xi32, #tpu.memory_space<vmem>>) semaphore(%arg17 : memref<!tpu.dma_semaphore, #tpu.memory_space<semaphore_mem>>)
        %dma_start3A_203 = arith.constant 0 : i32
        %dma_start3A_204 = arith.constant 0 : i32
        %dma_start3A_205 = tpu.memref_slice %arg9[%dma_start3A_203, %dma_start3A_204] : memref<128x128xf32, #tpu.memory_space<vmem>> -> memref<64x128xf32, #tpu.memory_space<vmem>>
        %dma_start3A_206 = tpu.memref_slice %arg7[%add3A_195] : memref<3072xi32, #tpu.memory_space<vmem>> -> memref<64xi32, #tpu.memory_space<vmem>>
        %dma_start3A_207 = arith.constant 0 : i32
        %dma_start3A_208 = arith.constant 0 : i32
        %dma_start3A_209 = tpu.memref_slice %arg4[%dma_start3A_207, %dma_start3A_208] : memref<100000x128xf32, #tpu.memory_space<hbm>> -> memref<100000x128xf32, #tpu.memory_space<hbm>>
        tpu.enqueue_indirect_dma source(%dma_start3A_209 : memref<100000x128xf32, #tpu.memory_space<hbm>>) target(%dma_start3A_205 : memref<64x128xf32, #tpu.memory_space<vmem>>) offsets(%dma_start3A_206 : memref<64xi32, #tpu.memory_space<vmem>>) semaphore(%arg18 : memref<!tpu.dma_semaphore, #tpu.memory_space<semaphore_mem>>)
        %mul3A_210 = arith.constant 128 : i32
        %mul3A_211 = arith.muli %add3A_191, %mul3A_210 : i32
        %add3A_212 = arith.constant 64 : i32
        %add3A_213 = arith.addi %mul3A_211, %add3A_212 : i32
        %dma_start3A_214 = arith.constant 64 : i32
        %dma_start3A_215 = arith.constant 0 : i32
        %dma_start3A_216 = tpu.memref_slice %arg8[%dma_start3A_214, %dma_start3A_215] : memref<128x128xf32, #tpu.memory_space<vmem>> -> memref<64x128xf32, #tpu.memory_space<vmem>>
        %dma_start3A_217 = tpu.memref_slice %arg6[%add3A_213] : memref<3072xi32, #tpu.memory_space<vmem>> -> memref<64xi32, #tpu.memory_space<vmem>>
        %dma_start3A_218 = arith.constant 0 : i32
        %dma_start3A_219 = arith.constant 0 : i32
        %dma_start3A_220 = tpu.memref_slice %arg3[%dma_start3A_218, %dma_start3A_219] : memref<100000x128xf32, #tpu.memory_space<hbm>> -> memref<100000x128xf32, #tpu.memory_space<hbm>>
        tpu.enqueue_indirect_dma source(%dma_start3A_220 : memref<100000x128xf32, #tpu.memory_space<hbm>>) target(%dma_start3A_216 : memref<64x128xf32, #tpu.memory_space<vmem>>) offsets(%dma_start3A_217 : memref<64xi32, #tpu.memory_space<vmem>>) semaphore(%arg17 : memref<!tpu.dma_semaphore, #tpu.memory_space<semaphore_mem>>)
        %dma_start3A_221 = arith.constant 64 : i32
        %dma_start3A_222 = arith.constant 0 : i32
        %dma_start3A_223 = tpu.memref_slice %arg9[%dma_start3A_221, %dma_start3A_222] : memref<128x128xf32, #tpu.memory_space<vmem>> -> memref<64x128xf32, #tpu.memory_space<vmem>>
        %dma_start3A_224 = tpu.memref_slice %arg7[%add3A_213] : memref<3072xi32, #tpu.memory_space<vmem>> -> memref<64xi32, #tpu.memory_space<vmem>>
        %dma_start3A_225 = arith.constant 0 : i32
        %dma_start3A_226 = arith.constant 0 : i32
        %dma_start3A_227 = tpu.memref_slice %arg4[%dma_start3A_225, %dma_start3A_226] : memref<100000x128xf32, #tpu.memory_space<hbm>> -> memref<100000x128xf32, #tpu.memory_space<hbm>>
        tpu.enqueue_indirect_dma source(%dma_start3A_227 : memref<100000x128xf32, #tpu.memory_space<hbm>>) target(%dma_start3A_223 : memref<64x128xf32, #tpu.memory_space<vmem>>) offsets(%dma_start3A_224 : memref<64xi32, #tpu.memory_space<vmem>>) semaphore(%arg18 : memref<!tpu.dma_semaphore, #tpu.memory_space<semaphore_mem>>)
      } else {
      }
      %add3A_137 = arith.constant 1 : i32
      %add3A_138 = arith.addi %mul3A_86, %add3A_137 : i32
      %dma_wait3A_139 = arith.constant 0 : i32
      %dma_wait3A_140 = arith.constant 0 : i32
      %dma_wait3A_141 = tpu.memref_slice %arg10[%dma_wait3A_139, %dma_wait3A_140] : memref<128x128xf32, #tpu.memory_space<vmem>> -> memref<64x128xf32, #tpu.memory_space<vmem>>
      %dma_wait3A_142 = arith.constant 0 : i32
      %dma_wait3A_143 = tpu.memref_slice %arg6[%dma_wait3A_142] : memref<3072xi32, #tpu.memory_space<vmem>> -> memref<64xi32, #tpu.memory_space<vmem>>
      %dma_wait3A_144 = arith.constant 0 : i32
      %dma_wait3A_145 = arith.constant 0 : i32
      %dma_wait3A_146 = tpu.memref_slice %arg3[%dma_wait3A_144, %dma_wait3A_145] : memref<100000x128xf32, #tpu.memory_space<hbm>> -> memref<100000x128xf32, #tpu.memory_space<hbm>>
      tpu.wait_indirect_dma semaphore(%arg19 : memref<!tpu.dma_semaphore, #tpu.memory_space<semaphore_mem>>) src(%dma_wait3A_146 : memref<100000x128xf32, #tpu.memory_space<hbm>>) dst(%dma_wait3A_141 : memref<64x128xf32, #tpu.memory_space<vmem>>)
      %dma_wait3A_147 = arith.constant 0 : i32
      %dma_wait3A_148 = arith.constant 0 : i32
      %dma_wait3A_149 = tpu.memref_slice %arg11[%dma_wait3A_147, %dma_wait3A_148] : memref<128x128xf32, #tpu.memory_space<vmem>> -> memref<64x128xf32, #tpu.memory_space<vmem>>
      %dma_wait3A_150 = arith.constant 0 : i32
      %dma_wait3A_151 = tpu.memref_slice %arg7[%dma_wait3A_150] : memref<3072xi32, #tpu.memory_space<vmem>> -> memref<64xi32, #tpu.memory_space<vmem>>
      %dma_wait3A_152 = arith.constant 0 : i32
      %dma_wait3A_153 = arith.constant 0 : i32
      %dma_wait3A_154 = tpu.memref_slice %arg4[%dma_wait3A_152, %dma_wait3A_153] : memref<100000x128xf32, #tpu.memory_space<hbm>> -> memref<100000x128xf32, #tpu.memory_space<hbm>>
      tpu.wait_indirect_dma semaphore(%arg20 : memref<!tpu.dma_semaphore, #tpu.memory_space<semaphore_mem>>) src(%dma_wait3A_154 : memref<100000x128xf32, #tpu.memory_space<hbm>>) dst(%dma_wait3A_149 : memref<64x128xf32, #tpu.memory_space<vmem>>)
      %dma_wait3A_155 = arith.constant 64 : i32
      %dma_wait3A_156 = arith.constant 0 : i32
      %dma_wait3A_157 = tpu.memref_slice %arg10[%dma_wait3A_155, %dma_wait3A_156] : memref<128x128xf32, #tpu.memory_space<vmem>> -> memref<64x128xf32, #tpu.memory_space<vmem>>
      %dma_wait3A_158 = arith.constant 64 : i32
      %dma_wait3A_159 = tpu.memref_slice %arg6[%dma_wait3A_158] : memref<3072xi32, #tpu.memory_space<vmem>> -> memref<64xi32, #tpu.memory_space<vmem>>
      %dma_wait3A_160 = arith.constant 0 : i32
      %dma_wait3A_161 = arith.constant 0 : i32
      %dma_wait3A_162 = tpu.memref_slice %arg3[%dma_wait3A_160, %dma_wait3A_161] : memref<100000x128xf32, #tpu.memory_space<hbm>> -> memref<100000x128xf32, #tpu.memory_space<hbm>>
      tpu.wait_indirect_dma semaphore(%arg19 : memref<!tpu.dma_semaphore, #tpu.memory_space<semaphore_mem>>) src(%dma_wait3A_162 : memref<100000x128xf32, #tpu.memory_space<hbm>>) dst(%dma_wait3A_157 : memref<64x128xf32, #tpu.memory_space<vmem>>)
      %dma_wait3A_163 = arith.constant 64 : i32
      %dma_wait3A_164 = arith.constant 0 : i32
      %dma_wait3A_165 = tpu.memref_slice %arg11[%dma_wait3A_163, %dma_wait3A_164] : memref<128x128xf32, #tpu.memory_space<vmem>> -> memref<64x128xf32, #tpu.memory_space<vmem>>
      %dma_wait3A_166 = arith.constant 64 : i32
      %dma_wait3A_167 = tpu.memref_slice %arg7[%dma_wait3A_166] : memref<3072xi32, #tpu.memory_space<vmem>> -> memref<64xi32, #tpu.memory_space<vmem>>
      %dma_wait3A_168 = arith.constant 0 : i32
      %dma_wait3A_169 = arith.constant 0 : i32
      %dma_wait3A_170 = tpu.memref_slice %arg4[%dma_wait3A_168, %dma_wait3A_169] : memref<100000x128xf32, #tpu.memory_space<hbm>> -> memref<100000x128xf32, #tpu.memory_space<hbm>>
      tpu.wait_indirect_dma semaphore(%arg20 : memref<!tpu.dma_semaphore, #tpu.memory_space<semaphore_mem>>) src(%dma_wait3A_170 : memref<100000x128xf32, #tpu.memory_space<hbm>>) dst(%dma_wait3A_165 : memref<64x128xf32, #tpu.memory_space<vmem>>)
      %scan3A_171 = arith.constant 0 : i32
      %scan3A_172 = arith.constant 0 : i32
      %scan3A_173 = arith.constant 8 : i32
      %scan3A_174 = arith.addi %scan3A_172, %scan3A_173 : i32
      %scan3A_175 = arith.constant 1 : i32
      scf.for %scan3A_190 = %scan3A_172 to %scan3A_174 step %scan3A_175  : i32 {
        %mul3A_191 = arith.constant 16 : i32
        %mul3A_192 = arith.muli %scan3A_190, %mul3A_191 : i32
        %add3A_193 = arith.constant 0 : i32
        %add3A_194 = arith.addi %mul3A_192, %add3A_193 : i32
        %get3A = arith.index_cast %add3A_194 : i32 to index
        %get3A_195 = arith.constant 0 : index
        %get3A_196 = tpu.vector_load %arg10[%get3A, %get3A_195] {strides = array<i32>} : memref<128x128xf32, #tpu.memory_space<vmem>>, vector<16xf32>,
        %get3A_197 = arith.index_cast %add3A_194 : i32 to index
        %get3A_198 = arith.constant 0 : index
        %get3A_199 = tpu.vector_load %arg11[%get3A_197, %get3A_198] {strides = array<i32>} : memref<128x128xf32, #tpu.memory_space<vmem>>, vector<16xf32>,
        %mul3A_200 = arith.mulf %get3A_196, %get3A_199 : vector<16xf32>
        %get3A_201 = arith.index_cast %add3A_194 : i32 to index
        %get3A_202 = arith.constant 16 : index
        %get3A_203 = tpu.vector_load %arg10[%get3A_201, %get3A_202] {strides = array<i32>} : memref<128x128xf32, #tpu.memory_space<vmem>>, vector<16xf32>,
        %get3A_204 = arith.index_cast %add3A_194 : i32 to index
        %get3A_205 = arith.constant 16 : index
        %get3A_206 = tpu.vector_load %arg11[%get3A_204, %get3A_205] {strides = array<i32>} : memref<128x128xf32, #tpu.memory_space<vmem>>, vector<16xf32>,
        %mul3A_207 = arith.mulf %get3A_203, %get3A_206 : vector<16xf32>
        %get3A_208 = arith.index_cast %add3A_194 : i32 to index
        %get3A_209 = arith.constant 32 : index
        %get3A_210 = tpu.vector_load %arg10[%get3A_208, %get3A_209] {strides = array<i32>} : memref<128x128xf32, #tpu.memory_space<vmem>>, vector<16xf32>,
        %get3A_211 = arith.index_cast %add3A_194 : i32 to index
        %get3A_212 = arith.constant 32 : index
        %get3A_213 = tpu.vector_load %arg11[%get3A_211, %get3A_212] {strides = array<i32>} : memref<128x128xf32, #tpu.memory_space<vmem>>, vector<16xf32>,
        %mul3A_214 = arith.mulf %get3A_210, %get3A_213 : vector<16xf32>
        %get3A_215 = arith.index_cast %add3A_194 : i32 to index
        %get3A_216 = arith.constant 48 : index
        %get3A_217 = tpu.vector_load %arg10[%get3A_215, %get3A_216] {strides = array<i32>} : memref<128x128xf32, #tpu.memory_space<vmem>>, vector<16xf32>,
        %get3A_218 = arith.index_cast %add3A_194 : i32 to index
        %get3A_219 = arith.constant 48 : index
        %get3A_220 = tpu.vector_load %arg11[%get3A_218, %get3A_219] {strides = array<i32>} : memref<128x128xf32, #tpu.memory_space<vmem>>, vector<16xf32>,
        %mul3A_221 = arith.mulf %get3A_217, %get3A_220 : vector<16xf32>
        %get3A_222 = arith.index_cast %add3A_194 : i32 to index
        %get3A_223 = arith.constant 64 : index
        %get3A_224 = tpu.vector_load %arg10[%get3A_222, %get3A_223] {strides = array<i32>} : memref<128x128xf32, #tpu.memory_space<vmem>>, vector<16xf32>,
        %get3A_225 = arith.index_cast %add3A_194 : i32 to index
        %get3A_226 = arith.constant 64 : index
        %get3A_227 = tpu.vector_load %arg11[%get3A_225, %get3A_226] {strides = array<i32>} : memref<128x128xf32, #tpu.memory_space<vmem>>, vector<16xf32>,
        %mul3A_228 = arith.mulf %get3A_224, %get3A_227 : vector<16xf32>
        %get3A_229 = arith.index_cast %add3A_194 : i32 to index
        %get3A_230 = arith.constant 80 : index
        %get3A_231 = tpu.vector_load %arg10[%get3A_229, %get3A_230] {strides = array<i32>} : memref<128x128xf32, #tpu.memory_space<vmem>>, vector<16xf32>,
        %get3A_232 = arith.index_cast %add3A_194 : i32 to index
        %get3A_233 = arith.constant 80 : index
        %get3A_234 = tpu.vector_load %arg11[%get3A_232, %get3A_233] {strides = array<i32>} : memref<128x128xf32, #tpu.memory_space<vmem>>, vector<16xf32>,
        %mul3A_235 = arith.mulf %get3A_231, %get3A_234 : vector<16xf32>
        %get3A_236 = arith.index_cast %add3A_194 : i32 to index
        %get3A_237 = arith.constant 96 : index
        %get3A_238 = tpu.vector_load %arg10[%get3A_236, %get3A_237] {strides = array<i32>} : memref<128x128xf32, #tpu.memory_space<vmem>>, vector<16xf32>,
        %get3A_239 = arith.index_cast %add3A_194 : i32 to index
        %get3A_240 = arith.constant 96 : index
        %get3A_241 = tpu.vector_load %arg11[%get3A_239, %get3A_240] {strides = array<i32>} : memref<128x128xf32, #tpu.memory_space<vmem>>, vector<16xf32>,
        %mul3A_242 = arith.mulf %get3A_238, %get3A_241 : vector<16xf32>
        %get3A_243 = arith.index_cast %add3A_194 : i32 to index
        %get3A_244 = arith.constant 112 : index
        %get3A_245 = tpu.vector_load %arg10[%get3A_243, %get3A_244] {strides = array<i32>} : memref<128x128xf32, #tpu.memory_space<vmem>>, vector<16xf32>,
        %get3A_246 = arith.index_cast %add3A_194 : i32 to index
        %get3A_247 = arith.constant 112 : index
        %get3A_248 = tpu.vector_load %arg11[%get3A_246, %get3A_247] {strides = array<i32>} : memref<128x128xf32, #tpu.memory_space<vmem>>, vector<16xf32>,
        %mul3A_249 = arith.mulf %get3A_245, %get3A_248 : vector<16xf32>
        %add3A_250 = arith.addf %mul3A_200, %mul3A_207 : vector<16xf32>
        %add3A_251 = arith.addf %mul3A_214, %mul3A_221 : vector<16xf32>
        %add3A_252 = arith.addf %mul3A_228, %mul3A_235 : vector<16xf32>
        %add3A_253 = arith.addf %mul3A_242, %mul3A_249 : vector<16xf32>
        %add3A_254 = arith.addf %add3A_250, %add3A_251 : vector<16xf32>
        %add3A_255 = arith.addf %add3A_252, %add3A_253 : vector<16xf32>
        %add3A_256 = arith.addf %add3A_254, %add3A_255 : vector<16xf32>
        %swap3A = arith.index_cast %add3A_194 : i32 to index
        %swap3A_257 = arith.constant 0 : index
        %swap3A_258 = tpu.vector_load %arg14[%swap3A, %swap3A_257] {strides = array<i32>} : memref<128x24xf32, #tpu.memory_space<vmem>>, vector<16xf32>,
        tpu.vector_store %arg14[%swap3A, %swap3A_257], %add3A_256 {strides = array<i32>} : memref<128x24xf32, #tpu.memory_space<vmem>>, vector<16xf32>,
        %mul3A_259 = arith.constant 16 : i32
        %mul3A_260 = arith.muli %scan3A_190, %mul3A_259 : i32
        %add3A_261 = arith.constant 1 : i32
        %add3A_262 = arith.addi %mul3A_260, %add3A_261 : i32
        %get3A_263 = arith.index_cast %add3A_262 : i32 to index
        %get3A_264 = arith.constant 0 : index
        %get3A_265 = tpu.vector_load %arg10[%get3A_263, %get3A_264] {strides = array<i32>} : memref<128x128xf32, #tpu.memory_space<vmem>>, vector<16xf32>,
        %get3A_266 = arith.index_cast %add3A_262 : i32 to index
        %get3A_267 = arith.constant 0 : index
        %get3A_268 = tpu.vector_load %arg11[%get3A_266, %get3A_267] {strides = array<i32>} : memref<128x128xf32, #tpu.memory_space<vmem>>, vector<16xf32>,
        %mul3A_269 = arith.mulf %get3A_265, %get3A_268 : vector<16xf32>
        %get3A_270 = arith.index_cast %add3A_262 : i32 to index
        %get3A_271 = arith.constant 16 : index
        %get3A_272 = tpu.vector_load %arg10[%get3A_270, %get3A_271] {strides = array<i32>} : memref<128x128xf32, #tpu.memory_space<vmem>>, vector<16xf32>,
        %get3A_273 = arith.index_cast %add3A_262 : i32 to index
        %get3A_274 = arith.constant 16 : index
        %get3A_275 = tpu.vector_load %arg11[%get3A_273, %get3A_274] {strides = array<i32>} : memref<128x128xf32, #tpu.memory_space<vmem>>, vector<16xf32>,
        %mul3A_276 = arith.mulf %get3A_272, %get3A_275 : vector<16xf32>
        %get3A_277 = arith.index_cast %add3A_262 : i32 to index
        %get3A_278 = arith.constant 32 : index
        %get3A_279 = tpu.vector_load %arg10[%get3A_277, %get3A_278] {strides = array<i32>} : memref<128x128xf32, #tpu.memory_space<vmem>>, vector<16xf32>,
        %get3A_280 = arith.index_cast %add3A_262 : i32 to index
        %get3A_281 = arith.constant 32 : index
        %get3A_282 = tpu.vector_load %arg11[%get3A_280, %get3A_281] {strides = array<i32>} : memref<128x128xf32, #tpu.memory_space<vmem>>, vector<16xf32>,
        %mul3A_283 = arith.mulf %get3A_279, %get3A_282 : vector<16xf32>
        %get3A_284 = arith.index_cast %add3A_262 : i32 to index
        %get3A_285 = arith.constant 48 : index
        %get3A_286 = tpu.vector_load %arg10[%get3A_284, %get3A_285] {strides = array<i32>} : memref<128x128xf32, #tpu.memory_space<vmem>>, vector<16xf32>,
        %get3A_287 = arith.index_cast %add3A_262 : i32 to index
        %get3A_288 = arith.constant 48 : index
        %get3A_289 = tpu.vector_load %arg11[%get3A_287, %get3A_288] {strides = array<i32>} : memref<128x128xf32, #tpu.memory_space<vmem>>, vector<16xf32>,
        %mul3A_290 = arith.mulf %get3A_286, %get3A_289 : vector<16xf32>
        %get3A_291 = arith.index_cast %add3A_262 : i32 to index
        %get3A_292 = arith.constant 64 : index
        %get3A_293 = tpu.vector_load %arg10[%get3A_291, %get3A_292] {strides = array<i32>} : memref<128x128xf32, #tpu.memory_space<vmem>>, vector<16xf32>,
        %get3A_294 = arith.index_cast %add3A_262 : i32 to index
        %get3A_295 = arith.constant 64 : index
        %get3A_296 = tpu.vector_load %arg11[%get3A_294, %get3A_295] {strides = array<i32>} : memref<128x128xf32, #tpu.memory_space<vmem>>, vector<16xf32>,
        %mul3A_297 = arith.mulf %get3A_293, %get3A_296 : vector<16xf32>
        %get3A_298 = arith.index_cast %add3A_262 : i32 to index
        %get3A_299 = arith.constant 80 : index
        %get3A_300 = tpu.vector_load %arg10[%get3A_298, %get3A_299] {strides = array<i32>} : memref<128x128xf32, #tpu.memory_space<vmem>>, vector<16xf32>,
        %get3A_301 = arith.index_cast %add3A_262 : i32 to index
        %get3A_302 = arith.constant 80 : index
        %get3A_303 = tpu.vector_load %arg11[%get3A_301, %get3A_302] {strides = array<i32>} : memref<128x128xf32, #tpu.memory_space<vmem>>, vector<16xf32>,
        %mul3A_304 = arith.mulf %get3A_300, %get3A_303 : vector<16xf32>
        %get3A_305 = arith.index_cast %add3A_262 : i32 to index
        %get3A_306 = arith.constant 96 : index
        %get3A_307 = tpu.vector_load %arg10[%get3A_305, %get3A_306] {strides = array<i32>} : memref<128x128xf32, #tpu.memory_space<vmem>>, vector<16xf32>,
        %get3A_308 = arith.index_cast %add3A_262 : i32 to index
        %get3A_309 = arith.constant 96 : index
        %get3A_310 = tpu.vector_load %arg11[%get3A_308, %get3A_309] {strides = array<i32>} : memref<128x128xf32, #tpu.memory_space<vmem>>, vector<16xf32>,
        %mul3A_311 = arith.mulf %get3A_307, %get3A_310 : vector<16xf32>
        %get3A_312 = arith.index_cast %add3A_262 : i32 to index
        %get3A_313 = arith.constant 112 : index
        %get3A_314 = tpu.vector_load %arg10[%get3A_312, %get3A_313] {strides = array<i32>} : memref<128x128xf32, #tpu.memory_space<vmem>>, vector<16xf32>,
        %get3A_315 = arith.index_cast %add3A_262 : i32 to index
        %get3A_316 = arith.constant 112 : index
        %get3A_317 = tpu.vector_load %arg11[%get3A_315, %get3A_316] {strides = array<i32>} : memref<128x128xf32, #tpu.memory_space<vmem>>, vector<16xf32>,
        %mul3A_318 = arith.mulf %get3A_314, %get3A_317 : vector<16xf32>
        %add3A_319 = arith.addf %mul3A_269, %mul3A_276 : vector<16xf32>
        %add3A_320 = arith.addf %mul3A_283, %mul3A_290 : vector<16xf32>
        %add3A_321 = arith.addf %mul3A_297, %mul3A_304 : vector<16xf32>
        %add3A_322 = arith.addf %mul3A_311, %mul3A_318 : vector<16xf32>
        %add3A_323 = arith.addf %add3A_319, %add3A_320 : vector<16xf32>
        %add3A_324 = arith.addf %add3A_321, %add3A_322 : vector<16xf32>
        %add3A_325 = arith.addf %add3A_323, %add3A_324 : vector<16xf32>
        %swap3A_326 = arith.index_cast %add3A_262 : i32 to index
        %swap3A_327 = arith.constant 0 : index
        %swap3A_328 = tpu.vector_load %arg14[%swap3A_326, %swap3A_327] {strides = array<i32>} : memref<128x24xf32, #tpu.memory_space<vmem>>, vector<16xf32>,
        tpu.vector_store %arg14[%swap3A_326, %swap3A_327], %add3A_325 {strides = array<i32>} : memref<128x24xf32, #tpu.memory_space<vmem>>, vector<16xf32>,
        %mul3A_329 = arith.constant 16 : i32
        %mul3A_330 = arith.muli %scan3A_190, %mul3A_329 : i32
        %add3A_331 = arith.constant 2 : i32
        %add3A_332 = arith.addi %mul3A_330, %add3A_331 : i32
        %get3A_333 = arith.index_cast %add3A_332 : i32 to index
        %get3A_334 = arith.constant 0 : index
        %get3A_335 = tpu.vector_load %arg10[%get3A_333, %get3A_334] {strides = array<i32>} : memref<128x128xf32, #tpu.memory_space<vmem>>, vector<16xf32>,
        %get3A_336 = arith.index_cast %add3A_332 : i32 to index
        %get3A_337 = arith.constant 0 : index
        %get3A_338 = tpu.vector_load %arg11[%get3A_336, %get3A_337] {strides = array<i32>} : memref<128x128xf32, #tpu.memory_space<vmem>>, vector<16xf32>,
        %mul3A_339 = arith.mulf %get3A_335, %get3A_338 : vector<16xf32>
        %get3A_340 = arith.index_cast %add3A_332 : i32 to index
        %get3A_341 = arith.constant 16 : index
        %get3A_342 = tpu.vector_load %arg10[%get3A_340, %get3A_341] {strides = array<i32>} : memref<128x128xf32, #tpu.memory_space<vmem>>, vector<16xf32>,
        %get3A_343 = arith.index_cast %add3A_332 : i32 to index
        %get3A_344 = arith.constant 16 : index
        %get3A_345 = tpu.vector_load %arg11[%get3A_343, %get3A_344] {strides = array<i32>} : memref<128x128xf32, #tpu.memory_space<vmem>>, vector<16xf32>,
        %mul3A_346 = arith.mulf %get3A_342, %get3A_345 : vector<16xf32>
        %get3A_347 = arith.index_cast %add3A_332 : i32 to index
        %get3A_348 = arith.constant 32 : index
        %get3A_349 = tpu.vector_load %arg10[%get3A_347, %get3A_348] {strides = array<i32>} : memref<128x128xf32, #tpu.memory_space<vmem>>, vector<16xf32>,
        %get3A_350 = arith.index_cast %add3A_332 : i32 to index
        %get3A_351 = arith.constant 32 : index
        %get3A_352 = tpu.vector_load %arg11[%get3A_350, %get3A_351] {strides = array<i32>} : memref<128x128xf32, #tpu.memory_space<vmem>>, vector<16xf32>,
        %mul3A_353 = arith.mulf %get3A_349, %get3A_352 : vector<16xf32>
        %get3A_354 = arith.index_cast %add3A_332 : i32 to index
        %get3A_355 = arith.constant 48 : index
        %get3A_356 = tpu.vector_load %arg10[%get3A_354, %get3A_355] {strides = array<i32>} : memref<128x128xf32, #tpu.memory_space<vmem>>, vector<16xf32>,
        %get3A_357 = arith.index_cast %add3A_332 : i32 to index
        %get3A_358 = arith.constant 48 : index
        %get3A_359 = tpu.vector_load %arg11[%get3A_357, %get3A_358] {strides = array<i32>} : memref<128x128xf32, #tpu.memory_space<vmem>>, vector<16xf32>,
        %mul3A_360 = arith.mulf %get3A_356, %get3A_359 : vector<16xf32>
        %get3A_361 = arith.index_cast %add3A_332 : i32 to index
        %get3A_362 = arith.constant 64 : index
        %get3A_363 = tpu.vector_load %arg10[%get3A_361, %get3A_362] {strides = array<i32>} : memref<128x128xf32, #tpu.memory_space<vmem>>, vector<16xf32>,
        %get3A_364 = arith.index_cast %add3A_332 : i32 to index
        %get3A_365 = arith.constant 64 : index
        %get3A_366 = tpu.vector_load %arg11[%get3A_364, %get3A_365] {strides = array<i32>} : memref<128x128xf32, #tpu.memory_space<vmem>>, vector<16xf32>,
        %mul3A_367 = arith.mulf %get3A_363, %get3A_366 : vector<16xf32>
        %get3A_368 = arith.index_cast %add3A_332 : i32 to index
        %get3A_369 = arith.constant 80 : index
        %get3A_370 = tpu.vector_load %arg10[%get3A_368, %get3A_369] {strides = array<i32>} : memref<128x128xf32, #tpu.memory_space<vmem>>, vector<16xf32>,
        %get3A_371 = arith.index_cast %add3A_332 : i32 to index
        %get3A_372 = arith.constant 80 : index
        %get3A_373 = tpu.vector_load %arg11[%get3A_371, %get3A_372] {strides = array<i32>} : memref<128x128xf32, #tpu.memory_space<vmem>>, vector<16xf32>,
        %mul3A_374 = arith.mulf %get3A_370, %get3A_373 : vector<16xf32>
        %get3A_375 = arith.index_cast %add3A_332 : i32 to index
        %get3A_376 = arith.constant 96 : index
        %get3A_377 = tpu.vector_load %arg10[%get3A_375, %get3A_376] {strides = array<i32>} : memref<128x128xf32, #tpu.memory_space<vmem>>, vector<16xf32>,
        %get3A_378 = arith.index_cast %add3A_332 : i32 to index
        %get3A_379 = arith.constant 96 : index
        %get3A_380 = tpu.vector_load %arg11[%get3A_378, %get3A_379] {strides = array<i32>} : memref<128x128xf32, #tpu.memory_space<vmem>>, vector<16xf32>,
        %mul3A_381 = arith.mulf %get3A_377, %get3A_380 : vector<16xf32>
        %get3A_382 = arith.index_cast %add3A_332 : i32 to index
        %get3A_383 = arith.constant 112 : index
        %get3A_384 = tpu.vector_load %arg10[%get3A_382, %get3A_383] {strides = array<i32>} : memref<128x128xf32, #tpu.memory_space<vmem>>, vector<16xf32>,
        %get3A_385 = arith.index_cast %add3A_332 : i32 to index
        %get3A_386 = arith.constant 112 : index
        %get3A_387 = tpu.vector_load %arg11[%get3A_385, %get3A_386] {strides = array<i32>} : memref<128x128xf32, #tpu.memory_space<vmem>>, vector<16xf32>,
        %mul3A_388 = arith.mulf %get3A_384, %get3A_387 : vector<16xf32>
        %add3A_389 = arith.addf %mul3A_339, %mul3A_346 : vector<16xf32>
        %add3A_390 = arith.addf %mul3A_353, %mul3A_360 : vector<16xf32>
        %add3A_391 = arith.addf %mul3A_367, %mul3A_374 : vector<16xf32>
        %add3A_392 = arith.addf %mul3A_381, %mul3A_388 : vector<16xf32>
        %add3A_393 = arith.addf %add3A_389, %add3A_390 : vector<16xf32>
        %add3A_394 = arith.addf %add3A_391, %add3A_392 : vector<16xf32>
        %add3A_395 = arith.addf %add3A_393, %add3A_394 : vector<16xf32>
        %swap3A_396 = arith.index_cast %add3A_332 : i32 to index
        %swap3A_397 = arith.constant 0 : index
        %swap3A_398 = tpu.vector_load %arg14[%swap3A_396, %swap3A_397] {strides = array<i32>} : memref<128x24xf32, #tpu.memory_space<vmem>>, vector<16xf32>,
        tpu.vector_store %arg14[%swap3A_396, %swap3A_397], %add3A_395 {strides = array<i32>} : memref<128x24xf32, #tpu.memory_space<vmem>>, vector<16xf32>,
        %mul3A_399 = arith.constant 16 : i32
        %mul3A_400 = arith.muli %scan3A_190, %mul3A_399 : i32
        %add3A_401 = arith.constant 3 : i32
        %add3A_402 = arith.addi %mul3A_400, %add3A_401 : i32
        %get3A_403 = arith.index_cast %add3A_402 : i32 to index
        %get3A_404 = arith.constant 0 : index
        %get3A_405 = tpu.vector_load %arg10[%get3A_403, %get3A_404] {strides = array<i32>} : memref<128x128xf32, #tpu.memory_space<vmem>>, vector<16xf32>,
        %get3A_406 = arith.index_cast %add3A_402 : i32 to index
        %get3A_407 = arith.constant 0 : index
        %get3A_408 = tpu.vector_load %arg11[%get3A_406, %get3A_407] {strides = array<i32>} : memref<128x128xf32, #tpu.memory_space<vmem>>, vector<16xf32>,
        %mul3A_409 = arith.mulf %get3A_405, %get3A_408 : vector<16xf32>
        %get3A_410 = arith.index_cast %add3A_402 : i32 to index
        %get3A_411 = arith.constant 16 : index
        %get3A_412 = tpu.vector_load %arg10[%get3A_410, %get3A_411] {strides = array<i32>} : memref<128x128xf32, #tpu.memory_space<vmem>>, vector<16xf32>,
        %get3A_413 = arith.index_cast %add3A_402 : i32 to index
        %get3A_414 = arith.constant 16 : index
        %get3A_415 = tpu.vector_load %arg11[%get3A_413, %get3A_414] {strides = array<i32>} : memref<128x128xf32, #tpu.memory_space<vmem>>, vector<16xf32>,
        %mul3A_416 = arith.mulf %get3A_412, %get3A_415 : vector<16xf32>
        %get3A_417 = arith.index_cast %add3A_402 : i32 to index
        %get3A_418 = arith.constant 32 : index
        %get3A_419 = tpu.vector_load %arg10[%get3A_417, %get3A_418] {strides = array<i32>} : memref<128x128xf32, #tpu.memory_space<vmem>>, vector<16xf32>,
        %get3A_420 = arith.index_cast %add3A_402 : i32 to index
        %get3A_421 = arith.constant 32 : index
        %get3A_422 = tpu.vector_load %arg11[%get3A_420, %get3A_421] {strides = array<i32>} : memref<128x128xf32, #tpu.memory_space<vmem>>, vector<16xf32>,
        %mul3A_423 = arith.mulf %get3A_419, %get3A_422 : vector<16xf32>
        %get3A_424 = arith.index_cast %add3A_402 : i32 to index
        %get3A_425 = arith.constant 48 : index
        %get3A_426 = tpu.vector_load %arg10[%get3A_424, %get3A_425] {strides = array<i32>} : memref<128x128xf32, #tpu.memory_space<vmem>>, vector<16xf32>,
        %get3A_427 = arith.index_cast %add3A_402 : i32 to index
        %get3A_428 = arith.constant 48 : index
        %get3A_429 = tpu.vector_load %arg11[%get3A_427, %get3A_428] {strides = array<i32>} : memref<128x128xf32, #tpu.memory_space<vmem>>, vector<16xf32>,
        %mul3A_430 = arith.mulf %get3A_426, %get3A_429 : vector<16xf32>
        %get3A_431 = arith.index_cast %add3A_402 : i32 to index
        %get3A_432 = arith.constant 64 : index
        %get3A_433 = tpu.vector_load %arg10[%get3A_431, %get3A_432] {strides = array<i32>} : memref<128x128xf32, #tpu.memory_space<vmem>>, vector<16xf32>,
        %get3A_434 = arith.index_cast %add3A_402 : i32 to index
        %get3A_435 = arith.constant 64 : index
        %get3A_436 = tpu.vector_load %arg11[%get3A_434, %get3A_435] {strides = array<i32>} : memref<128x128xf32, #tpu.memory_space<vmem>>, vector<16xf32>,
        %mul3A_437 = arith.mulf %get3A_433, %get3A_436 : vector<16xf32>
        %get3A_438 = arith.index_cast %add3A_402 : i32 to index
        %get3A_439 = arith.constant 80 : index
        %get3A_440 = tpu.vector_load %arg10[%get3A_438, %get3A_439] {strides = array<i32>} : memref<128x128xf32, #tpu.memory_space<vmem>>, vector<16xf32>,
        %get3A_441 = arith.index_cast %add3A_402 : i32 to index
        %get3A_442 = arith.constant 80 : index
        %get3A_443 = tpu.vector_load %arg11[%get3A_441, %get3A_442] {strides = array<i32>} : memref<128x128xf32, #tpu.memory_space<vmem>>, vector<16xf32>,
        %mul3A_444 = arith.mulf %get3A_440, %get3A_443 : vector<16xf32>
        %get3A_445 = arith.index_cast %add3A_402 : i32 to index
        %get3A_446 = arith.constant 96 : index
        %get3A_447 = tpu.vector_load %arg10[%get3A_445, %get3A_446] {strides = array<i32>} : memref<128x128xf32, #tpu.memory_space<vmem>>, vector<16xf32>,
        %get3A_448 = arith.index_cast %add3A_402 : i32 to index
        %get3A_449 = arith.constant 96 : index
        %get3A_450 = tpu.vector_load %arg11[%get3A_448, %get3A_449] {strides = array<i32>} : memref<128x128xf32, #tpu.memory_space<vmem>>, vector<16xf32>,
        %mul3A_451 = arith.mulf %get3A_447, %get3A_450 : vector<16xf32>
        %get3A_452 = arith.index_cast %add3A_402 : i32 to index
        %get3A_453 = arith.constant 112 : index
        %get3A_454 = tpu.vector_load %arg10[%get3A_452, %get3A_453] {strides = array<i32>} : memref<128x128xf32, #tpu.memory_space<vmem>>, vector<16xf32>,
        %get3A_455 = arith.index_cast %add3A_402 : i32 to index
        %get3A_456 = arith.constant 112 : index
        %get3A_457 = tpu.vector_load %arg11[%get3A_455, %get3A_456] {strides = array<i32>} : memref<128x128xf32, #tpu.memory_space<vmem>>, vector<16xf32>,
        %mul3A_458 = arith.mulf %get3A_454, %get3A_457 : vector<16xf32>
        %add3A_459 = arith.addf %mul3A_409, %mul3A_416 : vector<16xf32>
        %add3A_460 = arith.addf %mul3A_423, %mul3A_430 : vector<16xf32>
        %add3A_461 = arith.addf %mul3A_437, %mul3A_444 : vector<16xf32>
        %add3A_462 = arith.addf %mul3A_451, %mul3A_458 : vector<16xf32>
        %add3A_463 = arith.addf %add3A_459, %add3A_460 : vector<16xf32>
        %add3A_464 = arith.addf %add3A_461, %add3A_462 : vector<16xf32>
        %add3A_465 = arith.addf %add3A_463, %add3A_464 : vector<16xf32>
        %swap3A_466 = arith.index_cast %add3A_402 : i32 to index
        %swap3A_467 = arith.constant 0 : index
        %swap3A_468 = tpu.vector_load %arg14[%swap3A_466, %swap3A_467] {strides = array<i32>} : memref<128x24xf32, #tpu.memory_space<vmem>>, vector<16xf32>,
        tpu.vector_store %arg14[%swap3A_466, %swap3A_467], %add3A_465 {strides = array<i32>} : memref<128x24xf32, #tpu.memory_space<vmem>>, vector<16xf32>,
        %mul3A_469 = arith.constant 16 : i32
        %mul3A_470 = arith.muli %scan3A_190, %mul3A_469 : i32
        %add3A_471 = arith.constant 4 : i32
        %add3A_472 = arith.addi %mul3A_470, %add3A_471 : i32
        %get3A_473 = arith.index_cast %add3A_472 : i32 to index
        %get3A_474 = arith.constant 0 : index
        %get3A_475 = tpu.vector_load %arg10[%get3A_473, %get3A_474] {strides = array<i32>} : memref<128x128xf32, #tpu.memory_space<vmem>>, vector<16xf32>,
        %get3A_476 = arith.index_cast %add3A_472 : i32 to index
        %get3A_477 = arith.constant 0 : index
        %get3A_478 = tpu.vector_load %arg11[%get3A_476, %get3A_477] {strides = array<i32>} : memref<128x128xf32, #tpu.memory_space<vmem>>, vector<16xf32>,
        %mul3A_479 = arith.mulf %get3A_475, %get3A_478 : vector<16xf32>
        %get3A_480 = arith.index_cast %add3A_472 : i32 to index
        %get3A_481 = arith.constant 16 : index
        %get3A_482 = tpu.vector_load %arg10[%get3A_480, %get3A_481] {strides = array<i32>} : memref<128x128xf32, #tpu.memory_space<vmem>>, vector<16xf32>,
        %get3A_483 = arith.index_cast %add3A_472 : i32 to index
        %get3A_484 = arith.constant 16 : index
        %get3A_485 = tpu.vector_load %arg11[%get3A_483, %get3A_484] {strides = array<i32>} : memref<128x128xf32, #tpu.memory_space<vmem>>, vector<16xf32>,
        %mul3A_486 = arith.mulf %get3A_482, %get3A_485 : vector<16xf32>
        %get3A_487 = arith.index_cast %add3A_472 : i32 to index
        %get3A_488 = arith.constant 32 : index
        %get3A_489 = tpu.vector_load %arg10[%get3A_487, %get3A_488] {strides = array<i32>} : memref<128x128xf32, #tpu.memory_space<vmem>>, vector<16xf32>,
        %get3A_490 = arith.index_cast %add3A_472 : i32 to index
        %get3A_491 = arith.constant 32 : index
        %get3A_492 = tpu.vector_load %arg11[%get3A_490, %get3A_491] {strides = array<i32>} : memref<128x128xf32, #tpu.memory_space<vmem>>, vector<16xf32>,
        %mul3A_493 = arith.mulf %get3A_489, %get3A_492 : vector<16xf32>
        %get3A_494 = arith.index_cast %add3A_472 : i32 to index
        %get3A_495 = arith.constant 48 : index
        %get3A_496 = tpu.vector_load %arg10[%get3A_494, %get3A_495] {strides = array<i32>} : memref<128x128xf32, #tpu.memory_space<vmem>>, vector<16xf32>,
        %get3A_497 = arith.index_cast %add3A_472 : i32 to index
        %get3A_498 = arith.constant 48 : index
        %get3A_499 = tpu.vector_load %arg11[%get3A_497, %get3A_498] {strides = array<i32>} : memref<128x128xf32, #tpu.memory_space<vmem>>, vector<16xf32>,
        %mul3A_500 = arith.mulf %get3A_496, %get3A_499 : vector<16xf32>
        %get3A_501 = arith.index_cast %add3A_472 : i32 to index
        %get3A_502 = arith.constant 64 : index
        %get3A_503 = tpu.vector_load %arg10[%get3A_501, %get3A_502] {strides = array<i32>} : memref<128x128xf32, #tpu.memory_space<vmem>>, vector<16xf32>,
        %get3A_504 = arith.index_cast %add3A_472 : i32 to index
        %get3A_505 = arith.constant 64 : index
        %get3A_506 = tpu.vector_load %arg11[%get3A_504, %get3A_505] {strides = array<i32>} : memref<128x128xf32, #tpu.memory_space<vmem>>, vector<16xf32>,
        %mul3A_507 = arith.mulf %get3A_503, %get3A_506 : vector<16xf32>
        %get3A_508 = arith.index_cast %add3A_472 : i32 to index
        %get3A_509 = arith.constant 80 : index
        %get3A_510 = tpu.vector_load %arg10[%get3A_508, %get3A_509] {strides = array<i32>} : memref<128x128xf32, #tpu.memory_space<vmem>>, vector<16xf32>,
        %get3A_511 = arith.index_cast %add3A_472 : i32 to index
        %get3A_512 = arith.constant 80 : index
        %get3A_513 = tpu.vector_load %arg11[%get3A_511, %get3A_512] {strides = array<i32>} : memref<128x128xf32, #tpu.memory_space<vmem>>, vector<16xf32>,
        %mul3A_514 = arith.mulf %get3A_510, %get3A_513 : vector<16xf32>
        %get3A_515 = arith.index_cast %add3A_472 : i32 to index
        %get3A_516 = arith.constant 96 : index
        %get3A_517 = tpu.vector_load %arg10[%get3A_515, %get3A_516] {strides = array<i32>} : memref<128x128xf32, #tpu.memory_space<vmem>>, vector<16xf32>,
        %get3A_518 = arith.index_cast %add3A_472 : i32 to index
        %get3A_519 = arith.constant 96 : index
        %get3A_520 = tpu.vector_load %arg11[%get3A_518, %get3A_519] {strides = array<i32>} : memref<128x128xf32, #tpu.memory_space<vmem>>, vector<16xf32>,
        %mul3A_521 = arith.mulf %get3A_517, %get3A_520 : vector<16xf32>
        %get3A_522 = arith.index_cast %add3A_472 : i32 to index
        %get3A_523 = arith.constant 112 : index
        %get3A_524 = tpu.vector_load %arg10[%get3A_522, %get3A_523] {strides = array<i32>} : memref<128x128xf32, #tpu.memory_space<vmem>>, vector<16xf32>,
        %get3A_525 = arith.index_cast %add3A_472 : i32 to index
        %get3A_526 = arith.constant 112 : index
        %get3A_527 = tpu.vector_load %arg11[%get3A_525, %get3A_526] {strides = array<i32>} : memref<128x128xf32, #tpu.memory_space<vmem>>, vector<16xf32>,
        %mul3A_528 = arith.mulf %get3A_524, %get3A_527 : vector<16xf32>
        %add3A_529 = arith.addf %mul3A_479, %mul3A_486 : vector<16xf32>
        %add3A_530 = arith.addf %mul3A_493, %mul3A_500 : vector<16xf32>
        %add3A_531 = arith.addf %mul3A_507, %mul3A_514 : vector<16xf32>
        %add3A_532 = arith.addf %mul3A_521, %mul3A_528 : vector<16xf32>
        %add3A_533 = arith.addf %add3A_529, %add3A_530 : vector<16xf32>
        %add3A_534 = arith.addf %add3A_531, %add3A_532 : vector<16xf32>
        %add3A_535 = arith.addf %add3A_533, %add3A_534 : vector<16xf32>
        %swap3A_536 = arith.index_cast %add3A_472 : i32 to index
        %swap3A_537 = arith.constant 0 : index
        %swap3A_538 = tpu.vector_load %arg14[%swap3A_536, %swap3A_537] {strides = array<i32>} : memref<128x24xf32, #tpu.memory_space<vmem>>, vector<16xf32>,
        tpu.vector_store %arg14[%swap3A_536, %swap3A_537], %add3A_535 {strides = array<i32>} : memref<128x24xf32, #tpu.memory_space<vmem>>, vector<16xf32>,
        %mul3A_539 = arith.constant 16 : i32
        %mul3A_540 = arith.muli %scan3A_190, %mul3A_539 : i32
        %add3A_541 = arith.constant 5 : i32
        %add3A_542 = arith.addi %mul3A_540, %add3A_541 : i32
        %get3A_543 = arith.index_cast %add3A_542 : i32 to index
        %get3A_544 = arith.constant 0 : index
        %get3A_545 = tpu.vector_load %arg10[%get3A_543, %get3A_544] {strides = array<i32>} : memref<128x128xf32, #tpu.memory_space<vmem>>, vector<16xf32>,
        %get3A_546 = arith.index_cast %add3A_542 : i32 to index
        %get3A_547 = arith.constant 0 : index
        %get3A_548 = tpu.vector_load %arg11[%get3A_546, %get3A_547] {strides = array<i32>} : memref<128x128xf32, #tpu.memory_space<vmem>>, vector<16xf32>,
        %mul3A_549 = arith.mulf %get3A_545, %get3A_548 : vector<16xf32>
        %get3A_550 = arith.index_cast %add3A_542 : i32 to index
        %get3A_551 = arith.constant 16 : index
        %get3A_552 = tpu.vector_load %arg10[%get3A_550, %get3A_551] {strides = array<i32>} : memref<128x128xf32, #tpu.memory_space<vmem>>, vector<16xf32>,
        %get3A_553 = arith.index_cast %add3A_542 : i32 to index
        %get3A_554 = arith.constant 16 : index
        %get3A_555 = tpu.vector_load %arg11[%get3A_553, %get3A_554] {strides = array<i32>} : memref<128x128xf32, #tpu.memory_space<vmem>>, vector<16xf32>,
        %mul3A_556 = arith.mulf %get3A_552, %get3A_555 : vector<16xf32>
        %get3A_557 = arith.index_cast %add3A_542 : i32 to index
        %get3A_558 = arith.constant 32 : index
        %get3A_559 = tpu.vector_load %arg10[%get3A_557, %get3A_558] {strides = array<i32>} : memref<128x128xf32, #tpu.memory_space<vmem>>, vector<16xf32>,
        %get3A_560 = arith.index_cast %add3A_542 : i32 to index
        %get3A_561 = arith.constant 32 : index
        %get3A_562 = tpu.vector_load %arg11[%get3A_560, %get3A_561] {strides = array<i32>} : memref<128x128xf32, #tpu.memory_space<vmem>>, vector<16xf32>,
        %mul3A_563 = arith.mulf %get3A_559, %get3A_562 : vector<16xf32>
        %get3A_564 = arith.index_cast %add3A_542 : i32 to index
        %get3A_565 = arith.constant 48 : index
        %get3A_566 = tpu.vector_load %arg10[%get3A_564, %get3A_565] {strides = array<i32>} : memref<128x128xf32, #tpu.memory_space<vmem>>, vector<16xf32>,
        %get3A_567 = arith.index_cast %add3A_542 : i32 to index
        %get3A_568 = arith.constant 48 : index
        %get3A_569 = tpu.vector_load %arg11[%get3A_567, %get3A_568] {strides = array<i32>} : memref<128x128xf32, #tpu.memory_space<vmem>>, vector<16xf32>,
        %mul3A_570 = arith.mulf %get3A_566, %get3A_569 : vector<16xf32>
        %get3A_571 = arith.index_cast %add3A_542 : i32 to index
        %get3A_572 = arith.constant 64 : index
        %get3A_573 = tpu.vector_load %arg10[%get3A_571, %get3A_572] {strides = array<i32>} : memref<128x128xf32, #tpu.memory_space<vmem>>, vector<16xf32>,
        %get3A_574 = arith.index_cast %add3A_542 : i32 to index
        %get3A_575 = arith.constant 64 : index
        %get3A_576 = tpu.vector_load %arg11[%get3A_574, %get3A_575] {strides = array<i32>} : memref<128x128xf32, #tpu.memory_space<vmem>>, vector<16xf32>,
        %mul3A_577 = arith.mulf %get3A_573, %get3A_576 : vector<16xf32>
        %get3A_578 = arith.index_cast %add3A_542 : i32 to index
        %get3A_579 = arith.constant 80 : index
        %get3A_580 = tpu.vector_load %arg10[%get3A_578, %get3A_579] {strides = array<i32>} : memref<128x128xf32, #tpu.memory_space<vmem>>, vector<16xf32>,
        %get3A_581 = arith.index_cast %add3A_542 : i32 to index
        %get3A_582 = arith.constant 80 : index
        %get3A_583 = tpu.vector_load %arg11[%get3A_581, %get3A_582] {strides = array<i32>} : memref<128x128xf32, #tpu.memory_space<vmem>>, vector<16xf32>,
        %mul3A_584 = arith.mulf %get3A_580, %get3A_583 : vector<16xf32>
        %get3A_585 = arith.index_cast %add3A_542 : i32 to index
        %get3A_586 = arith.constant 96 : index
        %get3A_587 = tpu.vector_load %arg10[%get3A_585, %get3A_586] {strides = array<i32>} : memref<128x128xf32, #tpu.memory_space<vmem>>, vector<16xf32>,
        %get3A_588 = arith.index_cast %add3A_542 : i32 to index
        %get3A_589 = arith.constant 96 : index
        %get3A_590 = tpu.vector_load %arg11[%get3A_588, %get3A_589] {strides = array<i32>} : memref<128x128xf32, #tpu.memory_space<vmem>>, vector<16xf32>,
        %mul3A_591 = arith.mulf %get3A_587, %get3A_590 : vector<16xf32>
        %get3A_592 = arith.index_cast %add3A_542 : i32 to index
        %get3A_593 = arith.constant 112 : index
        %get3A_594 = tpu.vector_load %arg10[%get3A_592, %get3A_593] {strides = array<i32>} : memref<128x128xf32, #tpu.memory_space<vmem>>, vector<16xf32>,
        %get3A_595 = arith.index_cast %add3A_542 : i32 to index
        %get3A_596 = arith.constant 112 : index
        %get3A_597 = tpu.vector_load %arg11[%get3A_595, %get3A_596] {strides = array<i32>} : memref<128x128xf32, #tpu.memory_space<vmem>>, vector<16xf32>,
        %mul3A_598 = arith.mulf %get3A_594, %get3A_597 : vector<16xf32>
        %add3A_599 = arith.addf %mul3A_549, %mul3A_556 : vector<16xf32>
        %add3A_600 = arith.addf %mul3A_563, %mul3A_570 : vector<16xf32>
        %add3A_601 = arith.addf %mul3A_577, %mul3A_584 : vector<16xf32>
        %add3A_602 = arith.addf %mul3A_591, %mul3A_598 : vector<16xf32>
        %add3A_603 = arith.addf %add3A_599, %add3A_600 : vector<16xf32>
        %add3A_604 = arith.addf %add3A_601, %add3A_602 : vector<16xf32>
        %add3A_605 = arith.addf %add3A_603, %add3A_604 : vector<16xf32>
        %swap3A_606 = arith.index_cast %add3A_542 : i32 to index
        %swap3A_607 = arith.constant 0 : index
        %swap3A_608 = tpu.vector_load %arg14[%swap3A_606, %swap3A_607] {strides = array<i32>} : memref<128x24xf32, #tpu.memory_space<vmem>>, vector<16xf32>,
        tpu.vector_store %arg14[%swap3A_606, %swap3A_607], %add3A_605 {strides = array<i32>} : memref<128x24xf32, #tpu.memory_space<vmem>>, vector<16xf32>,
        %mul3A_609 = arith.constant 16 : i32
        %mul3A_610 = arith.muli %scan3A_190, %mul3A_609 : i32
        %add3A_611 = arith.constant 6 : i32
        %add3A_612 = arith.addi %mul3A_610, %add3A_611 : i32
        %get3A_613 = arith.index_cast %add3A_612 : i32 to index
        %get3A_614 = arith.constant 0 : index
        %get3A_615 = tpu.vector_load %arg10[%get3A_613, %get3A_614] {strides = array<i32>} : memref<128x128xf32, #tpu.memory_space<vmem>>, vector<16xf32>,
        %get3A_616 = arith.index_cast %add3A_612 : i32 to index
        %get3A_617 = arith.constant 0 : index
        %get3A_618 = tpu.vector_load %arg11[%get3A_616, %get3A_617] {strides = array<i32>} : memref<128x128xf32, #tpu.memory_space<vmem>>, vector<16xf32>,
        %mul3A_619 = arith.mulf %get3A_615, %get3A_618 : vector<16xf32>
        %get3A_620 = arith.index_cast %add3A_612 : i32 to index
        %get3A_621 = arith.constant 16 : index
        %get3A_622 = tpu.vector_load %arg10[%get3A_620, %get3A_621] {strides = array<i32>} : memref<128x128xf32, #tpu.memory_space<vmem>>, vector<16xf32>,
        %get3A_623 = arith.index_cast %add3A_612 : i32 to index
        %get3A_624 = arith.constant 16 : index
        %get3A_625 = tpu.vector_load %arg11[%get3A_623, %get3A_624] {strides = array<i32>} : memref<128x128xf32, #tpu.memory_space<vmem>>, vector<16xf32>,
        %mul3A_626 = arith.mulf %get3A_622, %get3A_625 : vector<16xf32>
        %get3A_627 = arith.index_cast %add3A_612 : i32 to index
        %get3A_628 = arith.constant 32 : index
        %get3A_629 = tpu.vector_load %arg10[%get3A_627, %get3A_628] {strides = array<i32>} : memref<128x128xf32, #tpu.memory_space<vmem>>, vector<16xf32>,
        %get3A_630 = arith.index_cast %add3A_612 : i32 to index
        %get3A_631 = arith.constant 32 : index
        %get3A_632 = tpu.vector_load %arg11[%get3A_630, %get3A_631] {strides = array<i32>} : memref<128x128xf32, #tpu.memory_space<vmem>>, vector<16xf32>,
        %mul3A_633 = arith.mulf %get3A_629, %get3A_632 : vector<16xf32>
        %get3A_634 = arith.index_cast %add3A_612 : i32 to index
        %get3A_635 = arith.constant 48 : index
        %get3A_636 = tpu.vector_load %arg10[%get3A_634, %get3A_635] {strides = array<i32>} : memref<128x128xf32, #tpu.memory_space<vmem>>, vector<16xf32>,
        %get3A_637 = arith.index_cast %add3A_612 : i32 to index
        %get3A_638 = arith.constant 48 : index
        %get3A_639 = tpu.vector_load %arg11[%get3A_637, %get3A_638] {strides = array<i32>} : memref<128x128xf32, #tpu.memory_space<vmem>>, vector<16xf32>,
        %mul3A_640 = arith.mulf %get3A_636, %get3A_639 : vector<16xf32>
        %get3A_641 = arith.index_cast %add3A_612 : i32 to index
        %get3A_642 = arith.constant 64 : index
        %get3A_643 = tpu.vector_load %arg10[%get3A_641, %get3A_642] {strides = array<i32>} : memref<128x128xf32, #tpu.memory_space<vmem>>, vector<16xf32>,
        %get3A_644 = arith.index_cast %add3A_612 : i32 to index
        %get3A_645 = arith.constant 64 : index
        %get3A_646 = tpu.vector_load %arg11[%get3A_644, %get3A_645] {strides = array<i32>} : memref<128x128xf32, #tpu.memory_space<vmem>>, vector<16xf32>,
        %mul3A_647 = arith.mulf %get3A_643, %get3A_646 : vector<16xf32>
        %get3A_648 = arith.index_cast %add3A_612 : i32 to index
        %get3A_649 = arith.constant 80 : index
        %get3A_650 = tpu.vector_load %arg10[%get3A_648, %get3A_649] {strides = array<i32>} : memref<128x128xf32, #tpu.memory_space<vmem>>, vector<16xf32>,
        %get3A_651 = arith.index_cast %add3A_612 : i32 to index
        %get3A_652 = arith.constant 80 : index
        %get3A_653 = tpu.vector_load %arg11[%get3A_651, %get3A_652] {strides = array<i32>} : memref<128x128xf32, #tpu.memory_space<vmem>>, vector<16xf32>,
        %mul3A_654 = arith.mulf %get3A_650, %get3A_653 : vector<16xf32>
        %get3A_655 = arith.index_cast %add3A_612 : i32 to index
        %get3A_656 = arith.constant 96 : index
        %get3A_657 = tpu.vector_load %arg10[%get3A_655, %get3A_656] {strides = array<i32>} : memref<128x128xf32, #tpu.memory_space<vmem>>, vector<16xf32>,
        %get3A_658 = arith.index_cast %add3A_612 : i32 to index
        %get3A_659 = arith.constant 96 : index
        %get3A_660 = tpu.vector_load %arg11[%get3A_658, %get3A_659] {strides = array<i32>} : memref<128x128xf32, #tpu.memory_space<vmem>>, vector<16xf32>,
        %mul3A_661 = arith.mulf %get3A_657, %get3A_660 : vector<16xf32>
        %get3A_662 = arith.index_cast %add3A_612 : i32 to index
        %get3A_663 = arith.constant 112 : index
        %get3A_664 = tpu.vector_load %arg10[%get3A_662, %get3A_663] {strides = array<i32>} : memref<128x128xf32, #tpu.memory_space<vmem>>, vector<16xf32>,
        %get3A_665 = arith.index_cast %add3A_612 : i32 to index
        %get3A_666 = arith.constant 112 : index
        %get3A_667 = tpu.vector_load %arg11[%get3A_665, %get3A_666] {strides = array<i32>} : memref<128x128xf32, #tpu.memory_space<vmem>>, vector<16xf32>,
        %mul3A_668 = arith.mulf %get3A_664, %get3A_667 : vector<16xf32>
        %add3A_669 = arith.addf %mul3A_619, %mul3A_626 : vector<16xf32>
        %add3A_670 = arith.addf %mul3A_633, %mul3A_640 : vector<16xf32>
        %add3A_671 = arith.addf %mul3A_647, %mul3A_654 : vector<16xf32>
        %add3A_672 = arith.addf %mul3A_661, %mul3A_668 : vector<16xf32>
        %add3A_673 = arith.addf %add3A_669, %add3A_670 : vector<16xf32>
        %add3A_674 = arith.addf %add3A_671, %add3A_672 : vector<16xf32>
        %add3A_675 = arith.addf %add3A_673, %add3A_674 : vector<16xf32>
        %swap3A_676 = arith.index_cast %add3A_612 : i32 to index
        %swap3A_677 = arith.constant 0 : index
        %swap3A_678 = tpu.vector_load %arg14[%swap3A_676, %swap3A_677] {strides = array<i32>} : memref<128x24xf32, #tpu.memory_space<vmem>>, vector<16xf32>,
        tpu.vector_store %arg14[%swap3A_676, %swap3A_677], %add3A_675 {strides = array<i32>} : memref<128x24xf32, #tpu.memory_space<vmem>>, vector<16xf32>,
        %mul3A_679 = arith.constant 16 : i32
        %mul3A_680 = arith.muli %scan3A_190, %mul3A_679 : i32
        %add3A_681 = arith.constant 7 : i32
        %add3A_682 = arith.addi %mul3A_680, %add3A_681 : i32
        %get3A_683 = arith.index_cast %add3A_682 : i32 to index
        %get3A_684 = arith.constant 0 : index
        %get3A_685 = tpu.vector_load %arg10[%get3A_683, %get3A_684] {strides = array<i32>} : memref<128x128xf32, #tpu.memory_space<vmem>>, vector<16xf32>,
        %get3A_686 = arith.index_cast %add3A_682 : i32 to index
        %get3A_687 = arith.constant 0 : index
        %get3A_688 = tpu.vector_load %arg11[%get3A_686, %get3A_687] {strides = array<i32>} : memref<128x128xf32, #tpu.memory_space<vmem>>, vector<16xf32>,
        %mul3A_689 = arith.mulf %get3A_685, %get3A_688 : vector<16xf32>
        %get3A_690 = arith.index_cast %add3A_682 : i32 to index
        %get3A_691 = arith.constant 16 : index
        %get3A_692 = tpu.vector_load %arg10[%get3A_690, %get3A_691] {strides = array<i32>} : memref<128x128xf32, #tpu.memory_space<vmem>>, vector<16xf32>,
        %get3A_693 = arith.index_cast %add3A_682 : i32 to index
        %get3A_694 = arith.constant 16 : index
        %get3A_695 = tpu.vector_load %arg11[%get3A_693, %get3A_694] {strides = array<i32>} : memref<128x128xf32, #tpu.memory_space<vmem>>, vector<16xf32>,
        %mul3A_696 = arith.mulf %get3A_692, %get3A_695 : vector<16xf32>
        %get3A_697 = arith.index_cast %add3A_682 : i32 to index
        %get3A_698 = arith.constant 32 : index
        %get3A_699 = tpu.vector_load %arg10[%get3A_697, %get3A_698] {strides = array<i32>} : memref<128x128xf32, #tpu.memory_space<vmem>>, vector<16xf32>,
        %get3A_700 = arith.index_cast %add3A_682 : i32 to index
        %get3A_701 = arith.constant 32 : index
        %get3A_702 = tpu.vector_load %arg11[%get3A_700, %get3A_701] {strides = array<i32>} : memref<128x128xf32, #tpu.memory_space<vmem>>, vector<16xf32>,
        %mul3A_703 = arith.mulf %get3A_699, %get3A_702 : vector<16xf32>
        %get3A_704 = arith.index_cast %add3A_682 : i32 to index
        %get3A_705 = arith.constant 48 : index
        %get3A_706 = tpu.vector_load %arg10[%get3A_704, %get3A_705] {strides = array<i32>} : memref<128x128xf32, #tpu.memory_space<vmem>>, vector<16xf32>,
        %get3A_707 = arith.index_cast %add3A_682 : i32 to index
        %get3A_708 = arith.constant 48 : index
        %get3A_709 = tpu.vector_load %arg11[%get3A_707, %get3A_708] {strides = array<i32>} : memref<128x128xf32, #tpu.memory_space<vmem>>, vector<16xf32>,
        %mul3A_710 = arith.mulf %get3A_706, %get3A_709 : vector<16xf32>
        %get3A_711 = arith.index_cast %add3A_682 : i32 to index
        %get3A_712 = arith.constant 64 : index
        %get3A_713 = tpu.vector_load %arg10[%get3A_711, %get3A_712] {strides = array<i32>} : memref<128x128xf32, #tpu.memory_space<vmem>>, vector<16xf32>,
        %get3A_714 = arith.index_cast %add3A_682 : i32 to index
        %get3A_715 = arith.constant 64 : index
        %get3A_716 = tpu.vector_load %arg11[%get3A_714, %get3A_715] {strides = array<i32>} : memref<128x128xf32, #tpu.memory_space<vmem>>, vector<16xf32>,
        %mul3A_717 = arith.mulf %get3A_713, %get3A_716 : vector<16xf32>
        %get3A_718 = arith.index_cast %add3A_682 : i32 to index
        %get3A_719 = arith.constant 80 : index
        %get3A_720 = tpu.vector_load %arg10[%get3A_718, %get3A_719] {strides = array<i32>} : memref<128x128xf32, #tpu.memory_space<vmem>>, vector<16xf32>,
        %get3A_721 = arith.index_cast %add3A_682 : i32 to index
        %get3A_722 = arith.constant 80 : index
        %get3A_723 = tpu.vector_load %arg11[%get3A_721, %get3A_722] {strides = array<i32>} : memref<128x128xf32, #tpu.memory_space<vmem>>, vector<16xf32>,
        %mul3A_724 = arith.mulf %get3A_720, %get3A_723 : vector<16xf32>
        %get3A_725 = arith.index_cast %add3A_682 : i32 to index
        %get3A_726 = arith.constant 96 : index
        %get3A_727 = tpu.vector_load %arg10[%get3A_725, %get3A_726] {strides = array<i32>} : memref<128x128xf32, #tpu.memory_space<vmem>>, vector<16xf32>,
        %get3A_728 = arith.index_cast %add3A_682 : i32 to index
        %get3A_729 = arith.constant 96 : index
        %get3A_730 = tpu.vector_load %arg11[%get3A_728, %get3A_729] {strides = array<i32>} : memref<128x128xf32, #tpu.memory_space<vmem>>, vector<16xf32>,
        %mul3A_731 = arith.mulf %get3A_727, %get3A_730 : vector<16xf32>
        %get3A_732 = arith.index_cast %add3A_682 : i32 to index
        %get3A_733 = arith.constant 112 : index
        %get3A_734 = tpu.vector_load %arg10[%get3A_732, %get3A_733] {strides = array<i32>} : memref<128x128xf32, #tpu.memory_space<vmem>>, vector<16xf32>,
        %get3A_735 = arith.index_cast %add3A_682 : i32 to index
        %get3A_736 = arith.constant 112 : index
        %get3A_737 = tpu.vector_load %arg11[%get3A_735, %get3A_736] {strides = array<i32>} : memref<128x128xf32, #tpu.memory_space<vmem>>, vector<16xf32>,
        %mul3A_738 = arith.mulf %get3A_734, %get3A_737 : vector<16xf32>
        %add3A_739 = arith.addf %mul3A_689, %mul3A_696 : vector<16xf32>
        %add3A_740 = arith.addf %mul3A_703, %mul3A_710 : vector<16xf32>
        %add3A_741 = arith.addf %mul3A_717, %mul3A_724 : vector<16xf32>
        %add3A_742 = arith.addf %mul3A_731, %mul3A_738 : vector<16xf32>
        %add3A_743 = arith.addf %add3A_739, %add3A_740 : vector<16xf32>
        %add3A_744 = arith.addf %add3A_741, %add3A_742 : vector<16xf32>
        %add3A_745 = arith.addf %add3A_743, %add3A_744 : vector<16xf32>
        %swap3A_746 = arith.index_cast %add3A_682 : i32 to index
        %swap3A_747 = arith.constant 0 : index
        %swap3A_748 = tpu.vector_load %arg14[%swap3A_746, %swap3A_747] {strides = array<i32>} : memref<128x24xf32, #tpu.memory_space<vmem>>, vector<16xf32>,
        tpu.vector_store %arg14[%swap3A_746, %swap3A_747], %add3A_745 {strides = array<i32>} : memref<128x24xf32, #tpu.memory_space<vmem>>, vector<16xf32>,
        %mul3A_749 = arith.constant 16 : i32
        %mul3A_750 = arith.muli %scan3A_190, %mul3A_749 : i32
        %add3A_751 = arith.constant 8 : i32
        %add3A_752 = arith.addi %mul3A_750, %add3A_751 : i32
        %get3A_753 = arith.index_cast %add3A_752 : i32 to index
        %get3A_754 = arith.constant 0 : index
        %get3A_755 = tpu.vector_load %arg10[%get3A_753, %get3A_754] {strides = array<i32>} : memref<128x128xf32, #tpu.memory_space<vmem>>, vector<16xf32>,
        %get3A_756 = arith.index_cast %add3A_752 : i32 to index
        %get3A_757 = arith.constant 0 : index
        %get3A_758 = tpu.vector_load %arg11[%get3A_756, %get3A_757] {strides = array<i32>} : memref<128x128xf32, #tpu.memory_space<vmem>>, vector<16xf32>,
        %mul3A_759 = arith.mulf %get3A_755, %get3A_758 : vector<16xf32>
        %get3A_760 = arith.index_cast %add3A_752 : i32 to index
        %get3A_761 = arith.constant 16 : index
        %get3A_762 = tpu.vector_load %arg10[%get3A_760, %get3A_761] {strides = array<i32>} : memref<128x128xf32, #tpu.memory_space<vmem>>, vector<16xf32>,
        %get3A_763 = arith.index_cast %add3A_752 : i32 to index
        %get3A_764 = arith.constant 16 : index
        %get3A_765 = tpu.vector_load %arg11[%get3A_763, %get3A_764] {strides = array<i32>} : memref<128x128xf32, #tpu.memory_space<vmem>>, vector<16xf32>,
        %mul3A_766 = arith.mulf %get3A_762, %get3A_765 : vector<16xf32>
        %get3A_767 = arith.index_cast %add3A_752 : i32 to index
        %get3A_768 = arith.constant 32 : index
        %get3A_769 = tpu.vector_load %arg10[%get3A_767, %get3A_768] {strides = array<i32>} : memref<128x128xf32, #tpu.memory_space<vmem>>, vector<16xf32>,
        %get3A_770 = arith.index_cast %add3A_752 : i32 to index
        %get3A_771 = arith.constant 32 : index
        %get3A_772 = tpu.vector_load %arg11[%get3A_770, %get3A_771] {strides = array<i32>} : memref<128x128xf32, #tpu.memory_space<vmem>>, vector<16xf32>,
        %mul3A_773 = arith.mulf %get3A_769, %get3A_772 : vector<16xf32>
        %get3A_774 = arith.index_cast %add3A_752 : i32 to index
        %get3A_775 = arith.constant 48 : index
        %get3A_776 = tpu.vector_load %arg10[%get3A_774, %get3A_775] {strides = array<i32>} : memref<128x128xf32, #tpu.memory_space<vmem>>, vector<16xf32>,
        %get3A_777 = arith.index_cast %add3A_752 : i32 to index
        %get3A_778 = arith.constant 48 : index
        %get3A_779 = tpu.vector_load %arg11[%get3A_777, %get3A_778] {strides = array<i32>} : memref<128x128xf32, #tpu.memory_space<vmem>>, vector<16xf32>,
        %mul3A_780 = arith.mulf %get3A_776, %get3A_779 : vector<16xf32>
        %get3A_781 = arith.index_cast %add3A_752 : i32 to index
        %get3A_782 = arith.constant 64 : index
        %get3A_783 = tpu.vector_load %arg10[%get3A_781, %get3A_782] {strides = array<i32>} : memref<128x128xf32, #tpu.memory_space<vmem>>, vector<16xf32>,
        %get3A_784 = arith.index_cast %add3A_752 : i32 to index
        %get3A_785 = arith.constant 64 : index
        %get3A_786 = tpu.vector_load %arg11[%get3A_784, %get3A_785] {strides = array<i32>} : memref<128x128xf32, #tpu.memory_space<vmem>>, vector<16xf32>,
        %mul3A_787 = arith.mulf %get3A_783, %get3A_786 : vector<16xf32>
        %get3A_788 = arith.index_cast %add3A_752 : i32 to index
        %get3A_789 = arith.constant 80 : index
        %get3A_790 = tpu.vector_load %arg10[%get3A_788, %get3A_789] {strides = array<i32>} : memref<128x128xf32, #tpu.memory_space<vmem>>, vector<16xf32>,
        %get3A_791 = arith.index_cast %add3A_752 : i32 to index
        %get3A_792 = arith.constant 80 : index
        %get3A_793 = tpu.vector_load %arg11[%get3A_791, %get3A_792] {strides = array<i32>} : memref<128x128xf32, #tpu.memory_space<vmem>>, vector<16xf32>,
        %mul3A_794 = arith.mulf %get3A_790, %get3A_793 : vector<16xf32>
        %get3A_795 = arith.index_cast %add3A_752 : i32 to index
        %get3A_796 = arith.constant 96 : index
        %get3A_797 = tpu.vector_load %arg10[%get3A_795, %get3A_796] {strides = array<i32>} : memref<128x128xf32, #tpu.memory_space<vmem>>, vector<16xf32>,
        %get3A_798 = arith.index_cast %add3A_752 : i32 to index
        %get3A_799 = arith.constant 96 : index
        %get3A_800 = tpu.vector_load %arg11[%get3A_798, %get3A_799] {strides = array<i32>} : memref<128x128xf32, #tpu.memory_space<vmem>>, vector<16xf32>,
        %mul3A_801 = arith.mulf %get3A_797, %get3A_800 : vector<16xf32>
        %get3A_802 = arith.index_cast %add3A_752 : i32 to index
        %get3A_803 = arith.constant 112 : index
        %get3A_804 = tpu.vector_load %arg10[%get3A_802, %get3A_803] {strides = array<i32>} : memref<128x128xf32, #tpu.memory_space<vmem>>, vector<16xf32>,
        %get3A_805 = arith.index_cast %add3A_752 : i32 to index
        %get3A_806 = arith.constant 112 : index
        %get3A_807 = tpu.vector_load %arg11[%get3A_805, %get3A_806] {strides = array<i32>} : memref<128x128xf32, #tpu.memory_space<vmem>>, vector<16xf32>,
        %mul3A_808 = arith.mulf %get3A_804, %get3A_807 : vector<16xf32>
        %add3A_809 = arith.addf %mul3A_759, %mul3A_766 : vector<16xf32>
        %add3A_810 = arith.addf %mul3A_773, %mul3A_780 : vector<16xf32>
        %add3A_811 = arith.addf %mul3A_787, %mul3A_794 : vector<16xf32>
        %add3A_812 = arith.addf %mul3A_801, %mul3A_808 : vector<16xf32>
        %add3A_813 = arith.addf %add3A_809, %add3A_810 : vector<16xf32>
        %add3A_814 = arith.addf %add3A_811, %add3A_812 : vector<16xf32>
        %add3A_815 = arith.addf %add3A_813, %add3A_814 : vector<16xf32>
        %swap3A_816 = arith.index_cast %add3A_752 : i32 to index
        %swap3A_817 = arith.constant 0 : index
        %swap3A_818 = tpu.vector_load %arg14[%swap3A_816, %swap3A_817] {strides = array<i32>} : memref<128x24xf32, #tpu.memory_space<vmem>>, vector<16xf32>,
        tpu.vector_store %arg14[%swap3A_816, %swap3A_817], %add3A_815 {strides = array<i32>} : memref<128x24xf32, #tpu.memory_space<vmem>>, vector<16xf32>,
        %mul3A_819 = arith.constant 16 : i32
        %mul3A_820 = arith.muli %scan3A_190, %mul3A_819 : i32
        %add3A_821 = arith.constant 9 : i32
        %add3A_822 = arith.addi %mul3A_820, %add3A_821 : i32
        %get3A_823 = arith.index_cast %add3A_822 : i32 to index
        %get3A_824 = arith.constant 0 : index
        %get3A_825 = tpu.vector_load %arg10[%get3A_823, %get3A_824] {strides = array<i32>} : memref<128x128xf32, #tpu.memory_space<vmem>>, vector<16xf32>,
        %get3A_826 = arith.index_cast %add3A_822 : i32 to index
        %get3A_827 = arith.constant 0 : index
        %get3A_828 = tpu.vector_load %arg11[%get3A_826, %get3A_827] {strides = array<i32>} : memref<128x128xf32, #tpu.memory_space<vmem>>, vector<16xf32>,
        %mul3A_829 = arith.mulf %get3A_825, %get3A_828 : vector<16xf32>
        %get3A_830 = arith.index_cast %add3A_822 : i32 to index
        %get3A_831 = arith.constant 16 : index
        %get3A_832 = tpu.vector_load %arg10[%get3A_830, %get3A_831] {strides = array<i32>} : memref<128x128xf32, #tpu.memory_space<vmem>>, vector<16xf32>,
        %get3A_833 = arith.index_cast %add3A_822 : i32 to index
        %get3A_834 = arith.constant 16 : index
        %get3A_835 = tpu.vector_load %arg11[%get3A_833, %get3A_834] {strides = array<i32>} : memref<128x128xf32, #tpu.memory_space<vmem>>, vector<16xf32>,
        %mul3A_836 = arith.mulf %get3A_832, %get3A_835 : vector<16xf32>
        %get3A_837 = arith.index_cast %add3A_822 : i32 to index
        %get3A_838 = arith.constant 32 : index
        %get3A_839 = tpu.vector_load %arg10[%get3A_837, %get3A_838] {strides = array<i32>} : memref<128x128xf32, #tpu.memory_space<vmem>>, vector<16xf32>,
        %get3A_840 = arith.index_cast %add3A_822 : i32 to index
        %get3A_841 = arith.constant 32 : index
        %get3A_842 = tpu.vector_load %arg11[%get3A_840, %get3A_841] {strides = array<i32>} : memref<128x128xf32, #tpu.memory_space<vmem>>, vector<16xf32>,
        %mul3A_843 = arith.mulf %get3A_839, %get3A_842 : vector<16xf32>
        %get3A_844 = arith.index_cast %add3A_822 : i32 to index
        %get3A_845 = arith.constant 48 : index
        %get3A_846 = tpu.vector_load %arg10[%get3A_844, %get3A_845] {strides = array<i32>} : memref<128x128xf32, #tpu.memory_space<vmem>>, vector<16xf32>,
        %get3A_847 = arith.index_cast %add3A_822 : i32 to index
        %get3A_848 = arith.constant 48 : index
        %get3A_849 = tpu.vector_load %arg11[%get3A_847, %get3A_848] {strides = array<i32>} : memref<128x128xf32, #tpu.memory_space<vmem>>, vector<16xf32>,
        %mul3A_850 = arith.mulf %get3A_846, %get3A_849 : vector<16xf32>
        %get3A_851 = arith.index_cast %add3A_822 : i32 to index
        %get3A_852 = arith.constant 64 : index
        %get3A_853 = tpu.vector_load %arg10[%get3A_851, %get3A_852] {strides = array<i32>} : memref<128x128xf32, #tpu.memory_space<vmem>>, vector<16xf32>,
        %get3A_854 = arith.index_cast %add3A_822 : i32 to index
        %get3A_855 = arith.constant 64 : index
        %get3A_856 = tpu.vector_load %arg11[%get3A_854, %get3A_855] {strides = array<i32>} : memref<128x128xf32, #tpu.memory_space<vmem>>, vector<16xf32>,
        %mul3A_857 = arith.mulf %get3A_853, %get3A_856 : vector<16xf32>
        %get3A_858 = arith.index_cast %add3A_822 : i32 to index
        %get3A_859 = arith.constant 80 : index
        %get3A_860 = tpu.vector_load %arg10[%get3A_858, %get3A_859] {strides = array<i32>} : memref<128x128xf32, #tpu.memory_space<vmem>>, vector<16xf32>,
        %get3A_861 = arith.index_cast %add3A_822 : i32 to index
        %get3A_862 = arith.constant 80 : index
        %get3A_863 = tpu.vector_load %arg11[%get3A_861, %get3A_862] {strides = array<i32>} : memref<128x128xf32, #tpu.memory_space<vmem>>, vector<16xf32>,
        %mul3A_864 = arith.mulf %get3A_860, %get3A_863 : vector<16xf32>
        %get3A_865 = arith.index_cast %add3A_822 : i32 to index
        %get3A_866 = arith.constant 96 : index
        %get3A_867 = tpu.vector_load %arg10[%get3A_865, %get3A_866] {strides = array<i32>} : memref<128x128xf32, #tpu.memory_space<vmem>>, vector<16xf32>,
        %get3A_868 = arith.index_cast %add3A_822 : i32 to index
        %get3A_869 = arith.constant 96 : index
        %get3A_870 = tpu.vector_load %arg11[%get3A_868, %get3A_869] {strides = array<i32>} : memref<128x128xf32, #tpu.memory_space<vmem>>, vector<16xf32>,
        %mul3A_871 = arith.mulf %get3A_867, %get3A_870 : vector<16xf32>
        %get3A_872 = arith.index_cast %add3A_822 : i32 to index
        %get3A_873 = arith.constant 112 : index
        %get3A_874 = tpu.vector_load %arg10[%get3A_872, %get3A_873] {strides = array<i32>} : memref<128x128xf32, #tpu.memory_space<vmem>>, vector<16xf32>,
        %get3A_875 = arith.index_cast %add3A_822 : i32 to index
        %get3A_876 = arith.constant 112 : index
        %get3A_877 = tpu.vector_load %arg11[%get3A_875, %get3A_876] {strides = array<i32>} : memref<128x128xf32, #tpu.memory_space<vmem>>, vector<16xf32>,
        %mul3A_878 = arith.mulf %get3A_874, %get3A_877 : vector<16xf32>
        %add3A_879 = arith.addf %mul3A_829, %mul3A_836 : vector<16xf32>
        %add3A_880 = arith.addf %mul3A_843, %mul3A_850 : vector<16xf32>
        %add3A_881 = arith.addf %mul3A_857, %mul3A_864 : vector<16xf32>
        %add3A_882 = arith.addf %mul3A_871, %mul3A_878 : vector<16xf32>
        %add3A_883 = arith.addf %add3A_879, %add3A_880 : vector<16xf32>
        %add3A_884 = arith.addf %add3A_881, %add3A_882 : vector<16xf32>
        %add3A_885 = arith.addf %add3A_883, %add3A_884 : vector<16xf32>
        %swap3A_886 = arith.index_cast %add3A_822 : i32 to index
        %swap3A_887 = arith.constant 0 : index
        %swap3A_888 = tpu.vector_load %arg14[%swap3A_886, %swap3A_887] {strides = array<i32>} : memref<128x24xf32, #tpu.memory_space<vmem>>, vector<16xf32>,
        tpu.vector_store %arg14[%swap3A_886, %swap3A_887], %add3A_885 {strides = array<i32>} : memref<128x24xf32, #tpu.memory_space<vmem>>, vector<16xf32>,
        %mul3A_889 = arith.constant 16 : i32
        %mul3A_890 = arith.muli %scan3A_190, %mul3A_889 : i32
        %add3A_891 = arith.constant 10 : i32
        %add3A_892 = arith.addi %mul3A_890, %add3A_891 : i32
        %get3A_893 = arith.index_cast %add3A_892 : i32 to index
        %get3A_894 = arith.constant 0 : index
        %get3A_895 = tpu.vector_load %arg10[%get3A_893, %get3A_894] {strides = array<i32>} : memref<128x128xf32, #tpu.memory_space<vmem>>, vector<16xf32>,
        %get3A_896 = arith.index_cast %add3A_892 : i32 to index
        %get3A_897 = arith.constant 0 : index
        %get3A_898 = tpu.vector_load %arg11[%get3A_896, %get3A_897] {strides = array<i32>} : memref<128x128xf32, #tpu.memory_space<vmem>>, vector<16xf32>,
        %mul3A_899 = arith.mulf %get3A_895, %get3A_898 : vector<16xf32>
        %get3A_900 = arith.index_cast %add3A_892 : i32 to index
        %get3A_901 = arith.constant 16 : index
        %get3A_902 = tpu.vector_load %arg10[%get3A_900, %get3A_901] {strides = array<i32>} : memref<128x128xf32, #tpu.memory_space<vmem>>, vector<16xf32>,
        %get3A_903 = arith.index_cast %add3A_892 : i32 to index
        %get3A_904 = arith.constant 16 : index
        %get3A_905 = tpu.vector_load %arg11[%get3A_903, %get3A_904] {strides = array<i32>} : memref<128x128xf32, #tpu.memory_space<vmem>>, vector<16xf32>,
        %mul3A_906 = arith.mulf %get3A_902, %get3A_905 : vector<16xf32>
        %get3A_907 = arith.index_cast %add3A_892 : i32 to index
        %get3A_908 = arith.constant 32 : index
        %get3A_909 = tpu.vector_load %arg10[%get3A_907, %get3A_908] {strides = array<i32>} : memref<128x128xf32, #tpu.memory_space<vmem>>, vector<16xf32>,
        %get3A_910 = arith.index_cast %add3A_892 : i32 to index
        %get3A_911 = arith.constant 32 : index
        %get3A_912 = tpu.vector_load %arg11[%get3A_910, %get3A_911] {strides = array<i32>} : memref<128x128xf32, #tpu.memory_space<vmem>>, vector<16xf32>,
        %mul3A_913 = arith.mulf %get3A_909, %get3A_912 : vector<16xf32>
        %get3A_914 = arith.index_cast %add3A_892 : i32 to index
        %get3A_915 = arith.constant 48 : index
        %get3A_916 = tpu.vector_load %arg10[%get3A_914, %get3A_915] {strides = array<i32>} : memref<128x128xf32, #tpu.memory_space<vmem>>, vector<16xf32>,
        %get3A_917 = arith.index_cast %add3A_892 : i32 to index
        %get3A_918 = arith.constant 48 : index
        %get3A_919 = tpu.vector_load %arg11[%get3A_917, %get3A_918] {strides = array<i32>} : memref<128x128xf32, #tpu.memory_space<vmem>>, vector<16xf32>,
        %mul3A_920 = arith.mulf %get3A_916, %get3A_919 : vector<16xf32>
        %get3A_921 = arith.index_cast %add3A_892 : i32 to index
        %get3A_922 = arith.constant 64 : index
        %get3A_923 = tpu.vector_load %arg10[%get3A_921, %get3A_922] {strides = array<i32>} : memref<128x128xf32, #tpu.memory_space<vmem>>, vector<16xf32>,
        %get3A_924 = arith.index_cast %add3A_892 : i32 to index
        %get3A_925 = arith.constant 64 : index
        %get3A_926 = tpu.vector_load %arg11[%get3A_924, %get3A_925] {strides = array<i32>} : memref<128x128xf32, #tpu.memory_space<vmem>>, vector<16xf32>,
        %mul3A_927 = arith.mulf %get3A_923, %get3A_926 : vector<16xf32>
        %get3A_928 = arith.index_cast %add3A_892 : i32 to index
        %get3A_929 = arith.constant 80 : index
        %get3A_930 = tpu.vector_load %arg10[%get3A_928, %get3A_929] {strides = array<i32>} : memref<128x128xf32, #tpu.memory_space<vmem>>, vector<16xf32>,
        %get3A_931 = arith.index_cast %add3A_892 : i32 to index
        %get3A_932 = arith.constant 80 : index
        %get3A_933 = tpu.vector_load %arg11[%get3A_931, %get3A_932] {strides = array<i32>} : memref<128x128xf32, #tpu.memory_space<vmem>>, vector<16xf32>,
        %mul3A_934 = arith.mulf %get3A_930, %get3A_933 : vector<16xf32>
        %get3A_935 = arith.index_cast %add3A_892 : i32 to index
        %get3A_936 = arith.constant 96 : index
        %get3A_937 = tpu.vector_load %arg10[%get3A_935, %get3A_936] {strides = array<i32>} : memref<128x128xf32, #tpu.memory_space<vmem>>, vector<16xf32>,
        %get3A_938 = arith.index_cast %add3A_892 : i32 to index
        %get3A_939 = arith.constant 96 : index
        %get3A_940 = tpu.vector_load %arg11[%get3A_938, %get3A_939] {strides = array<i32>} : memref<128x128xf32, #tpu.memory_space<vmem>>, vector<16xf32>,
        %mul3A_941 = arith.mulf %get3A_937, %get3A_940 : vector<16xf32>
        %get3A_942 = arith.index_cast %add3A_892 : i32 to index
        %get3A_943 = arith.constant 112 : index
        %get3A_944 = tpu.vector_load %arg10[%get3A_942, %get3A_943] {strides = array<i32>} : memref<128x128xf32, #tpu.memory_space<vmem>>, vector<16xf32>,
        %get3A_945 = arith.index_cast %add3A_892 : i32 to index
        %get3A_946 = arith.constant 112 : index
        %get3A_947 = tpu.vector_load %arg11[%get3A_945, %get3A_946] {strides = array<i32>} : memref<128x128xf32, #tpu.memory_space<vmem>>, vector<16xf32>,
        %mul3A_948 = arith.mulf %get3A_944, %get3A_947 : vector<16xf32>
        %add3A_949 = arith.addf %mul3A_899, %mul3A_906 : vector<16xf32>
        %add3A_950 = arith.addf %mul3A_913, %mul3A_920 : vector<16xf32>
        %add3A_951 = arith.addf %mul3A_927, %mul3A_934 : vector<16xf32>
        %add3A_952 = arith.addf %mul3A_941, %mul3A_948 : vector<16xf32>
        %add3A_953 = arith.addf %add3A_949, %add3A_950 : vector<16xf32>
        %add3A_954 = arith.addf %add3A_951, %add3A_952 : vector<16xf32>
        %add3A_955 = arith.addf %add3A_953, %add3A_954 : vector<16xf32>
        %swap3A_956 = arith.index_cast %add3A_892 : i32 to index
        %swap3A_957 = arith.constant 0 : index
        %swap3A_958 = tpu.vector_load %arg14[%swap3A_956, %swap3A_957] {strides = array<i32>} : memref<128x24xf32, #tpu.memory_space<vmem>>, vector<16xf32>,
        tpu.vector_store %arg14[%swap3A_956, %swap3A_957], %add3A_955 {strides = array<i32>} : memref<128x24xf32, #tpu.memory_space<vmem>>, vector<16xf32>,
        %mul3A_959 = arith.constant 16 : i32
        %mul3A_960 = arith.muli %scan3A_190, %mul3A_959 : i32
        %add3A_961 = arith.constant 11 : i32
        %add3A_962 = arith.addi %mul3A_960, %add3A_961 : i32
        %get3A_963 = arith.index_cast %add3A_962 : i32 to index
        %get3A_964 = arith.constant 0 : index
        %get3A_965 = tpu.vector_load %arg10[%get3A_963, %get3A_964] {strides = array<i32>} : memref<128x128xf32, #tpu.memory_space<vmem>>, vector<16xf32>,
        %get3A_966 = arith.index_cast %add3A_962 : i32 to index
        %get3A_967 = arith.constant 0 : index
        %get3A_968 = tpu.vector_load %arg11[%get3A_966, %get3A_967] {strides = array<i32>} : memref<128x128xf32, #tpu.memory_space<vmem>>, vector<16xf32>,
        %mul3A_969 = arith.mulf %get3A_965, %get3A_968 : vector<16xf32>
        %get3A_970 = arith.index_cast %add3A_962 : i32 to index
        %get3A_971 = arith.constant 16 : index
        %get3A_972 = tpu.vector_load %arg10[%get3A_970, %get3A_971] {strides = array<i32>} : memref<128x128xf32, #tpu.memory_space<vmem>>, vector<16xf32>,
        %get3A_973 = arith.index_cast %add3A_962 : i32 to index
        %get3A_974 = arith.constant 16 : index
        %get3A_975 = tpu.vector_load %arg11[%get3A_973, %get3A_974] {strides = array<i32>} : memref<128x128xf32, #tpu.memory_space<vmem>>, vector<16xf32>,
        %mul3A_976 = arith.mulf %get3A_972, %get3A_975 : vector<16xf32>
        %get3A_977 = arith.index_cast %add3A_962 : i32 to index
        %get3A_978 = arith.constant 32 : index
        %get3A_979 = tpu.vector_load %arg10[%get3A_977, %get3A_978] {strides = array<i32>} : memref<128x128xf32, #tpu.memory_space<vmem>>, vector<16xf32>,
        %get3A_980 = arith.index_cast %add3A_962 : i32 to index
        %get3A_981 = arith.constant 32 : index
        %get3A_982 = tpu.vector_load %arg11[%get3A_980, %get3A_981] {strides = array<i32>} : memref<128x128xf32, #tpu.memory_space<vmem>>, vector<16xf32>,
        %mul3A_983 = arith.mulf %get3A_979, %get3A_982 : vector<16xf32>
        %get3A_984 = arith.index_cast %add3A_962 : i32 to index
        %get3A_985 = arith.constant 48 : index
        %get3A_986 = tpu.vector_load %arg10[%get3A_984, %get3A_985] {strides = array<i32>} : memref<128x128xf32, #tpu.memory_space<vmem>>, vector<16xf32>,
        %get3A_987 = arith.index_cast %add3A_962 : i32 to index
        %get3A_988 = arith.constant 48 : index
        %get3A_989 = tpu.vector_load %arg11[%get3A_987, %get3A_988] {strides = array<i32>} : memref<128x128xf32, #tpu.memory_space<vmem>>, vector<16xf32>,
        %mul3A_990 = arith.mulf %get3A_986, %get3A_989 : vector<16xf32>
        %get3A_991 = arith.index_cast %add3A_962 : i32 to index
        %get3A_992 = arith.constant 64 : index
        %get3A_993 = tpu.vector_load %arg10[%get3A_991, %get3A_992] {strides = array<i32>} : memref<128x128xf32, #tpu.memory_space<vmem>>, vector<16xf32>,
        %get3A_994 = arith.index_cast %add3A_962 : i32 to index
        %get3A_995 = arith.constant 64 : index
        %get3A_996 = tpu.vector_load %arg11[%get3A_994, %get3A_995] {strides = array<i32>} : memref<128x128xf32, #tpu.memory_space<vmem>>, vector<16xf32>,
        %mul3A_997 = arith.mulf %get3A_993, %get3A_996 : vector<16xf32>
        %get3A_998 = arith.index_cast %add3A_962 : i32 to index
        %get3A_999 = arith.constant 80 : index
        %get3A_1000 = tpu.vector_load %arg10[%get3A_998, %get3A_999] {strides = array<i32>} : memref<128x128xf32, #tpu.memory_space<vmem>>, vector<16xf32>,
        %get3A_1001 = arith.index_cast %add3A_962 : i32 to index
        %get3A_1002 = arith.constant 80 : index
        %get3A_1003 = tpu.vector_load %arg11[%get3A_1001, %get3A_1002] {strides = array<i32>} : memref<128x128xf32, #tpu.memory_space<vmem>>, vector<16xf32>,
        %mul3A_1004 = arith.mulf %get3A_1000, %get3A_1003 : vector<16xf32>
        %get3A_1005 = arith.index_cast %add3A_962 : i32 to index
        %get3A_1006 = arith.constant 96 : index
        %get3A_1007 = tpu.vector_load %arg10[%get3A_1005, %get3A_1006] {strides = array<i32>} : memref<128x128xf32, #tpu.memory_space<vmem>>, vector<16xf32>,
        %get3A_1008 = arith.index_cast %add3A_962 : i32 to index
        %get3A_1009 = arith.constant 96 : index
        %get3A_1010 = tpu.vector_load %arg11[%get3A_1008, %get3A_1009] {strides = array<i32>} : memref<128x128xf32, #tpu.memory_space<vmem>>, vector<16xf32>,
        %mul3A_1011 = arith.mulf %get3A_1007, %get3A_1010 : vector<16xf32>
        %get3A_1012 = arith.index_cast %add3A_962 : i32 to index
        %get3A_1013 = arith.constant 112 : index
        %get3A_1014 = tpu.vector_load %arg10[%get3A_1012, %get3A_1013] {strides = array<i32>} : memref<128x128xf32, #tpu.memory_space<vmem>>, vector<16xf32>,
        %get3A_1015 = arith.index_cast %add3A_962 : i32 to index
        %get3A_1016 = arith.constant 112 : index
        %get3A_1017 = tpu.vector_load %arg11[%get3A_1015, %get3A_1016] {strides = array<i32>} : memref<128x128xf32, #tpu.memory_space<vmem>>, vector<16xf32>,
        %mul3A_1018 = arith.mulf %get3A_1014, %get3A_1017 : vector<16xf32>
        %add3A_1019 = arith.addf %mul3A_969, %mul3A_976 : vector<16xf32>
        %add3A_1020 = arith.addf %mul3A_983, %mul3A_990 : vector<16xf32>
        %add3A_1021 = arith.addf %mul3A_997, %mul3A_1004 : vector<16xf32>
        %add3A_1022 = arith.addf %mul3A_1011, %mul3A_1018 : vector<16xf32>
        %add3A_1023 = arith.addf %add3A_1019, %add3A_1020 : vector<16xf32>
        %add3A_1024 = arith.addf %add3A_1021, %add3A_1022 : vector<16xf32>
        %add3A_1025 = arith.addf %add3A_1023, %add3A_1024 : vector<16xf32>
        %swap3A_1026 = arith.index_cast %add3A_962 : i32 to index
        %swap3A_1027 = arith.constant 0 : index
        %swap3A_1028 = tpu.vector_load %arg14[%swap3A_1026, %swap3A_1027] {strides = array<i32>} : memref<128x24xf32, #tpu.memory_space<vmem>>, vector<16xf32>,
        tpu.vector_store %arg14[%swap3A_1026, %swap3A_1027], %add3A_1025 {strides = array<i32>} : memref<128x24xf32, #tpu.memory_space<vmem>>, vector<16xf32>,
        %mul3A_1029 = arith.constant 16 : i32
        %mul3A_1030 = arith.muli %scan3A_190, %mul3A_1029 : i32
        %add3A_1031 = arith.constant 12 : i32
        %add3A_1032 = arith.addi %mul3A_1030, %add3A_1031 : i32
        %get3A_1033 = arith.index_cast %add3A_1032 : i32 to index
        %get3A_1034 = arith.constant 0 : index
        %get3A_1035 = tpu.vector_load %arg10[%get3A_1033, %get3A_1034] {strides = array<i32>} : memref<128x128xf32, #tpu.memory_space<vmem>>, vector<16xf32>,
        %get3A_1036 = arith.index_cast %add3A_1032 : i32 to index
        %get3A_1037 = arith.constant 0 : index
        %get3A_1038 = tpu.vector_load %arg11[%get3A_1036, %get3A_1037] {strides = array<i32>} : memref<128x128xf32, #tpu.memory_space<vmem>>, vector<16xf32>,
        %mul3A_1039 = arith.mulf %get3A_1035, %get3A_1038 : vector<16xf32>
        %get3A_1040 = arith.index_cast %add3A_1032 : i32 to index
        %get3A_1041 = arith.constant 16 : index
        %get3A_1042 = tpu.vector_load %arg10[%get3A_1040, %get3A_1041] {strides = array<i32>} : memref<128x128xf32, #tpu.memory_space<vmem>>, vector<16xf32>,
        %get3A_1043 = arith.index_cast %add3A_1032 : i32 to index
        %get3A_1044 = arith.constant 16 : index
        %get3A_1045 = tpu.vector_load %arg11[%get3A_1043, %get3A_1044] {strides = array<i32>} : memref<128x128xf32, #tpu.memory_space<vmem>>, vector<16xf32>,
        %mul3A_1046 = arith.mulf %get3A_1042, %get3A_1045 : vector<16xf32>
        %get3A_1047 = arith.index_cast %add3A_1032 : i32 to index
        %get3A_1048 = arith.constant 32 : index
        %get3A_1049 = tpu.vector_load %arg10[%get3A_1047, %get3A_1048] {strides = array<i32>} : memref<128x128xf32, #tpu.memory_space<vmem>>, vector<16xf32>,
        %get3A_1050 = arith.index_cast %add3A_1032 : i32 to index
        %get3A_1051 = arith.constant 32 : index
        %get3A_1052 = tpu.vector_load %arg11[%get3A_1050, %get3A_1051] {strides = array<i32>} : memref<128x128xf32, #tpu.memory_space<vmem>>, vector<16xf32>,
        %mul3A_1053 = arith.mulf %get3A_1049, %get3A_1052 : vector<16xf32>
        %get3A_1054 = arith.index_cast %add3A_1032 : i32 to index
        %get3A_1055 = arith.constant 48 : index
        %get3A_1056 = tpu.vector_load %arg10[%get3A_1054, %get3A_1055] {strides = array<i32>} : memref<128x128xf32, #tpu.memory_space<vmem>>, vector<16xf32>,
        %get3A_1057 = arith.index_cast %add3A_1032 : i32 to index
        %get3A_1058 = arith.constant 48 : index
        %get3A_1059 = tpu.vector_load %arg11[%get3A_1057, %get3A_1058] {strides = array<i32>} : memref<128x128xf32, #tpu.memory_space<vmem>>, vector<16xf32>,
        %mul3A_1060 = arith.mulf %get3A_1056, %get3A_1059 : vector<16xf32>
        %get3A_1061 = arith.index_cast %add3A_1032 : i32 to index
        %get3A_1062 = arith.constant 64 : index
        %get3A_1063 = tpu.vector_load %arg10[%get3A_1061, %get3A_1062] {strides = array<i32>} : memref<128x128xf32, #tpu.memory_space<vmem>>, vector<16xf32>,
        %get3A_1064 = arith.index_cast %add3A_1032 : i32 to index
        %get3A_1065 = arith.constant 64 : index
        %get3A_1066 = tpu.vector_load %arg11[%get3A_1064, %get3A_1065] {strides = array<i32>} : memref<128x128xf32, #tpu.memory_space<vmem>>, vector<16xf32>,
        %mul3A_1067 = arith.mulf %get3A_1063, %get3A_1066 : vector<16xf32>
        %get3A_1068 = arith.index_cast %add3A_1032 : i32 to index
        %get3A_1069 = arith.constant 80 : index
        %get3A_1070 = tpu.vector_load %arg10[%get3A_1068, %get3A_1069] {strides = array<i32>} : memref<128x128xf32, #tpu.memory_space<vmem>>, vector<16xf32>,
        %get3A_1071 = arith.index_cast %add3A_1032 : i32 to index
        %get3A_1072 = arith.constant 80 : index
        %get3A_1073 = tpu.vector_load %arg11[%get3A_1071, %get3A_1072] {strides = array<i32>} : memref<128x128xf32, #tpu.memory_space<vmem>>, vector<16xf32>,
        %mul3A_1074 = arith.mulf %get3A_1070, %get3A_1073 : vector<16xf32>
        %get3A_1075 = arith.index_cast %add3A_1032 : i32 to index
        %get3A_1076 = arith.constant 96 : index
        %get3A_1077 = tpu.vector_load %arg10[%get3A_1075, %get3A_1076] {strides = array<i32>} : memref<128x128xf32, #tpu.memory_space<vmem>>, vector<16xf32>,
        %get3A_1078 = arith.index_cast %add3A_1032 : i32 to index
        %get3A_1079 = arith.constant 96 : index
        %get3A_1080 = tpu.vector_load %arg11[%get3A_1078, %get3A_1079] {strides = array<i32>} : memref<128x128xf32, #tpu.memory_space<vmem>>, vector<16xf32>,
        %mul3A_1081 = arith.mulf %get3A_1077, %get3A_1080 : vector<16xf32>
        %get3A_1082 = arith.index_cast %add3A_1032 : i32 to index
        %get3A_1083 = arith.constant 112 : index
        %get3A_1084 = tpu.vector_load %arg10[%get3A_1082, %get3A_1083] {strides = array<i32>} : memref<128x128xf32, #tpu.memory_space<vmem>>, vector<16xf32>,
        %get3A_1085 = arith.index_cast %add3A_1032 : i32 to index
        %get3A_1086 = arith.constant 112 : index
        %get3A_1087 = tpu.vector_load %arg11[%get3A_1085, %get3A_1086] {strides = array<i32>} : memref<128x128xf32, #tpu.memory_space<vmem>>, vector<16xf32>,
        %mul3A_1088 = arith.mulf %get3A_1084, %get3A_1087 : vector<16xf32>
        %add3A_1089 = arith.addf %mul3A_1039, %mul3A_1046 : vector<16xf32>
        %add3A_1090 = arith.addf %mul3A_1053, %mul3A_1060 : vector<16xf32>
        %add3A_1091 = arith.addf %mul3A_1067, %mul3A_1074 : vector<16xf32>
        %add3A_1092 = arith.addf %mul3A_1081, %mul3A_1088 : vector<16xf32>
        %add3A_1093 = arith.addf %add3A_1089, %add3A_1090 : vector<16xf32>
        %add3A_1094 = arith.addf %add3A_1091, %add3A_1092 : vector<16xf32>
        %add3A_1095 = arith.addf %add3A_1093, %add3A_1094 : vector<16xf32>
        %swap3A_1096 = arith.index_cast %add3A_1032 : i32 to index
        %swap3A_1097 = arith.constant 0 : index
        %swap3A_1098 = tpu.vector_load %arg14[%swap3A_1096, %swap3A_1097] {strides = array<i32>} : memref<128x24xf32, #tpu.memory_space<vmem>>, vector<16xf32>,
        tpu.vector_store %arg14[%swap3A_1096, %swap3A_1097], %add3A_1095 {strides = array<i32>} : memref<128x24xf32, #tpu.memory_space<vmem>>, vector<16xf32>,
        %mul3A_1099 = arith.constant 16 : i32
        %mul3A_1100 = arith.muli %scan3A_190, %mul3A_1099 : i32
        %add3A_1101 = arith.constant 13 : i32
        %add3A_1102 = arith.addi %mul3A_1100, %add3A_1101 : i32
        %get3A_1103 = arith.index_cast %add3A_1102 : i32 to index
        %get3A_1104 = arith.constant 0 : index
        %get3A_1105 = tpu.vector_load %arg10[%get3A_1103, %get3A_1104] {strides = array<i32>} : memref<128x128xf32, #tpu.memory_space<vmem>>, vector<16xf32>,
        %get3A_1106 = arith.index_cast %add3A_1102 : i32 to index
        %get3A_1107 = arith.constant 0 : index
        %get3A_1108 = tpu.vector_load %arg11[%get3A_1106, %get3A_1107] {strides = array<i32>} : memref<128x128xf32, #tpu.memory_space<vmem>>, vector<16xf32>,
        %mul3A_1109 = arith.mulf %get3A_1105, %get3A_1108 : vector<16xf32>
        %get3A_1110 = arith.index_cast %add3A_1102 : i32 to index
        %get3A_1111 = arith.constant 16 : index
        %get3A_1112 = tpu.vector_load %arg10[%get3A_1110, %get3A_1111] {strides = array<i32>} : memref<128x128xf32, #tpu.memory_space<vmem>>, vector<16xf32>,
        %get3A_1113 = arith.index_cast %add3A_1102 : i32 to index
        %get3A_1114 = arith.constant 16 : index
        %get3A_1115 = tpu.vector_load %arg11[%get3A_1113, %get3A_1114] {strides = array<i32>} : memref<128x128xf32, #tpu.memory_space<vmem>>, vector<16xf32>,
        %mul3A_1116 = arith.mulf %get3A_1112, %get3A_1115 : vector<16xf32>
        %get3A_1117 = arith.index_cast %add3A_1102 : i32 to index
        %get3A_1118 = arith.constant 32 : index
        %get3A_1119 = tpu.vector_load %arg10[%get3A_1117, %get3A_1118] {strides = array<i32>} : memref<128x128xf32, #tpu.memory_space<vmem>>, vector<16xf32>,
        %get3A_1120 = arith.index_cast %add3A_1102 : i32 to index
        %get3A_1121 = arith.constant 32 : index
        %get3A_1122 = tpu.vector_load %arg11[%get3A_1120, %get3A_1121] {strides = array<i32>} : memref<128x128xf32, #tpu.memory_space<vmem>>, vector<16xf32>,
        %mul3A_1123 = arith.mulf %get3A_1119, %get3A_1122 : vector<16xf32>
        %get3A_1124 = arith.index_cast %add3A_1102 : i32 to index
        %get3A_1125 = arith.constant 48 : index
        %get3A_1126 = tpu.vector_load %arg10[%get3A_1124, %get3A_1125] {strides = array<i32>} : memref<128x128xf32, #tpu.memory_space<vmem>>, vector<16xf32>,
        %get3A_1127 = arith.index_cast %add3A_1102 : i32 to index
        %get3A_1128 = arith.constant 48 : index
        %get3A_1129 = tpu.vector_load %arg11[%get3A_1127, %get3A_1128] {strides = array<i32>} : memref<128x128xf32, #tpu.memory_space<vmem>>, vector<16xf32>,
        %mul3A_1130 = arith.mulf %get3A_1126, %get3A_1129 : vector<16xf32>
        %get3A_1131 = arith.index_cast %add3A_1102 : i32 to index
        %get3A_1132 = arith.constant 64 : index
        %get3A_1133 = tpu.vector_load %arg10[%get3A_1131, %get3A_1132] {strides = array<i32>} : memref<128x128xf32, #tpu.memory_space<vmem>>, vector<16xf32>,
        %get3A_1134 = arith.index_cast %add3A_1102 : i32 to index
        %get3A_1135 = arith.constant 64 : index
        %get3A_1136 = tpu.vector_load %arg11[%get3A_1134, %get3A_1135] {strides = array<i32>} : memref<128x128xf32, #tpu.memory_space<vmem>>, vector<16xf32>,
        %mul3A_1137 = arith.mulf %get3A_1133, %get3A_1136 : vector<16xf32>
        %get3A_1138 = arith.index_cast %add3A_1102 : i32 to index
        %get3A_1139 = arith.constant 80 : index
        %get3A_1140 = tpu.vector_load %arg10[%get3A_1138, %get3A_1139] {strides = array<i32>} : memref<128x128xf32, #tpu.memory_space<vmem>>, vector<16xf32>,
        %get3A_1141 = arith.index_cast %add3A_1102 : i32 to index
        %get3A_1142 = arith.constant 80 : index
        %get3A_1143 = tpu.vector_load %arg11[%get3A_1141, %get3A_1142] {strides = array<i32>} : memref<128x128xf32, #tpu.memory_space<vmem>>, vector<16xf32>,
        %mul3A_1144 = arith.mulf %get3A_1140, %get3A_1143 : vector<16xf32>
        %get3A_1145 = arith.index_cast %add3A_1102 : i32 to index
        %get3A_1146 = arith.constant 96 : index
        %get3A_1147 = tpu.vector_load %arg10[%get3A_1145, %get3A_1146] {strides = array<i32>} : memref<128x128xf32, #tpu.memory_space<vmem>>, vector<16xf32>,
        %get3A_1148 = arith.index_cast %add3A_1102 : i32 to index
        %get3A_1149 = arith.constant 96 : index
        %get3A_1150 = tpu.vector_load %arg11[%get3A_1148, %get3A_1149] {strides = array<i32>} : memref<128x128xf32, #tpu.memory_space<vmem>>, vector<16xf32>,
        %mul3A_1151 = arith.mulf %get3A_1147, %get3A_1150 : vector<16xf32>
        %get3A_1152 = arith.index_cast %add3A_1102 : i32 to index
        %get3A_1153 = arith.constant 112 : index
        %get3A_1154 = tpu.vector_load %arg10[%get3A_1152, %get3A_1153] {strides = array<i32>} : memref<128x128xf32, #tpu.memory_space<vmem>>, vector<16xf32>,
        %get3A_1155 = arith.index_cast %add3A_1102 : i32 to index
        %get3A_1156 = arith.constant 112 : index
        %get3A_1157 = tpu.vector_load %arg11[%get3A_1155, %get3A_1156] {strides = array<i32>} : memref<128x128xf32, #tpu.memory_space<vmem>>, vector<16xf32>,
        %mul3A_1158 = arith.mulf %get3A_1154, %get3A_1157 : vector<16xf32>
        %add3A_1159 = arith.addf %mul3A_1109, %mul3A_1116 : vector<16xf32>
        %add3A_1160 = arith.addf %mul3A_1123, %mul3A_1130 : vector<16xf32>
        %add3A_1161 = arith.addf %mul3A_1137, %mul3A_1144 : vector<16xf32>
        %add3A_1162 = arith.addf %mul3A_1151, %mul3A_1158 : vector<16xf32>
        %add3A_1163 = arith.addf %add3A_1159, %add3A_1160 : vector<16xf32>
        %add3A_1164 = arith.addf %add3A_1161, %add3A_1162 : vector<16xf32>
        %add3A_1165 = arith.addf %add3A_1163, %add3A_1164 : vector<16xf32>
        %swap3A_1166 = arith.index_cast %add3A_1102 : i32 to index
        %swap3A_1167 = arith.constant 0 : index
        %swap3A_1168 = tpu.vector_load %arg14[%swap3A_1166, %swap3A_1167] {strides = array<i32>} : memref<128x24xf32, #tpu.memory_space<vmem>>, vector<16xf32>,
        tpu.vector_store %arg14[%swap3A_1166, %swap3A_1167], %add3A_1165 {strides = array<i32>} : memref<128x24xf32, #tpu.memory_space<vmem>>, vector<16xf32>,
        %mul3A_1169 = arith.constant 16 : i32
        %mul3A_1170 = arith.muli %scan3A_190, %mul3A_1169 : i32
        %add3A_1171 = arith.constant 14 : i32
        %add3A_1172 = arith.addi %mul3A_1170, %add3A_1171 : i32
        %get3A_1173 = arith.index_cast %add3A_1172 : i32 to index
        %get3A_1174 = arith.constant 0 : index
        %get3A_1175 = tpu.vector_load %arg10[%get3A_1173, %get3A_1174] {strides = array<i32>} : memref<128x128xf32, #tpu.memory_space<vmem>>, vector<16xf32>,
        %get3A_1176 = arith.index_cast %add3A_1172 : i32 to index
        %get3A_1177 = arith.constant 0 : index
        %get3A_1178 = tpu.vector_load %arg11[%get3A_1176, %get3A_1177] {strides = array<i32>} : memref<128x128xf32, #tpu.memory_space<vmem>>, vector<16xf32>,
        %mul3A_1179 = arith.mulf %get3A_1175, %get3A_1178 : vector<16xf32>
        %get3A_1180 = arith.index_cast %add3A_1172 : i32 to index
        %get3A_1181 = arith.constant 16 : index
        %get3A_1182 = tpu.vector_load %arg10[%get3A_1180, %get3A_1181] {strides = array<i32>} : memref<128x128xf32, #tpu.memory_space<vmem>>, vector<16xf32>,
        %get3A_1183 = arith.index_cast %add3A_1172 : i32 to index
        %get3A_1184 = arith.constant 16 : index
        %get3A_1185 = tpu.vector_load %arg11[%get3A_1183, %get3A_1184] {strides = array<i32>} : memref<128x128xf32, #tpu.memory_space<vmem>>, vector<16xf32>,
        %mul3A_1186 = arith.mulf %get3A_1182, %get3A_1185 : vector<16xf32>
        %get3A_1187 = arith.index_cast %add3A_1172 : i32 to index
        %get3A_1188 = arith.constant 32 : index
        %get3A_1189 = tpu.vector_load %arg10[%get3A_1187, %get3A_1188] {strides = array<i32>} : memref<128x128xf32, #tpu.memory_space<vmem>>, vector<16xf32>,
        %get3A_1190 = arith.index_cast %add3A_1172 : i32 to index
        %get3A_1191 = arith.constant 32 : index
        %get3A_1192 = tpu.vector_load %arg11[%get3A_1190, %get3A_1191] {strides = array<i32>} : memref<128x128xf32, #tpu.memory_space<vmem>>, vector<16xf32>,
        %mul3A_1193 = arith.mulf %get3A_1189, %get3A_1192 : vector<16xf32>
        %get3A_1194 = arith.index_cast %add3A_1172 : i32 to index
        %get3A_1195 = arith.constant 48 : index
        %get3A_1196 = tpu.vector_load %arg10[%get3A_1194, %get3A_1195] {strides = array<i32>} : memref<128x128xf32, #tpu.memory_space<vmem>>, vector<16xf32>,
        %get3A_1197 = arith.index_cast %add3A_1172 : i32 to index
        %get3A_1198 = arith.constant 48 : index
        %get3A_1199 = tpu.vector_load %arg11[%get3A_1197, %get3A_1198] {strides = array<i32>} : memref<128x128xf32, #tpu.memory_space<vmem>>, vector<16xf32>,
        %mul3A_1200 = arith.mulf %get3A_1196, %get3A_1199 : vector<16xf32>
        %get3A_1201 = arith.index_cast %add3A_1172 : i32 to index
        %get3A_1202 = arith.constant 64 : index
        %get3A_1203 = tpu.vector_load %arg10[%get3A_1201, %get3A_1202] {strides = array<i32>} : memref<128x128xf32, #tpu.memory_space<vmem>>, vector<16xf32>,
        %get3A_1204 = arith.index_cast %add3A_1172 : i32 to index
        %get3A_1205 = arith.constant 64 : index
        %get3A_1206 = tpu.vector_load %arg11[%get3A_1204, %get3A_1205] {strides = array<i32>} : memref<128x128xf32, #tpu.memory_space<vmem>>, vector<16xf32>,
        %mul3A_1207 = arith.mulf %get3A_1203, %get3A_1206 : vector<16xf32>
        %get3A_1208 = arith.index_cast %add3A_1172 : i32 to index
        %get3A_1209 = arith.constant 80 : index
        %get3A_1210 = tpu.vector_load %arg10[%get3A_1208, %get3A_1209] {strides = array<i32>} : memref<128x128xf32, #tpu.memory_space<vmem>>, vector<16xf32>,
        %get3A_1211 = arith.index_cast %add3A_1172 : i32 to index
        %get3A_1212 = arith.constant 80 : index
        %get3A_1213 = tpu.vector_load %arg11[%get3A_1211, %get3A_1212] {strides = array<i32>} : memref<128x128xf32, #tpu.memory_space<vmem>>, vector<16xf32>,
        %mul3A_1214 = arith.mulf %get3A_1210, %get3A_1213 : vector<16xf32>
        %get3A_1215 = arith.index_cast %add3A_1172 : i32 to index
        %get3A_1216 = arith.constant 96 : index
        %get3A_1217 = tpu.vector_load %arg10[%get3A_1215, %get3A_1216] {strides = array<i32>} : memref<128x128xf32, #tpu.memory_space<vmem>>, vector<16xf32>,
        %get3A_1218 = arith.index_cast %add3A_1172 : i32 to index
        %get3A_1219 = arith.constant 96 : index
        %get3A_1220 = tpu.vector_load %arg11[%get3A_1218, %get3A_1219] {strides = array<i32>} : memref<128x128xf32, #tpu.memory_space<vmem>>, vector<16xf32>,
        %mul3A_1221 = arith.mulf %get3A_1217, %get3A_1220 : vector<16xf32>
        %get3A_1222 = arith.index_cast %add3A_1172 : i32 to index
        %get3A_1223 = arith.constant 112 : index
        %get3A_1224 = tpu.vector_load %arg10[%get3A_1222, %get3A_1223] {strides = array<i32>} : memref<128x128xf32, #tpu.memory_space<vmem>>, vector<16xf32>,
        %get3A_1225 = arith.index_cast %add3A_1172 : i32 to index
        %get3A_1226 = arith.constant 112 : index
        %get3A_1227 = tpu.vector_load %arg11[%get3A_1225, %get3A_1226] {strides = array<i32>} : memref<128x128xf32, #tpu.memory_space<vmem>>, vector<16xf32>,
        %mul3A_1228 = arith.mulf %get3A_1224, %get3A_1227 : vector<16xf32>
        %add3A_1229 = arith.addf %mul3A_1179, %mul3A_1186 : vector<16xf32>
        %add3A_1230 = arith.addf %mul3A_1193, %mul3A_1200 : vector<16xf32>
        %add3A_1231 = arith.addf %mul3A_1207, %mul3A_1214 : vector<16xf32>
        %add3A_1232 = arith.addf %mul3A_1221, %mul3A_1228 : vector<16xf32>
        %add3A_1233 = arith.addf %add3A_1229, %add3A_1230 : vector<16xf32>
        %add3A_1234 = arith.addf %add3A_1231, %add3A_1232 : vector<16xf32>
        %add3A_1235 = arith.addf %add3A_1233, %add3A_1234 : vector<16xf32>
        %swap3A_1236 = arith.index_cast %add3A_1172 : i32 to index
        %swap3A_1237 = arith.constant 0 : index
        %swap3A_1238 = tpu.vector_load %arg14[%swap3A_1236, %swap3A_1237] {strides = array<i32>} : memref<128x24xf32, #tpu.memory_space<vmem>>, vector<16xf32>,
        tpu.vector_store %arg14[%swap3A_1236, %swap3A_1237], %add3A_1235 {strides = array<i32>} : memref<128x24xf32, #tpu.memory_space<vmem>>, vector<16xf32>,
        %mul3A_1239 = arith.constant 16 : i32
        %mul3A_1240 = arith.muli %scan3A_190, %mul3A_1239 : i32
        %add3A_1241 = arith.constant 15 : i32
        %add3A_1242 = arith.addi %mul3A_1240, %add3A_1241 : i32
        %get3A_1243 = arith.index_cast %add3A_1242 : i32 to index
        %get3A_1244 = arith.constant 0 : index
        %get3A_1245 = tpu.vector_load %arg10[%get3A_1243, %get3A_1244] {strides = array<i32>} : memref<128x128xf32, #tpu.memory_space<vmem>>, vector<16xf32>,
        %get3A_1246 = arith.index_cast %add3A_1242 : i32 to index
        %get3A_1247 = arith.constant 0 : index
        %get3A_1248 = tpu.vector_load %arg11[%get3A_1246, %get3A_1247] {strides = array<i32>} : memref<128x128xf32, #tpu.memory_space<vmem>>, vector<16xf32>,
        %mul3A_1249 = arith.mulf %get3A_1245, %get3A_1248 : vector<16xf32>
        %get3A_1250 = arith.index_cast %add3A_1242 : i32 to index
        %get3A_1251 = arith.constant 16 : index
        %get3A_1252 = tpu.vector_load %arg10[%get3A_1250, %get3A_1251] {strides = array<i32>} : memref<128x128xf32, #tpu.memory_space<vmem>>, vector<16xf32>,
        %get3A_1253 = arith.index_cast %add3A_1242 : i32 to index
        %get3A_1254 = arith.constant 16 : index
        %get3A_1255 = tpu.vector_load %arg11[%get3A_1253, %get3A_1254] {strides = array<i32>} : memref<128x128xf32, #tpu.memory_space<vmem>>, vector<16xf32>,
        %mul3A_1256 = arith.mulf %get3A_1252, %get3A_1255 : vector<16xf32>
        %get3A_1257 = arith.index_cast %add3A_1242 : i32 to index
        %get3A_1258 = arith.constant 32 : index
        %get3A_1259 = tpu.vector_load %arg10[%get3A_1257, %get3A_1258] {strides = array<i32>} : memref<128x128xf32, #tpu.memory_space<vmem>>, vector<16xf32>,
        %get3A_1260 = arith.index_cast %add3A_1242 : i32 to index
        %get3A_1261 = arith.constant 32 : index
        %get3A_1262 = tpu.vector_load %arg11[%get3A_1260, %get3A_1261] {strides = array<i32>} : memref<128x128xf32, #tpu.memory_space<vmem>>, vector<16xf32>,
        %mul3A_1263 = arith.mulf %get3A_1259, %get3A_1262 : vector<16xf32>
        %get3A_1264 = arith.index_cast %add3A_1242 : i32 to index
        %get3A_1265 = arith.constant 48 : index
        %get3A_1266 = tpu.vector_load %arg10[%get3A_1264, %get3A_1265] {strides = array<i32>} : memref<128x128xf32, #tpu.memory_space<vmem>>, vector<16xf32>,
        %get3A_1267 = arith.index_cast %add3A_1242 : i32 to index
        %get3A_1268 = arith.constant 48 : index
        %get3A_1269 = tpu.vector_load %arg11[%get3A_1267, %get3A_1268] {strides = array<i32>} : memref<128x128xf32, #tpu.memory_space<vmem>>, vector<16xf32>,
        %mul3A_1270 = arith.mulf %get3A_1266, %get3A_1269 : vector<16xf32>
        %get3A_1271 = arith.index_cast %add3A_1242 : i32 to index
        %get3A_1272 = arith.constant 64 : index
        %get3A_1273 = tpu.vector_load %arg10[%get3A_1271, %get3A_1272] {strides = array<i32>} : memref<128x128xf32, #tpu.memory_space<vmem>>, vector<16xf32>,
        %get3A_1274 = arith.index_cast %add3A_1242 : i32 to index
        %get3A_1275 = arith.constant 64 : index
        %get3A_1276 = tpu.vector_load %arg11[%get3A_1274, %get3A_1275] {strides = array<i32>} : memref<128x128xf32, #tpu.memory_space<vmem>>, vector<16xf32>,
        %mul3A_1277 = arith.mulf %get3A_1273, %get3A_1276 : vector<16xf32>
        %get3A_1278 = arith.index_cast %add3A_1242 : i32 to index
        %get3A_1279 = arith.constant 80 : index
        %get3A_1280 = tpu.vector_load %arg10[%get3A_1278, %get3A_1279] {strides = array<i32>} : memref<128x128xf32, #tpu.memory_space<vmem>>, vector<16xf32>,
        %get3A_1281 = arith.index_cast %add3A_1242 : i32 to index
        %get3A_1282 = arith.constant 80 : index
        %get3A_1283 = tpu.vector_load %arg11[%get3A_1281, %get3A_1282] {strides = array<i32>} : memref<128x128xf32, #tpu.memory_space<vmem>>, vector<16xf32>,
        %mul3A_1284 = arith.mulf %get3A_1280, %get3A_1283 : vector<16xf32>
        %get3A_1285 = arith.index_cast %add3A_1242 : i32 to index
        %get3A_1286 = arith.constant 96 : index
        %get3A_1287 = tpu.vector_load %arg10[%get3A_1285, %get3A_1286] {strides = array<i32>} : memref<128x128xf32, #tpu.memory_space<vmem>>, vector<16xf32>,
        %get3A_1288 = arith.index_cast %add3A_1242 : i32 to index
        %get3A_1289 = arith.constant 96 : index
        %get3A_1290 = tpu.vector_load %arg11[%get3A_1288, %get3A_1289] {strides = array<i32>} : memref<128x128xf32, #tpu.memory_space<vmem>>, vector<16xf32>,
        %mul3A_1291 = arith.mulf %get3A_1287, %get3A_1290 : vector<16xf32>
        %get3A_1292 = arith.index_cast %add3A_1242 : i32 to index
        %get3A_1293 = arith.constant 112 : index
        %get3A_1294 = tpu.vector_load %arg10[%get3A_1292, %get3A_1293] {strides = array<i32>} : memref<128x128xf32, #tpu.memory_space<vmem>>, vector<16xf32>,
        %get3A_1295 = arith.index_cast %add3A_1242 : i32 to index
        %get3A_1296 = arith.constant 112 : index
        %get3A_1297 = tpu.vector_load %arg11[%get3A_1295, %get3A_1296] {strides = array<i32>} : memref<128x128xf32, #tpu.memory_space<vmem>>, vector<16xf32>,
        %mul3A_1298 = arith.mulf %get3A_1294, %get3A_1297 : vector<16xf32>
        %add3A_1299 = arith.addf %mul3A_1249, %mul3A_1256 : vector<16xf32>
        %add3A_1300 = arith.addf %mul3A_1263, %mul3A_1270 : vector<16xf32>
        %add3A_1301 = arith.addf %mul3A_1277, %mul3A_1284 : vector<16xf32>
        %add3A_1302 = arith.addf %mul3A_1291, %mul3A_1298 : vector<16xf32>
        %add3A_1303 = arith.addf %add3A_1299, %add3A_1300 : vector<16xf32>
        %add3A_1304 = arith.addf %add3A_1301, %add3A_1302 : vector<16xf32>
        %add3A_1305 = arith.addf %add3A_1303, %add3A_1304 : vector<16xf32>
        %swap3A_1306 = arith.index_cast %add3A_1242 : i32 to index
        %swap3A_1307 = arith.constant 0 : index
        %swap3A_1308 = tpu.vector_load %arg14[%swap3A_1306, %swap3A_1307] {strides = array<i32>} : memref<128x24xf32, #tpu.memory_space<vmem>>, vector<16xf32>,
        tpu.vector_store %arg14[%swap3A_1306, %swap3A_1307], %add3A_1305 {strides = array<i32>} : memref<128x24xf32, #tpu.memory_space<vmem>>, vector<16xf32>,
      }
      %scan3A_176 = arith.constant 8 : i32
      %scan3A_177 = arith.constant 0 : i32
      %scan3A_178 = arith.constant 0 : i32
      %scan3A_179 = arith.constant 8 : i32
      %scan3A_180 = arith.addi %scan3A_178, %scan3A_179 : i32
      %scan3A_181 = arith.constant 1 : i32
      scf.for %scan3A_190 = %scan3A_178 to %scan3A_180 step %scan3A_181  : i32 {
        %mul3A_191 = arith.constant 16 : i32
        %mul3A_192 = arith.muli %scan3A_190, %mul3A_191 : i32
        %add3A_193 = vector.broadcast %mul3A_192 : i32 to vector<16xi32>
        %add3A_194 = arith.addi %add3A_193, %iota3A : vector<16xi32>
        %broadcast_in_dim3A = arith.constant 0 : i32
        %broadcast_in_dim3A_195 = vector.broadcast %broadcast_in_dim3A : i32 to vector<16xi32>
        %gather3A = tpu.vector_load_idx %arg14[%add3A_194, %broadcast_in_dim3A_195] : memref<128x24xf32, #tpu.memory_space<vmem>>[vector<16xi32>, vector<16xi32>], vector<16xf32>,
        %broadcast_in_dim3A_196 = arith.constant 1 : i32
        %broadcast_in_dim3A_197 = vector.broadcast %broadcast_in_dim3A_196 : i32 to vector<16xi32>
        %gather3A_198 = tpu.vector_load_idx %arg14[%add3A_194, %broadcast_in_dim3A_197] : memref<128x24xf32, #tpu.memory_space<vmem>>[vector<16xi32>, vector<16xi32>], vector<16xf32>,
        %broadcast_in_dim3A_199 = arith.constant 2 : i32
        %broadcast_in_dim3A_200 = vector.broadcast %broadcast_in_dim3A_199 : i32 to vector<16xi32>
        %gather3A_201 = tpu.vector_load_idx %arg14[%add3A_194, %broadcast_in_dim3A_200] : memref<128x24xf32, #tpu.memory_space<vmem>>[vector<16xi32>, vector<16xi32>], vector<16xf32>,
        %broadcast_in_dim3A_202 = arith.constant 3 : i32
        %broadcast_in_dim3A_203 = vector.broadcast %broadcast_in_dim3A_202 : i32 to vector<16xi32>
        %gather3A_204 = tpu.vector_load_idx %arg14[%add3A_194, %broadcast_in_dim3A_203] : memref<128x24xf32, #tpu.memory_space<vmem>>[vector<16xi32>, vector<16xi32>], vector<16xf32>,
        %broadcast_in_dim3A_205 = arith.constant 4 : i32
        %broadcast_in_dim3A_206 = vector.broadcast %broadcast_in_dim3A_205 : i32 to vector<16xi32>
        %gather3A_207 = tpu.vector_load_idx %arg14[%add3A_194, %broadcast_in_dim3A_206] : memref<128x24xf32, #tpu.memory_space<vmem>>[vector<16xi32>, vector<16xi32>], vector<16xf32>,
        %broadcast_in_dim3A_208 = arith.constant 5 : i32
        %broadcast_in_dim3A_209 = vector.broadcast %broadcast_in_dim3A_208 : i32 to vector<16xi32>
        %gather3A_210 = tpu.vector_load_idx %arg14[%add3A_194, %broadcast_in_dim3A_209] : memref<128x24xf32, #tpu.memory_space<vmem>>[vector<16xi32>, vector<16xi32>], vector<16xf32>,
        %broadcast_in_dim3A_211 = arith.constant 6 : i32
        %broadcast_in_dim3A_212 = vector.broadcast %broadcast_in_dim3A_211 : i32 to vector<16xi32>
        %gather3A_213 = tpu.vector_load_idx %arg14[%add3A_194, %broadcast_in_dim3A_212] : memref<128x24xf32, #tpu.memory_space<vmem>>[vector<16xi32>, vector<16xi32>], vector<16xf32>,
        %broadcast_in_dim3A_214 = arith.constant 7 : i32
        %broadcast_in_dim3A_215 = vector.broadcast %broadcast_in_dim3A_214 : i32 to vector<16xi32>
        %gather3A_216 = tpu.vector_load_idx %arg14[%add3A_194, %broadcast_in_dim3A_215] : memref<128x24xf32, #tpu.memory_space<vmem>>[vector<16xi32>, vector<16xi32>], vector<16xf32>,
        %broadcast_in_dim3A_217 = arith.constant 8 : i32
        %broadcast_in_dim3A_218 = vector.broadcast %broadcast_in_dim3A_217 : i32 to vector<16xi32>
        %gather3A_219 = tpu.vector_load_idx %arg14[%add3A_194, %broadcast_in_dim3A_218] : memref<128x24xf32, #tpu.memory_space<vmem>>[vector<16xi32>, vector<16xi32>], vector<16xf32>,
        %broadcast_in_dim3A_220 = arith.constant 9 : i32
        %broadcast_in_dim3A_221 = vector.broadcast %broadcast_in_dim3A_220 : i32 to vector<16xi32>
        %gather3A_222 = tpu.vector_load_idx %arg14[%add3A_194, %broadcast_in_dim3A_221] : memref<128x24xf32, #tpu.memory_space<vmem>>[vector<16xi32>, vector<16xi32>], vector<16xf32>,
        %broadcast_in_dim3A_223 = arith.constant 10 : i32
        %broadcast_in_dim3A_224 = vector.broadcast %broadcast_in_dim3A_223 : i32 to vector<16xi32>
        %gather3A_225 = tpu.vector_load_idx %arg14[%add3A_194, %broadcast_in_dim3A_224] : memref<128x24xf32, #tpu.memory_space<vmem>>[vector<16xi32>, vector<16xi32>], vector<16xf32>,
        %broadcast_in_dim3A_226 = arith.constant 11 : i32
        %broadcast_in_dim3A_227 = vector.broadcast %broadcast_in_dim3A_226 : i32 to vector<16xi32>
        %gather3A_228 = tpu.vector_load_idx %arg14[%add3A_194, %broadcast_in_dim3A_227] : memref<128x24xf32, #tpu.memory_space<vmem>>[vector<16xi32>, vector<16xi32>], vector<16xf32>,
        %broadcast_in_dim3A_229 = arith.constant 12 : i32
        %broadcast_in_dim3A_230 = vector.broadcast %broadcast_in_dim3A_229 : i32 to vector<16xi32>
        %gather3A_231 = tpu.vector_load_idx %arg14[%add3A_194, %broadcast_in_dim3A_230] : memref<128x24xf32, #tpu.memory_space<vmem>>[vector<16xi32>, vector<16xi32>], vector<16xf32>,
        %broadcast_in_dim3A_232 = arith.constant 13 : i32
        %broadcast_in_dim3A_233 = vector.broadcast %broadcast_in_dim3A_232 : i32 to vector<16xi32>
        %gather3A_234 = tpu.vector_load_idx %arg14[%add3A_194, %broadcast_in_dim3A_233] : memref<128x24xf32, #tpu.memory_space<vmem>>[vector<16xi32>, vector<16xi32>], vector<16xf32>,
        %broadcast_in_dim3A_235 = arith.constant 14 : i32
        %broadcast_in_dim3A_236 = vector.broadcast %broadcast_in_dim3A_235 : i32 to vector<16xi32>
        %gather3A_237 = tpu.vector_load_idx %arg14[%add3A_194, %broadcast_in_dim3A_236] : memref<128x24xf32, #tpu.memory_space<vmem>>[vector<16xi32>, vector<16xi32>], vector<16xf32>,
        %broadcast_in_dim3A_238 = arith.constant 15 : i32
        %broadcast_in_dim3A_239 = vector.broadcast %broadcast_in_dim3A_238 : i32 to vector<16xi32>
        %gather3A_240 = tpu.vector_load_idx %arg14[%add3A_194, %broadcast_in_dim3A_239] : memref<128x24xf32, #tpu.memory_space<vmem>>[vector<16xi32>, vector<16xi32>], vector<16xf32>,
        %add3A_241 = arith.addf %gather3A, %gather3A_198 : vector<16xf32>
        %add3A_242 = arith.addf %gather3A_201, %gather3A_204 : vector<16xf32>
        %add3A_243 = arith.addf %gather3A_207, %gather3A_210 : vector<16xf32>
        %add3A_244 = arith.addf %gather3A_213, %gather3A_216 : vector<16xf32>
        %add3A_245 = arith.addf %gather3A_219, %gather3A_222 : vector<16xf32>
        %add3A_246 = arith.addf %gather3A_225, %gather3A_228 : vector<16xf32>
        %add3A_247 = arith.addf %gather3A_231, %gather3A_234 : vector<16xf32>
        %add3A_248 = arith.addf %gather3A_237, %gather3A_240 : vector<16xf32>
        %add3A_249 = arith.addf %add3A_241, %add3A_242 : vector<16xf32>
        %add3A_250 = arith.addf %add3A_243, %add3A_244 : vector<16xf32>
        %add3A_251 = arith.addf %add3A_245, %add3A_246 : vector<16xf32>
        %add3A_252 = arith.addf %add3A_247, %add3A_248 : vector<16xf32>
        %add3A_253 = arith.addf %add3A_249, %add3A_250 : vector<16xf32>
        %add3A_254 = arith.addf %add3A_251, %add3A_252 : vector<16xf32>
        %add3A_255 = arith.addf %add3A_253, %add3A_254 : vector<16xf32>
        %mul3A_256 = arith.constant 128 : i32
        %mul3A_257 = arith.muli %add3A_138, %mul3A_256 : i32
        %mul3A_258 = arith.constant 16 : i32
        %mul3A_259 = arith.muli %scan3A_190, %mul3A_258 : i32
        %add3A_260 = arith.addi %mul3A_257, %mul3A_259 : i32
        %swap3A = arith.index_cast %add3A_260 : i32 to index
        %swap3A_261 = tpu.vector_load %arg12[%swap3A] {strides = array<i32>} : memref<3072xf32, #tpu.memory_space<vmem>>, vector<16xf32>,
        tpu.vector_store %arg12[%swap3A], %add3A_255 {strides = array<i32>} : memref<3072xf32, #tpu.memory_space<vmem>>, vector<16xf32>,
      }
      %scan3A_182 = arith.constant 8 : i32
      %add3A_183 = arith.constant 2 : i32
      %add3A_184 = arith.addi %add3A_138, %add3A_183 : i32
      %lt3A_185 = arith.constant 24 : i32
      %lt3A_186 = arith.cmpi slt, %add3A_184, %lt3A_185 : i32
      %convert_element_type3A_187 = arith.extui %lt3A_186 : i1 to i32
      %cond3A_188 = arith.constant 0 : i32
      %cond3A_189 = arith.cmpi ne, %convert_element_type3A_187, %cond3A_188 : i32
      scf.if %cond3A_189 {
        %add3A_190 = arith.constant 2 : i32
        %add3A_191 = arith.addi %add3A_138, %add3A_190 : i32
        %mul3A_192 = arith.constant 128 : i32
        %mul3A_193 = arith.muli %add3A_191, %mul3A_192 : i32
        %add3A_194 = arith.constant 0 : i32
        %add3A_195 = arith.addi %mul3A_193, %add3A_194 : i32
        %dma_start3A_196 = arith.constant 0 : i32
        %dma_start3A_197 = arith.constant 0 : i32
        %dma_start3A_198 = tpu.memref_slice %arg10[%dma_start3A_196, %dma_start3A_197] : memref<128x128xf32, #tpu.memory_space<vmem>> -> memref<64x128xf32, #tpu.memory_space<vmem>>
        %dma_start3A_199 = tpu.memref_slice %arg6[%add3A_195] : memref<3072xi32, #tpu.memory_space<vmem>> -> memref<64xi32, #tpu.memory_space<vmem>>
        %dma_start3A_200 = arith.constant 0 : i32
        %dma_start3A_201 = arith.constant 0 : i32
        %dma_start3A_202 = tpu.memref_slice %arg3[%dma_start3A_200, %dma_start3A_201] : memref<100000x128xf32, #tpu.memory_space<hbm>> -> memref<100000x128xf32, #tpu.memory_space<hbm>>
        tpu.enqueue_indirect_dma source(%dma_start3A_202 : memref<100000x128xf32, #tpu.memory_space<hbm>>) target(%dma_start3A_198 : memref<64x128xf32, #tpu.memory_space<vmem>>) offsets(%dma_start3A_199 : memref<64xi32, #tpu.memory_space<vmem>>) semaphore(%arg19 : memref<!tpu.dma_semaphore, #tpu.memory_space<semaphore_mem>>)
        %dma_start3A_203 = arith.constant 0 : i32
        %dma_start3A_204 = arith.constant 0 : i32
        %dma_start3A_205 = tpu.memref_slice %arg11[%dma_start3A_203, %dma_start3A_204] : memref<128x128xf32, #tpu.memory_space<vmem>> -> memref<64x128xf32, #tpu.memory_space<vmem>>
        %dma_start3A_206 = tpu.memref_slice %arg7[%add3A_195] : memref<3072xi32, #tpu.memory_space<vmem>> -> memref<64xi32, #tpu.memory_space<vmem>>
        %dma_start3A_207 = arith.constant 0 : i32
        %dma_start3A_208 = arith.constant 0 : i32
        %dma_start3A_209 = tpu.memref_slice %arg4[%dma_start3A_207, %dma_start3A_208] : memref<100000x128xf32, #tpu.memory_space<hbm>> -> memref<100000x128xf32, #tpu.memory_space<hbm>>
        tpu.enqueue_indirect_dma source(%dma_start3A_209 : memref<100000x128xf32, #tpu.memory_space<hbm>>) target(%dma_start3A_205 : memref<64x128xf32, #tpu.memory_space<vmem>>) offsets(%dma_start3A_206 : memref<64xi32, #tpu.memory_space<vmem>>) semaphore(%arg20 : memref<!tpu.dma_semaphore, #tpu.memory_space<semaphore_mem>>)
        %mul3A_210 = arith.constant 128 : i32
        %mul3A_211 = arith.muli %add3A_191, %mul3A_210 : i32
        %add3A_212 = arith.constant 64 : i32
        %add3A_213 = arith.addi %mul3A_211, %add3A_212 : i32
        %dma_start3A_214 = arith.constant 64 : i32
        %dma_start3A_215 = arith.constant 0 : i32
        %dma_start3A_216 = tpu.memref_slice %arg10[%dma_start3A_214, %dma_start3A_215] : memref<128x128xf32, #tpu.memory_space<vmem>> -> memref<64x128xf32, #tpu.memory_space<vmem>>
        %dma_start3A_217 = tpu.memref_slice %arg6[%add3A_213] : memref<3072xi32, #tpu.memory_space<vmem>> -> memref<64xi32, #tpu.memory_space<vmem>>
        %dma_start3A_218 = arith.constant 0 : i32
        %dma_start3A_219 = arith.constant 0 : i32
        %dma_start3A_220 = tpu.memref_slice %arg3[%dma_start3A_218, %dma_start3A_219] : memref<100000x128xf32, #tpu.memory_space<hbm>> -> memref<100000x128xf32, #tpu.memory_space<hbm>>
        tpu.enqueue_indirect_dma source(%dma_start3A_220 : memref<100000x128xf32, #tpu.memory_space<hbm>>) target(%dma_start3A_216 : memref<64x128xf32, #tpu.memory_space<vmem>>) offsets(%dma_start3A_217 : memref<64xi32, #tpu.memory_space<vmem>>) semaphore(%arg19 : memref<!tpu.dma_semaphore, #tpu.memory_space<semaphore_mem>>)
        %dma_start3A_221 = arith.constant 64 : i32
        %dma_start3A_222 = arith.constant 0 : i32
        %dma_start3A_223 = tpu.memref_slice %arg11[%dma_start3A_221, %dma_start3A_222] : memref<128x128xf32, #tpu.memory_space<vmem>> -> memref<64x128xf32, #tpu.memory_space<vmem>>
        %dma_start3A_224 = tpu.memref_slice %arg7[%add3A_213] : memref<3072xi32, #tpu.memory_space<vmem>> -> memref<64xi32, #tpu.memory_space<vmem>>
        %dma_start3A_225 = arith.constant 0 : i32
        %dma_start3A_226 = arith.constant 0 : i32
        %dma_start3A_227 = tpu.memref_slice %arg4[%dma_start3A_225, %dma_start3A_226] : memref<100000x128xf32, #tpu.memory_space<hbm>> -> memref<100000x128xf32, #tpu.memory_space<hbm>>
        tpu.enqueue_indirect_dma source(%dma_start3A_227 : memref<100000x128xf32, #tpu.memory_space<hbm>>) target(%dma_start3A_223 : memref<64x128xf32, #tpu.memory_space<vmem>>) offsets(%dma_start3A_224 : memref<64xi32, #tpu.memory_space<vmem>>) semaphore(%arg20 : memref<!tpu.dma_semaphore, #tpu.memory_space<semaphore_mem>>)
      } else {
      }
    }
    %scan3A_79 = arith.constant 12 : i32
    %dma_start3A_80 = tpu.memref_slice %arg5[%mul3A_2] : memref<98304xf32, #tpu.memory_space<hbm>> -> memref<3072xf32, #tpu.memory_space<hbm>>
    %dma_start3A_81 = tpu.memref_slice %arg5[%mul3A_2] : memref<98304xf32, #tpu.memory_space<hbm>> -> memref<3072xf32, #tpu.memory_space<hbm>>
    tpu.enqueue_dma source(%arg12 : memref<3072xf32, #tpu.memory_space<vmem>>) target(%dma_start3A_81 : memref<3072xf32, #tpu.memory_space<hbm>>) target_semaphore(%arg21 : memref<!tpu.dma_semaphore, #tpu.memory_space<semaphore_mem>>)
    %dma_wait3A_82 = tpu.memref_slice %arg5[%mul3A_2] : memref<98304xf32, #tpu.memory_space<hbm>> -> memref<3072xf32, #tpu.memory_space<hbm>>
    %dma_wait3A_83 = tpu.memref_slice %arg5[%mul3A_2] : memref<98304xf32, #tpu.memory_space<hbm>> -> memref<3072xf32, #tpu.memory_space<hbm>>
    tpu.wait_dma2 semaphore(%arg21 : memref<!tpu.dma_semaphore, #tpu.memory_space<semaphore_mem>>) src(%arg12 : memref<3072xf32, #tpu.memory_space<vmem>>) dst(%dma_wait3A_83 : memref<3072xf32, #tpu.memory_space<hbm>>)
    return
  }
}

module attributes {stable_mosaic.version = 14 : i64} {
  func.func @_tc_loss_body(%arg0: memref<768x128xf32, #tpu.memory_space<vmem>>, %arg1: memref<768x128xf32, #tpu.memory_space<vmem>>, %arg2: memref<1x1xf32, #tpu.memory_space<smem>>) attributes {dimension_semantics = [], scalar_prefetch = 0 : i64, scratch_operands = 0 : i64, tpu.core_type = #tpu.core_type<tc>} {
    %get3A = arith.constant 0 : index
    %get3A_0 = arith.constant 0 : index
    %get3A_1 = vector.load %arg1[%get3A, %get3A_0] : memref<768x128xf32, #tpu.memory_space<vmem>>, vector<768x128xf32>
    %get3A_2 = arith.constant 0 : index
    %get3A_3 = arith.constant 0 : index
    %get3A_4 = vector.load %arg0[%get3A_2, %get3A_3] : memref<768x128xf32, #tpu.memory_space<vmem>>, vector<768x128xf32>
    %mul3A = arith.mulf %get3A_1, %get3A_4 : vector<768x128xf32>
    %min3A = arith.constant 0.000000e+00 : f32
    %min3A_5 = vector.broadcast %min3A : f32 to vector<768x128xf32>
    %min3A_6 = arith.minimumf %mul3A, %min3A_5 : vector<768x128xf32>
    %abs3A = math.absf %mul3A : vector<768x128xf32>
    %neg3A = arith.constant 0.000000e+00 : f32
    %neg3A_7 = vector.broadcast %neg3A : f32 to vector<768x128xf32>
    %neg3A_8 = arith.subf %neg3A_7, %abs3A : vector<768x128xf32>
    %exp3A = math.exp %neg3A_8 : vector<768x128xf32>
    %log1p3A = math.log1p %exp3A : vector<768x128xf32>
    %sub3A = arith.subf %min3A_6, %log1p3A : vector<768x128xf32>
    %reduce_sum3A = vector.shape_cast %sub3A : vector<768x128xf32> to vector<1x768x128xf32>
    %reduce_sum3A_9 = arith.constant dense<0.000000e+00> : vector<1xf32>
    %reduce_sum3A_10 = vector.multi_reduction <add>, %reduce_sum3A, %reduce_sum3A_9 [1, 2] : vector<1x768x128xf32> to vector<1xf32>
    %reduce_sum3A_11 = vector.shape_cast %reduce_sum3A_10 : vector<1xf32> to vector<1x1x1xf32>
    %reduce_sum3A_12 = vector.extract %reduce_sum3A_11[0, 0, 0] : f32 from vector<1x1x1xf32>
    %neg3A_13 = arith.constant 0.000000e+00 : f32
    %neg3A_14 = arith.subf %neg3A_13, %reduce_sum3A_12 : f32
    %mul3A_15 = arith.constant 6.10351563E-5 : f32
    %mul3A_16 = arith.mulf %neg3A_14, %mul3A_15 : f32
    %swap3A = arith.constant 0 : index
    %swap3A_17 = arith.constant 0 : index
    %swap3A_18 = memref.load %arg2[%swap3A, %swap3A_17] : memref<1x1xf32, #tpu.memory_space<smem>>
    memref.store %mul3A_16, %arg2[%swap3A, %swap3A_17] : memref<1x1xf32, #tpu.memory_space<smem>>
    return
  }
}

</mosaic_0001>

<sc_bundles>
// kernel: kernel.4.cloned.1.call-start
scs
__scs_entry_jumppad:
0x0: {  	(pc) =	sbr.rel $0x88, $3  }
0x1: {  	(tag) =	ssettag $0x0;
	lr =	simm.s32 $0x1  }
0x2: {  	[smem:$0x3F9C] =	sst lr;
	_ =	strace $0xD0000000  }
0x3: {  	_ = 	snop  }
0x4: {  	_ = 	snop  }
0x5: {  	_ = 	snop  }
0x6: {  	_ = 	snop  }
0x7: {  	_ = 	snop  }
__scs_overlays_trampoline_lowered:
0x8: {  	[smem:$0x3FAB] =	sst s0  }
0x9: {  	[smem:$0x3FAC] =	sst s1  }
0xa: {  	[smem:$0x3FAD] =	sst s2  }
0xb: {  	[smem:$0x3FAE] =	sst s3  }
0xc: {  	[smem:$0x3FAF] =	sst s4  }
0xd: {  	[smem:$0x3FB0] =	sst s5  }
0xe: {  	[smem:$0x3FB1] =	sst s6  }
0xf: {  	[smem:$0x3FB2] =	sst s7  }
0x10: {  	[smem:$0x3FB3] =	sst s8  }
0x11: {  	[smem:$0x3FB4] =	sst s9;
	s0 =	simm.s32 @!p0 $0x0  }
0x12: {  	s1 =	sld [smem:$0x3F9A];
	s0 =	simm.s32 @p0 $0x1  }
0x13: {  	[smem:$0x3FB5] =	sst s0;
	s0 =	simm.s32 @!p1 $0x0  }
0x14: {  	s2 =	sld [smem:$0x3F99];
	s0 =	simm.s32 @p1 $0x1  }
0x15: {  	[smem:$0x3FB6] =	sst s0;
	s0 =	simm.s32 @!p2 $0x0  }
0x16: {  	s3 =	sld [smem:$0x3FDB];
	s0 =	simm.s32 @p2 $0x1  }
0x17: {  	s4 =	simm.s32 $0x1BF5;
	[smem:$0x3FB8] =	sst s0  }
0x18: {  	s0 =	sld [smem:$0x3F9B];
	_ =	swait.ge [sflag:s4], $0x0  }
0x19: {  	s7 =	sld [smem:$0x3F9C]  }
0x1a: {  	s8 =	sadd.s32 $0xFFFFE003, lr  }
0x1b: {  	s9 =	sadd.s32 $0xFFFFFEF7, lr;
	s5 =	simm.s32 $0xFFFFFFFF;
	p2 =	slt.u32 s8, $0xFFFFF086  }
0x1c: {  	p1 =	slt.u32 s9, $0xF7A;
	s5 =	simm.s32 @!p2 $0x0  }
0x1d: {  	s5 =	simm.s32 @p1 $0x1;
	p0 =	seq.s32 s7, s2  }
0x1e: {  	s7 =	smul.u32 @!p0 $0xF7A, s2;
	p2 =	seq.s32 @!p0 s5, $0x0  }
0x1f: {  	s9 =	smul.u32 $0xF7A, s1;
	s8 =	simm.s32 @!p0 $0x1BF5;
	p2 =	por !p2, p0  }
0x20: {  	[sflag:s8] =	ssyncset.s32 @!p0 $0xFFFFF086;
	s6 =	sadd.s32 @!p0 s3, s7;
	s7 =	simm.s32 @!p0 $0x108  }
0x21: {  	s3 =	sadd.s32 s3, s9;
	s6 =	sadd.s32 @!p0 $0x88, s6;
	s7 =	simm.s32 @p2 $0x1082  }
0x22: {  	[simem:s7], [sflag:s8] =	dma.local @!p0 [hbm:s6], $0xF7A  }
0x23: {  	s9 =	sor.u32 $0xD0000000, s2;
	s6 =	simm.s32 $0x108;
	_ =	swait.ge @!p0 [sflag:s8], $0x0  }
0x24: {  	s3 =	sadd.s32 $0x88, s3;
	s6 =	simm.s32 @!p1 $0x1082;
	[sflag:s4] =	ssyncset.s32 $0xFFFFF086  }
0x25: {  	[simem:s6], [sflag:s4] =	dma.local [hbm:s3], $0xF7A  }
0x26: {  	[smem:$0x3F9C] =	sst s1;
	(tag) =	ssettag s2;
	_ =	strace s9  }
0x27: {  	s1 =	sld [smem:$0x3FAC]  }
0x28: {  	s2 =	sld [smem:$0x3FAD]  }
0x29: {  	s4 =	sld [smem:$0x3FAF]  }
0x2a: {  	p0 =	seq.s32 s5, $0x0;
	s5 =	sld [smem:$0x3FB0]  }
0x2b: {  	s6 =	sld [smem:$0x3FB1]  }
0x2c: {  	s7 =	sld [smem:$0x3FB2]  }
0x2d: {  	s3 =	simm.s32 $0x108;
	s8 =	sld [smem:$0x3FB3]  }
0x2e: {  	s3 =	simm.s32 @!p0 $0x1082;
	s9 =	sld [smem:$0x3FB4]  }
0x2f: {  	lr =	sadd.s32 s0, s3;
	s0 =	sld [smem:$0x3FAB]  }
0x30: {  	s3 =	sld [smem:$0x3FAE]  }
0x31: {  	[smem:$0x3FB7] =	sst s10  }
0x32: {  	s10 =	sld [smem:$0x3FB5];
	_ =	sdelay $0x3  }
0x33: {  	p0 =	seq.s32 s10, $0x1;
	s10 =	sld [smem:$0x3FB7];
	_ =	sdelay $0x3  }
0x34: {  	[smem:$0x3FB7] =	sst s10  }
0x35: {  	s10 =	sld [smem:$0x3FB6];
	_ =	sdelay $0x3  }
0x36: {  	p1 =	seq.s32 s10, $0x1;
	s10 =	sld [smem:$0x3FB7];
	_ =	sdelay $0x3  }
0x37: {  	[smem:$0x3FB7] =	sst s10  }
0x38: {  	s10 =	sld [smem:$0x3FB8]  }
0x39: {  	_ = 	snop;
	(pc) =	sbr.ind lr, $3  }
0x3a: {  	_ = 	snop  }
0x3b: {  	_ = 	snop  }
0x3c: {  	p2 =	seq.s32 s10, $0x1;
	s10 =	sld [smem:$0x3FB7]  }
0x3d: {  	_ =	shalt  }
0x3e: {  	_ =	shalt  }
0x3f: {  	_ =	shalt  }
0x40: {  	_ =	shalt  }
0x41: {  	_ =	shalt  }
0x42: {  	_ =	shalt  }
0x43: {  	_ =	shalt  }
0x44: {  	_ =	shalt  }
0x45: {  	_ =	shalt  }
0x46: {  	_ =	shalt  }
0x47: {  	_ =	shalt  }
0x48: {  	_ =	shalt  }
0x49: {  	_ =	shalt  }
0x4a: {  	_ =	shalt  }
0x4b: {  	_ =	shalt  }
0x4c: {  	_ =	shalt  }
0x4d: {  	_ =	shalt  }
0x4e: {  	_ =	shalt  }
0x4f: {  	_ =	shalt  }
0x50: {  	_ =	shalt  }
0x51: {  	_ =	shalt  }
0x52: {  	_ =	shalt  }
0x53: {  	_ =	shalt  }
0x54: {  	_ =	shalt  }
0x55: {  	_ =	shalt  }
0x56: {  	_ =	shalt  }
0x57: {  	_ =	shalt  }
0x58: {  	_ =	shalt  }
0x59: {  	_ =	shalt  }
0x5a: {  	_ =	shalt  }
0x5b: {  	_ =	shalt  }
0x5c: {  	_ =	shalt  }
0x5d: {  	_ =	shalt  }
0x5e: {  	_ =	shalt  }
0x5f: {  	_ =	shalt  }
0x60: {  	_ =	shalt  }
0x61: {  	_ =	shalt  }
0x62: {  	_ =	shalt  }
0x63: {  	_ =	shalt  }
0x64: {  	_ =	shalt  }
0x65: {  	_ =	shalt  }
0x66: {  	_ =	shalt  }
0x67: {  	_ =	shalt  }
0x68: {  	_ =	shalt  }
0x69: {  	_ =	shalt  }
0x6a: {  	_ =	shalt  }
0x6b: {  	_ =	shalt  }
0x6c: {  	_ =	shalt  }
0x6d: {  	_ =	shalt  }
0x6e: {  	_ =	shalt  }
0x6f: {  	_ =	shalt  }
0x70: {  	_ =	shalt  }
0x71: {  	_ =	shalt  }
0x72: {  	_ =	shalt  }
0x73: {  	_ =	shalt  }
0x74: {  	_ =	shalt  }
0x75: {  	_ =	shalt  }
0x76: {  	_ =	shalt  }
0x77: {  	_ =	shalt  }
0x78: {  	_ =	shalt  }
0x79: {  	_ =	shalt  }
0x7a: {  	_ =	shalt  }
0x7b: {  	_ =	shalt  }
0x7c: {  	_ =	shalt  }
0x7d: {  	_ =	shalt  }
0x7e: {  	_ =	shalt  }
0x7f: {  	_ =	shalt  }
0x80: {  	_ =	shalt  }
0x81: {  	_ =	shalt  }
0x82: {  	_ =	shalt  }
0x83: {  	_ =	shalt  }
0x84: {  	_ =	shalt  }
0x85: {  	_ =	shalt  }
0x86: {  	_ =	shalt  }
0x87: {  	_ =	shalt  }
.Lfunc_end0:
.L_simem_size_0:
called_computation_lowered:
.L_overlay_start_0:
0x88: {  	s2 =	sld [smem:$0x3FD9]  }
0x89: {  	s3 =	sld [smem:$0x3FFE];
	_ =	sdelay $0x1  }
0x8a: {  	s1 =	srdreg.scid  }
0x8b: {  	s0 =	sand.u32 $0x1, s1  }
0x8c: {  	s17 =	sshll.u32 s0, $0xA;
	s2 =	sadd.s32 s3, s2  }
0x8d: {  	s2 =	sadd.s32 s2, s17  }
0x8e: {  	[smem:$0x3FC3] =	sst s2  }
0x8f: {  	_ = 	snop  }
0x90: {  	s2 =	sld [smem:$0x3FC6]  }
0x91: {  	s18 =	sld [smem:$0x3FC5];
	(tm) =	ssettm $0x1  }
0x92: {  	s4 =	sld [smem:$0x3FFB];
	_ =	sdelay $0x3  }
0x93: {  	_ =	strace s4  }
0x94: {  	s4 =	sld [smem:$0x3FFC];
	_ =	sdelay $0x3  }
0x95: {  	_ =	strace s4  }
0x96: {  	s4 =	sld [smem:$0x3FFD];
	_ =	sdelay $0x3  }
0x97: {  	_ =	strace s4  }
0x98: {  	_ =	strace $0x8FFFFFFF  }
0x99: {  	s19 =	sld [smem:$0x3FDB];
	_ =	sdelay $0x1  }
0x9a: {  	s5 =	simm.s32 $_scs_section_size  }
0x9b: {  	s6 =	simm.s32 $_size__tile_overlayer_lowered;
	s7 =	simm.s32 $_tile_overlayer_lowered  }
0x9c: {  	s22 =	simm.s32 $0x1BFF;
	s21 =	sshll.u32 s7, $0x1;
	s4 =	sadd.s32 s5, s19  }
0x9d: {  	s8 =	simm.s32 $0x0;
	s20 =	sshll.u32 s6, $0x1;
	s6 =	sadd.s32 s21, s4  }
0x9e: {  	[timem:s8], [sflag:s22] =	dma.local [hbm:s6], s20  }
0x9f: {  	_ =	swait.ge [sflag:s22], s20  }
0xa0: {  	s5 =	ssub.s32 $0x0, s20;
	[sflag:s22] =	ssyncset.done $0x0  }
0xa1: {  	[sflag:s22] =	ssyncadd.s32 s5;
	_ =	sdelay $0x1  }
0xa2: {  	s23 =	simm.s32 $0x1B8B  }
0xa3: {  	_ =	swait.ge [sflag:s23], $0x1  }
0xa4: {  	[sflag:s23] =	ssyncset.done $0x0  }
0xa5: {  	s25 =	simm.s32 $0x1B8E;
	s24 =	sld [smem:$0x3FFE];
	[sflag:s23] =	ssyncadd.s32 $0xFFFFFFFF  }
0xa6: {  	s26 =	simm.s32 $execute0_lowered;
	[smem:$0x3FD2] =	sst s25  }
0xa7: {  	s6 =	sshll.u32 s26, $0x1;
	_ =	strace $0x80000046;
	[dreg:$0x1] =	wrdreg $0xFFFFFFFF  }
0xa8: {  	s28 =	simm.s32 $_size_execute0_lowered;
	s4 =	sadd.s32 s4, s6;
	[dreg:$0x0] =	wrdreg $0x0  }
0xa9: {  	s6 =	sshll.u32 s28, $0x1;
	[dreg:$0x2] =	wrdreg s4  }
0xaa: {  	[dreg:$0x3] =	wrdreg s6  }
0xab: {  	[dreg:$0x4] =	wrdreg $0xC0  }
0xac: {  	_ =	task [dreg:s8], $0x5FFFF  }
0xad: {  	[dreg:$0x1] =	wrdreg $0xFFFFFFFF  }
0xae: {  	[dreg:$0x0] =	wrdreg $0x60  }
0xaf: {  	[dreg:$0x2] =	wrdreg s24  }
0xb0: {  	[dreg:$0x3] =	wrdreg s2  }
0xb1: {  	[dreg:$0x4] =	wrdreg s18  }
0xb2: {  	[dreg:$0x5] =	wrdreg $0x9  }
0xb3: {  	_ =	task.clear_ibuf [dreg:s8], $0x6FFFF;
	_ =	strace $0x90000046  }
0xb4: {  	s29 =	simm.s32 $0x9;
	_ =	strace $0x80000048  }
0xb5: {  	_ =	swait.ge [sflag:s29], $0x1  }
0xb6: {  	[sflag:s29] =	ssyncadd.s32 $0xFFFFFFFF  }
0xb7: {  	_ =	strace $0x90000048  }
0xb8: {  	_ =	sfence  }
0xb9: {  	s30 =	sld [smem:$0x0];
	_ =	sdelay $0x2  }
0xba: {  	s31 =	sshll.u32 s1, $0xD;
	s1 =	sshrl.u32 s1, $0x2  }
0xbb: {  	s3 =	sand.u32 $0x4000, s31;
	s1 =	sadd.s32 s1, s30  }
0xbc: {  	s0 =	sor.u32 s3, s0;
	s1 =	sshll.u32 s1, $0x11  }
0xbd: {  	s0 =	sor.u32 s1, s0  }
0xbe: {  	s0 =	sadd.s32 $0x8F2B, s0  }
0xbf: {  	[sflag:s0] =	ssyncadd.remote.s32 $0x1  }
0xc0: {  	_ =	sfence.sel $0xFFFF  }
0xc1: {  	[dreg:$0x0] =	wrdreg $0xFFFFFFFF;
	(pc) =	sbr.abs _section_cstart, $3  }
0xc2: {  	[dreg:$0x1] =	wrdreg $0xFFFFFFFF  }
0xc3: {  	_ =	task.clear_ibuf [dreg:s8], $0x2FFFF;
	_ =	strace $0x9FFFFFFF  }
0xc4: {  	(tm) =	ssettm $0x7FFFFFFF  }
0xc5: {  	_ =	shalt  }
tec
execute0_lowered:
.L_overlay_start_1:
0x0: {  	(tag) =	ssettag $0x1  }
0x1: {  	s0 =	srdreg.scid;
	s2 =	stileid.u32  }
0x2: {  	s1 =	rddreg [dreg:$0x0];
	s9 =	simm.s32 $0xC00;
	s10 =	simm.s32 $0x1  }
0x3: {  	s11 =	simm.s32 $0x2;
	s12 =	simm.s32 $0x40;
	s19 =	simm.s32 $0x9800  }
0x4: {  	s21 =	simm.s32 $0xD800;
	s23 =	simm.s32 $0xB800;
	s25 =	simm.s32 $0xF800  }
0x5: {  	s26 =	simm.s32 $0x3;
	s28 =	simm.s32 $0x4;
	s29 =	simm.s32 $0x12400  }
0x6: {  	s30 =	simm.s32 $0x5;
	s0 =	sand.u32 $0x1, s0;
	s3 =	sshll.u32 s2, $0x1  }
0x7: {  	s31 =	simm.s32 $0x6;
	s13 =	simm.s32 $0x7;
	s4 =	sor.u32 s0, s3  }
0x8: {  	s14 =	simm.s32 $0x0;
	s2 =	rddreg [dreg:$0x1];
	s5 =	smul.u32 $0xC00, s4  }
.Ltmp0:
0x9: {  	s3 =	rddreg [dreg:$0x2];
	s0 =	ssub.s32 $0x2, s0;
	(pc) =	sbr.rel .LBB2_1-.Ltmp0, $4  }
0xa: {  	s4 =	simm.s32 $0x0;
	s6 =	sshrl.u32 s0, $0x1;
	s5 =	sshrl.u32 s5, $0x3  }
0xb: {  	[smem:$0x7FF] =	sst s4;
	s0 =	ssub.s32 s0, s6;
	s1 =	sadd.s32 s5, s1  }
0xc: {  	v0 =	vlaneseq.u32;
	_ =	strace $0x80000047;
	s8 =	smax.u32 s0, $0x1;
	s5 =	sadd.s32 $0x800, s1  }
0xd: {  	v0 =	vmul.u32 $0x80, v0;
	s6 =	sadd.s32 $0x3800, s1;
	s7 =	sadd.s32 $0x6800, s1;
	s1 =	simm.s32 $0x16400  }
.LBB2_12:
0xe: {  	s14 =	sadd.s32 $0x1, s14  }
0xf: {  	p0 =	sne.s32 s14, s8  }
.Ltmp1:
0x10: {  	s0 =	simm.s32 $0x11800;
	(pc) =	sbr.rel @!p0 .LBB2_13-.Ltmp1, $4  }
0x11: {  	[hbm4b:s7+s4] =	stream.linear.scatter [tilespmem:s0], [sflag:$0x7], $0xC00, $0x38;
	[tilespmem:$0x1A400] =	vst v63  }
0x12: {  	_ =	swait.ge [sflag:s13], $0xC00  }
0x13: {  	[sflag:s13] =	ssyncset.done $0x0  }
0x14: {  	[sflag:s13] =	ssyncadd.s32 $0xFFFFF400  }
.LBB2_1:
0x15: {  	[tilespmem:s4], [sflag:$0x1] =	stream.linear.gather [hbm4b:s5+s4], $0xC00, $0x38;
	[tilespmem:$0x1A400] =	vst v63  }
0x16: {  	_ = 	snop  }
0x17: {  	[tilespmem:s9], [sflag:$0x2] =	stream.linear.gather [hbm4b:s6+s4], $0xC00, $0x38;
	[tilespmem:$0x1A400] =	vst v63  }
0x18: {  	_ =	swait.ge [sflag:s10], $0xC00  }
0x19: {  	[sflag:s10] =	ssyncset.done $0x0  }
0x1a: {  	[sflag:s10] =	ssyncadd.s32 $0xFFFFF400  }
0x1b: {  	_ =	swait.ge [sflag:s11], $0xC00  }
0x1c: {  	[sflag:s11] =	ssyncset.done $0x0  }
0x1d: {  	s0 =	simm.s32 $0x1800;
	[sflag:s11] =	ssyncadd.s32 $0xFFFFF400  }
0x1e: {  	[tilespmem:s0], [sflag:$0x3] =	stream.indirect.gather [hbm4b:s2+s12], $0x80, s4, s12, $0xb8;
	[tilespmem:$0x1A400] =	vst v63  }
0x1f: {  	s15 =	simm.s32 $0x5800  }
0x20: {  	[tilespmem:s15], [sflag:$0x4] =	stream.indirect.gather [hbm4b:s3+s12], $0x80, s9, s12, $0xb8;
	[tilespmem:$0x1A400] =	vst v63  }
0x21: {  	s16 =	simm.s32 $0x3800  }
0x22: {  	[tilespmem:s16], [sflag:$0x3] =	stream.indirect.gather [hbm4b:s2+s12], $0x80, s12, s12, $0xb8;
	[tilespmem:$0x1A400] =	vst v63  }
0x23: {  	s17 =	simm.s32 $0xC40;
	s15 =	simm.s32 $0x7800  }
0x24: {  	[tilespmem:s15], [sflag:$0x4] =	stream.indirect.gather [hbm4b:s3+s12], $0x80, s17, s12, $0xb8;
	[tilespmem:$0x1A400] =	vst v63  }
0x25: {  	s18 =	simm.s32 $0x80  }
0x26: {  	[tilespmem:s19], [sflag:$0x5] =	stream.indirect.gather [hbm4b:s2+s12], $0x80, s18, s12, $0xb8;
	[tilespmem:$0x1A400] =	vst v63  }
0x27: {  	s20 =	simm.s32 $0xC80  }
0x28: {  	[tilespmem:s21], [sflag:$0x6] =	stream.indirect.gather [hbm4b:s3+s12], $0x80, s20, s12, $0xb8;
	[tilespmem:$0x1A400] =	vst v63  }
0x29: {  	s22 =	simm.s32 $0xC0;
	s24 =	simm.s32 $0xCC0  }
0x2a: {  	[tilespmem:s23], [sflag:$0x5] =	stream.indirect.gather [hbm4b:s2+s12], $0x80, s22, s12, $0xb8;
	[tilespmem:$0x1A400] =	vst v63  }
0x2b: {  	s16 =	simm.s32 $0x11800;
	s15 =	simm.s32 $0x11880;
	s17 =	simm.s32 $0x0  }
0x2c: {  	[tilespmem:s25], [sflag:$0x6] =	stream.indirect.gather [hbm4b:s3+s12], $0x80, s24, s12, $0xb8;
	[tilespmem:$0x1A400] =	vst v63  }
.LBB2_2:
0x2d: {  	_ =	swait.ge [sflag:s26], $0x2000  }
0x2e: {  	[sflag:s26] =	ssyncset.done $0x0  }
0x2f: {  	[sflag:s26] =	ssyncadd.s32 $0xFFFFE000  }
0x30: {  	_ =	swait.ge [sflag:s28], $0x2000  }
0x31: {  	[sflag:s28] =	ssyncset.done $0x0  }
0x32: {  	[sflag:s28] =	ssyncadd.s32 $0xFFFFE000  }
0x33: {  	_ =	swait.ge [sflag:s26], $0x2000  }
0x34: {  	[sflag:s26] =	ssyncset.done $0x0  }
0x35: {  	[sflag:s26] =	ssyncadd.s32 $0xFFFFE000  }
0x36: {  	_ =	swait.ge [sflag:s28], $0x2000  }
0x37: {  	[sflag:s28] =	ssyncset.done $0x0  }
0x38: {  	s18 =	simm.s32 $0x0;
	[sflag:s28] =	ssyncadd.s32 $0xFFFFE000  }
0x39: {  	v1 =	vld [tilespmem:s18+$0x1F80]  }
0x3a: {  	v2 =	vld [tilespmem:s18+$0x5F80]  }
0x3b: {  	v3 =	vld [tilespmem:s18+$0x1F90]  }
0x3c: {  	v5 =	vld [tilespmem:s18+$0x5F90]  }
0x3d: {  	v4 =	vld [tilespmem:s18+$0x1FA0]  }
0x3e: {  	v6 =	vld [tilespmem:s18+$0x5FA0]  }
0x3f: {  	v7 =	vld [tilespmem:s18+$0x1FB0]  }
0x40: {  	v9 =	vld [tilespmem:s18+$0x5FB0]  }
0x41: {  	v8 =	vld [tilespmem:s18+$0x1FC0]  }
0x42: {  	v10 =	vld [tilespmem:s18+$0x5FC0]  }
0x43: {  	v11 =	vld [tilespmem:s18+$0x1FD0]  }
0x44: {  	v13 =	vld [tilespmem:s18+$0x5FD0]  }
0x45: {  	v12 =	vld [tilespmem:s18+$0x1FE0]  }
0x46: {  	v14 =	vld [tilespmem:s18+$0x5FE0]  }
0x47: {  	s20 =	simm.s32 $0x0;
	s22 =	simm.s32 $0x1;
	v15 =	vld [tilespmem:s18+$0x1FF0]  }
.LBB2_3:
0x48: {  	p0 =	sne.s32 s22, $0x7;
	v16 =	vld [tilespmem:s18+$0x5FF0]  }
0x49: {  	v17 =	vld [tilespmem:s18+$0x1800]  }
0x4a: {  	v1 =	vmul.f32 v2, v1;
	v2 =	vmul.f32 v5, v3;
	v18 =	vld [tilespmem:s18+$0x5800]  }
0x4b: {  	v4 =	vmul.f32 v6, v4;
	v5 =	vmul.f32 v9, v7;
	v3 =	vld [tilespmem:s18+$0x1810]  }
0x4c: {  	v7 =	vmul.f32 v10, v8;
	v8 =	vmul.f32 v13, v11;
	v6 =	vld [tilespmem:s18+$0x5810]  }
0x4d: {  	v10 =	vmul.f32 v14, v12;
	v9 =	vld [tilespmem:s18+$0x1820];
	v11 =	vmul.f32 v16, v15  }
0x4e: {  	v1 =	vadd.f32 v2, v1;
	v2 =	vadd.f32 v5, v4;
	v12 =	vld [tilespmem:s18+$0x5820]  }
0x4f: {  	v7 =	vadd.f32 v8, v7;
	v4 =	vmul.f32 v18, v17;
	v5 =	vld [tilespmem:s18+$0x1830];
	v8 =	vadd.f32 v11, v10  }
0x50: {  	v10 =	vld [tilespmem:s18+$0x5830]  }
0x51: {  	v1 =	vadd.f32 v2, v1;
	v3 =	vmul.f32 v6, v3;
	v6 =	vld [tilespmem:s18+$0x1840];
	v2 =	vadd.f32 v8, v7  }
0x52: {  	v7 =	vld [tilespmem:s18+$0x5840]  }
0x53: {  	v8 =	vmul.f32 v12, v9;
	v9 =	vld [tilespmem:s18+$0x1850];
	v3 =	vadd.f32 v3, v4;
	v1 =	vadd.f32 v2, v1  }
0x54: {  	v2 =	vld [tilespmem:s18+$0x5850]  }
0x55: {  	v4 =	vmul.f32 v10, v5;
	v5 =	vld [tilespmem:s18+$0x1860];
	[tilespmem:s18+$0x12B80] =	vst v1  }
0x56: {  	v1 =	vld [tilespmem:s18+$0x5860]  }
0x57: {  	v6 =	vmul.f32 v7, v6;
	v7 =	vld [tilespmem:s18+$0x1870];
	v4 =	vadd.f32 v4, v8  }
0x58: {  	v8 =	vld [tilespmem:s18+$0x5870]  }
0x59: {  	v2 =	vmul.f32 v2, v9;
	v3 =	vadd.f32 v4, v3;
	v4 =	vld [tilespmem:s18+$0x1880]  }
0x5a: {  	v9 =	vld [tilespmem:s18+$0x5880]  }
0x5b: {  	v1 =	vmul.f32 v1, v5;
	v2 =	vadd.f32 v2, v6;
	v5 =	vld [tilespmem:s18+$0x1890]  }
0x5c: {  	v6 =	vld [tilespmem:s18+$0x5890]  }
0x5d: {  	v7 =	vmul.f32 v8, v7;
	v8 =	vld [tilespmem:s18+$0x18A0]  }
0x5e: {  	v10 =	vld [tilespmem:s18+$0x58A0]  }
0x5f: {  	v1 =	vadd.f32 v7, v1;
	v4 =	vmul.f32 v9, v4;
	v7 =	vld [tilespmem:s18+$0x18B0]  }
0x60: {  	v9 =	vld [tilespmem:s18+$0x58B0]  }
0x61: {  	v1 =	vadd.f32 v1, v2;
	v2 =	vmul.f32 v6, v5;
	v5 =	vld [tilespmem:s18+$0x18C0]  }
0x62: {  	v6 =	vld [tilespmem:s18+$0x58C0]  }
0x63: {  	v1 =	vadd.f32 v1, v3;
	v3 =	vmul.f32 v10, v8;
	v8 =	vld [tilespmem:s18+$0x18D0];
	v2 =	vadd.f32 v2, v4  }
0x64: {  	v4 =	vld [tilespmem:s18+$0x58D0]  }
0x65: {  	[tilespmem:s18+$0x12400] =	vst v1;
	v1 =	vmul.f32 v9, v7;
	v7 =	vld [tilespmem:s18+$0x18E0]  }
0x66: {  	v9 =	vld [tilespmem:s18+$0x58E0]  }
0x67: {  	v5 =	vmul.f32 v6, v5;
	v6 =	vld [tilespmem:s18+$0x18F0];
	v1 =	vadd.f32 v1, v3  }
0x68: {  	v3 =	vld [tilespmem:s18+$0x58F0]  }
0x69: {  	v4 =	vmul.f32 v4, v8;
	v1 =	vadd.f32 v1, v2;
	v2 =	vld [tilespmem:s18+$0x1900]  }
0x6a: {  	v8 =	vld [tilespmem:s18+$0x5900]  }
0x6b: {  	v7 =	vmul.f32 v9, v7;
	v4 =	vadd.f32 v4, v5;
	v5 =	vld [tilespmem:s18+$0x1910]  }
0x6c: {  	v9 =	vld [tilespmem:s18+$0x5910]  }
0x6d: {  	v3 =	vmul.f32 v3, v6;
	v6 =	vld [tilespmem:s18+$0x1920]  }
0x6e: {  	v10 =	vld [tilespmem:s18+$0x5920]  }
0x6f: {  	v3 =	vadd.f32 v3, v7;
	v2 =	vmul.f32 v8, v2;
	v7 =	vld [tilespmem:s18+$0x1930]  }
0x70: {  	v8 =	vld [tilespmem:s18+$0x5930]  }
0x71: {  	v3 =	vadd.f32 v3, v4;
	v4 =	vmul.f32 v9, v5;
	v5 =	vld [tilespmem:s18+$0x1940]  }
0x72: {  	v9 =	vld [tilespmem:s18+$0x5940]  }
0x73: {  	v1 =	vadd.f32 v3, v1;
	v3 =	vmul.f32 v10, v6;
	v6 =	vld [tilespmem:s18+$0x1950];
	v2 =	vadd.f32 v4, v2  }
0x74: {  	v4 =	vld [tilespmem:s18+$0x5950]  }
0x75: {  	[tilespmem:s18+$0x12480] =	vst v1;
	v1 =	vmul.f32 v8, v7;
	v7 =	vld [tilespmem:s18+$0x1960]  }
0x76: {  	v8 =	vld [tilespmem:s18+$0x5960]  }
0x77: {  	v5 =	vmul.f32 v9, v5;
	v9 =	vld [tilespmem:s18+$0x1970];
	v1 =	vadd.f32 v1, v3  }
0x78: {  	v3 =	vld [tilespmem:s18+$0x5970]  }
0x79: {  	v4 =	vmul.f32 v4, v6;
	v1 =	vadd.f32 v1, v2;
	v2 =	vld [tilespmem:s18+$0x1980]  }
0x7a: {  	v6 =	vld [tilespmem:s18+$0x5980]  }
0x7b: {  	v7 =	vmul.f32 v8, v7;
	v4 =	vadd.f32 v4, v5;
	v5 =	vld [tilespmem:s18+$0x1990]  }
0x7c: {  	v8 =	vld [tilespmem:s18+$0x5990]  }
0x7d: {  	v3 =	vmul.f32 v3, v9;
	v9 =	vld [tilespmem:s18+$0x19A0]  }
0x7e: {  	v10 =	vld [tilespmem:s18+$0x59A0]  }
0x7f: {  	v3 =	vadd.f32 v3, v7;
	v2 =	vmul.f32 v6, v2;
	v6 =	vld [tilespmem:s18+$0x19B0]  }
0x80: {  	v7 =	vld [tilespmem:s18+$0x59B0]  }
0x81: {  	v3 =	vadd.f32 v3, v4;
	v4 =	vmul.f32 v8, v5;
	v5 =	vld [tilespmem:s18+$0x19C0]  }
0x82: {  	v8 =	vld [tilespmem:s18+$0x59C0]  }
0x83: {  	v1 =	vadd.f32 v3, v1;
	v3 =	vmul.f32 v10, v9;
	v9 =	vld [tilespmem:s18+$0x19D0];
	v2 =	vadd.f32 v4, v2  }
0x84: {  	v4 =	vld [tilespmem:s18+$0x59D0]  }
0x85: {  	[tilespmem:s18+$0x12500] =	vst v1;
	v1 =	vmul.f32 v7, v6;
	v6 =	vld [tilespmem:s18+$0x19E0]  }
0x86: {  	v7 =	vld [tilespmem:s18+$0x59E0]  }
0x87: {  	v5 =	vmul.f32 v8, v5;
	v8 =	vld [tilespmem:s18+$0x19F0];
	v1 =	vadd.f32 v1, v3  }
0x88: {  	v3 =	vld [tilespmem:s18+$0x59F0]  }
0x89: {  	v4 =	vmul.f32 v4, v9;
	v1 =	vadd.f32 v1, v2;
	v2 =	vld [tilespmem:s18+$0x1A00]  }
0x8a: {  	v9 =	vld [tilespmem:s18+$0x5A00]  }
0x8b: {  	v6 =	vmul.f32 v7, v6;
	v4 =	vadd.f32 v4, v5;
	v5 =	vld [tilespmem:s18+$0x1A10]  }
0x8c: {  	v7 =	vld [tilespmem:s18+$0x5A10]  }
0x8d: {  	v3 =	vmul.f32 v3, v8;
	v8 =	vld [tilespmem:s18+$0x1A20]  }
0x8e: {  	v10 =	vld [tilespmem:s18+$0x5A20]  }
0x8f: {  	v3 =	vadd.f32 v3, v6;
	v2 =	vmul.f32 v9, v2;
	v6 =	vld [tilespmem:s18+$0x1A30]  }
0x90: {  	v9 =	vld [tilespmem:s18+$0x5A30]  }
0x91: {  	v3 =	vadd.f32 v3, v4;
	v4 =	vmul.f32 v7, v5;
	v5 =	vld [tilespmem:s18+$0x1A40]  }
0x92: {  	v7 =	vld [tilespmem:s18+$0x5A40]  }
0x93: {  	v1 =	vadd.f32 v3, v1;
	v3 =	vmul.f32 v10, v8;
	v8 =	vld [tilespmem:s18+$0x1A50];
	v2 =	vadd.f32 v4, v2  }
0x94: {  	v4 =	vld [tilespmem:s18+$0x5A50]  }
0x95: {  	[tilespmem:s18+$0x12580] =	vst v1;
	v1 =	vmul.f32 v9, v6;
	v6 =	vld [tilespmem:s18+$0x1A60]  }
0x96: {  	v9 =	vld [tilespmem:s18+$0x5A60]  }
0x97: {  	v5 =	vmul.f32 v7, v5;
	v7 =	vld [tilespmem:s18+$0x1A70];
	v1 =	vadd.f32 v1, v3  }
0x98: {  	v3 =	vld [tilespmem:s18+$0x5A70]  }
0x99: {  	v4 =	vmul.f32 v4, v8;
	v1 =	vadd.f32 v1, v2;
	v2 =	vld [tilespmem:s18+$0x1A80]  }
0x9a: {  	v8 =	vld [tilespmem:s18+$0x5A80]  }
0x9b: {  	v6 =	vmul.f32 v9, v6;
	v4 =	vadd.f32 v4, v5;
	v5 =	vld [tilespmem:s18+$0x1A90]  }
0x9c: {  	v9 =	vld [tilespmem:s18+$0x5A90]  }
0x9d: {  	v3 =	vmul.f32 v3, v7;
	v7 =	vld [tilespmem:s18+$0x1AA0]  }
0x9e: {  	v10 =	vld [tilespmem:s18+$0x5AA0]  }
0x9f: {  	v3 =	vadd.f32 v3, v6;
	v2 =	vmul.f32 v8, v2;
	v6 =	vld [tilespmem:s18+$0x1AB0]  }
0xa0: {  	v8 =	vld [tilespmem:s18+$0x5AB0]  }
0xa1: {  	v3 =	vadd.f32 v3, v4;
	v4 =	vmul.f32 v9, v5;
	v5 =	vld [tilespmem:s18+$0x1AC0]  }
0xa2: {  	v9 =	vld [tilespmem:s18+$0x5AC0]  }
0xa3: {  	v1 =	vadd.f32 v3, v1;
	v3 =	vmul.f32 v10, v7;
	v7 =	vld [tilespmem:s18+$0x1AD0];
	v2 =	vadd.f32 v4, v2  }
0xa4: {  	v4 =	vld [tilespmem:s18+$0x5AD0]  }
0xa5: {  	[tilespmem:s18+$0x12600] =	vst v1;
	v1 =	vmul.f32 v8, v6;
	v6 =	vld [tilespmem:s18+$0x1AE0]  }
0xa6: {  	v8 =	vld [tilespmem:s18+$0x5AE0]  }
0xa7: {  	v5 =	vmul.f32 v9, v5;
	v9 =	vld [tilespmem:s18+$0x1AF0];
	v1 =	vadd.f32 v1, v3  }
0xa8: {  	v3 =	vld [tilespmem:s18+$0x5AF0]  }
0xa9: {  	v4 =	vmul.f32 v4, v7;
	v1 =	vadd.f32 v1, v2;
	v2 =	vld [tilespmem:s18+$0x1B00]  }
0xaa: {  	v7 =	vld [tilespmem:s18+$0x5B00]  }
0xab: {  	v6 =	vmul.f32 v8, v6;
	v4 =	vadd.f32 v4, v5;
	v5 =	vld [tilespmem:s18+$0x1B10]  }
0xac: {  	v8 =	vld [tilespmem:s18+$0x5B10]  }
0xad: {  	v3 =	vmul.f32 v3, v9;
	v9 =	vld [tilespmem:s18+$0x1B20]  }
0xae: {  	v10 =	vld [tilespmem:s18+$0x5B20]  }
0xaf: {  	v3 =	vadd.f32 v3, v6;
	v2 =	vmul.f32 v7, v2;
	v6 =	vld [tilespmem:s18+$0x1B30]  }
0xb0: {  	v7 =	vld [tilespmem:s18+$0x5B30]  }
0xb1: {  	v3 =	vadd.f32 v3, v4;
	v4 =	vmul.f32 v8, v5;
	v5 =	vld [tilespmem:s18+$0x1B40]  }
0xb2: {  	v8 =	vld [tilespmem:s18+$0x5B40]  }
0xb3: {  	v1 =	vadd.f32 v3, v1;
	v3 =	vmul.f32 v10, v9;
	v9 =	vld [tilespmem:s18+$0x1B50];
	v2 =	vadd.f32 v4, v2  }
0xb4: {  	v4 =	vld [tilespmem:s18+$0x5B50]  }
0xb5: {  	[tilespmem:s18+$0x12680] =	vst v1;
	v1 =	vmul.f32 v7, v6;
	v6 =	vld [tilespmem:s18+$0x1B60]  }
0xb6: {  	v7 =	vld [tilespmem:s18+$0x5B60]  }
0xb7: {  	v5 =	vmul.f32 v8, v5;
	v8 =	vld [tilespmem:s18+$0x1B70];
	v1 =	vadd.f32 v1, v3  }
0xb8: {  	v3 =	vld [tilespmem:s18+$0x5B70]  }
0xb9: {  	v4 =	vmul.f32 v4, v9;
	v1 =	vadd.f32 v1, v2;
	v2 =	vld [tilespmem:s18+$0x1B80]  }
0xba: {  	v9 =	vld [tilespmem:s18+$0x5B80]  }
0xbb: {  	v6 =	vmul.f32 v7, v6;
	v4 =	vadd.f32 v4, v5;
	v5 =	vld [tilespmem:s18+$0x1B90]  }
0xbc: {  	v7 =	vld [tilespmem:s18+$0x5B90]  }
0xbd: {  	v3 =	vmul.f32 v3, v8;
	v8 =	vld [tilespmem:s18+$0x1BA0]  }
0xbe: {  	v10 =	vld [tilespmem:s18+$0x5BA0]  }
0xbf: {  	v3 =	vadd.f32 v3, v6;
	v2 =	vmul.f32 v9, v2;
	v6 =	vld [tilespmem:s18+$0x1BB0]  }
0xc0: {  	v9 =	vld [tilespmem:s18+$0x5BB0]  }
0xc1: {  	v3 =	vadd.f32 v3, v4;
	v4 =	vmul.f32 v7, v5;
	v5 =	vld [tilespmem:s18+$0x1BC0]  }
0xc2: {  	v7 =	vld [tilespmem:s18+$0x5BC0]  }
0xc3: {  	v1 =	vadd.f32 v3, v1;
	v3 =	vmul.f32 v10, v8;
	v8 =	vld [tilespmem:s18+$0x1BD0];
	v2 =	vadd.f32 v4, v2  }
0xc4: {  	v4 =	vld [tilespmem:s18+$0x5BD0]  }
0xc5: {  	[tilespmem:s18+$0x12700] =	vst v1;
	v1 =	vmul.f32 v9, v6;
	v6 =	vld [tilespmem:s18+$0x1BE0]  }
0xc6: {  	v9 =	vld [tilespmem:s18+$0x5BE0]  }
0xc7: {  	v5 =	vmul.f32 v7, v5;
	v7 =	vld [tilespmem:s18+$0x1BF0];
	v1 =	vadd.f32 v1, v3  }
0xc8: {  	v3 =	vld [tilespmem:s18+$0x5BF0]  }
0xc9: {  	v4 =	vmul.f32 v4, v8;
	v1 =	vadd.f32 v1, v2;
	v2 =	vld [tilespmem:s18+$0x1C00]  }
0xca: {  	v8 =	vld [tilespmem:s18+$0x5C00]  }
0xcb: {  	v6 =	vmul.f32 v9, v6;
	v4 =	vadd.f32 v4, v5;
	v5 =	vld [tilespmem:s18+$0x1C10]  }
0xcc: {  	v9 =	vld [tilespmem:s18+$0x5C10]  }
0xcd: {  	v3 =	vmul.f32 v3, v7;
	v7 =	vld [tilespmem:s18+$0x1C20]  }
0xce: {  	v10 =	vld [tilespmem:s18+$0x5C20]  }
0xcf: {  	v3 =	vadd.f32 v3, v6;
	v2 =	vmul.f32 v8, v2;
	v6 =	vld [tilespmem:s18+$0x1C30]  }
0xd0: {  	v8 =	vld [tilespmem:s18+$0x5C30]  }
0xd1: {  	v3 =	vadd.f32 v3, v4;
	v4 =	vmul.f32 v9, v5;
	v5 =	vld [tilespmem:s18+$0x1C40]  }
0xd2: {  	v9 =	vld [tilespmem:s18+$0x5C40]  }
0xd3: {  	v1 =	vadd.f32 v3, v1;
	v3 =	vmul.f32 v10, v7;
	v7 =	vld [tilespmem:s18+$0x1C50];
	v2 =	vadd.f32 v4, v2  }
0xd4: {  	v4 =	vld [tilespmem:s18+$0x5C50]  }
0xd5: {  	[tilespmem:s18+$0x12780] =	vst v1;
	v1 =	vmul.f32 v8, v6;
	v6 =	vld [tilespmem:s18+$0x1C60]  }
0xd6: {  	v8 =	vld [tilespmem:s18+$0x5C60]  }
0xd7: {  	v5 =	vmul.f32 v9, v5;
	v9 =	vld [tilespmem:s18+$0x1C70];
	v1 =	vadd.f32 v1, v3  }
0xd8: {  	v3 =	vld [tilespmem:s18+$0x5C70]  }
0xd9: {  	v4 =	vmul.f32 v4, v7;
	v1 =	vadd.f32 v1, v2;
	v2 =	vld [tilespmem:s18+$0x1C80]  }
0xda: {  	v7 =	vld [tilespmem:s18+$0x5C80]  }
0xdb: {  	v6 =	vmul.f32 v8, v6;
	v4 =	vadd.f32 v4, v5;
	v5 =	vld [tilespmem:s18+$0x1C90]  }
0xdc: {  	v8 =	vld [tilespmem:s18+$0x5C90]  }
0xdd: {  	v3 =	vmul.f32 v3, v9;
	v9 =	vld [tilespmem:s18+$0x1CA0]  }
0xde: {  	v10 =	vld [tilespmem:s18+$0x5CA0]  }
0xdf: {  	v3 =	vadd.f32 v3, v6;
	v2 =	vmul.f32 v7, v2;
	v6 =	vld [tilespmem:s18+$0x1CB0]  }
0xe0: {  	v7 =	vld [tilespmem:s18+$0x5CB0]  }
0xe1: {  	v3 =	vadd.f32 v3, v4;
	v4 =	vmul.f32 v8, v5;
	v5 =	vld [tilespmem:s18+$0x1CC0]  }
0xe2: {  	v8 =	vld [tilespmem:s18+$0x5CC0]  }
0xe3: {  	v1 =	vadd.f32 v3, v1;
	v3 =	vmul.f32 v10, v9;
	v9 =	vld [tilespmem:s18+$0x1CD0];
	v2 =	vadd.f32 v4, v2  }
0xe4: {  	v4 =	vld [tilespmem:s18+$0x5CD0]  }
0xe5: {  	[tilespmem:s18+$0x12800] =	vst v1;
	v1 =	vmul.f32 v7, v6;
	v6 =	vld [tilespmem:s18+$0x1CE0]  }
0xe6: {  	v7 =	vld [tilespmem:s18+$0x5CE0]  }
0xe7: {  	v5 =	vmul.f32 v8, v5;
	v8 =	vld [tilespmem:s18+$0x1CF0];
	v1 =	vadd.f32 v1, v3  }
0xe8: {  	v3 =	vld [tilespmem:s18+$0x5CF0]  }
0xe9: {  	v4 =	vmul.f32 v4, v9;
	v1 =	vadd.f32 v1, v2;
	v2 =	vld [tilespmem:s18+$0x1D00]  }
0xea: {  	v9 =	vld [tilespmem:s18+$0x5D00]  }
0xeb: {  	v6 =	vmul.f32 v7, v6;
	v4 =	vadd.f32 v4, v5;
	v5 =	vld [tilespmem:s18+$0x1D10]  }
0xec: {  	v7 =	vld [tilespmem:s18+$0x5D10]  }
0xed: {  	v3 =	vmul.f32 v3, v8;
	v8 =	vld [tilespmem:s18+$0x1D20]  }
0xee: {  	v10 =	vld [tilespmem:s18+$0x5D20]  }
0xef: {  	v3 =	vadd.f32 v3, v6;
	v2 =	vmul.f32 v9, v2;
	v6 =	vld [tilespmem:s18+$0x1D30]  }
0xf0: {  	v9 =	vld [tilespmem:s18+$0x5D30]  }
0xf1: {  	v3 =	vadd.f32 v3, v4;
	v4 =	vmul.f32 v7, v5;
	v5 =	vld [tilespmem:s18+$0x1D40]  }
0xf2: {  	v7 =	vld [tilespmem:s18+$0x5D40]  }
0xf3: {  	v1 =	vadd.f32 v3, v1;
	v3 =	vmul.f32 v10, v8;
	v8 =	vld [tilespmem:s18+$0x1D50];
	v2 =	vadd.f32 v4, v2  }
0xf4: {  	v4 =	vld [tilespmem:s18+$0x5D50]  }
0xf5: {  	[tilespmem:s18+$0x12880] =	vst v1;
	v1 =	vmul.f32 v9, v6;
	v6 =	vld [tilespmem:s18+$0x1D60]  }
0xf6: {  	v9 =	vld [tilespmem:s18+$0x5D60]  }
0xf7: {  	v5 =	vmul.f32 v7, v5;
	v7 =	vld [tilespmem:s18+$0x1D70];
	v1 =	vadd.f32 v1, v3  }
0xf8: {  	v3 =	vld [tilespmem:s18+$0x5D70]  }
0xf9: {  	v4 =	vmul.f32 v4, v8;
	v1 =	vadd.f32 v1, v2;
	v2 =	vld [tilespmem:s18+$0x1D80]  }
0xfa: {  	v8 =	vld [tilespmem:s18+$0x5D80]  }
0xfb: {  	v6 =	vmul.f32 v9, v6;
	v4 =	vadd.f32 v4, v5;
	v5 =	vld [tilespmem:s18+$0x1D90]  }
0xfc: {  	v9 =	vld [tilespmem:s18+$0x5D90]  }
0xfd: {  	v3 =	vmul.f32 v3, v7;
	v7 =	vld [tilespmem:s18+$0x1DA0]  }
0xfe: {  	v10 =	vld [tilespmem:s18+$0x5DA0]  }
0xff: {  	v3 =	vadd.f32 v3, v6;
	v2 =	vmul.f32 v8, v2;
	v6 =	vld [tilespmem:s18+$0x1DB0]  }
0x100: {  	v8 =	vld [tilespmem:s18+$0x5DB0]  }
0x101: {  	v3 =	vadd.f32 v3, v4;
	v4 =	vmul.f32 v9, v5;
	v5 =	vld [tilespmem:s18+$0x1DC0]  }
0x102: {  	v9 =	vld [tilespmem:s18+$0x5DC0]  }
0x103: {  	v1 =	vadd.f32 v3, v1;
	v3 =	vmul.f32 v10, v7;
	v7 =	vld [tilespmem:s18+$0x1DD0];
	v2 =	vadd.f32 v4, v2  }
0x104: {  	v4 =	vld [tilespmem:s18+$0x5DD0]  }
0x105: {  	[tilespmem:s18+$0x12900] =	vst v1;
	v1 =	vmul.f32 v8, v6;
	v6 =	vld [tilespmem:s18+$0x1DE0]  }
0x106: {  	v8 =	vld [tilespmem:s18+$0x5DE0]  }
0x107: {  	v5 =	vmul.f32 v9, v5;
	v9 =	vld [tilespmem:s18+$0x1DF0];
	v1 =	vadd.f32 v1, v3  }
0x108: {  	v3 =	vld [tilespmem:s18+$0x5DF0]  }
0x109: {  	v4 =	vmul.f32 v4, v7;
	v1 =	vadd.f32 v1, v2;
	v2 =	vld [tilespmem:s18+$0x1E00]  }
0x10a: {  	v7 =	vld [tilespmem:s18+$0x5E00]  }
0x10b: {  	v6 =	vmul.f32 v8, v6;
	v4 =	vadd.f32 v4, v5;
	v5 =	vld [tilespmem:s18+$0x1E10]  }
0x10c: {  	v8 =	vld [tilespmem:s18+$0x5E10]  }
0x10d: {  	v3 =	vmul.f32 v3, v9;
	v9 =	vld [tilespmem:s18+$0x1E20]  }
0x10e: {  	v10 =	vld [tilespmem:s18+$0x5E20]  }
0x10f: {  	v3 =	vadd.f32 v3, v6;
	v2 =	vmul.f32 v7, v2;
	v6 =	vld [tilespmem:s18+$0x1E30]  }
0x110: {  	v7 =	vld [tilespmem:s18+$0x5E30]  }
0x111: {  	v3 =	vadd.f32 v3, v4;
	v4 =	vmul.f32 v8, v5;
	v5 =	vld [tilespmem:s18+$0x1E40]  }
0x112: {  	v8 =	vld [tilespmem:s18+$0x5E40]  }
0x113: {  	v1 =	vadd.f32 v3, v1;
	v3 =	vmul.f32 v10, v9;
	v9 =	vld [tilespmem:s18+$0x1E50];
	v2 =	vadd.f32 v4, v2  }
0x114: {  	v4 =	vld [tilespmem:s18+$0x5E50]  }
0x115: {  	[tilespmem:s18+$0x12980] =	vst v1;
	v1 =	vmul.f32 v7, v6;
	v6 =	vld [tilespmem:s18+$0x1E60]  }
0x116: {  	v7 =	vld [tilespmem:s18+$0x5E60]  }
0x117: {  	v5 =	vmul.f32 v8, v5;
	v8 =	vld [tilespmem:s18+$0x1E70];
	v1 =	vadd.f32 v1, v3  }
0x118: {  	v3 =	vld [tilespmem:s18+$0x5E70]  }
0x119: {  	v4 =	vmul.f32 v4, v9;
	v1 =	vadd.f32 v1, v2;
	v2 =	vld [tilespmem:s18+$0x1E80]  }
0x11a: {  	v9 =	vld [tilespmem:s18+$0x5E80]  }
0x11b: {  	v6 =	vmul.f32 v7, v6;
	v4 =	vadd.f32 v4, v5;
	v5 =	vld [tilespmem:s18+$0x1E90]  }
0x11c: {  	v7 =	vld [tilespmem:s18+$0x5E90]  }
0x11d: {  	v3 =	vmul.f32 v3, v8;
	v8 =	vld [tilespmem:s18+$0x1EA0]  }
0x11e: {  	v10 =	vld [tilespmem:s18+$0x5EA0]  }
0x11f: {  	v3 =	vadd.f32 v3, v6;
	v2 =	vmul.f32 v9, v2;
	v6 =	vld [tilespmem:s18+$0x1EB0]  }
0x120: {  	v9 =	vld [tilespmem:s18+$0x5EB0]  }
0x121: {  	v3 =	vadd.f32 v3, v4;
	v4 =	vmul.f32 v7, v5;
	v5 =	vld [tilespmem:s18+$0x1EC0]  }
0x122: {  	v7 =	vld [tilespmem:s18+$0x5EC0]  }
0x123: {  	v1 =	vadd.f32 v3, v1;
	v3 =	vmul.f32 v10, v8;
	v8 =	vld [tilespmem:s18+$0x1ED0];
	v2 =	vadd.f32 v4, v2  }
0x124: {  	v4 =	vld [tilespmem:s18+$0x5ED0]  }
0x125: {  	[tilespmem:s18+$0x12A00] =	vst v1;
	v1 =	vmul.f32 v9, v6;
	v6 =	vld [tilespmem:s18+$0x1EE0]  }
0x126: {  	v9 =	vld [tilespmem:s18+$0x5EE0]  }
0x127: {  	v5 =	vmul.f32 v7, v5;
	v7 =	vld [tilespmem:s18+$0x1EF0];
	v1 =	vadd.f32 v1, v3  }
0x128: {  	v3 =	vld [tilespmem:s18+$0x5EF0]  }
0x129: {  	v4 =	vmul.f32 v4, v8;
	v1 =	vadd.f32 v1, v2;
	v2 =	vld [tilespmem:s18+$0x1F00]  }
0x12a: {  	v8 =	vld [tilespmem:s18+$0x5F00]  }
0x12b: {  	v6 =	vmul.f32 v9, v6;
	v4 =	vadd.f32 v4, v5;
	v5 =	vld [tilespmem:s18+$0x1F10]  }
0x12c: {  	v9 =	vld [tilespmem:s18+$0x5F10]  }
0x12d: {  	v3 =	vmul.f32 v3, v7;
	v7 =	vld [tilespmem:s18+$0x1F20]  }
0x12e: {  	v10 =	vld [tilespmem:s18+$0x5F20]  }
0x12f: {  	v3 =	vadd.f32 v3, v6;
	v2 =	vmul.f32 v8, v2;
	v6 =	vld [tilespmem:s18+$0x1F30]  }
0x130: {  	v8 =	vld [tilespmem:s18+$0x5F30]  }
0x131: {  	v3 =	vadd.f32 v3, v4;
	v4 =	vmul.f32 v9, v5;
	v5 =	vld [tilespmem:s18+$0x1F40]  }
0x132: {  	v9 =	vld [tilespmem:s18+$0x5F40]  }
0x133: {  	v1 =	vadd.f32 v3, v1;
	v3 =	vmul.f32 v10, v7;
	v7 =	vld [tilespmem:s18+$0x1F50];
	v2 =	vadd.f32 v4, v2  }
0x134: {  	v4 =	vld [tilespmem:s18+$0x5F50]  }
0x135: {  	[tilespmem:s18+$0x12A80] =	vst v1;
	v1 =	vmul.f32 v8, v6;
	v6 =	vld [tilespmem:s18+$0x1F60]  }
0x136: {  	v8 =	vld [tilespmem:s18+$0x5F60]  }
0x137: {  	v5 =	vmul.f32 v9, v5;
	v9 =	vld [tilespmem:s18+$0x1F70];
	v3 =	vadd.f32 v1, v3  }
0x138: {  	s24 =	sshll.u32 s22, $0xB;
	v10 =	vld [tilespmem:s18+$0x5F70]  }
0x139: {  	v1 =	vld [tilespmem:s24+$0x1F80];
	v4 =	vmul.f32 v4, v7;
	v12 =	vadd.f32 v3, v2  }
0x13a: {  	v2 =	vld [tilespmem:s24+$0x5F80]  }
0x13b: {  	v3 =	vld [tilespmem:s24+$0x1F90];
	v8 =	vmul.f32 v8, v6;
	v11 =	vadd.f32 v4, v5  }
0x13c: {  	v5 =	vld [tilespmem:s24+$0x5F90]  }
0x13d: {  	v4 =	vld [tilespmem:s24+$0x1FA0];
	v9 =	vmul.f32 v10, v9  }
0x13e: {  	v6 =	vld [tilespmem:s24+$0x5FA0]  }
0x13f: {  	v7 =	vld [tilespmem:s24+$0x1FB0];
	v10 =	vadd.f32 v9, v8  }
0x140: {  	v9 =	vld [tilespmem:s24+$0x5FB0]  }
0x141: {  	v8 =	vld [tilespmem:s24+$0x1FC0];
	v13 =	vadd.f32 v10, v11  }
0x142: {  	v10 =	vld [tilespmem:s24+$0x5FC0]  }
.Ltmp2:
0x143: {  	v11 =	vld [tilespmem:s24+$0x1FD0];
	v14 =	vadd.f32 v13, v12;
	(pc) =	sbr.rel @p0 .LBB2_3-.Ltmp2, $4  }
0x144: {  	v13 =	vld [tilespmem:s24+$0x5FD0]  }
0x145: {  	v12 =	vld [tilespmem:s24+$0x1FE0];
	[tilespmem:s18+$0x12B00] =	vst v14;
	s18 =	smov.u32 s24  }
0x146: {  	v14 =	vld [tilespmem:s18+$0x5FE0]  }
0x147: {  	s22 =	sadd.s32 $0x1, s22;
	v15 =	vld [tilespmem:s18+$0x1FF0]  }
0x148: {  	v16 =	vld [tilespmem:s18+$0x5FF0]  }
0x149: {  	v17 =	vld [tilespmem:s18+$0x1800]  }
0x14a: {  	v18 =	vld [tilespmem:s18+$0x5800]  }
0x14b: {  	v1 =	vmul.f32 v2, v1;
	v2 =	vmul.f32 v5, v3;
	v3 =	vld [tilespmem:s18+$0x1810]  }
0x14c: {  	v4 =	vmul.f32 v6, v4;
	v6 =	vld [tilespmem:s18+$0x5810]  }
0x14d: {  	v5 =	vmul.f32 v9, v7;
	v9 =	vld [tilespmem:s18+$0x1820]  }
0x14e: {  	v49 =	vld [tilespmem:s18+$0x58F0]  }
0x14f: {  	v50 =	vld [tilespmem:s18+$0x1900]  }
0x150: {  	v51 =	vld [tilespmem:s18+$0x1980]  }
0x151: {  	v52 =	vld [tilespmem:s18+$0x1A00]  }
0x152: {  	v53 =	vld [tilespmem:s18+$0x1A80]  }
0x153: {  	v54 =	vld [tilespmem:s18+$0x1B00]  }
0x154: {  	v55 =	vld [tilespmem:s18+$0x1B80]  }
0x155: {  	v56 =	vld [tilespmem:s18+$0x1C00]  }
0x156: {  	v7 =	vmul.f32 v10, v8;
	v8 =	vmul.f32 v13, v11;
	v13 =	vld [tilespmem:s18+$0x1870]  }
0x157: {  	v1 =	vadd.f32 v2, v1;
	v2 =	vadd.f32 v5, v4;
	v4 =	vld [tilespmem:s18+$0x1830]  }
0x158: {  	v10 =	vmul.f32 v14, v12;
	v12 =	vld [tilespmem:s18+$0x5820]  }
0x159: {  	v5 =	vadd.f32 v8, v7;
	v8 =	vld [tilespmem:s18+$0x5830]  }
0x15a: {  	v14 =	vld [tilespmem:s18+$0x5870]  }
0x15b: {  	v11 =	vmul.f32 v16, v15;
	v15 =	vld [tilespmem:s18+$0x1880]  }
0x15c: {  	v3 =	vmul.f32 v6, v3;
	v6 =	vld [tilespmem:s18+$0x5880]  }
0x15d: {  	v7 =	vadd.f32 v11, v10;
	v10 =	vld [tilespmem:s18+$0x1840]  }
0x15e: {  	v11 =	vld [tilespmem:s18+$0x1860]  }
0x15f: {  	v4 =	vmul.f32 v8, v4;
	v8 =	vld [tilespmem:s18+$0x1890]  }
0x160: {  	v9 =	vmul.f32 v12, v9;
	v12 =	vld [tilespmem:s18+$0x58D0]  }
0x161: {  	v1 =	vadd.f32 v2, v1;
	v2 =	vadd.f32 v7, v5;
	v5 =	vld [tilespmem:s18+$0x5840]  }
0x162: {  	v48 =	vmul.f32 v18, v17;
	v7 =	vld [tilespmem:s18+$0x1850]  }
0x163: {  	v4 =	vadd.f32 v4, v9;
	v9 =	vld [tilespmem:s18+$0x58A0]  }
0x164: {  	v3 =	vadd.f32 v3, v48;
	v6 =	vmul.f32 v6, v15;
	v15 =	vld [tilespmem:s18+$0x5970]  }
0x165: {  	v1 =	vadd.f32 v2, v1;
	v2 =	vld [tilespmem:s18+$0x5850]  }
0x166: {  	v3 =	vadd.f32 v4, v3;
	v4 =	vld [tilespmem:s18+$0x58C0]  }
0x167: {  	[tilespmem:s18+$0x12B80] =	vst v1;
	v1 =	vld [tilespmem:s18+$0x5860]  }
0x168: {  	v5 =	vmul.f32 v5, v10;
	v10 =	vmul.f32 v14, v13;
	v13 =	vld [tilespmem:s18+$0x58E0]  }
0x169: {  	v14 =	vld [tilespmem:s18+$0x18F0]  }
0x16a: {  	v2 =	vmul.f32 v2, v7;
	v7 =	vld [tilespmem:s18+$0x5890]  }
0x16b: {  	v57 =	vld [tilespmem:s18+$0x1C80]  }
0x16c: {  	v1 =	vmul.f32 v1, v11;
	v11 =	vld [tilespmem:s18+$0x18A0]  }
0x16d: {  	v2 =	vadd.f32 v2, v5;
	v5 =	vld [tilespmem:s18+$0x18B0]  }
0x16e: {  	v1 =	vadd.f32 v10, v1;
	v10 =	vld [tilespmem:s18+$0x58B0]  }
0x16f: {  	v7 =	vmul.f32 v7, v8;
	v8 =	vld [tilespmem:s18+$0x5900]  }
0x170: {  	v1 =	vadd.f32 v1, v2;
	v2 =	vld [tilespmem:s18+$0x18C0]  }
0x171: {  	v6 =	vadd.f32 v7, v6;
	v7 =	vld [tilespmem:s18+$0x5920]  }
0x172: {  	v9 =	vmul.f32 v9, v11;
	v11 =	vmul.f32 v49, v14;
	v14 =	vld [tilespmem:s18+$0x1970]  }
0x173: {  	v1 =	vadd.f32 v1, v3;
	v3 =	vld [tilespmem:s18+$0x18D0]  }
0x174: {  	v5 =	vmul.f32 v10, v5;
	v10 =	vld [tilespmem:s18+$0x1910]  }
0x175: {  	[tilespmem:s18+$0x12400] =	vst v1;
	v1 =	vld [tilespmem:s18+$0x18E0]  }
0x176: {  	v2 =	vmul.f32 v4, v2;
	v4 =	vld [tilespmem:s18+$0x5910]  }
0x177: {  	v5 =	vadd.f32 v5, v9;
	v9 =	vld [tilespmem:s18+$0x5930]  }
0x178: {  	v58 =	vld [tilespmem:s18+$0x1D00]  }
0x179: {  	v3 =	vmul.f32 v12, v3;
	v12 =	vld [tilespmem:s18+$0x1920]  }
0x17a: {  	v5 =	vadd.f32 v5, v6;
	v6 =	vld [tilespmem:s18+$0x5940]  }
0x17b: {  	v2 =	vadd.f32 v3, v2;
	v3 =	vld [tilespmem:s18+$0x1930]  }
0x17c: {  	v1 =	vmul.f32 v13, v1;
	v13 =	vld [tilespmem:s18+$0x5960]  }
0x17d: {  	v4 =	vmul.f32 v4, v10;
	v10 =	vld [tilespmem:s18+$0x5980]  }
0x17e: {  	v8 =	vmul.f32 v8, v50;
	v1 =	vadd.f32 v11, v1;
	v11 =	vld [tilespmem:s18+$0x5950]  }
0x17f: {  	v7 =	vmul.f32 v7, v12;
	v12 =	vld [tilespmem:s18+$0x19A0]  }
0x180: {  	v4 =	vadd.f32 v4, v8;
	v8 =	vld [tilespmem:s18+$0x59B0]  }
0x181: {  	v1 =	vadd.f32 v1, v2;
	v2 =	vld [tilespmem:s18+$0x1940]  }
0x182: {  	v3 =	vmul.f32 v9, v3;
	v9 =	vld [tilespmem:s18+$0x1990]  }
0x183: {  	v1 =	vadd.f32 v1, v5;
	v5 =	vld [tilespmem:s18+$0x1950]  }
0x184: {  	v3 =	vadd.f32 v3, v7;
	v7 =	vld [tilespmem:s18+$0x59A0]  }
0x185: {  	[tilespmem:s18+$0x12480] =	vst v1;
	v1 =	vld [tilespmem:s18+$0x1960]  }
0x186: {  	v2 =	vmul.f32 v6, v2;
	v6 =	vld [tilespmem:s18+$0x5990]  }
0x187: {  	v3 =	vadd.f32 v3, v4;
	v4 =	vld [tilespmem:s18+$0x59C0]  }
0x188: {  	v59 =	vld [tilespmem:s18+$0x1D80]  }
0x189: {  	v5 =	vmul.f32 v11, v5;
	v11 =	vmul.f32 v15, v14;
	v14 =	vld [tilespmem:s18+$0x19F0]  }
0x18a: {  	v15 =	vld [tilespmem:s18+$0x59F0]  }
0x18b: {  	v7 =	vmul.f32 v7, v12;
	v12 =	vld [tilespmem:s18+$0x1A20]  }
0x18c: {  	v2 =	vadd.f32 v5, v2;
	v5 =	vld [tilespmem:s18+$0x19B0]  }
0x18d: {  	v1 =	vmul.f32 v13, v1;
	v13 =	vld [tilespmem:s18+$0x59E0]  }
0x18e: {  	v10 =	vmul.f32 v10, v51;
	v6 =	vmul.f32 v6, v9;
	v9 =	vld [tilespmem:s18+$0x5A00]  }
0x18f: {  	v1 =	vadd.f32 v11, v1;
	v11 =	vld [tilespmem:s18+$0x59D0]  }
0x190: {  	v6 =	vadd.f32 v6, v10;
	v10 =	vld [tilespmem:s18+$0x5A30]  }
0x191: {  	v1 =	vadd.f32 v1, v2;
	v2 =	vld [tilespmem:s18+$0x19C0]  }
0x192: {  	v5 =	vmul.f32 v8, v5;
	v8 =	vld [tilespmem:s18+$0x1A10]  }
0x193: {  	v1 =	vadd.f32 v1, v3;
	v3 =	vld [tilespmem:s18+$0x19D0]  }
0x194: {  	v5 =	vadd.f32 v5, v7;
	v7 =	vld [tilespmem:s18+$0x5A20]  }
0x195: {  	[tilespmem:s18+$0x12500] =	vst v1;
	v1 =	vld [tilespmem:s18+$0x19E0]  }
0x196: {  	v2 =	vmul.f32 v4, v2;
	v4 =	vld [tilespmem:s18+$0x5A10]  }
0x197: {  	v5 =	vadd.f32 v5, v6;
	v6 =	vld [tilespmem:s18+$0x5A40]  }
0x198: {  	v60 =	vld [tilespmem:s18+$0x1E00]  }
0x199: {  	v3 =	vmul.f32 v11, v3;
	v11 =	vmul.f32 v15, v14;
	v14 =	vld [tilespmem:s18+$0x1A70]  }
0x19a: {  	v15 =	vld [tilespmem:s18+$0x5A70]  }
0x19b: {  	v7 =	vmul.f32 v7, v12;
	v12 =	vld [tilespmem:s18+$0x1AA0]  }
0x19c: {  	v2 =	vadd.f32 v3, v2;
	v3 =	vld [tilespmem:s18+$0x1A30]  }
0x19d: {  	v1 =	vmul.f32 v13, v1;
	v13 =	vld [tilespmem:s18+$0x5A60]  }
0x19e: {  	v9 =	vmul.f32 v9, v52;
	v4 =	vmul.f32 v4, v8;
	v8 =	vld [tilespmem:s18+$0x5A80]  }
0x19f: {  	v1 =	vadd.f32 v11, v1;
	v11 =	vld [tilespmem:s18+$0x5A50]  }
0x1a0: {  	v4 =	vadd.f32 v4, v9;
	v9 =	vld [tilespmem:s18+$0x5AB0]  }
0x1a1: {  	v1 =	vadd.f32 v1, v2;
	v2 =	vld [tilespmem:s18+$0x1A40]  }
0x1a2: {  	v3 =	vmul.f32 v10, v3;
	v10 =	vld [tilespmem:s18+$0x1A90]  }
0x1a3: {  	v1 =	vadd.f32 v1, v5;
	v5 =	vld [tilespmem:s18+$0x1A50]  }
0x1a4: {  	v3 =	vadd.f32 v3, v7;
	v7 =	vld [tilespmem:s18+$0x5AA0]  }
0x1a5: {  	[tilespmem:s18+$0x12580] =	vst v1;
	v1 =	vld [tilespmem:s18+$0x1A60]  }
0x1a6: {  	v2 =	vmul.f32 v6, v2;
	v6 =	vld [tilespmem:s18+$0x5A90]  }
0x1a7: {  	v3 =	vadd.f32 v3, v4;
	v4 =	vld [tilespmem:s18+$0x5AC0]  }
0x1a8: {  	v61 =	vld [tilespmem:s18+$0x1E80]  }
0x1a9: {  	v5 =	vmul.f32 v11, v5;
	v11 =	vmul.f32 v15, v14;
	v14 =	vld [tilespmem:s18+$0x1AF0]  }
0x1aa: {  	v15 =	vld [tilespmem:s18+$0x5AF0]  }
0x1ab: {  	v7 =	vmul.f32 v7, v12;
	v12 =	vld [tilespmem:s18+$0x1B20]  }
0x1ac: {  	v2 =	vadd.f32 v5, v2;
	v5 =	vld [tilespmem:s18+$0x1AB0]  }
0x1ad: {  	v1 =	vmul.f32 v13, v1;
	v13 =	vld [tilespmem:s18+$0x5AE0]  }
0x1ae: {  	v8 =	vmul.f32 v8, v53;
	v6 =	vmul.f32 v6, v10;
	v10 =	vld [tilespmem:s18+$0x5B00]  }
0x1af: {  	v1 =	vadd.f32 v11, v1;
	v11 =	vld [tilespmem:s18+$0x5AD0]  }
0x1b0: {  	v6 =	vadd.f32 v6, v8;
	v8 =	vld [tilespmem:s18+$0x5B30]  }
0x1b1: {  	v1 =	vadd.f32 v1, v2;
	v2 =	vld [tilespmem:s18+$0x1AC0]  }
0x1b2: {  	v5 =	vmul.f32 v9, v5;
	v9 =	vld [tilespmem:s18+$0x1B10]  }
0x1b3: {  	v1 =	vadd.f32 v1, v3;
	v3 =	vld [tilespmem:s18+$0x1AD0]  }
0x1b4: {  	v5 =	vadd.f32 v5, v7;
	v7 =	vld [tilespmem:s18+$0x5B20]  }
0x1b5: {  	[tilespmem:s18+$0x12600] =	vst v1;
	v1 =	vld [tilespmem:s18+$0x1AE0]  }
0x1b6: {  	v2 =	vmul.f32 v4, v2;
	v4 =	vld [tilespmem:s18+$0x5B10]  }
0x1b7: {  	v5 =	vadd.f32 v5, v6;
	v6 =	vld [tilespmem:s18+$0x5B40]  }
0x1b8: {  	v62 =	vld [tilespmem:s18+$0x1F00]  }
0x1b9: {  	v3 =	vmul.f32 v11, v3;
	v11 =	vmul.f32 v15, v14;
	v14 =	vld [tilespmem:s18+$0x1B70]  }
0x1ba: {  	v15 =	vld [tilespmem:s18+$0x5B70]  }
0x1bb: {  	v7 =	vmul.f32 v7, v12;
	v12 =	vld [tilespmem:s18+$0x1BA0]  }
0x1bc: {  	v2 =	vadd.f32 v3, v2;
	v3 =	vld [tilespmem:s18+$0x1B30]  }
0x1bd: {  	v1 =	vmul.f32 v13, v1;
	v13 =	vld [tilespmem:s18+$0x5B60]  }
0x1be: {  	v10 =	vmul.f32 v10, v54;
	v4 =	vmul.f32 v4, v9;
	v9 =	vld [tilespmem:s18+$0x5B80]  }
0x1bf: {  	v1 =	vadd.f32 v11, v1;
	v11 =	vld [tilespmem:s18+$0x5B50]  }
0x1c0: {  	v4 =	vadd.f32 v4, v10;
	v10 =	vld [tilespmem:s18+$0x5BB0]  }
0x1c1: {  	v1 =	vadd.f32 v1, v2;
	v2 =	vld [tilespmem:s18+$0x1B40]  }
0x1c2: {  	v3 =	vmul.f32 v8, v3;
	v8 =	vld [tilespmem:s18+$0x1B90]  }
0x1c3: {  	v1 =	vadd.f32 v1, v5;
	v5 =	vld [tilespmem:s18+$0x1B50]  }
0x1c4: {  	v3 =	vadd.f32 v3, v7;
	v7 =	vld [tilespmem:s18+$0x5BA0]  }
0x1c5: {  	[tilespmem:s18+$0x12680] =	vst v1;
	v1 =	vld [tilespmem:s18+$0x1B60]  }
0x1c6: {  	v2 =	vmul.f32 v6, v2;
	v6 =	vld [tilespmem:s18+$0x5B90]  }
0x1c7: {  	v3 =	vadd.f32 v3, v4;
	v4 =	vld [tilespmem:s18+$0x5BC0]  }
0x1c8: {  	v5 =	vmul.f32 v11, v5;
	v11 =	vmul.f32 v15, v14;
	v14 =	vld [tilespmem:s18+$0x1BF0]  }
0x1c9: {  	v15 =	vld [tilespmem:s18+$0x5BF0]  }
0x1ca: {  	v7 =	vmul.f32 v7, v12;
	v12 =	vld [tilespmem:s18+$0x1C20]  }
0x1cb: {  	v2 =	vadd.f32 v5, v2;
	v5 =	vld [tilespmem:s18+$0x1BB0]  }
0x1cc: {  	v1 =	vmul.f32 v13, v1;
	v13 =	vld [tilespmem:s18+$0x5BE0]  }
0x1cd: {  	v9 =	vmul.f32 v9, v55;
	v6 =	vmul.f32 v6, v8;
	v8 =	vld [tilespmem:s18+$0x5C00]  }
0x1ce: {  	v1 =	vadd.f32 v11, v1;
	v11 =	vld [tilespmem:s18+$0x5BD0]  }
0x1cf: {  	v6 =	vadd.f32 v6, v9;
	v9 =	vld [tilespmem:s18+$0x5C30]  }
0x1d0: {  	v1 =	vadd.f32 v1, v2;
	v2 =	vld [tilespmem:s18+$0x1BC0]  }
0x1d1: {  	v5 =	vmul.f32 v10, v5;
	v10 =	vld [tilespmem:s18+$0x1C10]  }
0x1d2: {  	v1 =	vadd.f32 v1, v3;
	v3 =	vld [tilespmem:s18+$0x1BD0]  }
0x1d3: {  	v5 =	vadd.f32 v5, v7;
	v7 =	vld [tilespmem:s18+$0x5C20]  }
0x1d4: {  	[tilespmem:s18+$0x12700] =	vst v1;
	v1 =	vld [tilespmem:s18+$0x1BE0]  }
0x1d5: {  	v2 =	vmul.f32 v4, v2;
	v4 =	vld [tilespmem:s18+$0x5C10]  }
0x1d6: {  	v5 =	vadd.f32 v5, v6;
	v6 =	vld [tilespmem:s18+$0x5C40]  }
0x1d7: {  	v3 =	vmul.f32 v11, v3;
	v11 =	vmul.f32 v15, v14;
	v14 =	vld [tilespmem:s18+$0x1C70]  }
0x1d8: {  	v15 =	vld [tilespmem:s18+$0x5C70]  }
0x1d9: {  	v7 =	vmul.f32 v7, v12;
	v12 =	vld [tilespmem:s18+$0x1CA0]  }
0x1da: {  	v2 =	vadd.f32 v3, v2;
	v3 =	vld [tilespmem:s18+$0x1C30]  }
0x1db: {  	v1 =	vmul.f32 v13, v1;
	v13 =	vld [tilespmem:s18+$0x5C60]  }
0x1dc: {  	v8 =	vmul.f32 v8, v56;
	v4 =	vmul.f32 v4, v10;
	v10 =	vld [tilespmem:s18+$0x5C80]  }
0x1dd: {  	v1 =	vadd.f32 v11, v1;
	v11 =	vld [tilespmem:s18+$0x5C50]  }
0x1de: {  	v4 =	vadd.f32 v4, v8;
	v8 =	vld [tilespmem:s18+$0x5CB0]  }
0x1df: {  	v1 =	vadd.f32 v1, v2;
	v2 =	vld [tilespmem:s18+$0x1C40]  }
0x1e0: {  	v3 =	vmul.f32 v9, v3;
	v9 =	vld [tilespmem:s18+$0x1C90]  }
0x1e1: {  	v1 =	vadd.f32 v1, v5;
	v5 =	vld [tilespmem:s18+$0x1C50]  }
0x1e2: {  	v3 =	vadd.f32 v3, v7;
	v7 =	vld [tilespmem:s18+$0x5CA0]  }
0x1e3: {  	[tilespmem:s18+$0x12780] =	vst v1;
	v1 =	vld [tilespmem:s18+$0x1C60]  }
0x1e4: {  	v2 =	vmul.f32 v6, v2;
	v6 =	vld [tilespmem:s18+$0x5C90]  }
0x1e5: {  	v3 =	vadd.f32 v3, v4;
	v4 =	vld [tilespmem:s18+$0x5CC0]  }
0x1e6: {  	v5 =	vmul.f32 v11, v5;
	v11 =	vmul.f32 v15, v14;
	v14 =	vld [tilespmem:s18+$0x1CF0]  }
0x1e7: {  	v15 =	vld [tilespmem:s18+$0x5CF0]  }
0x1e8: {  	v7 =	vmul.f32 v7, v12;
	v12 =	vld [tilespmem:s18+$0x1D20]  }
0x1e9: {  	v2 =	vadd.f32 v5, v2;
	v5 =	vld [tilespmem:s18+$0x1CB0]  }
0x1ea: {  	v1 =	vmul.f32 v13, v1;
	v13 =	vld [tilespmem:s18+$0x5CE0]  }
0x1eb: {  	v10 =	vmul.f32 v10, v57;
	v6 =	vmul.f32 v6, v9;
	v9 =	vld [tilespmem:s18+$0x5D00]  }
0x1ec: {  	v1 =	vadd.f32 v11, v1;
	v11 =	vld [tilespmem:s18+$0x5CD0]  }
0x1ed: {  	v6 =	vadd.f32 v6, v10;
	v10 =	vld [tilespmem:s18+$0x5D30]  }
0x1ee: {  	v1 =	vadd.f32 v1, v2;
	v2 =	vld [tilespmem:s18+$0x1CC0]  }
0x1ef: {  	v5 =	vmul.f32 v8, v5;
	v8 =	vld [tilespmem:s18+$0x1D10]  }
0x1f0: {  	v1 =	vadd.f32 v1, v3;
	v3 =	vld [tilespmem:s18+$0x1CD0]  }
0x1f1: {  	v5 =	vadd.f32 v5, v7;
	v7 =	vld [tilespmem:s18+$0x5D20]  }
0x1f2: {  	[tilespmem:s18+$0x12800] =	vst v1;
	v1 =	vld [tilespmem:s18+$0x1CE0]  }
0x1f3: {  	v2 =	vmul.f32 v4, v2;
	v4 =	vld [tilespmem:s18+$0x5D10]  }
0x1f4: {  	v5 =	vadd.f32 v5, v6;
	v6 =	vld [tilespmem:s18+$0x5D40]  }
0x1f5: {  	v3 =	vmul.f32 v11, v3;
	v11 =	vmul.f32 v15, v14;
	v14 =	vld [tilespmem:s18+$0x1D70]  }
0x1f6: {  	v15 =	vld [tilespmem:s18+$0x5D70]  }
0x1f7: {  	v7 =	vmul.f32 v7, v12;
	v12 =	vld [tilespmem:s18+$0x1DA0]  }
0x1f8: {  	v2 =	vadd.f32 v3, v2;
	v3 =	vld [tilespmem:s18+$0x1D30]  }
0x1f9: {  	v1 =	vmul.f32 v13, v1;
	v13 =	vld [tilespmem:s18+$0x5D60]  }
0x1fa: {  	v9 =	vmul.f32 v9, v58;
	v4 =	vmul.f32 v4, v8;
	v8 =	vld [tilespmem:s18+$0x5D80]  }
0x1fb: {  	v1 =	vadd.f32 v11, v1;
	v11 =	vld [tilespmem:s18+$0x5D50]  }
0x1fc: {  	v4 =	vadd.f32 v4, v9;
	v9 =	vld [tilespmem:s18+$0x5DB0]  }
0x1fd: {  	v1 =	vadd.f32 v1, v2;
	v2 =	vld [tilespmem:s18+$0x1D40]  }
0x1fe: {  	v3 =	vmul.f32 v10, v3;
	v10 =	vld [tilespmem:s18+$0x1D90]  }
0x1ff: {  	v1 =	vadd.f32 v1, v5;
	v5 =	vld [tilespmem:s18+$0x1D50]  }
0x200: {  	v3 =	vadd.f32 v3, v7;
	v7 =	vld [tilespmem:s18+$0x5DA0]  }
0x201: {  	[tilespmem:s18+$0x12880] =	vst v1;
	v1 =	vld [tilespmem:s18+$0x1D60]  }
0x202: {  	v2 =	vmul.f32 v6, v2;
	v6 =	vld [tilespmem:s18+$0x5D90]  }
0x203: {  	v3 =	vadd.f32 v3, v4;
	v4 =	vld [tilespmem:s18+$0x5DC0]  }
0x204: {  	v5 =	vmul.f32 v11, v5;
	v11 =	vmul.f32 v15, v14;
	v14 =	vld [tilespmem:s18+$0x1DF0]  }
0x205: {  	v15 =	vld [tilespmem:s18+$0x5DF0]  }
0x206: {  	v7 =	vmul.f32 v7, v12;
	v12 =	vld [tilespmem:s18+$0x1E20]  }
0x207: {  	v2 =	vadd.f32 v5, v2;
	v5 =	vld [tilespmem:s18+$0x1DB0]  }
0x208: {  	v1 =	vmul.f32 v13, v1;
	v13 =	vld [tilespmem:s18+$0x5DE0]  }
0x209: {  	v8 =	vmul.f32 v8, v59;
	v6 =	vmul.f32 v6, v10;
	v10 =	vld [tilespmem:s18+$0x5E00]  }
0x20a: {  	v1 =	vadd.f32 v11, v1;
	v11 =	vld [tilespmem:s18+$0x5DD0]  }
0x20b: {  	v6 =	vadd.f32 v6, v8;
	v8 =	vld [tilespmem:s18+$0x5E30]  }
0x20c: {  	v1 =	vadd.f32 v1, v2;
	v2 =	vld [tilespmem:s18+$0x1DC0]  }
0x20d: {  	v5 =	vmul.f32 v9, v5;
	v9 =	vld [tilespmem:s18+$0x1E10]  }
0x20e: {  	v1 =	vadd.f32 v1, v3;
	v3 =	vld [tilespmem:s18+$0x1DD0]  }
0x20f: {  	v5 =	vadd.f32 v5, v7;
	v7 =	vld [tilespmem:s18+$0x5E20]  }
0x210: {  	[tilespmem:s18+$0x12900] =	vst v1;
	v1 =	vld [tilespmem:s18+$0x1DE0]  }
0x211: {  	v2 =	vmul.f32 v4, v2;
	v4 =	vld [tilespmem:s18+$0x5E10]  }
0x212: {  	v5 =	vadd.f32 v5, v6;
	v6 =	vld [tilespmem:s18+$0x5E40]  }
0x213: {  	v3 =	vmul.f32 v11, v3;
	v11 =	vmul.f32 v15, v14;
	v14 =	vld [tilespmem:s18+$0x1E70]  }
0x214: {  	v15 =	vld [tilespmem:s18+$0x5E70]  }
0x215: {  	v7 =	vmul.f32 v7, v12;
	v12 =	vld [tilespmem:s18+$0x1EA0]  }
0x216: {  	v1 =	vmul.f32 v13, v1;
	v2 =	vadd.f32 v3, v2;
	v3 =	vld [tilespmem:s18+$0x1E30]  }
0x217: {  	v13 =	vld [tilespmem:s18+$0x5E60]  }
0x218: {  	v10 =	vmul.f32 v10, v60;
	v4 =	vmul.f32 v4, v9;
	v9 =	vld [tilespmem:s18+$0x5E80];
	v1 =	vadd.f32 v11, v1  }
0x219: {  	v11 =	vld [tilespmem:s18+$0x5E50]  }
0x21a: {  	v4 =	vadd.f32 v4, v10;
	v10 =	vld [tilespmem:s18+$0x5EB0];
	v1 =	vadd.f32 v1, v2  }
0x21b: {  	v2 =	vld [tilespmem:s18+$0x1E40]  }
0x21c: {  	v3 =	vmul.f32 v8, v3;
	v8 =	vld [tilespmem:s18+$0x1E90];
	v1 =	vadd.f32 v1, v5  }
0x21d: {  	v5 =	vld [tilespmem:s18+$0x1E50]  }
0x21e: {  	[tilespmem:s18+$0x12980] =	vst v1;
	v1 =	vld [tilespmem:s18+$0x1E60]  }
0x21f: {  	v3 =	vadd.f32 v3, v7;
	v7 =	vld [tilespmem:s18+$0x5EA0]  }
0x220: {  	v2 =	vmul.f32 v6, v2;
	v6 =	vld [tilespmem:s18+$0x5E90]  }
0x221: {  	v3 =	vadd.f32 v3, v4;
	v4 =	vld [tilespmem:s18+$0x5EC0]  }
0x222: {  	v5 =	vmul.f32 v11, v5;
	v11 =	vmul.f32 v15, v14;
	v14 =	vld [tilespmem:s18+$0x1EF0]  }
0x223: {  	v15 =	vld [tilespmem:s18+$0x5EF0];
	v1 =	vmul.f32 v13, v1  }
0x224: {  	v7 =	vmul.f32 v7, v12;
	v12 =	vld [tilespmem:s18+$0x1F20]  }
0x225: {  	v2 =	vadd.f32 v5, v2;
	v5 =	vld [tilespmem:s18+$0x1EB0];
	v1 =	vadd.f32 v11, v1  }
0x226: {  	v13 =	vld [tilespmem:s18+$0x5EE0]  }
0x227: {  	v6 =	vmul.f32 v6, v8;
	v8 =	vld [tilespmem:s18+$0x5F00];
	v1 =	vadd.f32 v1, v2  }
0x228: {  	v11 =	vld [tilespmem:s18+$0x5ED0]  }
0x229: {  	v2 =	vld [tilespmem:s18+$0x1EC0];
	v1 =	vadd.f32 v1, v3  }
0x22a: {  	v9 =	vmul.f32 v9, v61;
	v3 =	vld [tilespmem:s18+$0x1ED0]  }
0x22b: {  	[tilespmem:s18+$0x12A00] =	vst v1;
	v1 =	vld [tilespmem:s18+$0x1EE0]  }
0x22c: {  	v6 =	vadd.f32 v6, v9;
	v9 =	vld [tilespmem:s18+$0x5F30];
	v5 =	vmul.f32 v10, v5  }
0x22d: {  	v10 =	vld [tilespmem:s18+$0x1F10]  }
0x22e: {  	v5 =	vadd.f32 v5, v7;
	v7 =	vld [tilespmem:s18+$0x5F20]  }
0x22f: {  	v2 =	vmul.f32 v4, v2;
	v4 =	vld [tilespmem:s18+$0x5F10];
	v3 =	vmul.f32 v11, v3  }
0x230: {  	v5 =	vadd.f32 v5, v6;
	v6 =	vld [tilespmem:s18+$0x5F40];
	v11 =	vmul.f32 v15, v14;
	v1 =	vmul.f32 v13, v1  }
0x231: {  	v14 =	vld [tilespmem:s18+$0x1F70]  }
0x232: {  	v15 =	vld [tilespmem:s18+$0x5F70];
	v2 =	vadd.f32 v3, v2;
	v1 =	vadd.f32 v11, v1  }
0x233: {  	v3 =	vld [tilespmem:s18+$0x1F30]  }
0x234: {  	v13 =	vld [tilespmem:s18+$0x5F60];
	v1 =	vadd.f32 v1, v2  }
0x235: {  	v11 =	vld [tilespmem:s18+$0x5F50]  }
0x236: {  	v2 =	vld [tilespmem:s18+$0x1F40];
	v1 =	vadd.f32 v1, v5  }
0x237: {  	v5 =	vld [tilespmem:s18+$0x1F50]  }
0x238: {  	[tilespmem:s18+$0x12A80] =	vst v1;
	v1 =	vld [tilespmem:s18+$0x1F60];
	_ =	sdelay $0x1  }
0x239: {  	v8 =	vmul.f32 v8, v62;
	v7 =	vmul.f32 v7, v12  }
0x23a: {  	v4 =	vmul.f32 v4, v10;
	v3 =	vmul.f32 v9, v3  }
0x23b: {  	v2 =	vmul.f32 v6, v2;
	v6 =	vmul.f32 v15, v14  }
0x23c: {  	v5 =	vmul.f32 v11, v5;
	v1 =	vmul.f32 v13, v1  }
0x23d: {  	v4 =	vadd.f32 v4, v8;
	v3 =	vadd.f32 v3, v7;
	v7 =	vmov s20  }
0x23e: {  	v2 =	vadd.f32 v5, v2;
	v5 =	vshll.u32 v7, $0x7;
	v1 =	vadd.f32 v6, v1  }
0x23f: {  	v5 =	vor.u32 v0, v5  }
0x240: {  	v3 =	vadd.f32 v3, v4;
	v1 =	vadd.f32 v1, v2;
	v2 =	vor.u32 $0x1, v5;
	_ =	sdelay $0x1  }
0x241: {  	v4 =	vor.u32 $0x3, v5;
	v1 =	vadd.f32 v1, v3  }
0x242: {  	v6 =	vor.u32 $0x5, v5  }
0x243: {  	v8 =	vor.u32 $0x6, v5;
	[tilespmem:s18+$0x12B00] =	vst v1  }
0x244: {  	v9 =	vor.u32 $0x7, v5;
	v2 =	vld.idx.msk [tilespmem:v2+s29+$0x0], $0xffff  }
0x245: {  	v10 =	vor.u32 $0x8, v5;
	v7 =	vld.idx.msk [tilespmem:v5+s29+$0x0], $0xffff  }
0x246: {  	v11 =	vor.u32 $0x9, v5;
	v4 =	vld.idx.msk [tilespmem:v4+s29+$0x0], $0xffff  }
0x247: {  	v12 =	vor.u32 $0xA, v5;
	v6 =	vld.idx.msk [tilespmem:v6+s29+$0x0], $0xffff  }
0x248: {  	v13 =	vor.u32 $0xB, v5;
	v8 =	vld.idx.msk [tilespmem:v8+s29+$0x0], $0xffff  }
0x249: {  	v14 =	vor.u32 $0xC, v5;
	v9 =	vld.idx.msk [tilespmem:v9+s29+$0x0], $0xffff  }
0x24a: {  	v15 =	vor.u32 $0xD, v5;
	v10 =	vld.idx.msk [tilespmem:v10+s29+$0x0], $0xffff  }
0x24b: {  	v63 =	vor.u32 $0xE, v5;
	v11 =	vld.idx.msk [tilespmem:v11+s29+$0x0], $0xffff  }
0x24c: {  	v3 =	vor.u32 $0x2, v5;
	v12 =	vld.idx.msk [tilespmem:v12+s29+$0x0], $0xffff  }
0x24d: {  	v1 =	vor.u32 $0x4, v5;
	v13 =	vld.idx.msk [tilespmem:v13+s29+$0x0], $0xffff  }
0x24e: {  	v5 =	vor.u32 $0xF, v5;
	v14 =	vld.idx.msk [tilespmem:v14+s29+$0x0], $0xffff  }
0x24f: {  	v15 =	vld.idx.msk [tilespmem:v15+s29+$0x0], $0xffff  }
0x250: {  	v16 =	vld.idx.msk [tilespmem:v63+s29+$0x0], $0xffff  }
0x251: {  	v3 =	vld.idx.msk [tilespmem:v3+s29+$0x0], $0xffff  }
0x252: {  	v1 =	vld.idx.msk [tilespmem:v1+s29+$0x0], $0xffff  }
0x253: {  	v5 =	vld.idx.msk [tilespmem:v5+s29+$0x0], $0xffff;
	_ =	sdelay $0x1  }
0x254: {  	v2 =	vadd.f32 v2, v7;
	v7 =	vadd.f32 v13, v12  }
0x255: {  	v3 =	vadd.f32 v4, v3;
	v4 =	vadd.f32 v9, v8  }
0x256: {  	v8 =	vadd.f32 v15, v14;
	v1 =	vadd.f32 v6, v1  }
0x257: {  	s24 =	simm.s32 $0x10;
	v6 =	vadd.f32 v11, v10;
	v5 =	vadd.f32 v5, v16  }
0x258: {  	v9 =	vmov s24;
	v2 =	vadd.f32 v3, v2;
	v3 =	vadd.f32 v4, v1  }
0x259: {  	v1 =	vshll.u32 v9, $0x7;
	v4 =	vadd.f32 v7, v6;
	v5 =	vadd.f32 v5, v8  }
0x25a: {  	v1 =	vor.u32 v0, v1  }
0x25b: {  	v6 =	vor.u32 $0x1, v1;
	v2 =	vadd.f32 v3, v2;
	v3 =	vadd.f32 v5, v4;
	_ =	sdelay $0x1  }
0x25c: {  	v4 =	vor.u32 $0x2, v1;
	v2 =	vadd.f32 v3, v2  }
0x25d: {  	v5 =	vor.u32 $0x3, v1  }
0x25e: {  	v7 =	vor.u32 $0x4, v1;
	[tilespmem:s16+$0x0] =	vst v2  }
0x25f: {  	v8 =	vor.u32 $0x5, v1;
	v2 =	vld.idx.msk [tilespmem:v6+s29+$0x0], $0xffff  }
0x260: {  	v9 =	vor.u32 $0x6, v1;
	v3 =	vld.idx.msk [tilespmem:v1+s29+$0x0], $0xffff  }
0x261: {  	v14 =	vor.u32 $0x7, v1;
	v4 =	vld.idx.msk [tilespmem:v4+s29+$0x0], $0xffff  }
0x262: {  	v13 =	vor.u32 $0x8, v1;
	v5 =	vld.idx.msk [tilespmem:v5+s29+$0x0], $0xffff  }
0x263: {  	v11 =	vor.u32 $0x9, v1;
	v6 =	vld.idx.msk [tilespmem:v7+s29+$0x0], $0xffff  }
0x264: {  	v12 =	vor.u32 $0xA, v1;
	v7 =	vld.idx.msk [tilespmem:v8+s29+$0x0], $0xffff  }
0x265: {  	v10 =	vor.u32 $0xB, v1;
	v8 =	vld.idx.msk [tilespmem:v9+s29+$0x0], $0xffff  }
0x266: {  	s20 =	simm.s32 $0x20;
	s18 =	smov.u32 s16;
	v9 =	vld.idx.msk [tilespmem:v14+s29+$0x0], $0xffff;
	v14 =	vor.u32 $0xC, v1  }
.LBB2_5:
0x267: {  	p0 =	sne.s32 s20, $0x70;
	v13 =	vld.idx.msk [tilespmem:v13+s29+$0x0], $0xffff;
	v15 =	vor.u32 $0xD, v1  }
0x268: {  	v16 =	vor.u32 $0xE, v1;
	v11 =	vld.idx.msk [tilespmem:v11+s29+$0x0], $0xffff  }
0x269: {  	v1 =	vor.u32 $0xF, v1;
	v12 =	vld.idx.msk [tilespmem:v12+s29+$0x0], $0xffff  }
0x26a: {  	v10 =	vld.idx.msk [tilespmem:v10+s29+$0x0], $0xffff  }
0x26b: {  	v14 =	vld.idx.msk [tilespmem:v14+s29+$0x0], $0xffff  }
0x26c: {  	v15 =	vld.idx.msk [tilespmem:v15+s29+$0x0], $0xffff  }
0x26d: {  	v16 =	vld.idx.msk [tilespmem:v16+s29+$0x0], $0xffff  }
0x26e: {  	v1 =	vld.idx.msk [tilespmem:v1+s29+$0x0], $0xffff;
	_ =	sdelay $0x2  }
0x26f: {  	v2 =	vadd.f32 v2, v3;
	v3 =	vadd.f32 v5, v4  }
0x270: {  	v4 =	vadd.f32 v7, v6;
	v5 =	vadd.f32 v9, v8  }
0x271: {  	v6 =	vadd.f32 v11, v13;
	v7 =	vadd.f32 v10, v12  }
0x272: {  	v8 =	vadd.f32 v15, v14;
	v1 =	vadd.f32 v1, v16  }
0x273: {  	v2 =	vadd.f32 v3, v2;
	v9 =	vmov s20;
	v3 =	vadd.f32 v5, v4  }
0x274: {  	v4 =	vshll.u32 v9, $0x7;
	v5 =	vadd.f32 v7, v6;
	v6 =	vadd.f32 v1, v8  }
0x275: {  	v1 =	vor.u32 v0, v4  }
0x276: {  	v2 =	vadd.f32 v3, v2;
	v4 =	vor.u32 $0x1, v1;
	v3 =	vadd.f32 v6, v5;
	_ =	sdelay $0x1  }
0x277: {  	v5 =	vor.u32 $0x2, v1;
	v2 =	vadd.f32 v3, v2  }
0x278: {  	s18 =	sadd.s32 $0x10, s18;
	v6 =	vor.u32 $0x3, v1  }
0x279: {  	v7 =	vor.u32 $0x4, v1;
	[tilespmem:s18+$0x0] =	vst v2  }
0x27a: {  	v8 =	vor.u32 $0x5, v1;
	v2 =	vld.idx.msk [tilespmem:v4+s29+$0x0], $0xffff  }
0x27b: {  	v9 =	vor.u32 $0x6, v1;
	v3 =	vld.idx.msk [tilespmem:v1+s29+$0x0], $0xffff  }
0x27c: {  	v14 =	vor.u32 $0x7, v1;
	v4 =	vld.idx.msk [tilespmem:v5+s29+$0x0], $0xffff  }
.Ltmp3:
0x27d: {  	v13 =	vor.u32 $0x8, v1;
	v5 =	vld.idx.msk [tilespmem:v6+s29+$0x0], $0xffff;
	(pc) =	sbr.rel @p0 .LBB2_5-.Ltmp3, $4  }
0x27e: {  	v11 =	vor.u32 $0x9, v1;
	v6 =	vld.idx.msk [tilespmem:v7+s29+$0x0], $0xffff  }
0x27f: {  	v12 =	vor.u32 $0xA, v1;
	v7 =	vld.idx.msk [tilespmem:v8+s29+$0x0], $0xffff  }
0x280: {  	v10 =	vor.u32 $0xB, v1;
	v8 =	vld.idx.msk [tilespmem:v9+s29+$0x0], $0xffff  }
0x281: {  	s20 =	sadd.s32 $0x10, s20;
	v9 =	vld.idx.msk [tilespmem:v14+s29+$0x0], $0xffff;
	v14 =	vor.u32 $0xC, v1  }
0x282: {  	_ =	sdelay $0x3  }
0x283: {  	v13 =	vld.idx.msk [tilespmem:v13+s29+$0x0], $0xffff;
	v15 =	vor.u32 $0xD, v1  }
0x284: {  	v11 =	vld.idx.msk [tilespmem:v11+s29+$0x0], $0xffff;
	v16 =	vor.u32 $0xE, v1  }
0x285: {  	v12 =	vld.idx.msk [tilespmem:v12+s29+$0x0], $0xffff;
	v1 =	vor.u32 $0xF, v1  }
0x286: {  	v10 =	vld.idx.msk [tilespmem:v10+s29+$0x0], $0xffff  }
0x287: {  	v14 =	vld.idx.msk [tilespmem:v14+s29+$0x0], $0xffff  }
0x288: {  	v15 =	vld.idx.msk [tilespmem:v15+s29+$0x0], $0xffff  }
0x289: {  	v16 =	vld.idx.msk [tilespmem:v16+s29+$0x0], $0xffff  }
0x28a: {  	v1 =	vld.idx.msk [tilespmem:v1+s29+$0x0], $0xffff;
	_ =	sdelay $0x1  }
0x28b: {  	v2 =	vadd.f32 v2, v3;
	v3 =	vadd.f32 v5, v4  }
0x28c: {  	v4 =	vadd.f32 v7, v6;
	v5 =	vadd.f32 v9, v8  }
0x28d: {  	v6 =	vadd.f32 v11, v13;
	v7 =	vadd.f32 v10, v12  }
0x28e: {  	v8 =	vadd.f32 v15, v14;
	v1 =	vadd.f32 v1, v16  }
0x28f: {  	v2 =	vadd.f32 v3, v2;
	v3 =	vadd.f32 v5, v4  }
0x290: {  	v4 =	vadd.f32 v7, v6;
	v1 =	vadd.f32 v1, v8;
	_ =	sdelay $0x1  }
0x291: {  	v2 =	vadd.f32 v3, v2;
	v1 =	vadd.f32 v1, v4;
	_ =	sdelay $0x1  }
0x292: {  	v1 =	vadd.f32 v1, v2  }
0x293: {  	s20 =	sadd.s32 $0x10, s18;
	s18 =	sshll.u32 s17, $0x8;
	p0 =	seq.s32 s17, $0xB  }
0x294: {  	s22 =	simm.s32 @!p0 $0x40;
	s24 =	simm.s32 @!p0 $0x1800;
	[tilespmem:s20+$0x0] =	vst v1;
	s20 =	sadd.s32 @!p0 $0x100, s18  }
0x295: {  	[tilespmem:s24], [sflag:$0x3] =	stream.indirect.gather @!p0 [hbm4b:s2+s22], $0x80, s20, s22, $0xb8;
	[tilespmem:$0x1A400] =	vst v63  }
0x296: {  	s20 =	sadd.s32 @!p0 $0xD00, s18;
	s24 =	simm.s32 @!p0 $0x5800  }
0x297: {  	[tilespmem:s24], [sflag:$0x4] =	stream.indirect.gather @!p0 [hbm4b:s3+s22], $0x80, s20, s22, $0xb8;
	[tilespmem:$0x1A400] =	vst v63  }
0x298: {  	s20 =	sadd.s32 @!p0 $0x140, s18;
	s24 =	simm.s32 @!p0 $0x3800  }
0x299: {  	[tilespmem:s24], [sflag:$0x3] =	stream.indirect.gather @!p0 [hbm4b:s2+s22], $0x80, s20, s22, $0xb8;
	[tilespmem:$0x1A400] =	vst v63  }
0x29a: {  	s20 =	sadd.s32 @!p0 $0xD40, s18;
	s24 =	simm.s32 @!p0 $0x7800  }
0x29b: {  	[tilespmem:s24], [sflag:$0x4] =	stream.indirect.gather @!p0 [hbm4b:s3+s22], $0x80, s20, s22, $0xb8;
	[tilespmem:$0x1A400] =	vst v63  }
0x29c: {  	_ =	swait.ge [sflag:s30], $0x2000  }
0x29d: {  	[sflag:s30] =	ssyncset.done $0x0  }
0x29e: {  	[sflag:s30] =	ssyncadd.s32 $0xFFFFE000  }
0x29f: {  	_ =	swait.ge [sflag:s31], $0x2000  }
0x2a0: {  	[sflag:s31] =	ssyncset.done $0x0  }
0x2a1: {  	[sflag:s31] =	ssyncadd.s32 $0xFFFFE000  }
0x2a2: {  	_ =	swait.ge [sflag:s30], $0x2000  }
0x2a3: {  	[sflag:s30] =	ssyncset.done $0x0  }
0x2a4: {  	[sflag:s30] =	ssyncadd.s32 $0xFFFFE000  }
0x2a5: {  	_ =	swait.ge [sflag:s31], $0x2000  }
0x2a6: {  	[sflag:s31] =	ssyncset.done $0x0  }
0x2a7: {  	s20 =	simm.s32 $0x0;
	[sflag:s31] =	ssyncadd.s32 $0xFFFFE000  }
0x2a8: {  	v1 =	vld [tilespmem:s20+$0x9F80]  }
0x2a9: {  	v2 =	vld [tilespmem:s20+$0xDF80]  }
0x2aa: {  	v3 =	vld [tilespmem:s20+$0x9F90]  }
0x2ab: {  	v5 =	vld [tilespmem:s20+$0xDF90]  }
0x2ac: {  	v4 =	vld [tilespmem:s20+$0x9FA0]  }
0x2ad: {  	v6 =	vld [tilespmem:s20+$0xDFA0]  }
0x2ae: {  	v7 =	vld [tilespmem:s20+$0x9FB0]  }
0x2af: {  	v9 =	vld [tilespmem:s20+$0xDFB0]  }
0x2b0: {  	v8 =	vld [tilespmem:s20+$0x9FC0]  }
0x2b1: {  	v10 =	vld [tilespmem:s20+$0xDFC0]  }
0x2b2: {  	v11 =	vld [tilespmem:s20+$0x9FD0]  }
0x2b3: {  	v13 =	vld [tilespmem:s20+$0xDFD0]  }
0x2b4: {  	v12 =	vld [tilespmem:s20+$0x9FE0]  }
0x2b5: {  	v14 =	vld [tilespmem:s20+$0xDFE0]  }
0x2b6: {  	s22 =	simm.s32 $0x0;
	s24 =	simm.s32 $0x1;
	v15 =	vld [tilespmem:s20+$0x9FF0]  }
.LBB2_7:
0x2b7: {  	p1 =	sne.s32 s24, $0x7;
	v16 =	vld [tilespmem:s20+$0xDFF0]  }
0x2b8: {  	v17 =	vld [tilespmem:s20+$0x9800]  }
0x2b9: {  	v1 =	vmul.f32 v2, v1;
	v2 =	vmul.f32 v5, v3;
	v18 =	vld [tilespmem:s20+$0xD800]  }
0x2ba: {  	v4 =	vmul.f32 v6, v4;
	v5 =	vmul.f32 v9, v7;
	v3 =	vld [tilespmem:s20+$0x9810]  }
0x2bb: {  	v7 =	vmul.f32 v10, v8;
	v8 =	vmul.f32 v13, v11;
	v6 =	vld [tilespmem:s20+$0xD810]  }
0x2bc: {  	v10 =	vmul.f32 v14, v12;
	v9 =	vld [tilespmem:s20+$0x9820];
	v11 =	vmul.f32 v16, v15  }
0x2bd: {  	v1 =	vadd.f32 v2, v1;
	v2 =	vadd.f32 v5, v4;
	v12 =	vld [tilespmem:s20+$0xD820]  }
0x2be: {  	v7 =	vadd.f32 v8, v7;
	v4 =	vmul.f32 v18, v17;
	v5 =	vld [tilespmem:s20+$0x9830];
	v8 =	vadd.f32 v11, v10  }
0x2bf: {  	v10 =	vld [tilespmem:s20+$0xD830]  }
0x2c0: {  	v1 =	vadd.f32 v2, v1;
	v3 =	vmul.f32 v6, v3;
	v6 =	vld [tilespmem:s20+$0x9840];
	v2 =	vadd.f32 v8, v7  }
0x2c1: {  	v7 =	vld [tilespmem:s20+$0xD840]  }
0x2c2: {  	v8 =	vmul.f32 v12, v9;
	v9 =	vld [tilespmem:s20+$0x9850];
	v3 =	vadd.f32 v3, v4;
	v1 =	vadd.f32 v2, v1  }
0x2c3: {  	v2 =	vld [tilespmem:s20+$0xD850]  }
0x2c4: {  	v4 =	vmul.f32 v10, v5;
	v5 =	vld [tilespmem:s20+$0x9860];
	[tilespmem:s20+$0x16B80] =	vst v1  }
0x2c5: {  	v1 =	vld [tilespmem:s20+$0xD860]  }
0x2c6: {  	v6 =	vmul.f32 v7, v6;
	v7 =	vld [tilespmem:s20+$0x9870];
	v4 =	vadd.f32 v4, v8  }
0x2c7: {  	v8 =	vld [tilespmem:s20+$0xD870]  }
0x2c8: {  	v2 =	vmul.f32 v2, v9;
	v3 =	vadd.f32 v4, v3;
	v4 =	vld [tilespmem:s20+$0x9880]  }
0x2c9: {  	v9 =	vld [tilespmem:s20+$0xD880]  }
0x2ca: {  	v1 =	vmul.f32 v1, v5;
	v2 =	vadd.f32 v2, v6;
	v5 =	vld [tilespmem:s20+$0x9890]  }
0x2cb: {  	v6 =	vld [tilespmem:s20+$0xD890]  }
0x2cc: {  	v7 =	vmul.f32 v8, v7;
	v8 =	vld [tilespmem:s20+$0x98A0]  }
0x2cd: {  	v10 =	vld [tilespmem:s20+$0xD8A0]  }
0x2ce: {  	v1 =	vadd.f32 v7, v1;
	v4 =	vmul.f32 v9, v4;
	v7 =	vld [tilespmem:s20+$0x98B0]  }
0x2cf: {  	v9 =	vld [tilespmem:s20+$0xD8B0]  }
0x2d0: {  	v1 =	vadd.f32 v1, v2;
	v2 =	vmul.f32 v6, v5;
	v5 =	vld [tilespmem:s20+$0x98C0]  }
0x2d1: {  	v6 =	vld [tilespmem:s20+$0xD8C0]  }
0x2d2: {  	v1 =	vadd.f32 v1, v3;
	v3 =	vmul.f32 v10, v8;
	v8 =	vld [tilespmem:s20+$0x98D0];
	v2 =	vadd.f32 v2, v4  }
0x2d3: {  	v4 =	vld [tilespmem:s20+$0xD8D0]  }
0x2d4: {  	[tilespmem:s20+$0x16400] =	vst v1;
	v1 =	vmul.f32 v9, v7;
	v7 =	vld [tilespmem:s20+$0x98E0]  }
0x2d5: {  	v9 =	vld [tilespmem:s20+$0xD8E0]  }
0x2d6: {  	v5 =	vmul.f32 v6, v5;
	v6 =	vld [tilespmem:s20+$0x98F0];
	v1 =	vadd.f32 v1, v3  }
0x2d7: {  	v3 =	vld [tilespmem:s20+$0xD8F0]  }
0x2d8: {  	v4 =	vmul.f32 v4, v8;
	v1 =	vadd.f32 v1, v2;
	v2 =	vld [tilespmem:s20+$0x9900]  }
0x2d9: {  	v8 =	vld [tilespmem:s20+$0xD900]  }
0x2da: {  	v7 =	vmul.f32 v9, v7;
	v4 =	vadd.f32 v4, v5;
	v5 =	vld [tilespmem:s20+$0x9910]  }
0x2db: {  	v9 =	vld [tilespmem:s20+$0xD910]  }
0x2dc: {  	v3 =	vmul.f32 v3, v6;
	v6 =	vld [tilespmem:s20+$0x9920]  }
0x2dd: {  	v10 =	vld [tilespmem:s20+$0xD920]  }
0x2de: {  	v3 =	vadd.f32 v3, v7;
	v2 =	vmul.f32 v8, v2;
	v7 =	vld [tilespmem:s20+$0x9930]  }
0x2df: {  	v8 =	vld [tilespmem:s20+$0xD930]  }
0x2e0: {  	v3 =	vadd.f32 v3, v4;
	v4 =	vmul.f32 v9, v5;
	v5 =	vld [tilespmem:s20+$0x9940]  }
0x2e1: {  	v9 =	vld [tilespmem:s20+$0xD940]  }
0x2e2: {  	v1 =	vadd.f32 v3, v1;
	v3 =	vmul.f32 v10, v6;
	v6 =	vld [tilespmem:s20+$0x9950];
	v2 =	vadd.f32 v4, v2  }
0x2e3: {  	v4 =	vld [tilespmem:s20+$0xD950]  }
0x2e4: {  	[tilespmem:s20+$0x16480] =	vst v1;
	v1 =	vmul.f32 v8, v7;
	v7 =	vld [tilespmem:s20+$0x9960]  }
0x2e5: {  	v8 =	vld [tilespmem:s20+$0xD960]  }
0x2e6: {  	v5 =	vmul.f32 v9, v5;
	v9 =	vld [tilespmem:s20+$0x9970];
	v1 =	vadd.f32 v1, v3  }
0x2e7: {  	v3 =	vld [tilespmem:s20+$0xD970]  }
0x2e8: {  	v4 =	vmul.f32 v4, v6;
	v1 =	vadd.f32 v1, v2;
	v2 =	vld [tilespmem:s20+$0x9980]  }
0x2e9: {  	v6 =	vld [tilespmem:s20+$0xD980]  }
0x2ea: {  	v7 =	vmul.f32 v8, v7;
	v4 =	vadd.f32 v4, v5;
	v5 =	vld [tilespmem:s20+$0x9990]  }
0x2eb: {  	v8 =	vld [tilespmem:s20+$0xD990]  }
0x2ec: {  	v3 =	vmul.f32 v3, v9;
	v9 =	vld [tilespmem:s20+$0x99A0]  }
0x2ed: {  	v10 =	vld [tilespmem:s20+$0xD9A0]  }
0x2ee: {  	v3 =	vadd.f32 v3, v7;
	v2 =	vmul.f32 v6, v2;
	v6 =	vld [tilespmem:s20+$0x99B0]  }
0x2ef: {  	v7 =	vld [tilespmem:s20+$0xD9B0]  }
0x2f0: {  	v3 =	vadd.f32 v3, v4;
	v4 =	vmul.f32 v8, v5;
	v5 =	vld [tilespmem:s20+$0x99C0]  }
0x2f1: {  	v8 =	vld [tilespmem:s20+$0xD9C0]  }
0x2f2: {  	v1 =	vadd.f32 v3, v1;
	v3 =	vmul.f32 v10, v9;
	v9 =	vld [tilespmem:s20+$0x99D0];
	v2 =	vadd.f32 v4, v2  }
0x2f3: {  	v4 =	vld [tilespmem:s20+$0xD9D0]  }
0x2f4: {  	[tilespmem:s20+$0x16500] =	vst v1;
	v1 =	vmul.f32 v7, v6;
	v6 =	vld [tilespmem:s20+$0x99E0]  }
0x2f5: {  	v7 =	vld [tilespmem:s20+$0xD9E0]  }
0x2f6: {  	v5 =	vmul.f32 v8, v5;
	v8 =	vld [tilespmem:s20+$0x99F0];
	v1 =	vadd.f32 v1, v3  }
0x2f7: {  	v3 =	vld [tilespmem:s20+$0xD9F0]  }
0x2f8: {  	v4 =	vmul.f32 v4, v9;
	v1 =	vadd.f32 v1, v2;
	v2 =	vld [tilespmem:s20+$0x9A00]  }
0x2f9: {  	v9 =	vld [tilespmem:s20+$0xDA00]  }
0x2fa: {  	v6 =	vmul.f32 v7, v6;
	v4 =	vadd.f32 v4, v5;
	v5 =	vld [tilespmem:s20+$0x9A10]  }
0x2fb: {  	v7 =	vld [tilespmem:s20+$0xDA10]  }
0x2fc: {  	v3 =	vmul.f32 v3, v8;
	v8 =	vld [tilespmem:s20+$0x9A20]  }
0x2fd: {  	v10 =	vld [tilespmem:s20+$0xDA20]  }
0x2fe: {  	v3 =	vadd.f32 v3, v6;
	v2 =	vmul.f32 v9, v2;
	v6 =	vld [tilespmem:s20+$0x9A30]  }
0x2ff: {  	v9 =	vld [tilespmem:s20+$0xDA30]  }
0x300: {  	v3 =	vadd.f32 v3, v4;
	v4 =	vmul.f32 v7, v5;
	v5 =	vld [tilespmem:s20+$0x9A40]  }
0x301: {  	v7 =	vld [tilespmem:s20+$0xDA40]  }
0x302: {  	v1 =	vadd.f32 v3, v1;
	v3 =	vmul.f32 v10, v8;
	v8 =	vld [tilespmem:s20+$0x9A50];
	v2 =	vadd.f32 v4, v2  }
0x303: {  	v4 =	vld [tilespmem:s20+$0xDA50]  }
0x304: {  	[tilespmem:s20+$0x16580] =	vst v1;
	v1 =	vmul.f32 v9, v6;
	v6 =	vld [tilespmem:s20+$0x9A60]  }
0x305: {  	v9 =	vld [tilespmem:s20+$0xDA60]  }
0x306: {  	v5 =	vmul.f32 v7, v5;
	v7 =	vld [tilespmem:s20+$0x9A70];
	v1 =	vadd.f32 v1, v3  }
0x307: {  	v3 =	vld [tilespmem:s20+$0xDA70]  }
0x308: {  	v4 =	vmul.f32 v4, v8;
	v1 =	vadd.f32 v1, v2;
	v2 =	vld [tilespmem:s20+$0x9A80]  }
0x309: {  	v8 =	vld [tilespmem:s20+$0xDA80]  }
0x30a: {  	v6 =	vmul.f32 v9, v6;
	v4 =	vadd.f32 v4, v5;
	v5 =	vld [tilespmem:s20+$0x9A90]  }
0x30b: {  	v9 =	vld [tilespmem:s20+$0xDA90]  }
0x30c: {  	v3 =	vmul.f32 v3, v7;
	v7 =	vld [tilespmem:s20+$0x9AA0]  }
0x30d: {  	v10 =	vld [tilespmem:s20+$0xDAA0]  }
0x30e: {  	v3 =	vadd.f32 v3, v6;
	v2 =	vmul.f32 v8, v2;
	v6 =	vld [tilespmem:s20+$0x9AB0]  }
0x30f: {  	v8 =	vld [tilespmem:s20+$0xDAB0]  }
0x310: {  	v3 =	vadd.f32 v3, v4;
	v4 =	vmul.f32 v9, v5;
	v5 =	vld [tilespmem:s20+$0x9AC0]  }
0x311: {  	v9 =	vld [tilespmem:s20+$0xDAC0]  }
0x312: {  	v1 =	vadd.f32 v3, v1;
	v3 =	vmul.f32 v10, v7;
	v7 =	vld [tilespmem:s20+$0x9AD0];
	v2 =	vadd.f32 v4, v2  }
0x313: {  	v4 =	vld [tilespmem:s20+$0xDAD0]  }
0x314: {  	[tilespmem:s20+$0x16600] =	vst v1;
	v1 =	vmul.f32 v8, v6;
	v6 =	vld [tilespmem:s20+$0x9AE0]  }
0x315: {  	v8 =	vld [tilespmem:s20+$0xDAE0]  }
0x316: {  	v5 =	vmul.f32 v9, v5;
	v9 =	vld [tilespmem:s20+$0x9AF0];
	v1 =	vadd.f32 v1, v3  }
0x317: {  	v3 =	vld [tilespmem:s20+$0xDAF0]  }
0x318: {  	v4 =	vmul.f32 v4, v7;
	v1 =	vadd.f32 v1, v2;
	v2 =	vld [tilespmem:s20+$0x9B00]  }
0x319: {  	v7 =	vld [tilespmem:s20+$0xDB00]  }
0x31a: {  	v6 =	vmul.f32 v8, v6;
	v4 =	vadd.f32 v4, v5;
	v5 =	vld [tilespmem:s20+$0x9B10]  }
0x31b: {  	v8 =	vld [tilespmem:s20+$0xDB10]  }
0x31c: {  	v3 =	vmul.f32 v3, v9;
	v9 =	vld [tilespmem:s20+$0x9B20]  }
0x31d: {  	v10 =	vld [tilespmem:s20+$0xDB20]  }
0x31e: {  	v3 =	vadd.f32 v3, v6;
	v2 =	vmul.f32 v7, v2;
	v6 =	vld [tilespmem:s20+$0x9B30]  }
0x31f: {  	v7 =	vld [tilespmem:s20+$0xDB30]  }
0x320: {  	v3 =	vadd.f32 v3, v4;
	v4 =	vmul.f32 v8, v5;
	v5 =	vld [tilespmem:s20+$0x9B40]  }
0x321: {  	v8 =	vld [tilespmem:s20+$0xDB40]  }
0x322: {  	v1 =	vadd.f32 v3, v1;
	v3 =	vmul.f32 v10, v9;
	v9 =	vld [tilespmem:s20+$0x9B50];
	v2 =	vadd.f32 v4, v2  }
0x323: {  	v4 =	vld [tilespmem:s20+$0xDB50]  }
0x324: {  	[tilespmem:s20+$0x16680] =	vst v1;
	v1 =	vmul.f32 v7, v6;
	v6 =	vld [tilespmem:s20+$0x9B60]  }
0x325: {  	v7 =	vld [tilespmem:s20+$0xDB60]  }
0x326: {  	v5 =	vmul.f32 v8, v5;
	v8 =	vld [tilespmem:s20+$0x9B70];
	v1 =	vadd.f32 v1, v3  }
0x327: {  	v3 =	vld [tilespmem:s20+$0xDB70]  }
0x328: {  	v4 =	vmul.f32 v4, v9;
	v1 =	vadd.f32 v1, v2;
	v2 =	vld [tilespmem:s20+$0x9B80]  }
0x329: {  	v9 =	vld [tilespmem:s20+$0xDB80]  }
0x32a: {  	v6 =	vmul.f32 v7, v6;
	v4 =	vadd.f32 v4, v5;
	v5 =	vld [tilespmem:s20+$0x9B90]  }
0x32b: {  	v7 =	vld [tilespmem:s20+$0xDB90]  }
0x32c: {  	v3 =	vmul.f32 v3, v8;
	v8 =	vld [tilespmem:s20+$0x9BA0]  }
0x32d: {  	v10 =	vld [tilespmem:s20+$0xDBA0]  }
0x32e: {  	v3 =	vadd.f32 v3, v6;
	v2 =	vmul.f32 v9, v2;
	v6 =	vld [tilespmem:s20+$0x9BB0]  }
0x32f: {  	v9 =	vld [tilespmem:s20+$0xDBB0]  }
0x330: {  	v3 =	vadd.f32 v3, v4;
	v4 =	vmul.f32 v7, v5;
	v5 =	vld [tilespmem:s20+$0x9BC0]  }
0x331: {  	v7 =	vld [tilespmem:s20+$0xDBC0]  }
0x332: {  	v1 =	vadd.f32 v3, v1;
	v3 =	vmul.f32 v10, v8;
	v8 =	vld [tilespmem:s20+$0x9BD0];
	v2 =	vadd.f32 v4, v2  }
0x333: {  	v4 =	vld [tilespmem:s20+$0xDBD0]  }
0x334: {  	[tilespmem:s20+$0x16700] =	vst v1;
	v1 =	vmul.f32 v9, v6;
	v6 =	vld [tilespmem:s20+$0x9BE0]  }
0x335: {  	v9 =	vld [tilespmem:s20+$0xDBE0]  }
0x336: {  	v5 =	vmul.f32 v7, v5;
	v7 =	vld [tilespmem:s20+$0x9BF0];
	v1 =	vadd.f32 v1, v3  }
0x337: {  	v3 =	vld [tilespmem:s20+$0xDBF0]  }
0x338: {  	v4 =	vmul.f32 v4, v8;
	v1 =	vadd.f32 v1, v2;
	v2 =	vld [tilespmem:s20+$0x9C00]  }
0x339: {  	v8 =	vld [tilespmem:s20+$0xDC00]  }
0x33a: {  	v6 =	vmul.f32 v9, v6;
	v4 =	vadd.f32 v4, v5;
	v5 =	vld [tilespmem:s20+$0x9C10]  }
0x33b: {  	v9 =	vld [tilespmem:s20+$0xDC10]  }
0x33c: {  	v3 =	vmul.f32 v3, v7;
	v7 =	vld [tilespmem:s20+$0x9C20]  }
0x33d: {  	v10 =	vld [tilespmem:s20+$0xDC20]  }
0x33e: {  	v3 =	vadd.f32 v3, v6;
	v2 =	vmul.f32 v8, v2;
	v6 =	vld [tilespmem:s20+$0x9C30]  }
0x33f: {  	v8 =	vld [tilespmem:s20+$0xDC30]  }
0x340: {  	v3 =	vadd.f32 v3, v4;
	v4 =	vmul.f32 v9, v5;
	v5 =	vld [tilespmem:s20+$0x9C40]  }
0x341: {  	v9 =	vld [tilespmem:s20+$0xDC40]  }
0x342: {  	v1 =	vadd.f32 v3, v1;
	v3 =	vmul.f32 v10, v7;
	v7 =	vld [tilespmem:s20+$0x9C50];
	v2 =	vadd.f32 v4, v2  }
0x343: {  	v4 =	vld [tilespmem:s20+$0xDC50]  }
0x344: {  	[tilespmem:s20+$0x16780] =	vst v1;
	v1 =	vmul.f32 v8, v6;
	v6 =	vld [tilespmem:s20+$0x9C60]  }
0x345: {  	v8 =	vld [tilespmem:s20+$0xDC60]  }
0x346: {  	v5 =	vmul.f32 v9, v5;
	v9 =	vld [tilespmem:s20+$0x9C70];
	v1 =	vadd.f32 v1, v3  }
0x347: {  	v3 =	vld [tilespmem:s20+$0xDC70]  }
0x348: {  	v4 =	vmul.f32 v4, v7;
	v1 =	vadd.f32 v1, v2;
	v2 =	vld [tilespmem:s20+$0x9C80]  }
0x349: {  	v7 =	vld [tilespmem:s20+$0xDC80]  }
0x34a: {  	v6 =	vmul.f32 v8, v6;
	v4 =	vadd.f32 v4, v5;
	v5 =	vld [tilespmem:s20+$0x9C90]  }
0x34b: {  	v8 =	vld [tilespmem:s20+$0xDC90]  }
0x34c: {  	v3 =	vmul.f32 v3, v9;
	v9 =	vld [tilespmem:s20+$0x9CA0]  }
0x34d: {  	v10 =	vld [tilespmem:s20+$0xDCA0]  }
0x34e: {  	v3 =	vadd.f32 v3, v6;
	v2 =	vmul.f32 v7, v2;
	v6 =	vld [tilespmem:s20+$0x9CB0]  }
0x34f: {  	v7 =	vld [tilespmem:s20+$0xDCB0]  }
0x350: {  	v3 =	vadd.f32 v3, v4;
	v4 =	vmul.f32 v8, v5;
	v5 =	vld [tilespmem:s20+$0x9CC0]  }
0x351: {  	v8 =	vld [tilespmem:s20+$0xDCC0]  }
0x352: {  	v1 =	vadd.f32 v3, v1;
	v3 =	vmul.f32 v10, v9;
	v9 =	vld [tilespmem:s20+$0x9CD0];
	v2 =	vadd.f32 v4, v2  }
0x353: {  	v4 =	vld [tilespmem:s20+$0xDCD0]  }
0x354: {  	[tilespmem:s20+$0x16800] =	vst v1;
	v1 =	vmul.f32 v7, v6;
	v6 =	vld [tilespmem:s20+$0x9CE0]  }
0x355: {  	v7 =	vld [tilespmem:s20+$0xDCE0]  }
0x356: {  	v5 =	vmul.f32 v8, v5;
	v8 =	vld [tilespmem:s20+$0x9CF0];
	v1 =	vadd.f32 v1, v3  }
0x357: {  	v3 =	vld [tilespmem:s20+$0xDCF0]  }
0x358: {  	v4 =	vmul.f32 v4, v9;
	v1 =	vadd.f32 v1, v2;
	v2 =	vld [tilespmem:s20+$0x9D00]  }
0x359: {  	v9 =	vld [tilespmem:s20+$0xDD00]  }
0x35a: {  	v6 =	vmul.f32 v7, v6;
	v4 =	vadd.f32 v4, v5;
	v5 =	vld [tilespmem:s20+$0x9D10]  }
0x35b: {  	v7 =	vld [tilespmem:s20+$0xDD10]  }
0x35c: {  	v3 =	vmul.f32 v3, v8;
	v8 =	vld [tilespmem:s20+$0x9D20]  }
0x35d: {  	v10 =	vld [tilespmem:s20+$0xDD20]  }
0x35e: {  	v3 =	vadd.f32 v3, v6;
	v2 =	vmul.f32 v9, v2;
	v6 =	vld [tilespmem:s20+$0x9D30]  }
0x35f: {  	v9 =	vld [tilespmem:s20+$0xDD30]  }
0x360: {  	v3 =	vadd.f32 v3, v4;
	v4 =	vmul.f32 v7, v5;
	v5 =	vld [tilespmem:s20+$0x9D40]  }
0x361: {  	v7 =	vld [tilespmem:s20+$0xDD40]  }
0x362: {  	v1 =	vadd.f32 v3, v1;
	v3 =	vmul.f32 v10, v8;
	v8 =	vld [tilespmem:s20+$0x9D50];
	v2 =	vadd.f32 v4, v2  }
0x363: {  	v4 =	vld [tilespmem:s20+$0xDD50]  }
0x364: {  	[tilespmem:s20+$0x16880] =	vst v1;
	v1 =	vmul.f32 v9, v6;
	v6 =	vld [tilespmem:s20+$0x9D60]  }
0x365: {  	v9 =	vld [tilespmem:s20+$0xDD60]  }
0x366: {  	v5 =	vmul.f32 v7, v5;
	v7 =	vld [tilespmem:s20+$0x9D70];
	v1 =	vadd.f32 v1, v3  }
0x367: {  	v3 =	vld [tilespmem:s20+$0xDD70]  }
0x368: {  	v4 =	vmul.f32 v4, v8;
	v1 =	vadd.f32 v1, v2;
	v2 =	vld [tilespmem:s20+$0x9D80]  }
0x369: {  	v8 =	vld [tilespmem:s20+$0xDD80]  }
0x36a: {  	v6 =	vmul.f32 v9, v6;
	v4 =	vadd.f32 v4, v5;
	v5 =	vld [tilespmem:s20+$0x9D90]  }
0x36b: {  	v9 =	vld [tilespmem:s20+$0xDD90]  }
0x36c: {  	v3 =	vmul.f32 v3, v7;
	v7 =	vld [tilespmem:s20+$0x9DA0]  }
0x36d: {  	v10 =	vld [tilespmem:s20+$0xDDA0]  }
0x36e: {  	v3 =	vadd.f32 v3, v6;
	v2 =	vmul.f32 v8, v2;
	v6 =	vld [tilespmem:s20+$0x9DB0]  }
0x36f: {  	v8 =	vld [tilespmem:s20+$0xDDB0]  }
0x370: {  	v3 =	vadd.f32 v3, v4;
	v4 =	vmul.f32 v9, v5;
	v5 =	vld [tilespmem:s20+$0x9DC0]  }
0x371: {  	v9 =	vld [tilespmem:s20+$0xDDC0]  }
0x372: {  	v1 =	vadd.f32 v3, v1;
	v3 =	vmul.f32 v10, v7;
	v7 =	vld [tilespmem:s20+$0x9DD0];
	v2 =	vadd.f32 v4, v2  }
0x373: {  	v4 =	vld [tilespmem:s20+$0xDDD0]  }
0x374: {  	[tilespmem:s20+$0x16900] =	vst v1;
	v1 =	vmul.f32 v8, v6;
	v6 =	vld [tilespmem:s20+$0x9DE0]  }
0x375: {  	v8 =	vld [tilespmem:s20+$0xDDE0]  }
0x376: {  	v5 =	vmul.f32 v9, v5;
	v9 =	vld [tilespmem:s20+$0x9DF0];
	v1 =	vadd.f32 v1, v3  }
0x377: {  	v3 =	vld [tilespmem:s20+$0xDDF0]  }
0x378: {  	v4 =	vmul.f32 v4, v7;
	v1 =	vadd.f32 v1, v2;
	v2 =	vld [tilespmem:s20+$0x9E00]  }
0x379: {  	v7 =	vld [tilespmem:s20+$0xDE00]  }
0x37a: {  	v6 =	vmul.f32 v8, v6;
	v4 =	vadd.f32 v4, v5;
	v5 =	vld [tilespmem:s20+$0x9E10]  }
0x37b: {  	v8 =	vld [tilespmem:s20+$0xDE10]  }
0x37c: {  	v3 =	vmul.f32 v3, v9;
	v9 =	vld [tilespmem:s20+$0x9E20]  }
0x37d: {  	v10 =	vld [tilespmem:s20+$0xDE20]  }
0x37e: {  	v3 =	vadd.f32 v3, v6;
	v2 =	vmul.f32 v7, v2;
	v6 =	vld [tilespmem:s20+$0x9E30]  }
0x37f: {  	v7 =	vld [tilespmem:s20+$0xDE30]  }
0x380: {  	v3 =	vadd.f32 v3, v4;
	v4 =	vmul.f32 v8, v5;
	v5 =	vld [tilespmem:s20+$0x9E40]  }
0x381: {  	v8 =	vld [tilespmem:s20+$0xDE40]  }
0x382: {  	v1 =	vadd.f32 v3, v1;
	v3 =	vmul.f32 v10, v9;
	v9 =	vld [tilespmem:s20+$0x9E50];
	v2 =	vadd.f32 v4, v2  }
0x383: {  	v4 =	vld [tilespmem:s20+$0xDE50]  }
0x384: {  	[tilespmem:s20+$0x16980] =	vst v1;
	v1 =	vmul.f32 v7, v6;
	v6 =	vld [tilespmem:s20+$0x9E60]  }
0x385: {  	v7 =	vld [tilespmem:s20+$0xDE60]  }
0x386: {  	v5 =	vmul.f32 v8, v5;
	v8 =	vld [tilespmem:s20+$0x9E70];
	v1 =	vadd.f32 v1, v3  }
0x387: {  	v3 =	vld [tilespmem:s20+$0xDE70]  }
0x388: {  	v4 =	vmul.f32 v4, v9;
	v1 =	vadd.f32 v1, v2;
	v2 =	vld [tilespmem:s20+$0x9E80]  }
0x389: {  	v9 =	vld [tilespmem:s20+$0xDE80]  }
0x38a: {  	v6 =	vmul.f32 v7, v6;
	v4 =	vadd.f32 v4, v5;
	v5 =	vld [tilespmem:s20+$0x9E90]  }
0x38b: {  	v7 =	vld [tilespmem:s20+$0xDE90]  }
0x38c: {  	v3 =	vmul.f32 v3, v8;
	v8 =	vld [tilespmem:s20+$0x9EA0]  }
0x38d: {  	v10 =	vld [tilespmem:s20+$0xDEA0]  }
0x38e: {  	v3 =	vadd.f32 v3, v6;
	v2 =	vmul.f32 v9, v2;
	v6 =	vld [tilespmem:s20+$0x9EB0]  }
0x38f: {  	v9 =	vld [tilespmem:s20+$0xDEB0]  }
0x390: {  	v3 =	vadd.f32 v3, v4;
	v4 =	vmul.f32 v7, v5;
	v5 =	vld [tilespmem:s20+$0x9EC0]  }
0x391: {  	v7 =	vld [tilespmem:s20+$0xDEC0]  }
0x392: {  	v1 =	vadd.f32 v3, v1;
	v3 =	vmul.f32 v10, v8;
	v8 =	vld [tilespmem:s20+$0x9ED0];
	v2 =	vadd.f32 v4, v2  }
0x393: {  	v4 =	vld [tilespmem:s20+$0xDED0]  }
0x394: {  	[tilespmem:s20+$0x16A00] =	vst v1;
	v1 =	vmul.f32 v9, v6;
	v6 =	vld [tilespmem:s20+$0x9EE0]  }
0x395: {  	v9 =	vld [tilespmem:s20+$0xDEE0]  }
0x396: {  	v5 =	vmul.f32 v7, v5;
	v7 =	vld [tilespmem:s20+$0x9EF0];
	v1 =	vadd.f32 v1, v3  }
0x397: {  	v3 =	vld [tilespmem:s20+$0xDEF0]  }
0x398: {  	v4 =	vmul.f32 v4, v8;
	v1 =	vadd.f32 v1, v2;
	v2 =	vld [tilespmem:s20+$0x9F00]  }
0x399: {  	v8 =	vld [tilespmem:s20+$0xDF00]  }
0x39a: {  	v6 =	vmul.f32 v9, v6;
	v4 =	vadd.f32 v4, v5;
	v5 =	vld [tilespmem:s20+$0x9F10]  }
0x39b: {  	v9 =	vld [tilespmem:s20+$0xDF10]  }
0x39c: {  	v3 =	vmul.f32 v3, v7;
	v7 =	vld [tilespmem:s20+$0x9F20]  }
0x39d: {  	v10 =	vld [tilespmem:s20+$0xDF20]  }
0x39e: {  	v3 =	vadd.f32 v3, v6;
	v2 =	vmul.f32 v8, v2;
	v6 =	vld [tilespmem:s20+$0x9F30]  }
0x39f: {  	v8 =	vld [tilespmem:s20+$0xDF30]  }
0x3a0: {  	v3 =	vadd.f32 v3, v4;
	v4 =	vmul.f32 v9, v5;
	v5 =	vld [tilespmem:s20+$0x9F40]  }
0x3a1: {  	v9 =	vld [tilespmem:s20+$0xDF40]  }
0x3a2: {  	v1 =	vadd.f32 v3, v1;
	v3 =	vmul.f32 v10, v7;
	v7 =	vld [tilespmem:s20+$0x9F50];
	v2 =	vadd.f32 v4, v2  }
0x3a3: {  	v4 =	vld [tilespmem:s20+$0xDF50]  }
0x3a4: {  	[tilespmem:s20+$0x16A80] =	vst v1;
	v1 =	vmul.f32 v8, v6;
	v6 =	vld [tilespmem:s20+$0x9F60]  }
0x3a5: {  	v8 =	vld [tilespmem:s20+$0xDF60]  }
0x3a6: {  	v5 =	vmul.f32 v9, v5;
	v9 =	vld [tilespmem:s20+$0x9F70];
	v3 =	vadd.f32 v1, v3  }
0x3a7: {  	s0 =	sshll.u32 s24, $0xB;
	v10 =	vld [tilespmem:s20+$0xDF70]  }
0x3a8: {  	v1 =	vld [tilespmem:s0+$0x9F80];
	v4 =	vmul.f32 v4, v7;
	v12 =	vadd.f32 v3, v2  }
0x3a9: {  	v2 =	vld [tilespmem:s0+$0xDF80]  }
0x3aa: {  	v3 =	vld [tilespmem:s0+$0x9F90];
	v8 =	vmul.f32 v8, v6;
	v11 =	vadd.f32 v4, v5  }
0x3ab: {  	v5 =	vld [tilespmem:s0+$0xDF90]  }
0x3ac: {  	v4 =	vld [tilespmem:s0+$0x9FA0];
	v9 =	vmul.f32 v10, v9  }
0x3ad: {  	v6 =	vld [tilespmem:s0+$0xDFA0]  }
0x3ae: {  	v7 =	vld [tilespmem:s0+$0x9FB0];
	v10 =	vadd.f32 v9, v8  }
0x3af: {  	v9 =	vld [tilespmem:s0+$0xDFB0]  }
0x3b0: {  	v8 =	vld [tilespmem:s0+$0x9FC0];
	v13 =	vadd.f32 v10, v11  }
0x3b1: {  	v10 =	vld [tilespmem:s0+$0xDFC0]  }
.Ltmp4:
0x3b2: {  	v11 =	vld [tilespmem:s0+$0x9FD0];
	v14 =	vadd.f32 v13, v12;
	(pc) =	sbr.rel @p1 .LBB2_7-.Ltmp4, $4  }
0x3b3: {  	v13 =	vld [tilespmem:s0+$0xDFD0]  }
0x3b4: {  	v12 =	vld [tilespmem:s0+$0x9FE0];
	[tilespmem:s20+$0x16B00] =	vst v14;
	s20 =	smov.u32 s0  }
0x3b5: {  	v14 =	vld [tilespmem:s20+$0xDFE0]  }
0x3b6: {  	s24 =	sadd.s32 $0x1, s24;
	v15 =	vld [tilespmem:s20+$0x9FF0]  }
0x3b7: {  	v16 =	vld [tilespmem:s20+$0xDFF0]  }
0x3b8: {  	v17 =	vld [tilespmem:s20+$0x9800]  }
0x3b9: {  	v18 =	vld [tilespmem:s20+$0xD800]  }
0x3ba: {  	v1 =	vmul.f32 v2, v1;
	v2 =	vmul.f32 v5, v3;
	v3 =	vld [tilespmem:s20+$0x9810]  }
0x3bb: {  	v4 =	vmul.f32 v6, v4;
	v6 =	vld [tilespmem:s20+$0xD810]  }
0x3bc: {  	v5 =	vmul.f32 v9, v7;
	v9 =	vld [tilespmem:s20+$0x9820]  }
0x3bd: {  	v49 =	vld [tilespmem:s20+$0xD8F0]  }
0x3be: {  	v50 =	vld [tilespmem:s20+$0x9900]  }
0x3bf: {  	v51 =	vld [tilespmem:s20+$0x9980]  }
0x3c0: {  	v52 =	vld [tilespmem:s20+$0x9A00]  }
0x3c1: {  	v53 =	vld [tilespmem:s20+$0x9A80]  }
0x3c2: {  	v54 =	vld [tilespmem:s20+$0x9B00]  }
0x3c3: {  	v55 =	vld [tilespmem:s20+$0x9B80]  }
0x3c4: {  	v56 =	vld [tilespmem:s20+$0x9C00]  }
0x3c5: {  	v7 =	vmul.f32 v10, v8;
	v8 =	vmul.f32 v13, v11;
	v13 =	vld [tilespmem:s20+$0x9870]  }
0x3c6: {  	v1 =	vadd.f32 v2, v1;
	v2 =	vadd.f32 v5, v4;
	v4 =	vld [tilespmem:s20+$0x9830]  }
0x3c7: {  	v10 =	vmul.f32 v14, v12;
	v12 =	vld [tilespmem:s20+$0xD820]  }
0x3c8: {  	v5 =	vadd.f32 v8, v7;
	v8 =	vld [tilespmem:s20+$0xD830]  }
0x3c9: {  	v14 =	vld [tilespmem:s20+$0xD870]  }
0x3ca: {  	v11 =	vmul.f32 v16, v15;
	v15 =	vld [tilespmem:s20+$0x9880]  }
0x3cb: {  	v3 =	vmul.f32 v6, v3;
	v6 =	vld [tilespmem:s20+$0xD880]  }
0x3cc: {  	v7 =	vadd.f32 v11, v10;
	v10 =	vld [tilespmem:s20+$0x9840]  }
0x3cd: {  	v11 =	vld [tilespmem:s20+$0x9860]  }
0x3ce: {  	v4 =	vmul.f32 v8, v4;
	v8 =	vld [tilespmem:s20+$0x9890]  }
0x3cf: {  	v9 =	vmul.f32 v12, v9;
	v12 =	vld [tilespmem:s20+$0xD8D0]  }
0x3d0: {  	v1 =	vadd.f32 v2, v1;
	v2 =	vadd.f32 v7, v5;
	v5 =	vld [tilespmem:s20+$0xD840]  }
0x3d1: {  	v48 =	vmul.f32 v18, v17;
	v7 =	vld [tilespmem:s20+$0x9850]  }
0x3d2: {  	v4 =	vadd.f32 v4, v9;
	v9 =	vld [tilespmem:s20+$0xD8A0]  }
0x3d3: {  	v3 =	vadd.f32 v3, v48;
	v6 =	vmul.f32 v6, v15;
	v15 =	vld [tilespmem:s20+$0xD970]  }
0x3d4: {  	v1 =	vadd.f32 v2, v1;
	v2 =	vld [tilespmem:s20+$0xD850]  }
0x3d5: {  	v3 =	vadd.f32 v4, v3;
	v4 =	vld [tilespmem:s20+$0xD8C0]  }
0x3d6: {  	[tilespmem:s20+$0x16B80] =	vst v1;
	v1 =	vld [tilespmem:s20+$0xD860]  }
0x3d7: {  	v5 =	vmul.f32 v5, v10;
	v10 =	vmul.f32 v14, v13;
	v13 =	vld [tilespmem:s20+$0xD8E0]  }
0x3d8: {  	v14 =	vld [tilespmem:s20+$0x98F0]  }
0x3d9: {  	v2 =	vmul.f32 v2, v7;
	v7 =	vld [tilespmem:s20+$0xD890]  }
0x3da: {  	v57 =	vld [tilespmem:s20+$0x9C80]  }
0x3db: {  	v1 =	vmul.f32 v1, v11;
	v11 =	vld [tilespmem:s20+$0x98A0]  }
0x3dc: {  	v2 =	vadd.f32 v2, v5;
	v5 =	vld [tilespmem:s20+$0x98B0]  }
0x3dd: {  	v1 =	vadd.f32 v10, v1;
	v10 =	vld [tilespmem:s20+$0xD8B0]  }
0x3de: {  	v7 =	vmul.f32 v7, v8;
	v8 =	vld [tilespmem:s20+$0xD900]  }
0x3df: {  	v1 =	vadd.f32 v1, v2;
	v2 =	vld [tilespmem:s20+$0x98C0]  }
0x3e0: {  	v6 =	vadd.f32 v7, v6;
	v7 =	vld [tilespmem:s20+$0xD920]  }
0x3e1: {  	v9 =	vmul.f32 v9, v11;
	v11 =	vmul.f32 v49, v14;
	v14 =	vld [tilespmem:s20+$0x9970]  }
0x3e2: {  	v1 =	vadd.f32 v1, v3;
	v3 =	vld [tilespmem:s20+$0x98D0]  }
0x3e3: {  	v5 =	vmul.f32 v10, v5;
	v10 =	vld [tilespmem:s20+$0x9910]  }
0x3e4: {  	[tilespmem:s20+$0x16400] =	vst v1;
	v1 =	vld [tilespmem:s20+$0x98E0]  }
0x3e5: {  	v2 =	vmul.f32 v4, v2;
	v4 =	vld [tilespmem:s20+$0xD910]  }
0x3e6: {  	v5 =	vadd.f32 v5, v9;
	v9 =	vld [tilespmem:s20+$0xD930]  }
0x3e7: {  	v58 =	vld [tilespmem:s20+$0x9D00]  }
0x3e8: {  	v3 =	vmul.f32 v12, v3;
	v12 =	vld [tilespmem:s20+$0x9920]  }
0x3e9: {  	v5 =	vadd.f32 v5, v6;
	v6 =	vld [tilespmem:s20+$0xD940]  }
0x3ea: {  	v2 =	vadd.f32 v3, v2;
	v3 =	vld [tilespmem:s20+$0x9930]  }
0x3eb: {  	v1 =	vmul.f32 v13, v1;
	v13 =	vld [tilespmem:s20+$0xD960]  }
0x3ec: {  	v4 =	vmul.f32 v4, v10;
	v10 =	vld [tilespmem:s20+$0xD980]  }
0x3ed: {  	v8 =	vmul.f32 v8, v50;
	v1 =	vadd.f32 v11, v1;
	v11 =	vld [tilespmem:s20+$0xD950]  }
0x3ee: {  	v7 =	vmul.f32 v7, v12;
	v12 =	vld [tilespmem:s20+$0x99A0]  }
0x3ef: {  	v4 =	vadd.f32 v4, v8;
	v8 =	vld [tilespmem:s20+$0xD9B0]  }
0x3f0: {  	v1 =	vadd.f32 v1, v2;
	v2 =	vld [tilespmem:s20+$0x9940]  }
0x3f1: {  	v3 =	vmul.f32 v9, v3;
	v9 =	vld [tilespmem:s20+$0x9990]  }
0x3f2: {  	v1 =	vadd.f32 v1, v5;
	v5 =	vld [tilespmem:s20+$0x9950]  }
0x3f3: {  	v3 =	vadd.f32 v3, v7;
	v7 =	vld [tilespmem:s20+$0xD9A0]  }
0x3f4: {  	[tilespmem:s20+$0x16480] =	vst v1;
	v1 =	vld [tilespmem:s20+$0x9960]  }
0x3f5: {  	v2 =	vmul.f32 v6, v2;
	v6 =	vld [tilespmem:s20+$0xD990]  }
0x3f6: {  	v3 =	vadd.f32 v3, v4;
	v4 =	vld [tilespmem:s20+$0xD9C0]  }
0x3f7: {  	v59 =	vld [tilespmem:s20+$0x9D80]  }
0x3f8: {  	v5 =	vmul.f32 v11, v5;
	v11 =	vmul.f32 v15, v14;
	v14 =	vld [tilespmem:s20+$0x99F0]  }
0x3f9: {  	v15 =	vld [tilespmem:s20+$0xD9F0]  }
0x3fa: {  	v7 =	vmul.f32 v7, v12;
	v12 =	vld [tilespmem:s20+$0x9A20]  }
0x3fb: {  	v2 =	vadd.f32 v5, v2;
	v5 =	vld [tilespmem:s20+$0x99B0]  }
0x3fc: {  	v1 =	vmul.f32 v13, v1;
	v13 =	vld [tilespmem:s20+$0xD9E0]  }
0x3fd: {  	v10 =	vmul.f32 v10, v51;
	v6 =	vmul.f32 v6, v9;
	v9 =	vld [tilespmem:s20+$0xDA00]  }
0x3fe: {  	v1 =	vadd.f32 v11, v1;
	v11 =	vld [tilespmem:s20+$0xD9D0]  }
0x3ff: {  	v6 =	vadd.f32 v6, v10;
	v10 =	vld [tilespmem:s20+$0xDA30]  }
0x400: {  	v1 =	vadd.f32 v1, v2;
	v2 =	vld [tilespmem:s20+$0x99C0]  }
0x401: {  	v5 =	vmul.f32 v8, v5;
	v8 =	vld [tilespmem:s20+$0x9A10]  }
0x402: {  	v1 =	vadd.f32 v1, v3;
	v3 =	vld [tilespmem:s20+$0x99D0]  }
0x403: {  	v5 =	vadd.f32 v5, v7;
	v7 =	vld [tilespmem:s20+$0xDA20]  }
0x404: {  	[tilespmem:s20+$0x16500] =	vst v1;
	v1 =	vld [tilespmem:s20+$0x99E0]  }
0x405: {  	v2 =	vmul.f32 v4, v2;
	v4 =	vld [tilespmem:s20+$0xDA10]  }
0x406: {  	v5 =	vadd.f32 v5, v6;
	v6 =	vld [tilespmem:s20+$0xDA40]  }
0x407: {  	v60 =	vld [tilespmem:s20+$0x9E00]  }
0x408: {  	v3 =	vmul.f32 v11, v3;
	v11 =	vmul.f32 v15, v14;
	v14 =	vld [tilespmem:s20+$0x9A70]  }
0x409: {  	v15 =	vld [tilespmem:s20+$0xDA70]  }
0x40a: {  	v7 =	vmul.f32 v7, v12;
	v12 =	vld [tilespmem:s20+$0x9AA0]  }
0x40b: {  	v2 =	vadd.f32 v3, v2;
	v3 =	vld [tilespmem:s20+$0x9A30]  }
0x40c: {  	v1 =	vmul.f32 v13, v1;
	v13 =	vld [tilespmem:s20+$0xDA60]  }
0x40d: {  	v9 =	vmul.f32 v9, v52;
	v4 =	vmul.f32 v4, v8;
	v8 =	vld [tilespmem:s20+$0xDA80]  }
0x40e: {  	v1 =	vadd.f32 v11, v1;
	v11 =	vld [tilespmem:s20+$0xDA50]  }
0x40f: {  	v4 =	vadd.f32 v4, v9;
	v9 =	vld [tilespmem:s20+$0xDAB0]  }
0x410: {  	v1 =	vadd.f32 v1, v2;
	v2 =	vld [tilespmem:s20+$0x9A40]  }
0x411: {  	v3 =	vmul.f32 v10, v3;
	v10 =	vld [tilespmem:s20+$0x9A90]  }
0x412: {  	v1 =	vadd.f32 v1, v5;
	v5 =	vld [tilespmem:s20+$0x9A50]  }
0x413: {  	v3 =	vadd.f32 v3, v7;
	v7 =	vld [tilespmem:s20+$0xDAA0]  }
0x414: {  	[tilespmem:s20+$0x16580] =	vst v1;
	v1 =	vld [tilespmem:s20+$0x9A60]  }
0x415: {  	v2 =	vmul.f32 v6, v2;
	v6 =	vld [tilespmem:s20+$0xDA90]  }
0x416: {  	v3 =	vadd.f32 v3, v4;
	v4 =	vld [tilespmem:s20+$0xDAC0]  }
0x417: {  	v61 =	vld [tilespmem:s20+$0x9E80]  }
0x418: {  	v5 =	vmul.f32 v11, v5;
	v11 =	vmul.f32 v15, v14;
	v14 =	vld [tilespmem:s20+$0x9AF0]  }
0x419: {  	v15 =	vld [tilespmem:s20+$0xDAF0]  }
0x41a: {  	v7 =	vmul.f32 v7, v12;
	v12 =	vld [tilespmem:s20+$0x9B20]  }
0x41b: {  	v2 =	vadd.f32 v5, v2;
	v5 =	vld [tilespmem:s20+$0x9AB0]  }
0x41c: {  	v1 =	vmul.f32 v13, v1;
	v13 =	vld [tilespmem:s20+$0xDAE0]  }
0x41d: {  	v8 =	vmul.f32 v8, v53;
	v6 =	vmul.f32 v6, v10;
	v10 =	vld [tilespmem:s20+$0xDB00]  }
0x41e: {  	v1 =	vadd.f32 v11, v1;
	v11 =	vld [tilespmem:s20+$0xDAD0]  }
0x41f: {  	v6 =	vadd.f32 v6, v8;
	v8 =	vld [tilespmem:s20+$0xDB30]  }
0x420: {  	v1 =	vadd.f32 v1, v2;
	v2 =	vld [tilespmem:s20+$0x9AC0]  }
0x421: {  	v5 =	vmul.f32 v9, v5;
	v9 =	vld [tilespmem:s20+$0x9B10]  }
0x422: {  	v1 =	vadd.f32 v1, v3;
	v3 =	vld [tilespmem:s20+$0x9AD0]  }
0x423: {  	v5 =	vadd.f32 v5, v7;
	v7 =	vld [tilespmem:s20+$0xDB20]  }
0x424: {  	[tilespmem:s20+$0x16600] =	vst v1;
	v1 =	vld [tilespmem:s20+$0x9AE0]  }
0x425: {  	v2 =	vmul.f32 v4, v2;
	v4 =	vld [tilespmem:s20+$0xDB10]  }
0x426: {  	v5 =	vadd.f32 v5, v6;
	v6 =	vld [tilespmem:s20+$0xDB40]  }
0x427: {  	v62 =	vld [tilespmem:s20+$0x9F00]  }
0x428: {  	v3 =	vmul.f32 v11, v3;
	v11 =	vmul.f32 v15, v14;
	v14 =	vld [tilespmem:s20+$0x9B70]  }
0x429: {  	v15 =	vld [tilespmem:s20+$0xDB70]  }
0x42a: {  	v7 =	vmul.f32 v7, v12;
	v12 =	vld [tilespmem:s20+$0x9BA0]  }
0x42b: {  	v2 =	vadd.f32 v3, v2;
	v3 =	vld [tilespmem:s20+$0x9B30]  }
0x42c: {  	v1 =	vmul.f32 v13, v1;
	v13 =	vld [tilespmem:s20+$0xDB60]  }
0x42d: {  	v10 =	vmul.f32 v10, v54;
	v4 =	vmul.f32 v4, v9;
	v9 =	vld [tilespmem:s20+$0xDB80]  }
0x42e: {  	v1 =	vadd.f32 v11, v1;
	v11 =	vld [tilespmem:s20+$0xDB50]  }
0x42f: {  	v4 =	vadd.f32 v4, v10;
	v10 =	vld [tilespmem:s20+$0xDBB0]  }
0x430: {  	v1 =	vadd.f32 v1, v2;
	v2 =	vld [tilespmem:s20+$0x9B40]  }
0x431: {  	v3 =	vmul.f32 v8, v3;
	v8 =	vld [tilespmem:s20+$0x9B90]  }
0x432: {  	v1 =	vadd.f32 v1, v5;
	v5 =	vld [tilespmem:s20+$0x9B50]  }
0x433: {  	v3 =	vadd.f32 v3, v7;
	v7 =	vld [tilespmem:s20+$0xDBA0]  }
0x434: {  	[tilespmem:s20+$0x16680] =	vst v1;
	v1 =	vld [tilespmem:s20+$0x9B60]  }
0x435: {  	v2 =	vmul.f32 v6, v2;
	v6 =	vld [tilespmem:s20+$0xDB90]  }
0x436: {  	v3 =	vadd.f32 v3, v4;
	v4 =	vld [tilespmem:s20+$0xDBC0]  }
0x437: {  	v5 =	vmul.f32 v11, v5;
	v11 =	vmul.f32 v15, v14;
	v14 =	vld [tilespmem:s20+$0x9BF0]  }
0x438: {  	v15 =	vld [tilespmem:s20+$0xDBF0]  }
0x439: {  	v7 =	vmul.f32 v7, v12;
	v12 =	vld [tilespmem:s20+$0x9C20]  }
0x43a: {  	v2 =	vadd.f32 v5, v2;
	v5 =	vld [tilespmem:s20+$0x9BB0]  }
0x43b: {  	v1 =	vmul.f32 v13, v1;
	v13 =	vld [tilespmem:s20+$0xDBE0]  }
0x43c: {  	v9 =	vmul.f32 v9, v55;
	v6 =	vmul.f32 v6, v8;
	v8 =	vld [tilespmem:s20+$0xDC00]  }
0x43d: {  	v1 =	vadd.f32 v11, v1;
	v11 =	vld [tilespmem:s20+$0xDBD0]  }
0x43e: {  	v6 =	vadd.f32 v6, v9;
	v9 =	vld [tilespmem:s20+$0xDC30]  }
0x43f: {  	v1 =	vadd.f32 v1, v2;
	v2 =	vld [tilespmem:s20+$0x9BC0]  }
0x440: {  	v5 =	vmul.f32 v10, v5;
	v10 =	vld [tilespmem:s20+$0x9C10]  }
0x441: {  	v1 =	vadd.f32 v1, v3;
	v3 =	vld [tilespmem:s20+$0x9BD0]  }
0x442: {  	v5 =	vadd.f32 v5, v7;
	v7 =	vld [tilespmem:s20+$0xDC20]  }
0x443: {  	[tilespmem:s20+$0x16700] =	vst v1;
	v1 =	vld [tilespmem:s20+$0x9BE0]  }
0x444: {  	v2 =	vmul.f32 v4, v2;
	v4 =	vld [tilespmem:s20+$0xDC10]  }
0x445: {  	v5 =	vadd.f32 v5, v6;
	v6 =	vld [tilespmem:s20+$0xDC40]  }
0x446: {  	v3 =	vmul.f32 v11, v3;
	v11 =	vmul.f32 v15, v14;
	v14 =	vld [tilespmem:s20+$0x9C70]  }
0x447: {  	v15 =	vld [tilespmem:s20+$0xDC70]  }
0x448: {  	v7 =	vmul.f32 v7, v12;
	v12 =	vld [tilespmem:s20+$0x9CA0]  }
0x449: {  	v2 =	vadd.f32 v3, v2;
	v3 =	vld [tilespmem:s20+$0x9C30]  }
0x44a: {  	v1 =	vmul.f32 v13, v1;
	v13 =	vld [tilespmem:s20+$0xDC60]  }
0x44b: {  	v8 =	vmul.f32 v8, v56;
	v4 =	vmul.f32 v4, v10;
	v10 =	vld [tilespmem:s20+$0xDC80]  }
0x44c: {  	v1 =	vadd.f32 v11, v1;
	v11 =	vld [tilespmem:s20+$0xDC50]  }
0x44d: {  	v4 =	vadd.f32 v4, v8;
	v8 =	vld [tilespmem:s20+$0xDCB0]  }
0x44e: {  	v1 =	vadd.f32 v1, v2;
	v2 =	vld [tilespmem:s20+$0x9C40]  }
0x44f: {  	v3 =	vmul.f32 v9, v3;
	v9 =	vld [tilespmem:s20+$0x9C90]  }
0x450: {  	v1 =	vadd.f32 v1, v5;
	v5 =	vld [tilespmem:s20+$0x9C50]  }
0x451: {  	v3 =	vadd.f32 v3, v7;
	v7 =	vld [tilespmem:s20+$0xDCA0]  }
0x452: {  	[tilespmem:s20+$0x16780] =	vst v1;
	v1 =	vld [tilespmem:s20+$0x9C60]  }
0x453: {  	v2 =	vmul.f32 v6, v2;
	v6 =	vld [tilespmem:s20+$0xDC90]  }
0x454: {  	v3 =	vadd.f32 v3, v4;
	v4 =	vld [tilespmem:s20+$0xDCC0]  }
0x455: {  	v5 =	vmul.f32 v11, v5;
	v11 =	vmul.f32 v15, v14;
	v14 =	vld [tilespmem:s20+$0x9CF0]  }
0x456: {  	v15 =	vld [tilespmem:s20+$0xDCF0]  }
0x457: {  	v7 =	vmul.f32 v7, v12;
	v12 =	vld [tilespmem:s20+$0x9D20]  }
0x458: {  	v2 =	vadd.f32 v5, v2;
	v5 =	vld [tilespmem:s20+$0x9CB0]  }
0x459: {  	v1 =	vmul.f32 v13, v1;
	v13 =	vld [tilespmem:s20+$0xDCE0]  }
0x45a: {  	v10 =	vmul.f32 v10, v57;
	v6 =	vmul.f32 v6, v9;
	v9 =	vld [tilespmem:s20+$0xDD00]  }
0x45b: {  	v1 =	vadd.f32 v11, v1;
	v11 =	vld [tilespmem:s20+$0xDCD0]  }
0x45c: {  	v6 =	vadd.f32 v6, v10;
	v10 =	vld [tilespmem:s20+$0xDD30]  }
0x45d: {  	v1 =	vadd.f32 v1, v2;
	v2 =	vld [tilespmem:s20+$0x9CC0]  }
0x45e: {  	v5 =	vmul.f32 v8, v5;
	v8 =	vld [tilespmem:s20+$0x9D10]  }
0x45f: {  	v1 =	vadd.f32 v1, v3;
	v3 =	vld [tilespmem:s20+$0x9CD0]  }
0x460: {  	v5 =	vadd.f32 v5, v7;
	v7 =	vld [tilespmem:s20+$0xDD20]  }
0x461: {  	[tilespmem:s20+$0x16800] =	vst v1;
	v1 =	vld [tilespmem:s20+$0x9CE0]  }
0x462: {  	v2 =	vmul.f32 v4, v2;
	v4 =	vld [tilespmem:s20+$0xDD10]  }
0x463: {  	v5 =	vadd.f32 v5, v6;
	v6 =	vld [tilespmem:s20+$0xDD40]  }
0x464: {  	v3 =	vmul.f32 v11, v3;
	v11 =	vmul.f32 v15, v14;
	v14 =	vld [tilespmem:s20+$0x9D70]  }
0x465: {  	v15 =	vld [tilespmem:s20+$0xDD70]  }
0x466: {  	v7 =	vmul.f32 v7, v12;
	v12 =	vld [tilespmem:s20+$0x9DA0]  }
0x467: {  	v2 =	vadd.f32 v3, v2;
	v3 =	vld [tilespmem:s20+$0x9D30]  }
0x468: {  	v1 =	vmul.f32 v13, v1;
	v13 =	vld [tilespmem:s20+$0xDD60]  }
0x469: {  	v9 =	vmul.f32 v9, v58;
	v4 =	vmul.f32 v4, v8;
	v8 =	vld [tilespmem:s20+$0xDD80]  }
0x46a: {  	v1 =	vadd.f32 v11, v1;
	v11 =	vld [tilespmem:s20+$0xDD50]  }
0x46b: {  	v4 =	vadd.f32 v4, v9;
	v9 =	vld [tilespmem:s20+$0xDDB0]  }
0x46c: {  	v1 =	vadd.f32 v1, v2;
	v2 =	vld [tilespmem:s20+$0x9D40]  }
0x46d: {  	v3 =	vmul.f32 v10, v3;
	v10 =	vld [tilespmem:s20+$0x9D90]  }
0x46e: {  	v1 =	vadd.f32 v1, v5;
	v5 =	vld [tilespmem:s20+$0x9D50]  }
0x46f: {  	v3 =	vadd.f32 v3, v7;
	v7 =	vld [tilespmem:s20+$0xDDA0]  }
0x470: {  	[tilespmem:s20+$0x16880] =	vst v1;
	v1 =	vld [tilespmem:s20+$0x9D60]  }
0x471: {  	v2 =	vmul.f32 v6, v2;
	v6 =	vld [tilespmem:s20+$0xDD90]  }
0x472: {  	v3 =	vadd.f32 v3, v4;
	v4 =	vld [tilespmem:s20+$0xDDC0]  }
0x473: {  	v5 =	vmul.f32 v11, v5;
	v11 =	vmul.f32 v15, v14;
	v14 =	vld [tilespmem:s20+$0x9DF0]  }
0x474: {  	v15 =	vld [tilespmem:s20+$0xDDF0]  }
0x475: {  	v7 =	vmul.f32 v7, v12;
	v12 =	vld [tilespmem:s20+$0x9E20]  }
0x476: {  	v2 =	vadd.f32 v5, v2;
	v5 =	vld [tilespmem:s20+$0x9DB0]  }
0x477: {  	v1 =	vmul.f32 v13, v1;
	v13 =	vld [tilespmem:s20+$0xDDE0]  }
0x478: {  	v8 =	vmul.f32 v8, v59;
	v6 =	vmul.f32 v6, v10;
	v10 =	vld [tilespmem:s20+$0xDE00]  }
0x479: {  	v1 =	vadd.f32 v11, v1;
	v11 =	vld [tilespmem:s20+$0xDDD0]  }
0x47a: {  	v6 =	vadd.f32 v6, v8;
	v8 =	vld [tilespmem:s20+$0xDE30]  }
0x47b: {  	v1 =	vadd.f32 v1, v2;
	v2 =	vld [tilespmem:s20+$0x9DC0]  }
0x47c: {  	v5 =	vmul.f32 v9, v5;
	v9 =	vld [tilespmem:s20+$0x9E10]  }
0x47d: {  	v1 =	vadd.f32 v1, v3;
	v3 =	vld [tilespmem:s20+$0x9DD0]  }
0x47e: {  	v5 =	vadd.f32 v5, v7;
	v7 =	vld [tilespmem:s20+$0xDE20]  }
0x47f: {  	[tilespmem:s20+$0x16900] =	vst v1;
	v1 =	vld [tilespmem:s20+$0x9DE0]  }
0x480: {  	v2 =	vmul.f32 v4, v2;
	v4 =	vld [tilespmem:s20+$0xDE10]  }
0x481: {  	v5 =	vadd.f32 v5, v6;
	v6 =	vld [tilespmem:s20+$0xDE40]  }
0x482: {  	v3 =	vmul.f32 v11, v3;
	v11 =	vmul.f32 v15, v14;
	v14 =	vld [tilespmem:s20+$0x9E70]  }
0x483: {  	v15 =	vld [tilespmem:s20+$0xDE70]  }
0x484: {  	v7 =	vmul.f32 v7, v12;
	v12 =	vld [tilespmem:s20+$0x9EA0]  }
0x485: {  	v1 =	vmul.f32 v13, v1;
	v2 =	vadd.f32 v3, v2;
	v3 =	vld [tilespmem:s20+$0x9E30]  }
0x486: {  	v13 =	vld [tilespmem:s20+$0xDE60]  }
0x487: {  	v10 =	vmul.f32 v10, v60;
	v4 =	vmul.f32 v4, v9;
	v9 =	vld [tilespmem:s20+$0xDE80];
	v1 =	vadd.f32 v11, v1  }
0x488: {  	v11 =	vld [tilespmem:s20+$0xDE50]  }
0x489: {  	v4 =	vadd.f32 v4, v10;
	v10 =	vld [tilespmem:s20+$0xDEB0];
	v1 =	vadd.f32 v1, v2  }
0x48a: {  	v2 =	vld [tilespmem:s20+$0x9E40]  }
0x48b: {  	v3 =	vmul.f32 v8, v3;
	v8 =	vld [tilespmem:s20+$0x9E90];
	v1 =	vadd.f32 v1, v5  }
0x48c: {  	v5 =	vld [tilespmem:s20+$0x9E50]  }
0x48d: {  	[tilespmem:s20+$0x16980] =	vst v1;
	v1 =	vld [tilespmem:s20+$0x9E60]  }
0x48e: {  	v3 =	vadd.f32 v3, v7;
	v7 =	vld [tilespmem:s20+$0xDEA0]  }
0x48f: {  	v2 =	vmul.f32 v6, v2;
	v6 =	vld [tilespmem:s20+$0xDE90]  }
0x490: {  	v3 =	vadd.f32 v3, v4;
	v4 =	vld [tilespmem:s20+$0xDEC0]  }
0x491: {  	v5 =	vmul.f32 v11, v5;
	v11 =	vmul.f32 v15, v14;
	v14 =	vld [tilespmem:s20+$0x9EF0]  }
0x492: {  	v15 =	vld [tilespmem:s20+$0xDEF0];
	v1 =	vmul.f32 v13, v1  }
0x493: {  	v7 =	vmul.f32 v7, v12;
	v12 =	vld [tilespmem:s20+$0x9F20]  }
0x494: {  	v2 =	vadd.f32 v5, v2;
	v5 =	vld [tilespmem:s20+$0x9EB0];
	v1 =	vadd.f32 v11, v1  }
0x495: {  	v13 =	vld [tilespmem:s20+$0xDEE0]  }
0x496: {  	v6 =	vmul.f32 v6, v8;
	v8 =	vld [tilespmem:s20+$0xDF00];
	v1 =	vadd.f32 v1, v2  }
0x497: {  	v11 =	vld [tilespmem:s20+$0xDED0]  }
0x498: {  	v2 =	vld [tilespmem:s20+$0x9EC0];
	v1 =	vadd.f32 v1, v3  }
0x499: {  	v9 =	vmul.f32 v9, v61;
	v3 =	vld [tilespmem:s20+$0x9ED0]  }
0x49a: {  	[tilespmem:s20+$0x16A00] =	vst v1;
	v1 =	vld [tilespmem:s20+$0x9EE0]  }
0x49b: {  	v6 =	vadd.f32 v6, v9;
	v9 =	vld [tilespmem:s20+$0xDF30];
	v5 =	vmul.f32 v10, v5  }
0x49c: {  	v10 =	vld [tilespmem:s20+$0x9F10]  }
0x49d: {  	v5 =	vadd.f32 v5, v7;
	v7 =	vld [tilespmem:s20+$0xDF20]  }
0x49e: {  	v2 =	vmul.f32 v4, v2;
	v4 =	vld [tilespmem:s20+$0xDF10];
	v3 =	vmul.f32 v11, v3  }
0x49f: {  	v5 =	vadd.f32 v5, v6;
	v6 =	vld [tilespmem:s20+$0xDF40];
	v11 =	vmul.f32 v15, v14;
	v1 =	vmul.f32 v13, v1  }
0x4a0: {  	v14 =	vld [tilespmem:s20+$0x9F70]  }
0x4a1: {  	v15 =	vld [tilespmem:s20+$0xDF70];
	v2 =	vadd.f32 v3, v2;
	v1 =	vadd.f32 v11, v1  }
0x4a2: {  	v3 =	vld [tilespmem:s20+$0x9F30]  }
0x4a3: {  	v13 =	vld [tilespmem:s20+$0xDF60];
	v1 =	vadd.f32 v1, v2  }
0x4a4: {  	v11 =	vld [tilespmem:s20+$0xDF50]  }
0x4a5: {  	v2 =	vld [tilespmem:s20+$0x9F40];
	v1 =	vadd.f32 v1, v5  }
0x4a6: {  	v5 =	vld [tilespmem:s20+$0x9F50]  }
0x4a7: {  	[tilespmem:s20+$0x16A80] =	vst v1;
	v1 =	vld [tilespmem:s20+$0x9F60];
	_ =	sdelay $0x1  }
0x4a8: {  	v8 =	vmul.f32 v8, v62;
	v7 =	vmul.f32 v7, v12  }
0x4a9: {  	v4 =	vmul.f32 v4, v10;
	v3 =	vmul.f32 v9, v3  }
0x4aa: {  	v2 =	vmul.f32 v6, v2;
	v6 =	vmul.f32 v15, v14  }
0x4ab: {  	v5 =	vmul.f32 v11, v5;
	v1 =	vmul.f32 v13, v1  }
0x4ac: {  	v4 =	vadd.f32 v4, v8;
	v3 =	vadd.f32 v3, v7;
	v7 =	vmov s22  }
0x4ad: {  	v2 =	vadd.f32 v5, v2;
	v5 =	vshll.u32 v7, $0x7;
	v1 =	vadd.f32 v6, v1  }
0x4ae: {  	v5 =	vor.u32 v0, v5  }
0x4af: {  	v3 =	vadd.f32 v3, v4;
	v1 =	vadd.f32 v1, v2;
	v2 =	vor.u32 $0x1, v5;
	_ =	sdelay $0x1  }
0x4b0: {  	v4 =	vor.u32 $0x3, v5;
	v1 =	vadd.f32 v1, v3  }
0x4b1: {  	v6 =	vor.u32 $0x5, v5  }
0x4b2: {  	v8 =	vor.u32 $0x6, v5;
	[tilespmem:s20+$0x16B00] =	vst v1  }
0x4b3: {  	v9 =	vor.u32 $0x7, v5;
	v2 =	vld.idx.msk [tilespmem:v2+s1+$0x0], $0xffff  }
0x4b4: {  	v10 =	vor.u32 $0x8, v5;
	v7 =	vld.idx.msk [tilespmem:v5+s1+$0x0], $0xffff  }
0x4b5: {  	v11 =	vor.u32 $0x9, v5;
	v4 =	vld.idx.msk [tilespmem:v4+s1+$0x0], $0xffff  }
0x4b6: {  	v12 =	vor.u32 $0xA, v5;
	v6 =	vld.idx.msk [tilespmem:v6+s1+$0x0], $0xffff  }
0x4b7: {  	v13 =	vor.u32 $0xB, v5;
	v8 =	vld.idx.msk [tilespmem:v8+s1+$0x0], $0xffff  }
0x4b8: {  	v14 =	vor.u32 $0xC, v5;
	v9 =	vld.idx.msk [tilespmem:v9+s1+$0x0], $0xffff  }
0x4b9: {  	v15 =	vor.u32 $0xD, v5;
	v10 =	vld.idx.msk [tilespmem:v10+s1+$0x0], $0xffff  }
0x4ba: {  	v63 =	vor.u32 $0xE, v5;
	v11 =	vld.idx.msk [tilespmem:v11+s1+$0x0], $0xffff  }
0x4bb: {  	v3 =	vor.u32 $0x2, v5;
	v12 =	vld.idx.msk [tilespmem:v12+s1+$0x0], $0xffff  }
0x4bc: {  	v1 =	vor.u32 $0x4, v5;
	v13 =	vld.idx.msk [tilespmem:v13+s1+$0x0], $0xffff  }
0x4bd: {  	v5 =	vor.u32 $0xF, v5;
	v14 =	vld.idx.msk [tilespmem:v14+s1+$0x0], $0xffff  }
0x4be: {  	v15 =	vld.idx.msk [tilespmem:v15+s1+$0x0], $0xffff  }
0x4bf: {  	v16 =	vld.idx.msk [tilespmem:v63+s1+$0x0], $0xffff  }
0x4c0: {  	v3 =	vld.idx.msk [tilespmem:v3+s1+$0x0], $0xffff  }
0x4c1: {  	v1 =	vld.idx.msk [tilespmem:v1+s1+$0x0], $0xffff  }
0x4c2: {  	v5 =	vld.idx.msk [tilespmem:v5+s1+$0x0], $0xffff;
	_ =	sdelay $0x1  }
0x4c3: {  	v2 =	vadd.f32 v2, v7;
	v7 =	vadd.f32 v13, v12  }
0x4c4: {  	v3 =	vadd.f32 v4, v3;
	v4 =	vadd.f32 v9, v8  }
0x4c5: {  	v8 =	vadd.f32 v15, v14;
	v1 =	vadd.f32 v6, v1  }
0x4c6: {  	s0 =	simm.s32 $0x10;
	v6 =	vadd.f32 v11, v10;
	v5 =	vadd.f32 v5, v16  }
0x4c7: {  	v9 =	vmov s0;
	v2 =	vadd.f32 v3, v2;
	v3 =	vadd.f32 v4, v1  }
0x4c8: {  	v1 =	vshll.u32 v9, $0x7;
	v4 =	vadd.f32 v7, v6;
	v5 =	vadd.f32 v5, v8  }
0x4c9: {  	v1 =	vor.u32 v0, v1  }
0x4ca: {  	v6 =	vor.u32 $0x1, v1;
	v2 =	vadd.f32 v3, v2;
	v3 =	vadd.f32 v5, v4;
	_ =	sdelay $0x1  }
0x4cb: {  	v4 =	vor.u32 $0x2, v1;
	v2 =	vadd.f32 v3, v2  }
0x4cc: {  	v5 =	vor.u32 $0x3, v1  }
0x4cd: {  	v7 =	vor.u32 $0x4, v1;
	[tilespmem:s15+$0x0] =	vst v2  }
0x4ce: {  	v8 =	vor.u32 $0x5, v1;
	v2 =	vld.idx.msk [tilespmem:v6+s1+$0x0], $0xffff  }
0x4cf: {  	v9 =	vor.u32 $0x6, v1;
	v3 =	vld.idx.msk [tilespmem:v1+s1+$0x0], $0xffff  }
0x4d0: {  	v14 =	vor.u32 $0x7, v1;
	v4 =	vld.idx.msk [tilespmem:v4+s1+$0x0], $0xffff  }
0x4d1: {  	v13 =	vor.u32 $0x8, v1;
	v5 =	vld.idx.msk [tilespmem:v5+s1+$0x0], $0xffff  }
0x4d2: {  	v11 =	vor.u32 $0x9, v1;
	v6 =	vld.idx.msk [tilespmem:v7+s1+$0x0], $0xffff  }
0x4d3: {  	v12 =	vor.u32 $0xA, v1;
	v7 =	vld.idx.msk [tilespmem:v8+s1+$0x0], $0xffff  }
0x4d4: {  	v10 =	vor.u32 $0xB, v1;
	v8 =	vld.idx.msk [tilespmem:v9+s1+$0x0], $0xffff  }
0x4d5: {  	s22 =	simm.s32 $0x20;
	s20 =	smov.u32 s15;
	v9 =	vld.idx.msk [tilespmem:v14+s1+$0x0], $0xffff;
	v14 =	vor.u32 $0xC, v1  }
.LBB2_9:
0x4d6: {  	p1 =	sne.s32 s22, $0x70;
	v13 =	vld.idx.msk [tilespmem:v13+s1+$0x0], $0xffff;
	v15 =	vor.u32 $0xD, v1  }
0x4d7: {  	v16 =	vor.u32 $0xE, v1;
	v11 =	vld.idx.msk [tilespmem:v11+s1+$0x0], $0xffff  }
0x4d8: {  	v1 =	vor.u32 $0xF, v1;
	v12 =	vld.idx.msk [tilespmem:v12+s1+$0x0], $0xffff  }
0x4d9: {  	v10 =	vld.idx.msk [tilespmem:v10+s1+$0x0], $0xffff  }
0x4da: {  	v14 =	vld.idx.msk [tilespmem:v14+s1+$0x0], $0xffff  }
0x4db: {  	v15 =	vld.idx.msk [tilespmem:v15+s1+$0x0], $0xffff  }
0x4dc: {  	v16 =	vld.idx.msk [tilespmem:v16+s1+$0x0], $0xffff  }
0x4dd: {  	v1 =	vld.idx.msk [tilespmem:v1+s1+$0x0], $0xffff;
	_ =	sdelay $0x2  }
0x4de: {  	v2 =	vadd.f32 v2, v3;
	v3 =	vadd.f32 v5, v4  }
0x4df: {  	v4 =	vadd.f32 v7, v6;
	v5 =	vadd.f32 v9, v8  }
0x4e0: {  	v6 =	vadd.f32 v11, v13;
	v7 =	vadd.f32 v10, v12  }
0x4e1: {  	v8 =	vadd.f32 v15, v14;
	v1 =	vadd.f32 v1, v16  }
0x4e2: {  	v2 =	vadd.f32 v3, v2;
	v9 =	vmov s22;
	v3 =	vadd.f32 v5, v4  }
0x4e3: {  	v4 =	vshll.u32 v9, $0x7;
	v5 =	vadd.f32 v7, v6;
	v6 =	vadd.f32 v1, v8  }
0x4e4: {  	v1 =	vor.u32 v0, v4  }
0x4e5: {  	v2 =	vadd.f32 v3, v2;
	v4 =	vor.u32 $0x1, v1;
	v3 =	vadd.f32 v6, v5;
	_ =	sdelay $0x1  }
0x4e6: {  	v5 =	vor.u32 $0x2, v1;
	v2 =	vadd.f32 v3, v2  }
0x4e7: {  	s20 =	sadd.s32 $0x10, s20;
	v6 =	vor.u32 $0x3, v1  }
0x4e8: {  	v7 =	vor.u32 $0x4, v1;
	[tilespmem:s20+$0x0] =	vst v2  }
0x4e9: {  	v8 =	vor.u32 $0x5, v1;
	v2 =	vld.idx.msk [tilespmem:v4+s1+$0x0], $0xffff  }
0x4ea: {  	v9 =	vor.u32 $0x6, v1;
	v3 =	vld.idx.msk [tilespmem:v1+s1+$0x0], $0xffff  }
0x4eb: {  	v14 =	vor.u32 $0x7, v1;
	v4 =	vld.idx.msk [tilespmem:v5+s1+$0x0], $0xffff  }
.Ltmp5:
0x4ec: {  	v13 =	vor.u32 $0x8, v1;
	v5 =	vld.idx.msk [tilespmem:v6+s1+$0x0], $0xffff;
	(pc) =	sbr.rel @p1 .LBB2_9-.Ltmp5, $4  }
0x4ed: {  	v11 =	vor.u32 $0x9, v1;
	v6 =	vld.idx.msk [tilespmem:v7+s1+$0x0], $0xffff  }
0x4ee: {  	v12 =	vor.u32 $0xA, v1;
	v7 =	vld.idx.msk [tilespmem:v8+s1+$0x0], $0xffff  }
0x4ef: {  	v10 =	vor.u32 $0xB, v1;
	v8 =	vld.idx.msk [tilespmem:v9+s1+$0x0], $0xffff  }
0x4f0: {  	s22 =	sadd.s32 $0x10, s22;
	v9 =	vld.idx.msk [tilespmem:v14+s1+$0x0], $0xffff;
	v14 =	vor.u32 $0xC, v1  }
0x4f1: {  	_ =	sdelay $0x3  }
0x4f2: {  	v13 =	vld.idx.msk [tilespmem:v13+s1+$0x0], $0xffff;
	v15 =	vor.u32 $0xD, v1  }
0x4f3: {  	v11 =	vld.idx.msk [tilespmem:v11+s1+$0x0], $0xffff;
	v16 =	vor.u32 $0xE, v1  }
0x4f4: {  	v12 =	vld.idx.msk [tilespmem:v12+s1+$0x0], $0xffff;
	v1 =	vor.u32 $0xF, v1  }
0x4f5: {  	v10 =	vld.idx.msk [tilespmem:v10+s1+$0x0], $0xffff  }
0x4f6: {  	v14 =	vld.idx.msk [tilespmem:v14+s1+$0x0], $0xffff  }
0x4f7: {  	v15 =	vld.idx.msk [tilespmem:v15+s1+$0x0], $0xffff  }
0x4f8: {  	v16 =	vld.idx.msk [tilespmem:v16+s1+$0x0], $0xffff  }
0x4f9: {  	v1 =	vld.idx.msk [tilespmem:v1+s1+$0x0], $0xffff;
	_ =	sdelay $0x1  }
0x4fa: {  	v2 =	vadd.f32 v2, v3;
	v3 =	vadd.f32 v5, v4  }
0x4fb: {  	v58 =	vadd.f32 v7, v6;
	v59 =	vadd.f32 v9, v8  }
0x4fc: {  	v60 =	vadd.f32 v11, v13;
	v61 =	vadd.f32 v10, v12  }
0x4fd: {  	v62 =	vadd.f32 v15, v14;
	v1 =	vadd.f32 v1, v16  }
0x4fe: {  	v2 =	vadd.f32 v3, v2;
	v3 =	vadd.f32 v59, v58  }
0x4ff: {  	v63 =	vadd.f32 v61, v60;
	v1 =	vadd.f32 v1, v62;
	_ =	sdelay $0x1  }
.Ltmp6:
0x500: {  	v2 =	vadd.f32 v3, v2;
	v1 =	vadd.f32 v1, v63;
	(pc) =	sbr.rel @p0 .LBB2_12-.Ltmp6, $4  }
0x501: {  	_ = 	snop  }
0x502: {  	v1 =	vadd.f32 v1, v2  }
0x503: {  	s0 =	sadd.s32 $0x10, s20  }
0x504: {  	[tilespmem:s0+$0x0] =	vst v1  }
0x505: {  	s0 =	sadd.s32 $0x180, s18  }
0x506: {  	[tilespmem:s19], [sflag:$0x5] =	stream.indirect.gather [hbm4b:s2+s12], $0x80, s0, s12, $0xb8;
	[tilespmem:$0x1A400] =	vst v63  }
0x507: {  	s20 =	sadd.s32 $0xD80, s18  }
0x508: {  	[tilespmem:s21], [sflag:$0x6] =	stream.indirect.gather [hbm4b:s3+s12], $0x80, s20, s12, $0xb8;
	[tilespmem:$0x1A400] =	vst v63  }
.Ltmp7:
0x509: {  	_ = 	snop;
	(pc) =	sbr.rel .LBB2_2-.Ltmp7, $4  }
0x50a: {  	s22 =	sadd.s32 $0x1C0, s18;
	s24 =	sadd.s32 $0xDC0, s18  }
0x50b: {  	[tilespmem:s23], [sflag:$0x5] =	stream.indirect.gather [hbm4b:s2+s12], $0x80, s22, s12, $0xb8;
	[tilespmem:$0x1A400] =	vst v63  }
0x50c: {  	s17 =	sadd.s32 $0x1, s17;
	s16 =	sadd.s32 $0x100, s16;
	s15 =	sadd.s32 $0x100, s15  }
0x50d: {  	[tilespmem:s25], [sflag:$0x6] =	stream.indirect.gather [hbm4b:s3+s12], $0x80, s24, s12, $0xb8;
	[tilespmem:$0x1A400] =	vst v63  }
.LBB2_13:
0x50e: {  	_ =	sfence.sel $0x180000  }
0x50f: {  	[bflag:$0x0] =	sbarrier.arrive $0xFFFF  }
0x510: {  	_ =	strace $0x90000047  }
0x511: {  	s0 =	stileid.u32;
	[bflag:$0x2] =	sbarrier.arrive $0xFFFF  }
0x512: {  	p0 =	sne.s32 s0, $0x0;
	s0 =	rddreg [dreg:$0x3]  }
0x513: {  	s0 =	sadd.s32 @!p0 $0x100000, s0  }
0x514: {  	[sflag:s0] =	ssyncadd.tile.s32 @!p0 $0x1;
	_ =	shalt  }
.Lfunc_end2:
_tile_overlayer_lowered:
.L_overlay_start_2:
0x515: {  	(tag) =	ssettag $0x2  }
0x516: {  	s0 =	rddreg [dreg:$0x0];
	s2 =	stileid.u32  }
0x517: {  	s1 =	rddreg [dreg:$0x1];
	p0 =	sne.s32 s2, $0x0  }
0x518: {  	s3 =	rddreg [dreg:$0x2];
	[bflag:$0x3] =	sbarrier.arrive $0xFFFF;
	s2 =	simm.s32 @!p0 $0x1C08  }
0x519: {  	[timem:s3], [sflag:s2] =	dma.local @!p0 [hbm:s0], s1  }
0x51a: {  	s0 =	simm.s32 @!p0 $0x8  }
0x51b: {  	_ =	swait.ge @!p0 [sflag:s0], s1  }
0x51c: {  	s1 =	ssub.s32 @!p0 $0x0, s1;
	[sflag:s0] =	ssyncset.done @!p0 $0x0  }
0x51d: {  	[sflag:s0] =	ssyncadd.s32 @!p0 s1  }
0x51e: {  	[bflag:$0x3] =	sbarrier.arrive $0xFFFF  }
0x51f: {  	_ =	shalt  }

</sc_bundles>
